<compile_context>
chip_gen: v7x
topology: tpu7x:2x2x1
jax: 0.10.2.dev20260603
libtpu: 0.0.44.dev20260713+nightly
codegen_flags: <defaults>
</compile_context>

<pallas_src>
import jax
import jax.numpy as jnp
from jax import lax
from jax.experimental import pallas as pl
from jax.experimental.pallas import tpu as pltpu
from jax.experimental.pallas import tpu_sc as plsc

H = 128
NU = 10000
NR = 10000
E = 320000
L = 100000

NC = 2
NS = 16

EK = 80
EPT = E // NS
SEK = 4000
NSUP = EPT // SEK
NPAIR = SEK // (2 * EK)
NPAD = 10240
RPT = NPAD // NS
assert EPT % EK == 0 and RPT % EK == 0

LP = 100352
LPT = LP // (NC * NS)
CK = 112
CCH = LPT // CK
assert LPT % CK == 0

_f32 = jnp.float32


def _zero_rows(ref, nrows, ncols):
    zero = jnp.zeros((16,), _f32)

    def body(r, c):
        for j in range(ncols // 16):
            ref[r, pl.ds(j * 16, 16)] = zero
        return c

    lax.fori_loop(0, nrows, body, 0)


def _fill_ones(ref, nrows):
    one = jnp.ones((16,), _f32)

    def body(r, c):
        ref[r, :] = one
        return c

    lax.fori_loop(0, nrows, body, 0)


def _make_seg(with_counts):

    def body(*refs):
        if with_counts:
            (x2, src_h, dst_h, agg2_h, cntp_h,
             rows_a, rows_b, ivb, sidx_a, sidx_b, gidx_a, gidx_b, cnt_v,
             agg_s, sem_a, sem_b) = refs
        else:
            (x2, src_h, dst_h, agg2_h,
             rows_a, rows_b, ivb, sidx_a, sidx_b, gidx_a, gidx_b,
             agg_s, sem_a, sem_b) = refs
            cntp_h = cnt_v = None

        cid = lax.axis_index("c")
        sid = lax.axis_index("s")

        _zero_rows(rows_a, EK, H)
        row0 = sid * RPT
        for j in range(RPT // EK):
            pltpu.sync_copy(rows_a, agg_s.at[pl.ds(row0 + j * EK, EK)])
        if with_counts:
            zero = jnp.zeros((16,), _f32)

            def zc(r, c):
                cnt_v[pl.ds(r * 16, 16)] = zero
                return c

            lax.fori_loop(0, NPAD // 16, zc, 0)
        plsc.subcore_barrier()

        base_e = sid * EPT
        cidv = jnp.zeros((16,), jnp.int32) + cid
        one16 = jnp.ones((16,), _f32)

        def blend(oa, sidx_ref, gidx_ref):
            def cp(k, c2):
                sv16 = ivb[0, 0, pl.ds(oa + k * 16, 16)]
                dv16 = ivb[1, 0, pl.ds(oa + k * 16, 16)]
                d16 = (dv16 - sv16) * cidv
                sidx16 = sv16 + d16
                sidx_ref[pl.ds(k * 16, 16)] = sidx16
                gidx_ref[pl.ds(k * 16, 16)] = dv16 - d16
                if with_counts:
                    plsc.addupdate_scatter(cnt_v, [sidx16], one16)
                return c2

            lax.fori_loop(0, EK // 16, cp, 0)

        def gather(gidx_ref, rows_ref, sem_ref):
            return pltpu.async_copy(x2.at[1 - cid].at[gidx_ref],
                                    rows_ref, sem_ref)

        def supchunk(sc, carry):
            soff = base_e + sc * SEK
            pltpu.sync_copy(src_h.at[pl.ds(soff, SEK)], ivb.at[0, 0])
            pltpu.sync_copy(dst_h.at[pl.ds(soff, SEK)], ivb.at[1, 0])

            def pair(q, carry2):
                oa = 2 * q * EK
                ob = oa + EK
                blend(oa, sidx_a, gidx_a)
                ga = gather(gidx_a, rows_a, sem_a)
                blend(ob, sidx_b, gidx_b)
                ga.wait()
                gb = gather(gidx_b, rows_b, sem_b)
                pltpu.sync_copy(rows_a, agg_s.at[sidx_a], add=True)
                gb.wait()
                pltpu.sync_copy(rows_b, agg_s.at[sidx_b], add=True)
                return carry2

            lax.fori_loop(0, NPAIR, pair, 0)
            return carry

        lax.fori_loop(0, NSUP, supchunk, 0)
        if with_counts:
            pltpu.sync_copy(cnt_v, cntp_h.at[cid, sid])
        plsc.subcore_barrier()

        for j in range(RPT // EK):
            r = row0 + j * EK
            pltpu.sync_copy(agg_s.at[pl.ds(r, EK)], rows_a)
            pltpu.sync_copy(rows_a, agg2_h.at[cid, pl.ds(r, EK)])

    out_type = [jax.ShapeDtypeStruct((2, NPAD, H), _f32)]
    scratch = [
        pltpu.VMEM((EK, H), _f32),
        pltpu.VMEM((EK, H), _f32),
        pltpu.VMEM((2, 1, SEK), jnp.int32),
        pltpu.VMEM((EK,), jnp.int32),
        pltpu.VMEM((EK,), jnp.int32),
        pltpu.VMEM((EK,), jnp.int32),
        pltpu.VMEM((EK,), jnp.int32),
    ]
    if with_counts:
        out_type += [jax.ShapeDtypeStruct((2, NS, NPAD), _f32)]
        scratch += [pltpu.VMEM((NPAD,), _f32)]
    scratch += [pltpu.VMEM_SHARED((NPAD, H), _f32)]
    scratch += [pltpu.SemaphoreType.DMA, pltpu.SemaphoreType.DMA]
    return pl.kernel(
        body,
        out_type=out_type if with_counts else out_type[0],
        mesh=plsc.VectorSubcoreMesh(core_axis_name="c", subcore_axis_name="s"),
        scratch_types=scratch,
        compiler_params=pltpu.CompilerParams(needs_layout_passes=False),
        name="seg_sum_counts" if with_counts else "seg_sum",
    )


_seg_with_counts = _make_seg(True)
_seg_plain = _make_seg(False)


def _cls_body(h2_h, ia_h, ib_h, pred_h, a_v, b_v, iav, ibv, out_v,
              sem_a, sem_b):
    cid = lax.axis_index("c")
    sid = lax.axis_index("s")
    wid = sid * NC + cid
    base = wid * LPT

    def chunk(c, carry):
        off = base + c * CK
        pltpu.sync_copy(ia_h.at[pl.ds(off, CK)], iav)
        pltpu.sync_copy(ib_h.at[pl.ds(off, CK)], ibv)
        ca = pltpu.async_copy(h2_h.at[0].at[iav], a_v, sem_a)
        cb = pltpu.async_copy(h2_h.at[1].at[ibv], b_v, sem_b)
        ca.wait()
        cb.wait()

        def grp(g, carry2):
            rows = g * 16 + lax.iota(jnp.int32, 16)
            acc = jnp.zeros((16,), _f32)
            for f in range(H):
                cols = jnp.full((16,), f, jnp.int32)
                av = plsc.load_gather(a_v, [rows, cols])
                bv = plsc.load_gather(b_v, [rows, cols])
                acc = acc + av * bv
            out_v[pl.ds(c * CK + g * 16, 16)] = acc
            return carry2

        lax.fori_loop(0, CK // 16, grp, 0)
        return carry

    lax.fori_loop(0, CCH, chunk, 0)
    pltpu.sync_copy(out_v, pred_h.at[pl.ds(base, LPT)])


_cls = pl.kernel(
    _cls_body,
    out_type=jax.ShapeDtypeStruct((LP,), _f32),
    mesh=plsc.VectorSubcoreMesh(core_axis_name="c", subcore_axis_name="s"),
    scratch_types=[
        pltpu.VMEM((CK, H), _f32),
        pltpu.VMEM((CK, H), _f32),
        pltpu.VMEM((CK,), jnp.int32),
        pltpu.VMEM((CK,), jnp.int32),
        pltpu.VMEM((LPT,), _f32),
        pltpu.SemaphoreType.DMA,
        pltpu.SemaphoreType.DMA,
    ],
    compiler_params=pltpu.CompilerParams(needs_layout_passes=False),
    name="edge_dot_classifier",
)


BS = 1000


def _x2_body(ue_ref, rx_ref, remb_ref, lw_ref, lb_ref, o_ref):
    o_ref[0] = ue_ref[...]
    acc = lb_ref[...] + remb_ref[...]
    rx = rx_ref[...]
    lw = lw_ref[...]
    for k in range(10):
        acc = acc + rx[:, k:k + 1] * lw[k:k + 1, :]
    o_ref[1] = acc


_x2_proj = pl.pallas_call(
    _x2_body,
    grid=(NR // BS,),
    in_specs=[
        pl.BlockSpec((BS, H), lambda i: (i, 0)),
        pl.BlockSpec((BS, 10), lambda i: (i, 0)),
        pl.BlockSpec((BS, H), lambda i: (i, 0)),
        pl.BlockSpec((10, H), lambda i: (0, 0)),
        pl.BlockSpec((1, H), lambda i: (0, 0)),
    ],
    out_specs=pl.BlockSpec((2, BS, H), lambda i: (0, i, 0)),
    out_shape=jax.ShapeDtypeStruct((2, NR, H), _f32),
)


CB = 1024


def _cnt_inv_body(c_ref, o_ref):
    s = jnp.sum(c_ref[0], axis=0)
    o_ref[0] = (1.0 / jnp.maximum(s, 1.0))[:, None]


_cnt_inv = pl.pallas_call(
    _cnt_inv_body,
    grid=(2, NPAD // CB),
    in_specs=[pl.BlockSpec((1, NS, CB), lambda j, i: (j, 0, i))],
    out_specs=pl.BlockSpec((1, CB, 1), lambda j, i: (j, i, 0)),
    out_shape=jax.ShapeDtypeStruct((2, NPAD, 1), _f32),
)


def _make_layer(relu):
    def body(a_ref, x_ref, c_ref, wl_ref, bl_ref, wr_ref, o_ref):
        inv = c_ref[0]
        h = (jnp.dot(a_ref[0] * inv, wl_ref[0], preferred_element_type=_f32)
             + bl_ref[0]
             + jnp.dot(x_ref[0], wr_ref[0], preferred_element_type=_f32))
        if relu:
            h = jnp.maximum(h, 0.0)
        o_ref[0] = h

    return pl.pallas_call(
        body,
        grid=(2, NU // BS),
        in_specs=[
            pl.BlockSpec((1, BS, H), lambda j, i: (j, i, 0)),
            pl.BlockSpec((1, BS, H), lambda j, i: (j, i, 0)),
            pl.BlockSpec((1, BS, 1), lambda j, i: (j, i, 0)),
            pl.BlockSpec((1, H, H), lambda j, i: (j, 0, 0)),
            pl.BlockSpec((1, 1, H), lambda j, i: (j, 0, 0)),
            pl.BlockSpec((1, H, H), lambda j, i: (j, 0, 0)),
        ],
        out_specs=pl.BlockSpec((1, BS, H), lambda j, i: (j, i, 0)),
        out_shape=jax.ShapeDtypeStruct((2, NU, H), _f32),
    )


_layer_relu = _make_layer(True)
_layer_lin = _make_layer(False)


def kernel(user_node_id, recipe_node_id, recipe_x, edge_index_review,
           edge_label_index, user_emb, recipe_emb, lin_w, lin_b,
           c1u_Wl, c1u_bl, c1u_Wr, c1r_Wl, c1r_bl, c1r_Wr,
           c2u_Wl, c2u_bl, c2u_Wr, c2r_Wl, c2r_bl, c2r_Wr):
    src = edge_index_review[0]
    dst = edge_index_review[1]

    x2 = _x2_proj(user_emb, recipe_x, recipe_emb, lin_w, lin_b.reshape(1, H))

    wl1 = jnp.stack([c1u_Wl, c1r_Wl])
    bl1 = jnp.stack([c1u_bl, c1r_bl]).reshape(2, 1, H)
    wr1 = jnp.stack([c1u_Wr, c1r_Wr])
    wl2 = jnp.stack([c2u_Wl, c2r_Wl])
    bl2 = jnp.stack([c2u_bl, c2r_bl]).reshape(2, 1, H)
    wr2 = jnp.stack([c2u_Wr, c2r_Wr])

    agg2, cntp = _seg_with_counts(x2, src, dst)
    inv2 = _cnt_inv(cntp)
    h1 = _layer_relu(agg2, x2, inv2, wl1, bl1, wr1)
    agg2b = _seg_plain(h1, src, dst)
    h2 = _layer_lin(agg2b, h1, inv2, wl2, bl2, wr2)

    ia = jnp.concatenate([edge_label_index[0],
                          jnp.zeros((LP - L,), jnp.int32)])
    ib = jnp.concatenate([edge_label_index[1],
                          jnp.zeros((LP - L,), jnp.int32)])
    pred = _cls(h2, ia, ib)
    return pred[:L]

# --- scband reference (transcript-rebuilt; emitter-appended) ---
"""Pipeline reference for scband-model-72773925863662 (READ-ONLY COPY).

The authoritative reference and input builder live on the scoring server;
editing this copy changes nothing except your own understanding.
"""

import jax, jax.numpy as jnp
import numpy as np

H = 128
NU = 10000
NR = 10000
E = 320000
L = 100000


def _sage(x_src, x_dst, src_idx, dst_idx, Wl, bl, Wr, num_dst):
    # PyG SAGEConv (aggr='mean', root_weight=True): out = lin_l(mean_j x_src[j]) + lin_r(x_dst)
    msgs = x_src[src_idx]
    agg = jax.ops.segment_sum(msgs, dst_idx, num_segments=num_dst)
    cnt = jax.ops.segment_sum(jnp.ones((src_idx.shape[0],), jnp.float32), dst_idx, num_segments=num_dst)
    mean = agg / jnp.clip(cnt, 1.0)[:, None]
    return mean @ Wl + bl + x_dst @ Wr


def setup_inputs(seed: int = 0) -> dict:
    key = jax.random.key(seed)
    ks = jax.random.split(key, 20)
    p = lambda k, shape: jax.random.normal(k, shape, jnp.float32) * 0.05
    inp = {}
    inp['user_node_id'] = jnp.arange(NU, dtype=jnp.int32)
    inp['recipe_node_id'] = jnp.arange(NR, dtype=jnp.int32)
    inp['recipe_x'] = jax.random.normal(ks[0], (NR, 10), jnp.float32)
    inp['edge_index_review'] = jnp.stack([
        jax.random.randint(ks[1], (E,), 0, NU),
        jax.random.randint(ks[2], (E,), 0, NR)])
    inp['edge_label_index'] = jnp.stack([
        jax.random.randint(ks[3], (L,), 0, NU),
        jax.random.randint(ks[4], (L,), 0, NR)])
    # learned parameters
    inp['user_emb'] = p(ks[5], (NU, H))
    inp['recipe_emb'] = p(ks[6], (NR, H))
    inp['lin_w'] = p(ks[7], (10, H))
    inp['lin_b'] = jnp.zeros((H,), jnp.float32)
    for i, n in enumerate(['c1u', 'c1r', 'c2u', 'c2r']):
        inp[n + '_Wl'] = p(ks[8 + 2 * i], (H, H))
        inp[n + '_bl'] = jnp.zeros((H,), jnp.float32)
        inp[n + '_Wr'] = p(ks[9 + 2 * i], (H, H))
    return inp


def reference(user_node_id, recipe_node_id, recipe_x, edge_index_review, edge_label_index,
              user_emb, recipe_emb, lin_w, lin_b,
              c1u_Wl, c1u_bl, c1u_Wr, c1r_Wl, c1r_bl, c1r_Wr,
              c2u_Wl, c2u_bl, c2u_Wr, c2r_Wl, c2r_bl, c2r_Wr):
    # x_dict construction
    xu = user_emb[user_node_id]
    xr = recipe_x @ lin_w + lin_b + recipe_emb[recipe_node_id]
    src_u = edge_index_review[0]
    dst_r = edge_index_review[1]
    # to_hetero(GNN): layer 1. ToUndirected adds reverse edge type (recipe, rev_review, user).
    # user nodes receive from recipe via rev edges; recipe nodes receive from user via fwd edges.
    hu = jax.nn.relu(_sage(xr, xu, dst_r, src_u, c1u_Wl, c1u_bl, c1u_Wr, NU))
    hr = jax.nn.relu(_sage(xu, xr, src_u, dst_r, c1r_Wl, c1r_bl, c1r_Wr, NR))
    # layer 2 (no relu)
    hu2 = _sage(hr, hu, dst_r, src_u, c2u_Wl, c2u_bl, c2u_Wr, NU)
    hr2 = _sage(hu, hr, src_u, dst_r, c2r_Wl, c2r_bl, c2r_Wr, NR)
    # Classifier: dot product over supervision edges
    pred = (hu2[edge_label_index[0]] * hr2[edge_label_index[1]]).sum(axis=-1)
    return pred

if __name__ == "__main__":
    import jax
    _d = setup_inputs()
    print(jax.jit(kernel)(*tuple(_d.values())))

</pallas_src>

<mosaic_0001>
#map = affine_map<(d0, d1) -> (0, 0, 0)>
#map1 = affine_map<(d0, d1) -> (0)>
module attributes {stable_mosaic.version = 14 : i64} {
  func.func @edge_dot_classifier(%arg0: i32, %arg1: i32, %arg2: memref<2x10000x128xf32, #tpu.memory_space<hbm>>, %arg3: memref<100352xi32, #tpu.memory_space<hbm>>, %arg4: memref<100352xi32, #tpu.memory_space<hbm>>, %arg5: memref<100352xf32, #tpu.memory_space<hbm>>, %arg6: memref<112x128xf32, #tpu.memory_space<vmem>>, %arg7: memref<112x128xf32, #tpu.memory_space<vmem>>, %arg8: memref<112xi32, #tpu.memory_space<vmem>>, %arg9: memref<112xi32, #tpu.memory_space<vmem>>, %arg10: memref<3136xf32, #tpu.memory_space<vmem>>, %arg11: memref<!tpu.dma_semaphore, #tpu.memory_space<semaphore_mem>>, %arg12: memref<!tpu.dma_semaphore, #tpu.memory_space<semaphore_mem>>) attributes {dimension_semantics = [#tpu.dimension_semantics<core_parallel>, #tpu.dimension_semantics<subcore_parallel>], iteration_bounds = array<i64: 2, 16>, scalar_prefetch = 0 : i64, scratch_operands = 7 : i64, tpu.core_type = #tpu.core_type<sc_vector_subcore>, window_params = [{transform_indices = #map}, {transform_indices = #map1}, {transform_indices = #map1}, {transform_indices = #map1}]} {
    %mul3A = arith.constant 2 : i32
    %mul3A_0 = arith.muli %arg1, %mul3A : i32
    %add3A = arith.addi %mul3A_0, %arg0 : i32
    %mul3A_1 = arith.constant 3136 : i32
    %mul3A_2 = arith.muli %add3A, %mul3A_1 : i32
    %scan3A = arith.constant 0 : i32
    %scan3A_3 = arith.constant 0 : i32
    %scan3A_4 = arith.constant 28 : i32
    %scan3A_5 = arith.addi %scan3A_3, %scan3A_4 : i32
    %scan3A_6 = arith.constant 1 : i32
    scf.for %scan3A_8 = %scan3A_3 to %scan3A_5 step %scan3A_6  : i32 {
      %mul3A_9 = arith.constant 112 : i32
      %mul3A_10 = arith.muli %scan3A_8, %mul3A_9 : i32
      %add3A_11 = arith.addi %mul3A_2, %mul3A_10 : i32
      "tpu.region"() ({
        %run_scoped3A = tpu.sem_alloc : memref<!tpu.dma_semaphore, #tpu.memory_space<semaphore_mem>>
        %dma_start3A_48 = tpu.memref_slice %arg3[%add3A_11] : memref<100352xi32, #tpu.memory_space<hbm>> -> memref<112xi32, #tpu.memory_space<hbm>>
        %dma_start3A_49 = tpu.memref_slice %arg3[%add3A_11] : memref<100352xi32, #tpu.memory_space<hbm>> -> memref<112xi32, #tpu.memory_space<hbm>>
        tpu.enqueue_dma source(%dma_start3A_49 : memref<112xi32, #tpu.memory_space<hbm>>) target(%arg8 : memref<112xi32, #tpu.memory_space<vmem>>) target_semaphore(%run_scoped3A : memref<!tpu.dma_semaphore, #tpu.memory_space<semaphore_mem>>)
        %dma_wait3A_50 = tpu.memref_slice %arg3[%add3A_11] : memref<100352xi32, #tpu.memory_space<hbm>> -> memref<112xi32, #tpu.memory_space<hbm>>
        %dma_wait3A_51 = tpu.memref_slice %arg3[%add3A_11] : memref<100352xi32, #tpu.memory_space<hbm>> -> memref<112xi32, #tpu.memory_space<hbm>>
        tpu.wait_dma2 semaphore(%run_scoped3A : memref<!tpu.dma_semaphore, #tpu.memory_space<semaphore_mem>>) src(%dma_wait3A_51 : memref<112xi32, #tpu.memory_space<hbm>>) dst(%arg8 : memref<112xi32, #tpu.memory_space<vmem>>)
        tpu.yield
      }) : () -> ()
      "tpu.region"() ({
        %run_scoped3A = tpu.sem_alloc : memref<!tpu.dma_semaphore, #tpu.memory_space<semaphore_mem>>
        %dma_start3A_48 = tpu.memref_slice %arg4[%add3A_11] : memref<100352xi32, #tpu.memory_space<hbm>> -> memref<112xi32, #tpu.memory_space<hbm>>
        %dma_start3A_49 = tpu.memref_slice %arg4[%add3A_11] : memref<100352xi32, #tpu.memory_space<hbm>> -> memref<112xi32, #tpu.memory_space<hbm>>
        tpu.enqueue_dma source(%dma_start3A_49 : memref<112xi32, #tpu.memory_space<hbm>>) target(%arg9 : memref<112xi32, #tpu.memory_space<vmem>>) target_semaphore(%run_scoped3A : memref<!tpu.dma_semaphore, #tpu.memory_space<semaphore_mem>>)
        %dma_wait3A_50 = tpu.memref_slice %arg4[%add3A_11] : memref<100352xi32, #tpu.memory_space<hbm>> -> memref<112xi32, #tpu.memory_space<hbm>>
        %dma_wait3A_51 = tpu.memref_slice %arg4[%add3A_11] : memref<100352xi32, #tpu.memory_space<hbm>> -> memref<112xi32, #tpu.memory_space<hbm>>
        tpu.wait_dma2 semaphore(%run_scoped3A : memref<!tpu.dma_semaphore, #tpu.memory_space<semaphore_mem>>) src(%dma_wait3A_51 : memref<112xi32, #tpu.memory_space<hbm>>) dst(%arg9 : memref<112xi32, #tpu.memory_space<vmem>>)
        tpu.yield
      }) : () -> ()
      %dma_start3A = arith.constant 0 : i32
      %dma_start3A_12 = arith.constant 0 : i32
      %dma_start3A_13 = arith.constant 0 : i32
      %dma_start3A_14 = tpu.memref_slice %arg2[%dma_start3A, %dma_start3A_12, %dma_start3A_13] : memref<2x10000x128xf32, #tpu.memory_space<hbm>> -> memref<1x10000x128xf32, #tpu.memory_space<hbm>>
      %dma_start3A_15 = tpu.memref_squeeze %dma_start3A_14 : memref<1x10000x128xf32, #tpu.memory_space<hbm>> -> memref<10000x128xf32, #tpu.memory_space<hbm>>
      %dma_start3A_16 = arith.constant 0 : i32
      %dma_start3A_17 = arith.constant 0 : i32
      %dma_start3A_18 = tpu.memref_slice %dma_start3A_15[%dma_start3A_16, %dma_start3A_17] : memref<10000x128xf32, #tpu.memory_space<hbm>> -> memref<10000x128xf32, #tpu.memory_space<hbm>>
      tpu.enqueue_indirect_dma source(%dma_start3A_18 : memref<10000x128xf32, #tpu.memory_space<hbm>>) target(%arg6 : memref<112x128xf32, #tpu.memory_space<vmem>>) offsets(%arg8 : memref<112xi32, #tpu.memory_space<vmem>>) semaphore(%arg11 : memref<!tpu.dma_semaphore, #tpu.memory_space<semaphore_mem>>)
      %dma_start3A_19 = arith.constant 1 : i32
      %dma_start3A_20 = arith.constant 0 : i32
      %dma_start3A_21 = arith.constant 0 : i32
      %dma_start3A_22 = tpu.memref_slice %arg2[%dma_start3A_19, %dma_start3A_20, %dma_start3A_21] : memref<2x10000x128xf32, #tpu.memory_space<hbm>> -> memref<1x10000x128xf32, #tpu.memory_space<hbm>>
      %dma_start3A_23 = tpu.memref_squeeze %dma_start3A_22 : memref<1x10000x128xf32, #tpu.memory_space<hbm>> -> memref<10000x128xf32, #tpu.memory_space<hbm>>
      %dma_start3A_24 = arith.constant 0 : i32
      %dma_start3A_25 = arith.constant 0 : i32
      %dma_start3A_26 = tpu.memref_slice %dma_start3A_23[%dma_start3A_24, %dma_start3A_25] : memref<10000x128xf32, #tpu.memory_space<hbm>> -> memref<10000x128xf32, #tpu.memory_space<hbm>>
      tpu.enqueue_indirect_dma source(%dma_start3A_26 : memref<10000x128xf32, #tpu.memory_space<hbm>>) target(%arg7 : memref<112x128xf32, #tpu.memory_space<vmem>>) offsets(%arg9 : memref<112xi32, #tpu.memory_space<vmem>>) semaphore(%arg12 : memref<!tpu.dma_semaphore, #tpu.memory_space<semaphore_mem>>)
      %dma_wait3A = arith.constant 0 : i32
      %dma_wait3A_27 = arith.constant 0 : i32
      %dma_wait3A_28 = arith.constant 0 : i32
      %dma_wait3A_29 = tpu.memref_slice %arg2[%dma_wait3A, %dma_wait3A_27, %dma_wait3A_28] : memref<2x10000x128xf32, #tpu.memory_space<hbm>> -> memref<1x10000x128xf32, #tpu.memory_space<hbm>>
      %dma_wait3A_30 = tpu.memref_squeeze %dma_wait3A_29 : memref<1x10000x128xf32, #tpu.memory_space<hbm>> -> memref<10000x128xf32, #tpu.memory_space<hbm>>
      %dma_wait3A_31 = arith.constant 0 : i32
      %dma_wait3A_32 = arith.constant 0 : i32
      %dma_wait3A_33 = tpu.memref_slice %dma_wait3A_30[%dma_wait3A_31, %dma_wait3A_32] : memref<10000x128xf32, #tpu.memory_space<hbm>> -> memref<10000x128xf32, #tpu.memory_space<hbm>>
      tpu.wait_indirect_dma semaphore(%arg11 : memref<!tpu.dma_semaphore, #tpu.memory_space<semaphore_mem>>) src(%dma_wait3A_33 : memref<10000x128xf32, #tpu.memory_space<hbm>>) dst(%arg6 : memref<112x128xf32, #tpu.memory_space<vmem>>)
      %dma_wait3A_34 = arith.constant 1 : i32
      %dma_wait3A_35 = arith.constant 0 : i32
      %dma_wait3A_36 = arith.constant 0 : i32
      %dma_wait3A_37 = tpu.memref_slice %arg2[%dma_wait3A_34, %dma_wait3A_35, %dma_wait3A_36] : memref<2x10000x128xf32, #tpu.memory_space<hbm>> -> memref<1x10000x128xf32, #tpu.memory_space<hbm>>
      %dma_wait3A_38 = tpu.memref_squeeze %dma_wait3A_37 : memref<1x10000x128xf32, #tpu.memory_space<hbm>> -> memref<10000x128xf32, #tpu.memory_space<hbm>>
      %dma_wait3A_39 = arith.constant 0 : i32
      %dma_wait3A_40 = arith.constant 0 : i32
      %dma_wait3A_41 = tpu.memref_slice %dma_wait3A_38[%dma_wait3A_39, %dma_wait3A_40] : memref<10000x128xf32, #tpu.memory_space<hbm>> -> memref<10000x128xf32, #tpu.memory_space<hbm>>
      tpu.wait_indirect_dma semaphore(%arg12 : memref<!tpu.dma_semaphore, #tpu.memory_space<semaphore_mem>>) src(%dma_wait3A_41 : memref<10000x128xf32, #tpu.memory_space<hbm>>) dst(%arg7 : memref<112x128xf32, #tpu.memory_space<vmem>>)
      %scan3A_42 = arith.constant 0 : i32
      %scan3A_43 = arith.constant 0 : i32
      %scan3A_44 = arith.constant 7 : i32
      %scan3A_45 = arith.addi %scan3A_43, %scan3A_44 : i32
      %scan3A_46 = arith.constant 1 : i32
      scf.for %scan3A_48 = %scan3A_43 to %scan3A_45 step %scan3A_46  : i32 {
        %mul3A_49 = arith.constant 16 : i32
        %mul3A_50 = arith.muli %scan3A_48, %mul3A_49 : i32
        %iota3A = tpu.iota {dimensions = array<i32: 0>} : vector<16xi32>
        %add3A_51 = vector.broadcast %mul3A_50 : i32 to vector<16xi32>
        %add3A_52 = arith.addi %add3A_51, %iota3A : vector<16xi32>
        %broadcast_in_dim3A = arith.constant 0.000000e+00 : f32
        %broadcast_in_dim3A_53 = vector.broadcast %broadcast_in_dim3A : f32 to vector<16xf32>
        %broadcast_in_dim3A_54 = arith.constant 0 : i32
        %broadcast_in_dim3A_55 = vector.broadcast %broadcast_in_dim3A_54 : i32 to vector<16xi32>
        %gather3A = tpu.vector_load_idx %arg6[%add3A_52, %broadcast_in_dim3A_55] : memref<112x128xf32, #tpu.memory_space<vmem>>[vector<16xi32>, vector<16xi32>], vector<16xf32>,
        %gather3A_56 = tpu.vector_load_idx %arg7[%add3A_52, %broadcast_in_dim3A_55] : memref<112x128xf32, #tpu.memory_space<vmem>>[vector<16xi32>, vector<16xi32>], vector<16xf32>,
        %mul3A_57 = arith.mulf %gather3A, %gather3A_56 : vector<16xf32>
        %add3A_58 = arith.addf %broadcast_in_dim3A_53, %mul3A_57 : vector<16xf32>
        %broadcast_in_dim3A_59 = arith.constant 1 : i32
        %broadcast_in_dim3A_60 = vector.broadcast %broadcast_in_dim3A_59 : i32 to vector<16xi32>
        %gather3A_61 = tpu.vector_load_idx %arg6[%add3A_52, %broadcast_in_dim3A_60] : memref<112x128xf32, #tpu.memory_space<vmem>>[vector<16xi32>, vector<16xi32>], vector<16xf32>,
        %gather3A_62 = tpu.vector_load_idx %arg7[%add3A_52, %broadcast_in_dim3A_60] : memref<112x128xf32, #tpu.memory_space<vmem>>[vector<16xi32>, vector<16xi32>], vector<16xf32>,
        %mul3A_63 = arith.mulf %gather3A_61, %gather3A_62 : vector<16xf32>
        %add3A_64 = arith.addf %add3A_58, %mul3A_63 : vector<16xf32>
        %broadcast_in_dim3A_65 = arith.constant 2 : i32
        %broadcast_in_dim3A_66 = vector.broadcast %broadcast_in_dim3A_65 : i32 to vector<16xi32>
        %gather3A_67 = tpu.vector_load_idx %arg6[%add3A_52, %broadcast_in_dim3A_66] : memref<112x128xf32, #tpu.memory_space<vmem>>[vector<16xi32>, vector<16xi32>], vector<16xf32>,
        %gather3A_68 = tpu.vector_load_idx %arg7[%add3A_52, %broadcast_in_dim3A_66] : memref<112x128xf32, #tpu.memory_space<vmem>>[vector<16xi32>, vector<16xi32>], vector<16xf32>,
        %mul3A_69 = arith.mulf %gather3A_67, %gather3A_68 : vector<16xf32>
        %add3A_70 = arith.addf %add3A_64, %mul3A_69 : vector<16xf32>
        %broadcast_in_dim3A_71 = arith.constant 3 : i32
        %broadcast_in_dim3A_72 = vector.broadcast %broadcast_in_dim3A_71 : i32 to vector<16xi32>
        %gather3A_73 = tpu.vector_load_idx %arg6[%add3A_52, %broadcast_in_dim3A_72] : memref<112x128xf32, #tpu.memory_space<vmem>>[vector<16xi32>, vector<16xi32>], vector<16xf32>,
        %gather3A_74 = tpu.vector_load_idx %arg7[%add3A_52, %broadcast_in_dim3A_72] : memref<112x128xf32, #tpu.memory_space<vmem>>[vector<16xi32>, vector<16xi32>], vector<16xf32>,
        %mul3A_75 = arith.mulf %gather3A_73, %gather3A_74 : vector<16xf32>
        %add3A_76 = arith.addf %add3A_70, %mul3A_75 : vector<16xf32>
        %broadcast_in_dim3A_77 = arith.constant 4 : i32
        %broadcast_in_dim3A_78 = vector.broadcast %broadcast_in_dim3A_77 : i32 to vector<16xi32>
        %gather3A_79 = tpu.vector_load_idx %arg6[%add3A_52, %broadcast_in_dim3A_78] : memref<112x128xf32, #tpu.memory_space<vmem>>[vector<16xi32>, vector<16xi32>], vector<16xf32>,
        %gather3A_80 = tpu.vector_load_idx %arg7[%add3A_52, %broadcast_in_dim3A_78] : memref<112x128xf32, #tpu.memory_space<vmem>>[vector<16xi32>, vector<16xi32>], vector<16xf32>,
        %mul3A_81 = arith.mulf %gather3A_79, %gather3A_80 : vector<16xf32>
        %add3A_82 = arith.addf %add3A_76, %mul3A_81 : vector<16xf32>
        %broadcast_in_dim3A_83 = arith.constant 5 : i32
        %broadcast_in_dim3A_84 = vector.broadcast %broadcast_in_dim3A_83 : i32 to vector<16xi32>
        %gather3A_85 = tpu.vector_load_idx %arg6[%add3A_52, %broadcast_in_dim3A_84] : memref<112x128xf32, #tpu.memory_space<vmem>>[vector<16xi32>, vector<16xi32>], vector<16xf32>,
        %gather3A_86 = tpu.vector_load_idx %arg7[%add3A_52, %broadcast_in_dim3A_84] : memref<112x128xf32, #tpu.memory_space<vmem>>[vector<16xi32>, vector<16xi32>], vector<16xf32>,
        %mul3A_87 = arith.mulf %gather3A_85, %gather3A_86 : vector<16xf32>
        %add3A_88 = arith.addf %add3A_82, %mul3A_87 : vector<16xf32>
        %broadcast_in_dim3A_89 = arith.constant 6 : i32
        %broadcast_in_dim3A_90 = vector.broadcast %broadcast_in_dim3A_89 : i32 to vector<16xi32>
        %gather3A_91 = tpu.vector_load_idx %arg6[%add3A_52, %broadcast_in_dim3A_90] : memref<112x128xf32, #tpu.memory_space<vmem>>[vector<16xi32>, vector<16xi32>], vector<16xf32>,
        %gather3A_92 = tpu.vector_load_idx %arg7[%add3A_52, %broadcast_in_dim3A_90] : memref<112x128xf32, #tpu.memory_space<vmem>>[vector<16xi32>, vector<16xi32>], vector<16xf32>,
        %mul3A_93 = arith.mulf %gather3A_91, %gather3A_92 : vector<16xf32>
        %add3A_94 = arith.addf %add3A_88, %mul3A_93 : vector<16xf32>
        %broadcast_in_dim3A_95 = arith.constant 7 : i32
        %broadcast_in_dim3A_96 = vector.broadcast %broadcast_in_dim3A_95 : i32 to vector<16xi32>
        %gather3A_97 = tpu.vector_load_idx %arg6[%add3A_52, %broadcast_in_dim3A_96] : memref<112x128xf32, #tpu.memory_space<vmem>>[vector<16xi32>, vector<16xi32>], vector<16xf32>,
        %gather3A_98 = tpu.vector_load_idx %arg7[%add3A_52, %broadcast_in_dim3A_96] : memref<112x128xf32, #tpu.memory_space<vmem>>[vector<16xi32>, vector<16xi32>], vector<16xf32>,
        %mul3A_99 = arith.mulf %gather3A_97, %gather3A_98 : vector<16xf32>
        %add3A_100 = arith.addf %add3A_94, %mul3A_99 : vector<16xf32>
        %broadcast_in_dim3A_101 = arith.constant 8 : i32
        %broadcast_in_dim3A_102 = vector.broadcast %broadcast_in_dim3A_101 : i32 to vector<16xi32>
        %gather3A_103 = tpu.vector_load_idx %arg6[%add3A_52, %broadcast_in_dim3A_102] : memref<112x128xf32, #tpu.memory_space<vmem>>[vector<16xi32>, vector<16xi32>], vector<16xf32>,
        %gather3A_104 = tpu.vector_load_idx %arg7[%add3A_52, %broadcast_in_dim3A_102] : memref<112x128xf32, #tpu.memory_space<vmem>>[vector<16xi32>, vector<16xi32>], vector<16xf32>,
        %mul3A_105 = arith.mulf %gather3A_103, %gather3A_104 : vector<16xf32>
        %add3A_106 = arith.addf %add3A_100, %mul3A_105 : vector<16xf32>
        %broadcast_in_dim3A_107 = arith.constant 9 : i32
        %broadcast_in_dim3A_108 = vector.broadcast %broadcast_in_dim3A_107 : i32 to vector<16xi32>
        %gather3A_109 = tpu.vector_load_idx %arg6[%add3A_52, %broadcast_in_dim3A_108] : memref<112x128xf32, #tpu.memory_space<vmem>>[vector<16xi32>, vector<16xi32>], vector<16xf32>,
        %gather3A_110 = tpu.vector_load_idx %arg7[%add3A_52, %broadcast_in_dim3A_108] : memref<112x128xf32, #tpu.memory_space<vmem>>[vector<16xi32>, vector<16xi32>], vector<16xf32>,
        %mul3A_111 = arith.mulf %gather3A_109, %gather3A_110 : vector<16xf32>
        %add3A_112 = arith.addf %add3A_106, %mul3A_111 : vector<16xf32>
        %broadcast_in_dim3A_113 = arith.constant 10 : i32
        %broadcast_in_dim3A_114 = vector.broadcast %broadcast_in_dim3A_113 : i32 to vector<16xi32>
        %gather3A_115 = tpu.vector_load_idx %arg6[%add3A_52, %broadcast_in_dim3A_114] : memref<112x128xf32, #tpu.memory_space<vmem>>[vector<16xi32>, vector<16xi32>], vector<16xf32>,
        %gather3A_116 = tpu.vector_load_idx %arg7[%add3A_52, %broadcast_in_dim3A_114] : memref<112x128xf32, #tpu.memory_space<vmem>>[vector<16xi32>, vector<16xi32>], vector<16xf32>,
        %mul3A_117 = arith.mulf %gather3A_115, %gather3A_116 : vector<16xf32>
        %add3A_118 = arith.addf %add3A_112, %mul3A_117 : vector<16xf32>
        %broadcast_in_dim3A_119 = arith.constant 11 : i32
        %broadcast_in_dim3A_120 = vector.broadcast %broadcast_in_dim3A_119 : i32 to vector<16xi32>
        %gather3A_121 = tpu.vector_load_idx %arg6[%add3A_52, %broadcast_in_dim3A_120] : memref<112x128xf32, #tpu.memory_space<vmem>>[vector<16xi32>, vector<16xi32>], vector<16xf32>,
        %gather3A_122 = tpu.vector_load_idx %arg7[%add3A_52, %broadcast_in_dim3A_120] : memref<112x128xf32, #tpu.memory_space<vmem>>[vector<16xi32>, vector<16xi32>], vector<16xf32>,
        %mul3A_123 = arith.mulf %gather3A_121, %gather3A_122 : vector<16xf32>
        %add3A_124 = arith.addf %add3A_118, %mul3A_123 : vector<16xf32>
        %broadcast_in_dim3A_125 = arith.constant 12 : i32
        %broadcast_in_dim3A_126 = vector.broadcast %broadcast_in_dim3A_125 : i32 to vector<16xi32>
        %gather3A_127 = tpu.vector_load_idx %arg6[%add3A_52, %broadcast_in_dim3A_126] : memref<112x128xf32, #tpu.memory_space<vmem>>[vector<16xi32>, vector<16xi32>], vector<16xf32>,
        %gather3A_128 = tpu.vector_load_idx %arg7[%add3A_52, %broadcast_in_dim3A_126] : memref<112x128xf32, #tpu.memory_space<vmem>>[vector<16xi32>, vector<16xi32>], vector<16xf32>,
        %mul3A_129 = arith.mulf %gather3A_127, %gather3A_128 : vector<16xf32>
        %add3A_130 = arith.addf %add3A_124, %mul3A_129 : vector<16xf32>
        %broadcast_in_dim3A_131 = arith.constant 13 : i32
        %broadcast_in_dim3A_132 = vector.broadcast %broadcast_in_dim3A_131 : i32 to vector<16xi32>
        %gather3A_133 = tpu.vector_load_idx %arg6[%add3A_52, %broadcast_in_dim3A_132] : memref<112x128xf32, #tpu.memory_space<vmem>>[vector<16xi32>, vector<16xi32>], vector<16xf32>,
        %gather3A_134 = tpu.vector_load_idx %arg7[%add3A_52, %broadcast_in_dim3A_132] : memref<112x128xf32, #tpu.memory_space<vmem>>[vector<16xi32>, vector<16xi32>], vector<16xf32>,
        %mul3A_135 = arith.mulf %gather3A_133, %gather3A_134 : vector<16xf32>
        %add3A_136 = arith.addf %add3A_130, %mul3A_135 : vector<16xf32>
        %broadcast_in_dim3A_137 = arith.constant 14 : i32
        %broadcast_in_dim3A_138 = vector.broadcast %broadcast_in_dim3A_137 : i32 to vector<16xi32>
        %gather3A_139 = tpu.vector_load_idx %arg6[%add3A_52, %broadcast_in_dim3A_138] : memref<112x128xf32, #tpu.memory_space<vmem>>[vector<16xi32>, vector<16xi32>], vector<16xf32>,
        %gather3A_140 = tpu.vector_load_idx %arg7[%add3A_52, %broadcast_in_dim3A_138] : memref<112x128xf32, #tpu.memory_space<vmem>>[vector<16xi32>, vector<16xi32>], vector<16xf32>,
        %mul3A_141 = arith.mulf %gather3A_139, %gather3A_140 : vector<16xf32>
        %add3A_142 = arith.addf %add3A_136, %mul3A_141 : vector<16xf32>
        %broadcast_in_dim3A_143 = arith.constant 15 : i32
        %broadcast_in_dim3A_144 = vector.broadcast %broadcast_in_dim3A_143 : i32 to vector<16xi32>
        %gather3A_145 = tpu.vector_load_idx %arg6[%add3A_52, %broadcast_in_dim3A_144] : memref<112x128xf32, #tpu.memory_space<vmem>>[vector<16xi32>, vector<16xi32>], vector<16xf32>,
        %gather3A_146 = tpu.vector_load_idx %arg7[%add3A_52, %broadcast_in_dim3A_144] : memref<112x128xf32, #tpu.memory_space<vmem>>[vector<16xi32>, vector<16xi32>], vector<16xf32>,
        %mul3A_147 = arith.mulf %gather3A_145, %gather3A_146 : vector<16xf32>
        %add3A_148 = arith.addf %add3A_142, %mul3A_147 : vector<16xf32>
        %broadcast_in_dim3A_149 = arith.constant 16 : i32
        %broadcast_in_dim3A_150 = vector.broadcast %broadcast_in_dim3A_149 : i32 to vector<16xi32>
        %gather3A_151 = tpu.vector_load_idx %arg6[%add3A_52, %broadcast_in_dim3A_150] : memref<112x128xf32, #tpu.memory_space<vmem>>[vector<16xi32>, vector<16xi32>], vector<16xf32>,
        %gather3A_152 = tpu.vector_load_idx %arg7[%add3A_52, %broadcast_in_dim3A_150] : memref<112x128xf32, #tpu.memory_space<vmem>>[vector<16xi32>, vector<16xi32>], vector<16xf32>,
        %mul3A_153 = arith.mulf %gather3A_151, %gather3A_152 : vector<16xf32>
        %add3A_154 = arith.addf %add3A_148, %mul3A_153 : vector<16xf32>
        %broadcast_in_dim3A_155 = arith.constant 17 : i32
        %broadcast_in_dim3A_156 = vector.broadcast %broadcast_in_dim3A_155 : i32 to vector<16xi32>
        %gather3A_157 = tpu.vector_load_idx %arg6[%add3A_52, %broadcast_in_dim3A_156] : memref<112x128xf32, #tpu.memory_space<vmem>>[vector<16xi32>, vector<16xi32>], vector<16xf32>,
        %gather3A_158 = tpu.vector_load_idx %arg7[%add3A_52, %broadcast_in_dim3A_156] : memref<112x128xf32, #tpu.memory_space<vmem>>[vector<16xi32>, vector<16xi32>], vector<16xf32>,
        %mul3A_159 = arith.mulf %gather3A_157, %gather3A_158 : vector<16xf32>
        %add3A_160 = arith.addf %add3A_154, %mul3A_159 : vector<16xf32>
        %broadcast_in_dim3A_161 = arith.constant 18 : i32
        %broadcast_in_dim3A_162 = vector.broadcast %broadcast_in_dim3A_161 : i32 to vector<16xi32>
        %gather3A_163 = tpu.vector_load_idx %arg6[%add3A_52, %broadcast_in_dim3A_162] : memref<112x128xf32, #tpu.memory_space<vmem>>[vector<16xi32>, vector<16xi32>], vector<16xf32>,
        %gather3A_164 = tpu.vector_load_idx %arg7[%add3A_52, %broadcast_in_dim3A_162] : memref<112x128xf32, #tpu.memory_space<vmem>>[vector<16xi32>, vector<16xi32>], vector<16xf32>,
        %mul3A_165 = arith.mulf %gather3A_163, %gather3A_164 : vector<16xf32>
        %add3A_166 = arith.addf %add3A_160, %mul3A_165 : vector<16xf32>
        %broadcast_in_dim3A_167 = arith.constant 19 : i32
        %broadcast_in_dim3A_168 = vector.broadcast %broadcast_in_dim3A_167 : i32 to vector<16xi32>
        %gather3A_169 = tpu.vector_load_idx %arg6[%add3A_52, %broadcast_in_dim3A_168] : memref<112x128xf32, #tpu.memory_space<vmem>>[vector<16xi32>, vector<16xi32>], vector<16xf32>,
        %gather3A_170 = tpu.vector_load_idx %arg7[%add3A_52, %broadcast_in_dim3A_168] : memref<112x128xf32, #tpu.memory_space<vmem>>[vector<16xi32>, vector<16xi32>], vector<16xf32>,
        %mul3A_171 = arith.mulf %gather3A_169, %gather3A_170 : vector<16xf32>
        %add3A_172 = arith.addf %add3A_166, %mul3A_171 : vector<16xf32>
        %broadcast_in_dim3A_173 = arith.constant 20 : i32
        %broadcast_in_dim3A_174 = vector.broadcast %broadcast_in_dim3A_173 : i32 to vector<16xi32>
        %gather3A_175 = tpu.vector_load_idx %arg6[%add3A_52, %broadcast_in_dim3A_174] : memref<112x128xf32, #tpu.memory_space<vmem>>[vector<16xi32>, vector<16xi32>], vector<16xf32>,
        %gather3A_176 = tpu.vector_load_idx %arg7[%add3A_52, %broadcast_in_dim3A_174] : memref<112x128xf32, #tpu.memory_space<vmem>>[vector<16xi32>, vector<16xi32>], vector<16xf32>,
        %mul3A_177 = arith.mulf %gather3A_175, %gather3A_176 : vector<16xf32>
        %add3A_178 = arith.addf %add3A_172, %mul3A_177 : vector<16xf32>
        %broadcast_in_dim3A_179 = arith.constant 21 : i32
        %broadcast_in_dim3A_180 = vector.broadcast %broadcast_in_dim3A_179 : i32 to vector<16xi32>
        %gather3A_181 = tpu.vector_load_idx %arg6[%add3A_52, %broadcast_in_dim3A_180] : memref<112x128xf32, #tpu.memory_space<vmem>>[vector<16xi32>, vector<16xi32>], vector<16xf32>,
        %gather3A_182 = tpu.vector_load_idx %arg7[%add3A_52, %broadcast_in_dim3A_180] : memref<112x128xf32, #tpu.memory_space<vmem>>[vector<16xi32>, vector<16xi32>], vector<16xf32>,
        %mul3A_183 = arith.mulf %gather3A_181, %gather3A_182 : vector<16xf32>
        %add3A_184 = arith.addf %add3A_178, %mul3A_183 : vector<16xf32>
        %broadcast_in_dim3A_185 = arith.constant 22 : i32
        %broadcast_in_dim3A_186 = vector.broadcast %broadcast_in_dim3A_185 : i32 to vector<16xi32>
        %gather3A_187 = tpu.vector_load_idx %arg6[%add3A_52, %broadcast_in_dim3A_186] : memref<112x128xf32, #tpu.memory_space<vmem>>[vector<16xi32>, vector<16xi32>], vector<16xf32>,
        %gather3A_188 = tpu.vector_load_idx %arg7[%add3A_52, %broadcast_in_dim3A_186] : memref<112x128xf32, #tpu.memory_space<vmem>>[vector<16xi32>, vector<16xi32>], vector<16xf32>,
        %mul3A_189 = arith.mulf %gather3A_187, %gather3A_188 : vector<16xf32>
        %add3A_190 = arith.addf %add3A_184, %mul3A_189 : vector<16xf32>
        %broadcast_in_dim3A_191 = arith.constant 23 : i32
        %broadcast_in_dim3A_192 = vector.broadcast %broadcast_in_dim3A_191 : i32 to vector<16xi32>
        %gather3A_193 = tpu.vector_load_idx %arg6[%add3A_52, %broadcast_in_dim3A_192] : memref<112x128xf32, #tpu.memory_space<vmem>>[vector<16xi32>, vector<16xi32>], vector<16xf32>,
        %gather3A_194 = tpu.vector_load_idx %arg7[%add3A_52, %broadcast_in_dim3A_192] : memref<112x128xf32, #tpu.memory_space<vmem>>[vector<16xi32>, vector<16xi32>], vector<16xf32>,
        %mul3A_195 = arith.mulf %gather3A_193, %gather3A_194 : vector<16xf32>
        %add3A_196 = arith.addf %add3A_190, %mul3A_195 : vector<16xf32>
        %broadcast_in_dim3A_197 = arith.constant 24 : i32
        %broadcast_in_dim3A_198 = vector.broadcast %broadcast_in_dim3A_197 : i32 to vector<16xi32>
        %gather3A_199 = tpu.vector_load_idx %arg6[%add3A_52, %broadcast_in_dim3A_198] : memref<112x128xf32, #tpu.memory_space<vmem>>[vector<16xi32>, vector<16xi32>], vector<16xf32>,
        %gather3A_200 = tpu.vector_load_idx %arg7[%add3A_52, %broadcast_in_dim3A_198] : memref<112x128xf32, #tpu.memory_space<vmem>>[vector<16xi32>, vector<16xi32>], vector<16xf32>,
        %mul3A_201 = arith.mulf %gather3A_199, %gather3A_200 : vector<16xf32>
        %add3A_202 = arith.addf %add3A_196, %mul3A_201 : vector<16xf32>
        %broadcast_in_dim3A_203 = arith.constant 25 : i32
        %broadcast_in_dim3A_204 = vector.broadcast %broadcast_in_dim3A_203 : i32 to vector<16xi32>
        %gather3A_205 = tpu.vector_load_idx %arg6[%add3A_52, %broadcast_in_dim3A_204] : memref<112x128xf32, #tpu.memory_space<vmem>>[vector<16xi32>, vector<16xi32>], vector<16xf32>,
        %gather3A_206 = tpu.vector_load_idx %arg7[%add3A_52, %broadcast_in_dim3A_204] : memref<112x128xf32, #tpu.memory_space<vmem>>[vector<16xi32>, vector<16xi32>], vector<16xf32>,
        %mul3A_207 = arith.mulf %gather3A_205, %gather3A_206 : vector<16xf32>
        %add3A_208 = arith.addf %add3A_202, %mul3A_207 : vector<16xf32>
        %broadcast_in_dim3A_209 = arith.constant 26 : i32
        %broadcast_in_dim3A_210 = vector.broadcast %broadcast_in_dim3A_209 : i32 to vector<16xi32>
        %gather3A_211 = tpu.vector_load_idx %arg6[%add3A_52, %broadcast_in_dim3A_210] : memref<112x128xf32, #tpu.memory_space<vmem>>[vector<16xi32>, vector<16xi32>], vector<16xf32>,
        %gather3A_212 = tpu.vector_load_idx %arg7[%add3A_52, %broadcast_in_dim3A_210] : memref<112x128xf32, #tpu.memory_space<vmem>>[vector<16xi32>, vector<16xi32>], vector<16xf32>,
        %mul3A_213 = arith.mulf %gather3A_211, %gather3A_212 : vector<16xf32>
        %add3A_214 = arith.addf %add3A_208, %mul3A_213 : vector<16xf32>
        %broadcast_in_dim3A_215 = arith.constant 27 : i32
        %broadcast_in_dim3A_216 = vector.broadcast %broadcast_in_dim3A_215 : i32 to vector<16xi32>
        %gather3A_217 = tpu.vector_load_idx %arg6[%add3A_52, %broadcast_in_dim3A_216] : memref<112x128xf32, #tpu.memory_space<vmem>>[vector<16xi32>, vector<16xi32>], vector<16xf32>,
        %gather3A_218 = tpu.vector_load_idx %arg7[%add3A_52, %broadcast_in_dim3A_216] : memref<112x128xf32, #tpu.memory_space<vmem>>[vector<16xi32>, vector<16xi32>], vector<16xf32>,
        %mul3A_219 = arith.mulf %gather3A_217, %gather3A_218 : vector<16xf32>
        %add3A_220 = arith.addf %add3A_214, %mul3A_219 : vector<16xf32>
        %broadcast_in_dim3A_221 = arith.constant 28 : i32
        %broadcast_in_dim3A_222 = vector.broadcast %broadcast_in_dim3A_221 : i32 to vector<16xi32>
        %gather3A_223 = tpu.vector_load_idx %arg6[%add3A_52, %broadcast_in_dim3A_222] : memref<112x128xf32, #tpu.memory_space<vmem>>[vector<16xi32>, vector<16xi32>], vector<16xf32>,
        %gather3A_224 = tpu.vector_load_idx %arg7[%add3A_52, %broadcast_in_dim3A_222] : memref<112x128xf32, #tpu.memory_space<vmem>>[vector<16xi32>, vector<16xi32>], vector<16xf32>,
        %mul3A_225 = arith.mulf %gather3A_223, %gather3A_224 : vector<16xf32>
        %add3A_226 = arith.addf %add3A_220, %mul3A_225 : vector<16xf32>
        %broadcast_in_dim3A_227 = arith.constant 29 : i32
        %broadcast_in_dim3A_228 = vector.broadcast %broadcast_in_dim3A_227 : i32 to vector<16xi32>
        %gather3A_229 = tpu.vector_load_idx %arg6[%add3A_52, %broadcast_in_dim3A_228] : memref<112x128xf32, #tpu.memory_space<vmem>>[vector<16xi32>, vector<16xi32>], vector<16xf32>,
        %gather3A_230 = tpu.vector_load_idx %arg7[%add3A_52, %broadcast_in_dim3A_228] : memref<112x128xf32, #tpu.memory_space<vmem>>[vector<16xi32>, vector<16xi32>], vector<16xf32>,
        %mul3A_231 = arith.mulf %gather3A_229, %gather3A_230 : vector<16xf32>
        %add3A_232 = arith.addf %add3A_226, %mul3A_231 : vector<16xf32>
        %broadcast_in_dim3A_233 = arith.constant 30 : i32
        %broadcast_in_dim3A_234 = vector.broadcast %broadcast_in_dim3A_233 : i32 to vector<16xi32>
        %gather3A_235 = tpu.vector_load_idx %arg6[%add3A_52, %broadcast_in_dim3A_234] : memref<112x128xf32, #tpu.memory_space<vmem>>[vector<16xi32>, vector<16xi32>], vector<16xf32>,
        %gather3A_236 = tpu.vector_load_idx %arg7[%add3A_52, %broadcast_in_dim3A_234] : memref<112x128xf32, #tpu.memory_space<vmem>>[vector<16xi32>, vector<16xi32>], vector<16xf32>,
        %mul3A_237 = arith.mulf %gather3A_235, %gather3A_236 : vector<16xf32>
        %add3A_238 = arith.addf %add3A_232, %mul3A_237 : vector<16xf32>
        %broadcast_in_dim3A_239 = arith.constant 31 : i32
        %broadcast_in_dim3A_240 = vector.broadcast %broadcast_in_dim3A_239 : i32 to vector<16xi32>
        %gather3A_241 = tpu.vector_load_idx %arg6[%add3A_52, %broadcast_in_dim3A_240] : memref<112x128xf32, #tpu.memory_space<vmem>>[vector<16xi32>, vector<16xi32>], vector<16xf32>,
        %gather3A_242 = tpu.vector_load_idx %arg7[%add3A_52, %broadcast_in_dim3A_240] : memref<112x128xf32, #tpu.memory_space<vmem>>[vector<16xi32>, vector<16xi32>], vector<16xf32>,
        %mul3A_243 = arith.mulf %gather3A_241, %gather3A_242 : vector<16xf32>
        %add3A_244 = arith.addf %add3A_238, %mul3A_243 : vector<16xf32>
        %broadcast_in_dim3A_245 = arith.constant 32 : i32
        %broadcast_in_dim3A_246 = vector.broadcast %broadcast_in_dim3A_245 : i32 to vector<16xi32>
        %gather3A_247 = tpu.vector_load_idx %arg6[%add3A_52, %broadcast_in_dim3A_246] : memref<112x128xf32, #tpu.memory_space<vmem>>[vector<16xi32>, vector<16xi32>], vector<16xf32>,
        %gather3A_248 = tpu.vector_load_idx %arg7[%add3A_52, %broadcast_in_dim3A_246] : memref<112x128xf32, #tpu.memory_space<vmem>>[vector<16xi32>, vector<16xi32>], vector<16xf32>,
        %mul3A_249 = arith.mulf %gather3A_247, %gather3A_248 : vector<16xf32>
        %add3A_250 = arith.addf %add3A_244, %mul3A_249 : vector<16xf32>
        %broadcast_in_dim3A_251 = arith.constant 33 : i32
        %broadcast_in_dim3A_252 = vector.broadcast %broadcast_in_dim3A_251 : i32 to vector<16xi32>
        %gather3A_253 = tpu.vector_load_idx %arg6[%add3A_52, %broadcast_in_dim3A_252] : memref<112x128xf32, #tpu.memory_space<vmem>>[vector<16xi32>, vector<16xi32>], vector<16xf32>,
        %gather3A_254 = tpu.vector_load_idx %arg7[%add3A_52, %broadcast_in_dim3A_252] : memref<112x128xf32, #tpu.memory_space<vmem>>[vector<16xi32>, vector<16xi32>], vector<16xf32>,
        %mul3A_255 = arith.mulf %gather3A_253, %gather3A_254 : vector<16xf32>
        %add3A_256 = arith.addf %add3A_250, %mul3A_255 : vector<16xf32>
        %broadcast_in_dim3A_257 = arith.constant 34 : i32
        %broadcast_in_dim3A_258 = vector.broadcast %broadcast_in_dim3A_257 : i32 to vector<16xi32>
        %gather3A_259 = tpu.vector_load_idx %arg6[%add3A_52, %broadcast_in_dim3A_258] : memref<112x128xf32, #tpu.memory_space<vmem>>[vector<16xi32>, vector<16xi32>], vector<16xf32>,
        %gather3A_260 = tpu.vector_load_idx %arg7[%add3A_52, %broadcast_in_dim3A_258] : memref<112x128xf32, #tpu.memory_space<vmem>>[vector<16xi32>, vector<16xi32>], vector<16xf32>,
        %mul3A_261 = arith.mulf %gather3A_259, %gather3A_260 : vector<16xf32>
        %add3A_262 = arith.addf %add3A_256, %mul3A_261 : vector<16xf32>
        %broadcast_in_dim3A_263 = arith.constant 35 : i32
        %broadcast_in_dim3A_264 = vector.broadcast %broadcast_in_dim3A_263 : i32 to vector<16xi32>
        %gather3A_265 = tpu.vector_load_idx %arg6[%add3A_52, %broadcast_in_dim3A_264] : memref<112x128xf32, #tpu.memory_space<vmem>>[vector<16xi32>, vector<16xi32>], vector<16xf32>,
        %gather3A_266 = tpu.vector_load_idx %arg7[%add3A_52, %broadcast_in_dim3A_264] : memref<112x128xf32, #tpu.memory_space<vmem>>[vector<16xi32>, vector<16xi32>], vector<16xf32>,
        %mul3A_267 = arith.mulf %gather3A_265, %gather3A_266 : vector<16xf32>
        %add3A_268 = arith.addf %add3A_262, %mul3A_267 : vector<16xf32>
        %broadcast_in_dim3A_269 = arith.constant 36 : i32
        %broadcast_in_dim3A_270 = vector.broadcast %broadcast_in_dim3A_269 : i32 to vector<16xi32>
        %gather3A_271 = tpu.vector_load_idx %arg6[%add3A_52, %broadcast_in_dim3A_270] : memref<112x128xf32, #tpu.memory_space<vmem>>[vector<16xi32>, vector<16xi32>], vector<16xf32>,
        %gather3A_272 = tpu.vector_load_idx %arg7[%add3A_52, %broadcast_in_dim3A_270] : memref<112x128xf32, #tpu.memory_space<vmem>>[vector<16xi32>, vector<16xi32>], vector<16xf32>,
        %mul3A_273 = arith.mulf %gather3A_271, %gather3A_272 : vector<16xf32>
        %add3A_274 = arith.addf %add3A_268, %mul3A_273 : vector<16xf32>
        %broadcast_in_dim3A_275 = arith.constant 37 : i32
        %broadcast_in_dim3A_276 = vector.broadcast %broadcast_in_dim3A_275 : i32 to vector<16xi32>
        %gather3A_277 = tpu.vector_load_idx %arg6[%add3A_52, %broadcast_in_dim3A_276] : memref<112x128xf32, #tpu.memory_space<vmem>>[vector<16xi32>, vector<16xi32>], vector<16xf32>,
        %gather3A_278 = tpu.vector_load_idx %arg7[%add3A_52, %broadcast_in_dim3A_276] : memref<112x128xf32, #tpu.memory_space<vmem>>[vector<16xi32>, vector<16xi32>], vector<16xf32>,
        %mul3A_279 = arith.mulf %gather3A_277, %gather3A_278 : vector<16xf32>
        %add3A_280 = arith.addf %add3A_274, %mul3A_279 : vector<16xf32>
        %broadcast_in_dim3A_281 = arith.constant 38 : i32
        %broadcast_in_dim3A_282 = vector.broadcast %broadcast_in_dim3A_281 : i32 to vector<16xi32>
        %gather3A_283 = tpu.vector_load_idx %arg6[%add3A_52, %broadcast_in_dim3A_282] : memref<112x128xf32, #tpu.memory_space<vmem>>[vector<16xi32>, vector<16xi32>], vector<16xf32>,
        %gather3A_284 = tpu.vector_load_idx %arg7[%add3A_52, %broadcast_in_dim3A_282] : memref<112x128xf32, #tpu.memory_space<vmem>>[vector<16xi32>, vector<16xi32>], vector<16xf32>,
        %mul3A_285 = arith.mulf %gather3A_283, %gather3A_284 : vector<16xf32>
        %add3A_286 = arith.addf %add3A_280, %mul3A_285 : vector<16xf32>
        %broadcast_in_dim3A_287 = arith.constant 39 : i32
        %broadcast_in_dim3A_288 = vector.broadcast %broadcast_in_dim3A_287 : i32 to vector<16xi32>
        %gather3A_289 = tpu.vector_load_idx %arg6[%add3A_52, %broadcast_in_dim3A_288] : memref<112x128xf32, #tpu.memory_space<vmem>>[vector<16xi32>, vector<16xi32>], vector<16xf32>,
        %gather3A_290 = tpu.vector_load_idx %arg7[%add3A_52, %broadcast_in_dim3A_288] : memref<112x128xf32, #tpu.memory_space<vmem>>[vector<16xi32>, vector<16xi32>], vector<16xf32>,
        %mul3A_291 = arith.mulf %gather3A_289, %gather3A_290 : vector<16xf32>
        %add3A_292 = arith.addf %add3A_286, %mul3A_291 : vector<16xf32>
        %broadcast_in_dim3A_293 = arith.constant 40 : i32
        %broadcast_in_dim3A_294 = vector.broadcast %broadcast_in_dim3A_293 : i32 to vector<16xi32>
        %gather3A_295 = tpu.vector_load_idx %arg6[%add3A_52, %broadcast_in_dim3A_294] : memref<112x128xf32, #tpu.memory_space<vmem>>[vector<16xi32>, vector<16xi32>], vector<16xf32>,
        %gather3A_296 = tpu.vector_load_idx %arg7[%add3A_52, %broadcast_in_dim3A_294] : memref<112x128xf32, #tpu.memory_space<vmem>>[vector<16xi32>, vector<16xi32>], vector<16xf32>,
        %mul3A_297 = arith.mulf %gather3A_295, %gather3A_296 : vector<16xf32>
        %add3A_298 = arith.addf %add3A_292, %mul3A_297 : vector<16xf32>
        %broadcast_in_dim3A_299 = arith.constant 41 : i32
        %broadcast_in_dim3A_300 = vector.broadcast %broadcast_in_dim3A_299 : i32 to vector<16xi32>
        %gather3A_301 = tpu.vector_load_idx %arg6[%add3A_52, %broadcast_in_dim3A_300] : memref<112x128xf32, #tpu.memory_space<vmem>>[vector<16xi32>, vector<16xi32>], vector<16xf32>,
        %gather3A_302 = tpu.vector_load_idx %arg7[%add3A_52, %broadcast_in_dim3A_300] : memref<112x128xf32, #tpu.memory_space<vmem>>[vector<16xi32>, vector<16xi32>], vector<16xf32>,
        %mul3A_303 = arith.mulf %gather3A_301, %gather3A_302 : vector<16xf32>
        %add3A_304 = arith.addf %add3A_298, %mul3A_303 : vector<16xf32>
        %broadcast_in_dim3A_305 = arith.constant 42 : i32
        %broadcast_in_dim3A_306 = vector.broadcast %broadcast_in_dim3A_305 : i32 to vector<16xi32>
        %gather3A_307 = tpu.vector_load_idx %arg6[%add3A_52, %broadcast_in_dim3A_306] : memref<112x128xf32, #tpu.memory_space<vmem>>[vector<16xi32>, vector<16xi32>], vector<16xf32>,
        %gather3A_308 = tpu.vector_load_idx %arg7[%add3A_52, %broadcast_in_dim3A_306] : memref<112x128xf32, #tpu.memory_space<vmem>>[vector<16xi32>, vector<16xi32>], vector<16xf32>,
        %mul3A_309 = arith.mulf %gather3A_307, %gather3A_308 : vector<16xf32>
        %add3A_310 = arith.addf %add3A_304, %mul3A_309 : vector<16xf32>
        %broadcast_in_dim3A_311 = arith.constant 43 : i32
        %broadcast_in_dim3A_312 = vector.broadcast %broadcast_in_dim3A_311 : i32 to vector<16xi32>
        %gather3A_313 = tpu.vector_load_idx %arg6[%add3A_52, %broadcast_in_dim3A_312] : memref<112x128xf32, #tpu.memory_space<vmem>>[vector<16xi32>, vector<16xi32>], vector<16xf32>,
        %gather3A_314 = tpu.vector_load_idx %arg7[%add3A_52, %broadcast_in_dim3A_312] : memref<112x128xf32, #tpu.memory_space<vmem>>[vector<16xi32>, vector<16xi32>], vector<16xf32>,
        %mul3A_315 = arith.mulf %gather3A_313, %gather3A_314 : vector<16xf32>
        %add3A_316 = arith.addf %add3A_310, %mul3A_315 : vector<16xf32>
        %broadcast_in_dim3A_317 = arith.constant 44 : i32
        %broadcast_in_dim3A_318 = vector.broadcast %broadcast_in_dim3A_317 : i32 to vector<16xi32>
        %gather3A_319 = tpu.vector_load_idx %arg6[%add3A_52, %broadcast_in_dim3A_318] : memref<112x128xf32, #tpu.memory_space<vmem>>[vector<16xi32>, vector<16xi32>], vector<16xf32>,
        %gather3A_320 = tpu.vector_load_idx %arg7[%add3A_52, %broadcast_in_dim3A_318] : memref<112x128xf32, #tpu.memory_space<vmem>>[vector<16xi32>, vector<16xi32>], vector<16xf32>,
        %mul3A_321 = arith.mulf %gather3A_319, %gather3A_320 : vector<16xf32>
        %add3A_322 = arith.addf %add3A_316, %mul3A_321 : vector<16xf32>
        %broadcast_in_dim3A_323 = arith.constant 45 : i32
        %broadcast_in_dim3A_324 = vector.broadcast %broadcast_in_dim3A_323 : i32 to vector<16xi32>
        %gather3A_325 = tpu.vector_load_idx %arg6[%add3A_52, %broadcast_in_dim3A_324] : memref<112x128xf32, #tpu.memory_space<vmem>>[vector<16xi32>, vector<16xi32>], vector<16xf32>,
        %gather3A_326 = tpu.vector_load_idx %arg7[%add3A_52, %broadcast_in_dim3A_324] : memref<112x128xf32, #tpu.memory_space<vmem>>[vector<16xi32>, vector<16xi32>], vector<16xf32>,
        %mul3A_327 = arith.mulf %gather3A_325, %gather3A_326 : vector<16xf32>
        %add3A_328 = arith.addf %add3A_322, %mul3A_327 : vector<16xf32>
        %broadcast_in_dim3A_329 = arith.constant 46 : i32
        %broadcast_in_dim3A_330 = vector.broadcast %broadcast_in_dim3A_329 : i32 to vector<16xi32>
        %gather3A_331 = tpu.vector_load_idx %arg6[%add3A_52, %broadcast_in_dim3A_330] : memref<112x128xf32, #tpu.memory_space<vmem>>[vector<16xi32>, vector<16xi32>], vector<16xf32>,
        %gather3A_332 = tpu.vector_load_idx %arg7[%add3A_52, %broadcast_in_dim3A_330] : memref<112x128xf32, #tpu.memory_space<vmem>>[vector<16xi32>, vector<16xi32>], vector<16xf32>,
        %mul3A_333 = arith.mulf %gather3A_331, %gather3A_332 : vector<16xf32>
        %add3A_334 = arith.addf %add3A_328, %mul3A_333 : vector<16xf32>
        %broadcast_in_dim3A_335 = arith.constant 47 : i32
        %broadcast_in_dim3A_336 = vector.broadcast %broadcast_in_dim3A_335 : i32 to vector<16xi32>
        %gather3A_337 = tpu.vector_load_idx %arg6[%add3A_52, %broadcast_in_dim3A_336] : memref<112x128xf32, #tpu.memory_space<vmem>>[vector<16xi32>, vector<16xi32>], vector<16xf32>,
        %gather3A_338 = tpu.vector_load_idx %arg7[%add3A_52, %broadcast_in_dim3A_336] : memref<112x128xf32, #tpu.memory_space<vmem>>[vector<16xi32>, vector<16xi32>], vector<16xf32>,
        %mul3A_339 = arith.mulf %gather3A_337, %gather3A_338 : vector<16xf32>
        %add3A_340 = arith.addf %add3A_334, %mul3A_339 : vector<16xf32>
        %broadcast_in_dim3A_341 = arith.constant 48 : i32
        %broadcast_in_dim3A_342 = vector.broadcast %broadcast_in_dim3A_341 : i32 to vector<16xi32>
        %gather3A_343 = tpu.vector_load_idx %arg6[%add3A_52, %broadcast_in_dim3A_342] : memref<112x128xf32, #tpu.memory_space<vmem>>[vector<16xi32>, vector<16xi32>], vector<16xf32>,
        %gather3A_344 = tpu.vector_load_idx %arg7[%add3A_52, %broadcast_in_dim3A_342] : memref<112x128xf32, #tpu.memory_space<vmem>>[vector<16xi32>, vector<16xi32>], vector<16xf32>,
        %mul3A_345 = arith.mulf %gather3A_343, %gather3A_344 : vector<16xf32>
        %add3A_346 = arith.addf %add3A_340, %mul3A_345 : vector<16xf32>
        %broadcast_in_dim3A_347 = arith.constant 49 : i32
        %broadcast_in_dim3A_348 = vector.broadcast %broadcast_in_dim3A_347 : i32 to vector<16xi32>
        %gather3A_349 = tpu.vector_load_idx %arg6[%add3A_52, %broadcast_in_dim3A_348] : memref<112x128xf32, #tpu.memory_space<vmem>>[vector<16xi32>, vector<16xi32>], vector<16xf32>,
        %gather3A_350 = tpu.vector_load_idx %arg7[%add3A_52, %broadcast_in_dim3A_348] : memref<112x128xf32, #tpu.memory_space<vmem>>[vector<16xi32>, vector<16xi32>], vector<16xf32>,
        %mul3A_351 = arith.mulf %gather3A_349, %gather3A_350 : vector<16xf32>
        %add3A_352 = arith.addf %add3A_346, %mul3A_351 : vector<16xf32>
        %broadcast_in_dim3A_353 = arith.constant 50 : i32
        %broadcast_in_dim3A_354 = vector.broadcast %broadcast_in_dim3A_353 : i32 to vector<16xi32>
        %gather3A_355 = tpu.vector_load_idx %arg6[%add3A_52, %broadcast_in_dim3A_354] : memref<112x128xf32, #tpu.memory_space<vmem>>[vector<16xi32>, vector<16xi32>], vector<16xf32>,
        %gather3A_356 = tpu.vector_load_idx %arg7[%add3A_52, %broadcast_in_dim3A_354] : memref<112x128xf32, #tpu.memory_space<vmem>>[vector<16xi32>, vector<16xi32>], vector<16xf32>,
        %mul3A_357 = arith.mulf %gather3A_355, %gather3A_356 : vector<16xf32>
        %add3A_358 = arith.addf %add3A_352, %mul3A_357 : vector<16xf32>
        %broadcast_in_dim3A_359 = arith.constant 51 : i32
        %broadcast_in_dim3A_360 = vector.broadcast %broadcast_in_dim3A_359 : i32 to vector<16xi32>
        %gather3A_361 = tpu.vector_load_idx %arg6[%add3A_52, %broadcast_in_dim3A_360] : memref<112x128xf32, #tpu.memory_space<vmem>>[vector<16xi32>, vector<16xi32>], vector<16xf32>,
        %gather3A_362 = tpu.vector_load_idx %arg7[%add3A_52, %broadcast_in_dim3A_360] : memref<112x128xf32, #tpu.memory_space<vmem>>[vector<16xi32>, vector<16xi32>], vector<16xf32>,
        %mul3A_363 = arith.mulf %gather3A_361, %gather3A_362 : vector<16xf32>
        %add3A_364 = arith.addf %add3A_358, %mul3A_363 : vector<16xf32>
        %broadcast_in_dim3A_365 = arith.constant 52 : i32
        %broadcast_in_dim3A_366 = vector.broadcast %broadcast_in_dim3A_365 : i32 to vector<16xi32>
        %gather3A_367 = tpu.vector_load_idx %arg6[%add3A_52, %broadcast_in_dim3A_366] : memref<112x128xf32, #tpu.memory_space<vmem>>[vector<16xi32>, vector<16xi32>], vector<16xf32>,
        %gather3A_368 = tpu.vector_load_idx %arg7[%add3A_52, %broadcast_in_dim3A_366] : memref<112x128xf32, #tpu.memory_space<vmem>>[vector<16xi32>, vector<16xi32>], vector<16xf32>,
        %mul3A_369 = arith.mulf %gather3A_367, %gather3A_368 : vector<16xf32>
        %add3A_370 = arith.addf %add3A_364, %mul3A_369 : vector<16xf32>
        %broadcast_in_dim3A_371 = arith.constant 53 : i32
        %broadcast_in_dim3A_372 = vector.broadcast %broadcast_in_dim3A_371 : i32 to vector<16xi32>
        %gather3A_373 = tpu.vector_load_idx %arg6[%add3A_52, %broadcast_in_dim3A_372] : memref<112x128xf32, #tpu.memory_space<vmem>>[vector<16xi32>, vector<16xi32>], vector<16xf32>,
        %gather3A_374 = tpu.vector_load_idx %arg7[%add3A_52, %broadcast_in_dim3A_372] : memref<112x128xf32, #tpu.memory_space<vmem>>[vector<16xi32>, vector<16xi32>], vector<16xf32>,
        %mul3A_375 = arith.mulf %gather3A_373, %gather3A_374 : vector<16xf32>
        %add3A_376 = arith.addf %add3A_370, %mul3A_375 : vector<16xf32>
        %broadcast_in_dim3A_377 = arith.constant 54 : i32
        %broadcast_in_dim3A_378 = vector.broadcast %broadcast_in_dim3A_377 : i32 to vector<16xi32>
        %gather3A_379 = tpu.vector_load_idx %arg6[%add3A_52, %broadcast_in_dim3A_378] : memref<112x128xf32, #tpu.memory_space<vmem>>[vector<16xi32>, vector<16xi32>], vector<16xf32>,
        %gather3A_380 = tpu.vector_load_idx %arg7[%add3A_52, %broadcast_in_dim3A_378] : memref<112x128xf32, #tpu.memory_space<vmem>>[vector<16xi32>, vector<16xi32>], vector<16xf32>,
        %mul3A_381 = arith.mulf %gather3A_379, %gather3A_380 : vector<16xf32>
        %add3A_382 = arith.addf %add3A_376, %mul3A_381 : vector<16xf32>
        %broadcast_in_dim3A_383 = arith.constant 55 : i32
        %broadcast_in_dim3A_384 = vector.broadcast %broadcast_in_dim3A_383 : i32 to vector<16xi32>
        %gather3A_385 = tpu.vector_load_idx %arg6[%add3A_52, %broadcast_in_dim3A_384] : memref<112x128xf32, #tpu.memory_space<vmem>>[vector<16xi32>, vector<16xi32>], vector<16xf32>,
        %gather3A_386 = tpu.vector_load_idx %arg7[%add3A_52, %broadcast_in_dim3A_384] : memref<112x128xf32, #tpu.memory_space<vmem>>[vector<16xi32>, vector<16xi32>], vector<16xf32>,
        %mul3A_387 = arith.mulf %gather3A_385, %gather3A_386 : vector<16xf32>
        %add3A_388 = arith.addf %add3A_382, %mul3A_387 : vector<16xf32>
        %broadcast_in_dim3A_389 = arith.constant 56 : i32
        %broadcast_in_dim3A_390 = vector.broadcast %broadcast_in_dim3A_389 : i32 to vector<16xi32>
        %gather3A_391 = tpu.vector_load_idx %arg6[%add3A_52, %broadcast_in_dim3A_390] : memref<112x128xf32, #tpu.memory_space<vmem>>[vector<16xi32>, vector<16xi32>], vector<16xf32>,
        %gather3A_392 = tpu.vector_load_idx %arg7[%add3A_52, %broadcast_in_dim3A_390] : memref<112x128xf32, #tpu.memory_space<vmem>>[vector<16xi32>, vector<16xi32>], vector<16xf32>,
        %mul3A_393 = arith.mulf %gather3A_391, %gather3A_392 : vector<16xf32>
        %add3A_394 = arith.addf %add3A_388, %mul3A_393 : vector<16xf32>
        %broadcast_in_dim3A_395 = arith.constant 57 : i32
        %broadcast_in_dim3A_396 = vector.broadcast %broadcast_in_dim3A_395 : i32 to vector<16xi32>
        %gather3A_397 = tpu.vector_load_idx %arg6[%add3A_52, %broadcast_in_dim3A_396] : memref<112x128xf32, #tpu.memory_space<vmem>>[vector<16xi32>, vector<16xi32>], vector<16xf32>,
        %gather3A_398 = tpu.vector_load_idx %arg7[%add3A_52, %broadcast_in_dim3A_396] : memref<112x128xf32, #tpu.memory_space<vmem>>[vector<16xi32>, vector<16xi32>], vector<16xf32>,
        %mul3A_399 = arith.mulf %gather3A_397, %gather3A_398 : vector<16xf32>
        %add3A_400 = arith.addf %add3A_394, %mul3A_399 : vector<16xf32>
        %broadcast_in_dim3A_401 = arith.constant 58 : i32
        %broadcast_in_dim3A_402 = vector.broadcast %broadcast_in_dim3A_401 : i32 to vector<16xi32>
        %gather3A_403 = tpu.vector_load_idx %arg6[%add3A_52, %broadcast_in_dim3A_402] : memref<112x128xf32, #tpu.memory_space<vmem>>[vector<16xi32>, vector<16xi32>], vector<16xf32>,
        %gather3A_404 = tpu.vector_load_idx %arg7[%add3A_52, %broadcast_in_dim3A_402] : memref<112x128xf32, #tpu.memory_space<vmem>>[vector<16xi32>, vector<16xi32>], vector<16xf32>,
        %mul3A_405 = arith.mulf %gather3A_403, %gather3A_404 : vector<16xf32>
        %add3A_406 = arith.addf %add3A_400, %mul3A_405 : vector<16xf32>
        %broadcast_in_dim3A_407 = arith.constant 59 : i32
        %broadcast_in_dim3A_408 = vector.broadcast %broadcast_in_dim3A_407 : i32 to vector<16xi32>
        %gather3A_409 = tpu.vector_load_idx %arg6[%add3A_52, %broadcast_in_dim3A_408] : memref<112x128xf32, #tpu.memory_space<vmem>>[vector<16xi32>, vector<16xi32>], vector<16xf32>,
        %gather3A_410 = tpu.vector_load_idx %arg7[%add3A_52, %broadcast_in_dim3A_408] : memref<112x128xf32, #tpu.memory_space<vmem>>[vector<16xi32>, vector<16xi32>], vector<16xf32>,
        %mul3A_411 = arith.mulf %gather3A_409, %gather3A_410 : vector<16xf32>
        %add3A_412 = arith.addf %add3A_406, %mul3A_411 : vector<16xf32>
        %broadcast_in_dim3A_413 = arith.constant 60 : i32
        %broadcast_in_dim3A_414 = vector.broadcast %broadcast_in_dim3A_413 : i32 to vector<16xi32>
        %gather3A_415 = tpu.vector_load_idx %arg6[%add3A_52, %broadcast_in_dim3A_414] : memref<112x128xf32, #tpu.memory_space<vmem>>[vector<16xi32>, vector<16xi32>], vector<16xf32>,
        %gather3A_416 = tpu.vector_load_idx %arg7[%add3A_52, %broadcast_in_dim3A_414] : memref<112x128xf32, #tpu.memory_space<vmem>>[vector<16xi32>, vector<16xi32>], vector<16xf32>,
        %mul3A_417 = arith.mulf %gather3A_415, %gather3A_416 : vector<16xf32>
        %add3A_418 = arith.addf %add3A_412, %mul3A_417 : vector<16xf32>
        %broadcast_in_dim3A_419 = arith.constant 61 : i32
        %broadcast_in_dim3A_420 = vector.broadcast %broadcast_in_dim3A_419 : i32 to vector<16xi32>
        %gather3A_421 = tpu.vector_load_idx %arg6[%add3A_52, %broadcast_in_dim3A_420] : memref<112x128xf32, #tpu.memory_space<vmem>>[vector<16xi32>, vector<16xi32>], vector<16xf32>,
        %gather3A_422 = tpu.vector_load_idx %arg7[%add3A_52, %broadcast_in_dim3A_420] : memref<112x128xf32, #tpu.memory_space<vmem>>[vector<16xi32>, vector<16xi32>], vector<16xf32>,
        %mul3A_423 = arith.mulf %gather3A_421, %gather3A_422 : vector<16xf32>
        %add3A_424 = arith.addf %add3A_418, %mul3A_423 : vector<16xf32>
        %broadcast_in_dim3A_425 = arith.constant 62 : i32
        %broadcast_in_dim3A_426 = vector.broadcast %broadcast_in_dim3A_425 : i32 to vector<16xi32>
        %gather3A_427 = tpu.vector_load_idx %arg6[%add3A_52, %broadcast_in_dim3A_426] : memref<112x128xf32, #tpu.memory_space<vmem>>[vector<16xi32>, vector<16xi32>], vector<16xf32>,
        %gather3A_428 = tpu.vector_load_idx %arg7[%add3A_52, %broadcast_in_dim3A_426] : memref<112x128xf32, #tpu.memory_space<vmem>>[vector<16xi32>, vector<16xi32>], vector<16xf32>,
        %mul3A_429 = arith.mulf %gather3A_427, %gather3A_428 : vector<16xf32>
        %add3A_430 = arith.addf %add3A_424, %mul3A_429 : vector<16xf32>
        %broadcast_in_dim3A_431 = arith.constant 63 : i32
        %broadcast_in_dim3A_432 = vector.broadcast %broadcast_in_dim3A_431 : i32 to vector<16xi32>
        %gather3A_433 = tpu.vector_load_idx %arg6[%add3A_52, %broadcast_in_dim3A_432] : memref<112x128xf32, #tpu.memory_space<vmem>>[vector<16xi32>, vector<16xi32>], vector<16xf32>,
        %gather3A_434 = tpu.vector_load_idx %arg7[%add3A_52, %broadcast_in_dim3A_432] : memref<112x128xf32, #tpu.memory_space<vmem>>[vector<16xi32>, vector<16xi32>], vector<16xf32>,
        %mul3A_435 = arith.mulf %gather3A_433, %gather3A_434 : vector<16xf32>
        %add3A_436 = arith.addf %add3A_430, %mul3A_435 : vector<16xf32>
        %broadcast_in_dim3A_437 = arith.constant 64 : i32
        %broadcast_in_dim3A_438 = vector.broadcast %broadcast_in_dim3A_437 : i32 to vector<16xi32>
        %gather3A_439 = tpu.vector_load_idx %arg6[%add3A_52, %broadcast_in_dim3A_438] : memref<112x128xf32, #tpu.memory_space<vmem>>[vector<16xi32>, vector<16xi32>], vector<16xf32>,
        %gather3A_440 = tpu.vector_load_idx %arg7[%add3A_52, %broadcast_in_dim3A_438] : memref<112x128xf32, #tpu.memory_space<vmem>>[vector<16xi32>, vector<16xi32>], vector<16xf32>,
        %mul3A_441 = arith.mulf %gather3A_439, %gather3A_440 : vector<16xf32>
        %add3A_442 = arith.addf %add3A_436, %mul3A_441 : vector<16xf32>
        %broadcast_in_dim3A_443 = arith.constant 65 : i32
        %broadcast_in_dim3A_444 = vector.broadcast %broadcast_in_dim3A_443 : i32 to vector<16xi32>
        %gather3A_445 = tpu.vector_load_idx %arg6[%add3A_52, %broadcast_in_dim3A_444] : memref<112x128xf32, #tpu.memory_space<vmem>>[vector<16xi32>, vector<16xi32>], vector<16xf32>,
        %gather3A_446 = tpu.vector_load_idx %arg7[%add3A_52, %broadcast_in_dim3A_444] : memref<112x128xf32, #tpu.memory_space<vmem>>[vector<16xi32>, vector<16xi32>], vector<16xf32>,
        %mul3A_447 = arith.mulf %gather3A_445, %gather3A_446 : vector<16xf32>
        %add3A_448 = arith.addf %add3A_442, %mul3A_447 : vector<16xf32>
        %broadcast_in_dim3A_449 = arith.constant 66 : i32
        %broadcast_in_dim3A_450 = vector.broadcast %broadcast_in_dim3A_449 : i32 to vector<16xi32>
        %gather3A_451 = tpu.vector_load_idx %arg6[%add3A_52, %broadcast_in_dim3A_450] : memref<112x128xf32, #tpu.memory_space<vmem>>[vector<16xi32>, vector<16xi32>], vector<16xf32>,
        %gather3A_452 = tpu.vector_load_idx %arg7[%add3A_52, %broadcast_in_dim3A_450] : memref<112x128xf32, #tpu.memory_space<vmem>>[vector<16xi32>, vector<16xi32>], vector<16xf32>,
        %mul3A_453 = arith.mulf %gather3A_451, %gather3A_452 : vector<16xf32>
        %add3A_454 = arith.addf %add3A_448, %mul3A_453 : vector<16xf32>
        %broadcast_in_dim3A_455 = arith.constant 67 : i32
        %broadcast_in_dim3A_456 = vector.broadcast %broadcast_in_dim3A_455 : i32 to vector<16xi32>
        %gather3A_457 = tpu.vector_load_idx %arg6[%add3A_52, %broadcast_in_dim3A_456] : memref<112x128xf32, #tpu.memory_space<vmem>>[vector<16xi32>, vector<16xi32>], vector<16xf32>,
        %gather3A_458 = tpu.vector_load_idx %arg7[%add3A_52, %broadcast_in_dim3A_456] : memref<112x128xf32, #tpu.memory_space<vmem>>[vector<16xi32>, vector<16xi32>], vector<16xf32>,
        %mul3A_459 = arith.mulf %gather3A_457, %gather3A_458 : vector<16xf32>
        %add3A_460 = arith.addf %add3A_454, %mul3A_459 : vector<16xf32>
        %broadcast_in_dim3A_461 = arith.constant 68 : i32
        %broadcast_in_dim3A_462 = vector.broadcast %broadcast_in_dim3A_461 : i32 to vector<16xi32>
        %gather3A_463 = tpu.vector_load_idx %arg6[%add3A_52, %broadcast_in_dim3A_462] : memref<112x128xf32, #tpu.memory_space<vmem>>[vector<16xi32>, vector<16xi32>], vector<16xf32>,
        %gather3A_464 = tpu.vector_load_idx %arg7[%add3A_52, %broadcast_in_dim3A_462] : memref<112x128xf32, #tpu.memory_space<vmem>>[vector<16xi32>, vector<16xi32>], vector<16xf32>,
        %mul3A_465 = arith.mulf %gather3A_463, %gather3A_464 : vector<16xf32>
        %add3A_466 = arith.addf %add3A_460, %mul3A_465 : vector<16xf32>
        %broadcast_in_dim3A_467 = arith.constant 69 : i32
        %broadcast_in_dim3A_468 = vector.broadcast %broadcast_in_dim3A_467 : i32 to vector<16xi32>
        %gather3A_469 = tpu.vector_load_idx %arg6[%add3A_52, %broadcast_in_dim3A_468] : memref<112x128xf32, #tpu.memory_space<vmem>>[vector<16xi32>, vector<16xi32>], vector<16xf32>,
        %gather3A_470 = tpu.vector_load_idx %arg7[%add3A_52, %broadcast_in_dim3A_468] : memref<112x128xf32, #tpu.memory_space<vmem>>[vector<16xi32>, vector<16xi32>], vector<16xf32>,
        %mul3A_471 = arith.mulf %gather3A_469, %gather3A_470 : vector<16xf32>
        %add3A_472 = arith.addf %add3A_466, %mul3A_471 : vector<16xf32>
        %broadcast_in_dim3A_473 = arith.constant 70 : i32
        %broadcast_in_dim3A_474 = vector.broadcast %broadcast_in_dim3A_473 : i32 to vector<16xi32>
        %gather3A_475 = tpu.vector_load_idx %arg6[%add3A_52, %broadcast_in_dim3A_474] : memref<112x128xf32, #tpu.memory_space<vmem>>[vector<16xi32>, vector<16xi32>], vector<16xf32>,
        %gather3A_476 = tpu.vector_load_idx %arg7[%add3A_52, %broadcast_in_dim3A_474] : memref<112x128xf32, #tpu.memory_space<vmem>>[vector<16xi32>, vector<16xi32>], vector<16xf32>,
        %mul3A_477 = arith.mulf %gather3A_475, %gather3A_476 : vector<16xf32>
        %add3A_478 = arith.addf %add3A_472, %mul3A_477 : vector<16xf32>
        %broadcast_in_dim3A_479 = arith.constant 71 : i32
        %broadcast_in_dim3A_480 = vector.broadcast %broadcast_in_dim3A_479 : i32 to vector<16xi32>
        %gather3A_481 = tpu.vector_load_idx %arg6[%add3A_52, %broadcast_in_dim3A_480] : memref<112x128xf32, #tpu.memory_space<vmem>>[vector<16xi32>, vector<16xi32>], vector<16xf32>,
        %gather3A_482 = tpu.vector_load_idx %arg7[%add3A_52, %broadcast_in_dim3A_480] : memref<112x128xf32, #tpu.memory_space<vmem>>[vector<16xi32>, vector<16xi32>], vector<16xf32>,
        %mul3A_483 = arith.mulf %gather3A_481, %gather3A_482 : vector<16xf32>
        %add3A_484 = arith.addf %add3A_478, %mul3A_483 : vector<16xf32>
        %broadcast_in_dim3A_485 = arith.constant 72 : i32
        %broadcast_in_dim3A_486 = vector.broadcast %broadcast_in_dim3A_485 : i32 to vector<16xi32>
        %gather3A_487 = tpu.vector_load_idx %arg6[%add3A_52, %broadcast_in_dim3A_486] : memref<112x128xf32, #tpu.memory_space<vmem>>[vector<16xi32>, vector<16xi32>], vector<16xf32>,
        %gather3A_488 = tpu.vector_load_idx %arg7[%add3A_52, %broadcast_in_dim3A_486] : memref<112x128xf32, #tpu.memory_space<vmem>>[vector<16xi32>, vector<16xi32>], vector<16xf32>,
        %mul3A_489 = arith.mulf %gather3A_487, %gather3A_488 : vector<16xf32>
        %add3A_490 = arith.addf %add3A_484, %mul3A_489 : vector<16xf32>
        %broadcast_in_dim3A_491 = arith.constant 73 : i32
        %broadcast_in_dim3A_492 = vector.broadcast %broadcast_in_dim3A_491 : i32 to vector<16xi32>
        %gather3A_493 = tpu.vector_load_idx %arg6[%add3A_52, %broadcast_in_dim3A_492] : memref<112x128xf32, #tpu.memory_space<vmem>>[vector<16xi32>, vector<16xi32>], vector<16xf32>,
        %gather3A_494 = tpu.vector_load_idx %arg7[%add3A_52, %broadcast_in_dim3A_492] : memref<112x128xf32, #tpu.memory_space<vmem>>[vector<16xi32>, vector<16xi32>], vector<16xf32>,
        %mul3A_495 = arith.mulf %gather3A_493, %gather3A_494 : vector<16xf32>
        %add3A_496 = arith.addf %add3A_490, %mul3A_495 : vector<16xf32>
        %broadcast_in_dim3A_497 = arith.constant 74 : i32
        %broadcast_in_dim3A_498 = vector.broadcast %broadcast_in_dim3A_497 : i32 to vector<16xi32>
        %gather3A_499 = tpu.vector_load_idx %arg6[%add3A_52, %broadcast_in_dim3A_498] : memref<112x128xf32, #tpu.memory_space<vmem>>[vector<16xi32>, vector<16xi32>], vector<16xf32>,
        %gather3A_500 = tpu.vector_load_idx %arg7[%add3A_52, %broadcast_in_dim3A_498] : memref<112x128xf32, #tpu.memory_space<vmem>>[vector<16xi32>, vector<16xi32>], vector<16xf32>,
        %mul3A_501 = arith.mulf %gather3A_499, %gather3A_500 : vector<16xf32>
        %add3A_502 = arith.addf %add3A_496, %mul3A_501 : vector<16xf32>
        %broadcast_in_dim3A_503 = arith.constant 75 : i32
        %broadcast_in_dim3A_504 = vector.broadcast %broadcast_in_dim3A_503 : i32 to vector<16xi32>
        %gather3A_505 = tpu.vector_load_idx %arg6[%add3A_52, %broadcast_in_dim3A_504] : memref<112x128xf32, #tpu.memory_space<vmem>>[vector<16xi32>, vector<16xi32>], vector<16xf32>,
        %gather3A_506 = tpu.vector_load_idx %arg7[%add3A_52, %broadcast_in_dim3A_504] : memref<112x128xf32, #tpu.memory_space<vmem>>[vector<16xi32>, vector<16xi32>], vector<16xf32>,
        %mul3A_507 = arith.mulf %gather3A_505, %gather3A_506 : vector<16xf32>
        %add3A_508 = arith.addf %add3A_502, %mul3A_507 : vector<16xf32>
        %broadcast_in_dim3A_509 = arith.constant 76 : i32
        %broadcast_in_dim3A_510 = vector.broadcast %broadcast_in_dim3A_509 : i32 to vector<16xi32>
        %gather3A_511 = tpu.vector_load_idx %arg6[%add3A_52, %broadcast_in_dim3A_510] : memref<112x128xf32, #tpu.memory_space<vmem>>[vector<16xi32>, vector<16xi32>], vector<16xf32>,
        %gather3A_512 = tpu.vector_load_idx %arg7[%add3A_52, %broadcast_in_dim3A_510] : memref<112x128xf32, #tpu.memory_space<vmem>>[vector<16xi32>, vector<16xi32>], vector<16xf32>,
        %mul3A_513 = arith.mulf %gather3A_511, %gather3A_512 : vector<16xf32>
        %add3A_514 = arith.addf %add3A_508, %mul3A_513 : vector<16xf32>
        %broadcast_in_dim3A_515 = arith.constant 77 : i32
        %broadcast_in_dim3A_516 = vector.broadcast %broadcast_in_dim3A_515 : i32 to vector<16xi32>
        %gather3A_517 = tpu.vector_load_idx %arg6[%add3A_52, %broadcast_in_dim3A_516] : memref<112x128xf32, #tpu.memory_space<vmem>>[vector<16xi32>, vector<16xi32>], vector<16xf32>,
        %gather3A_518 = tpu.vector_load_idx %arg7[%add3A_52, %broadcast_in_dim3A_516] : memref<112x128xf32, #tpu.memory_space<vmem>>[vector<16xi32>, vector<16xi32>], vector<16xf32>,
        %mul3A_519 = arith.mulf %gather3A_517, %gather3A_518 : vector<16xf32>
        %add3A_520 = arith.addf %add3A_514, %mul3A_519 : vector<16xf32>
        %broadcast_in_dim3A_521 = arith.constant 78 : i32
        %broadcast_in_dim3A_522 = vector.broadcast %broadcast_in_dim3A_521 : i32 to vector<16xi32>
        %gather3A_523 = tpu.vector_load_idx %arg6[%add3A_52, %broadcast_in_dim3A_522] : memref<112x128xf32, #tpu.memory_space<vmem>>[vector<16xi32>, vector<16xi32>], vector<16xf32>,
        %gather3A_524 = tpu.vector_load_idx %arg7[%add3A_52, %broadcast_in_dim3A_522] : memref<112x128xf32, #tpu.memory_space<vmem>>[vector<16xi32>, vector<16xi32>], vector<16xf32>,
        %mul3A_525 = arith.mulf %gather3A_523, %gather3A_524 : vector<16xf32>
        %add3A_526 = arith.addf %add3A_520, %mul3A_525 : vector<16xf32>
        %broadcast_in_dim3A_527 = arith.constant 79 : i32
        %broadcast_in_dim3A_528 = vector.broadcast %broadcast_in_dim3A_527 : i32 to vector<16xi32>
        %gather3A_529 = tpu.vector_load_idx %arg6[%add3A_52, %broadcast_in_dim3A_528] : memref<112x128xf32, #tpu.memory_space<vmem>>[vector<16xi32>, vector<16xi32>], vector<16xf32>,
        %gather3A_530 = tpu.vector_load_idx %arg7[%add3A_52, %broadcast_in_dim3A_528] : memref<112x128xf32, #tpu.memory_space<vmem>>[vector<16xi32>, vector<16xi32>], vector<16xf32>,
        %mul3A_531 = arith.mulf %gather3A_529, %gather3A_530 : vector<16xf32>
        %add3A_532 = arith.addf %add3A_526, %mul3A_531 : vector<16xf32>
        %broadcast_in_dim3A_533 = arith.constant 80 : i32
        %broadcast_in_dim3A_534 = vector.broadcast %broadcast_in_dim3A_533 : i32 to vector<16xi32>
        %gather3A_535 = tpu.vector_load_idx %arg6[%add3A_52, %broadcast_in_dim3A_534] : memref<112x128xf32, #tpu.memory_space<vmem>>[vector<16xi32>, vector<16xi32>], vector<16xf32>,
        %gather3A_536 = tpu.vector_load_idx %arg7[%add3A_52, %broadcast_in_dim3A_534] : memref<112x128xf32, #tpu.memory_space<vmem>>[vector<16xi32>, vector<16xi32>], vector<16xf32>,
        %mul3A_537 = arith.mulf %gather3A_535, %gather3A_536 : vector<16xf32>
        %add3A_538 = arith.addf %add3A_532, %mul3A_537 : vector<16xf32>
        %broadcast_in_dim3A_539 = arith.constant 81 : i32
        %broadcast_in_dim3A_540 = vector.broadcast %broadcast_in_dim3A_539 : i32 to vector<16xi32>
        %gather3A_541 = tpu.vector_load_idx %arg6[%add3A_52, %broadcast_in_dim3A_540] : memref<112x128xf32, #tpu.memory_space<vmem>>[vector<16xi32>, vector<16xi32>], vector<16xf32>,
        %gather3A_542 = tpu.vector_load_idx %arg7[%add3A_52, %broadcast_in_dim3A_540] : memref<112x128xf32, #tpu.memory_space<vmem>>[vector<16xi32>, vector<16xi32>], vector<16xf32>,
        %mul3A_543 = arith.mulf %gather3A_541, %gather3A_542 : vector<16xf32>
        %add3A_544 = arith.addf %add3A_538, %mul3A_543 : vector<16xf32>
        %broadcast_in_dim3A_545 = arith.constant 82 : i32
        %broadcast_in_dim3A_546 = vector.broadcast %broadcast_in_dim3A_545 : i32 to vector<16xi32>
        %gather3A_547 = tpu.vector_load_idx %arg6[%add3A_52, %broadcast_in_dim3A_546] : memref<112x128xf32, #tpu.memory_space<vmem>>[vector<16xi32>, vector<16xi32>], vector<16xf32>,
        %gather3A_548 = tpu.vector_load_idx %arg7[%add3A_52, %broadcast_in_dim3A_546] : memref<112x128xf32, #tpu.memory_space<vmem>>[vector<16xi32>, vector<16xi32>], vector<16xf32>,
        %mul3A_549 = arith.mulf %gather3A_547, %gather3A_548 : vector<16xf32>
        %add3A_550 = arith.addf %add3A_544, %mul3A_549 : vector<16xf32>
        %broadcast_in_dim3A_551 = arith.constant 83 : i32
        %broadcast_in_dim3A_552 = vector.broadcast %broadcast_in_dim3A_551 : i32 to vector<16xi32>
        %gather3A_553 = tpu.vector_load_idx %arg6[%add3A_52, %broadcast_in_dim3A_552] : memref<112x128xf32, #tpu.memory_space<vmem>>[vector<16xi32>, vector<16xi32>], vector<16xf32>,
        %gather3A_554 = tpu.vector_load_idx %arg7[%add3A_52, %broadcast_in_dim3A_552] : memref<112x128xf32, #tpu.memory_space<vmem>>[vector<16xi32>, vector<16xi32>], vector<16xf32>,
        %mul3A_555 = arith.mulf %gather3A_553, %gather3A_554 : vector<16xf32>
        %add3A_556 = arith.addf %add3A_550, %mul3A_555 : vector<16xf32>
        %broadcast_in_dim3A_557 = arith.constant 84 : i32
        %broadcast_in_dim3A_558 = vector.broadcast %broadcast_in_dim3A_557 : i32 to vector<16xi32>
        %gather3A_559 = tpu.vector_load_idx %arg6[%add3A_52, %broadcast_in_dim3A_558] : memref<112x128xf32, #tpu.memory_space<vmem>>[vector<16xi32>, vector<16xi32>], vector<16xf32>,
        %gather3A_560 = tpu.vector_load_idx %arg7[%add3A_52, %broadcast_in_dim3A_558] : memref<112x128xf32, #tpu.memory_space<vmem>>[vector<16xi32>, vector<16xi32>], vector<16xf32>,
        %mul3A_561 = arith.mulf %gather3A_559, %gather3A_560 : vector<16xf32>
        %add3A_562 = arith.addf %add3A_556, %mul3A_561 : vector<16xf32>
        %broadcast_in_dim3A_563 = arith.constant 85 : i32
        %broadcast_in_dim3A_564 = vector.broadcast %broadcast_in_dim3A_563 : i32 to vector<16xi32>
        %gather3A_565 = tpu.vector_load_idx %arg6[%add3A_52, %broadcast_in_dim3A_564] : memref<112x128xf32, #tpu.memory_space<vmem>>[vector<16xi32>, vector<16xi32>], vector<16xf32>,
        %gather3A_566 = tpu.vector_load_idx %arg7[%add3A_52, %broadcast_in_dim3A_564] : memref<112x128xf32, #tpu.memory_space<vmem>>[vector<16xi32>, vector<16xi32>], vector<16xf32>,
        %mul3A_567 = arith.mulf %gather3A_565, %gather3A_566 : vector<16xf32>
        %add3A_568 = arith.addf %add3A_562, %mul3A_567 : vector<16xf32>
        %broadcast_in_dim3A_569 = arith.constant 86 : i32
        %broadcast_in_dim3A_570 = vector.broadcast %broadcast_in_dim3A_569 : i32 to vector<16xi32>
        %gather3A_571 = tpu.vector_load_idx %arg6[%add3A_52, %broadcast_in_dim3A_570] : memref<112x128xf32, #tpu.memory_space<vmem>>[vector<16xi32>, vector<16xi32>], vector<16xf32>,
        %gather3A_572 = tpu.vector_load_idx %arg7[%add3A_52, %broadcast_in_dim3A_570] : memref<112x128xf32, #tpu.memory_space<vmem>>[vector<16xi32>, vector<16xi32>], vector<16xf32>,
        %mul3A_573 = arith.mulf %gather3A_571, %gather3A_572 : vector<16xf32>
        %add3A_574 = arith.addf %add3A_568, %mul3A_573 : vector<16xf32>
        %broadcast_in_dim3A_575 = arith.constant 87 : i32
        %broadcast_in_dim3A_576 = vector.broadcast %broadcast_in_dim3A_575 : i32 to vector<16xi32>
        %gather3A_577 = tpu.vector_load_idx %arg6[%add3A_52, %broadcast_in_dim3A_576] : memref<112x128xf32, #tpu.memory_space<vmem>>[vector<16xi32>, vector<16xi32>], vector<16xf32>,
        %gather3A_578 = tpu.vector_load_idx %arg7[%add3A_52, %broadcast_in_dim3A_576] : memref<112x128xf32, #tpu.memory_space<vmem>>[vector<16xi32>, vector<16xi32>], vector<16xf32>,
        %mul3A_579 = arith.mulf %gather3A_577, %gather3A_578 : vector<16xf32>
        %add3A_580 = arith.addf %add3A_574, %mul3A_579 : vector<16xf32>
        %broadcast_in_dim3A_581 = arith.constant 88 : i32
        %broadcast_in_dim3A_582 = vector.broadcast %broadcast_in_dim3A_581 : i32 to vector<16xi32>
        %gather3A_583 = tpu.vector_load_idx %arg6[%add3A_52, %broadcast_in_dim3A_582] : memref<112x128xf32, #tpu.memory_space<vmem>>[vector<16xi32>, vector<16xi32>], vector<16xf32>,
        %gather3A_584 = tpu.vector_load_idx %arg7[%add3A_52, %broadcast_in_dim3A_582] : memref<112x128xf32, #tpu.memory_space<vmem>>[vector<16xi32>, vector<16xi32>], vector<16xf32>,
        %mul3A_585 = arith.mulf %gather3A_583, %gather3A_584 : vector<16xf32>
        %add3A_586 = arith.addf %add3A_580, %mul3A_585 : vector<16xf32>
        %broadcast_in_dim3A_587 = arith.constant 89 : i32
        %broadcast_in_dim3A_588 = vector.broadcast %broadcast_in_dim3A_587 : i32 to vector<16xi32>
        %gather3A_589 = tpu.vector_load_idx %arg6[%add3A_52, %broadcast_in_dim3A_588] : memref<112x128xf32, #tpu.memory_space<vmem>>[vector<16xi32>, vector<16xi32>], vector<16xf32>,
        %gather3A_590 = tpu.vector_load_idx %arg7[%add3A_52, %broadcast_in_dim3A_588] : memref<112x128xf32, #tpu.memory_space<vmem>>[vector<16xi32>, vector<16xi32>], vector<16xf32>,
        %mul3A_591 = arith.mulf %gather3A_589, %gather3A_590 : vector<16xf32>
        %add3A_592 = arith.addf %add3A_586, %mul3A_591 : vector<16xf32>
        %broadcast_in_dim3A_593 = arith.constant 90 : i32
        %broadcast_in_dim3A_594 = vector.broadcast %broadcast_in_dim3A_593 : i32 to vector<16xi32>
        %gather3A_595 = tpu.vector_load_idx %arg6[%add3A_52, %broadcast_in_dim3A_594] : memref<112x128xf32, #tpu.memory_space<vmem>>[vector<16xi32>, vector<16xi32>], vector<16xf32>,
        %gather3A_596 = tpu.vector_load_idx %arg7[%add3A_52, %broadcast_in_dim3A_594] : memref<112x128xf32, #tpu.memory_space<vmem>>[vector<16xi32>, vector<16xi32>], vector<16xf32>,
        %mul3A_597 = arith.mulf %gather3A_595, %gather3A_596 : vector<16xf32>
        %add3A_598 = arith.addf %add3A_592, %mul3A_597 : vector<16xf32>
        %broadcast_in_dim3A_599 = arith.constant 91 : i32
        %broadcast_in_dim3A_600 = vector.broadcast %broadcast_in_dim3A_599 : i32 to vector<16xi32>
        %gather3A_601 = tpu.vector_load_idx %arg6[%add3A_52, %broadcast_in_dim3A_600] : memref<112x128xf32, #tpu.memory_space<vmem>>[vector<16xi32>, vector<16xi32>], vector<16xf32>,
        %gather3A_602 = tpu.vector_load_idx %arg7[%add3A_52, %broadcast_in_dim3A_600] : memref<112x128xf32, #tpu.memory_space<vmem>>[vector<16xi32>, vector<16xi32>], vector<16xf32>,
        %mul3A_603 = arith.mulf %gather3A_601, %gather3A_602 : vector<16xf32>
        %add3A_604 = arith.addf %add3A_598, %mul3A_603 : vector<16xf32>
        %broadcast_in_dim3A_605 = arith.constant 92 : i32
        %broadcast_in_dim3A_606 = vector.broadcast %broadcast_in_dim3A_605 : i32 to vector<16xi32>
        %gather3A_607 = tpu.vector_load_idx %arg6[%add3A_52, %broadcast_in_dim3A_606] : memref<112x128xf32, #tpu.memory_space<vmem>>[vector<16xi32>, vector<16xi32>], vector<16xf32>,
        %gather3A_608 = tpu.vector_load_idx %arg7[%add3A_52, %broadcast_in_dim3A_606] : memref<112x128xf32, #tpu.memory_space<vmem>>[vector<16xi32>, vector<16xi32>], vector<16xf32>,
        %mul3A_609 = arith.mulf %gather3A_607, %gather3A_608 : vector<16xf32>
        %add3A_610 = arith.addf %add3A_604, %mul3A_609 : vector<16xf32>
        %broadcast_in_dim3A_611 = arith.constant 93 : i32
        %broadcast_in_dim3A_612 = vector.broadcast %broadcast_in_dim3A_611 : i32 to vector<16xi32>
        %gather3A_613 = tpu.vector_load_idx %arg6[%add3A_52, %broadcast_in_dim3A_612] : memref<112x128xf32, #tpu.memory_space<vmem>>[vector<16xi32>, vector<16xi32>], vector<16xf32>,
        %gather3A_614 = tpu.vector_load_idx %arg7[%add3A_52, %broadcast_in_dim3A_612] : memref<112x128xf32, #tpu.memory_space<vmem>>[vector<16xi32>, vector<16xi32>], vector<16xf32>,
        %mul3A_615 = arith.mulf %gather3A_613, %gather3A_614 : vector<16xf32>
        %add3A_616 = arith.addf %add3A_610, %mul3A_615 : vector<16xf32>
        %broadcast_in_dim3A_617 = arith.constant 94 : i32
        %broadcast_in_dim3A_618 = vector.broadcast %broadcast_in_dim3A_617 : i32 to vector<16xi32>
        %gather3A_619 = tpu.vector_load_idx %arg6[%add3A_52, %broadcast_in_dim3A_618] : memref<112x128xf32, #tpu.memory_space<vmem>>[vector<16xi32>, vector<16xi32>], vector<16xf32>,
        %gather3A_620 = tpu.vector_load_idx %arg7[%add3A_52, %broadcast_in_dim3A_618] : memref<112x128xf32, #tpu.memory_space<vmem>>[vector<16xi32>, vector<16xi32>], vector<16xf32>,
        %mul3A_621 = arith.mulf %gather3A_619, %gather3A_620 : vector<16xf32>
        %add3A_622 = arith.addf %add3A_616, %mul3A_621 : vector<16xf32>
        %broadcast_in_dim3A_623 = arith.constant 95 : i32
        %broadcast_in_dim3A_624 = vector.broadcast %broadcast_in_dim3A_623 : i32 to vector<16xi32>
        %gather3A_625 = tpu.vector_load_idx %arg6[%add3A_52, %broadcast_in_dim3A_624] : memref<112x128xf32, #tpu.memory_space<vmem>>[vector<16xi32>, vector<16xi32>], vector<16xf32>,
        %gather3A_626 = tpu.vector_load_idx %arg7[%add3A_52, %broadcast_in_dim3A_624] : memref<112x128xf32, #tpu.memory_space<vmem>>[vector<16xi32>, vector<16xi32>], vector<16xf32>,
        %mul3A_627 = arith.mulf %gather3A_625, %gather3A_626 : vector<16xf32>
        %add3A_628 = arith.addf %add3A_622, %mul3A_627 : vector<16xf32>
        %broadcast_in_dim3A_629 = arith.constant 96 : i32
        %broadcast_in_dim3A_630 = vector.broadcast %broadcast_in_dim3A_629 : i32 to vector<16xi32>
        %gather3A_631 = tpu.vector_load_idx %arg6[%add3A_52, %broadcast_in_dim3A_630] : memref<112x128xf32, #tpu.memory_space<vmem>>[vector<16xi32>, vector<16xi32>], vector<16xf32>,
        %gather3A_632 = tpu.vector_load_idx %arg7[%add3A_52, %broadcast_in_dim3A_630] : memref<112x128xf32, #tpu.memory_space<vmem>>[vector<16xi32>, vector<16xi32>], vector<16xf32>,
        %mul3A_633 = arith.mulf %gather3A_631, %gather3A_632 : vector<16xf32>
        %add3A_634 = arith.addf %add3A_628, %mul3A_633 : vector<16xf32>
        %broadcast_in_dim3A_635 = arith.constant 97 : i32
        %broadcast_in_dim3A_636 = vector.broadcast %broadcast_in_dim3A_635 : i32 to vector<16xi32>
        %gather3A_637 = tpu.vector_load_idx %arg6[%add3A_52, %broadcast_in_dim3A_636] : memref<112x128xf32, #tpu.memory_space<vmem>>[vector<16xi32>, vector<16xi32>], vector<16xf32>,
        %gather3A_638 = tpu.vector_load_idx %arg7[%add3A_52, %broadcast_in_dim3A_636] : memref<112x128xf32, #tpu.memory_space<vmem>>[vector<16xi32>, vector<16xi32>], vector<16xf32>,
        %mul3A_639 = arith.mulf %gather3A_637, %gather3A_638 : vector<16xf32>
        %add3A_640 = arith.addf %add3A_634, %mul3A_639 : vector<16xf32>
        %broadcast_in_dim3A_641 = arith.constant 98 : i32
        %broadcast_in_dim3A_642 = vector.broadcast %broadcast_in_dim3A_641 : i32 to vector<16xi32>
        %gather3A_643 = tpu.vector_load_idx %arg6[%add3A_52, %broadcast_in_dim3A_642] : memref<112x128xf32, #tpu.memory_space<vmem>>[vector<16xi32>, vector<16xi32>], vector<16xf32>,
        %gather3A_644 = tpu.vector_load_idx %arg7[%add3A_52, %broadcast_in_dim3A_642] : memref<112x128xf32, #tpu.memory_space<vmem>>[vector<16xi32>, vector<16xi32>], vector<16xf32>,
        %mul3A_645 = arith.mulf %gather3A_643, %gather3A_644 : vector<16xf32>
        %add3A_646 = arith.addf %add3A_640, %mul3A_645 : vector<16xf32>
        %broadcast_in_dim3A_647 = arith.constant 99 : i32
        %broadcast_in_dim3A_648 = vector.broadcast %broadcast_in_dim3A_647 : i32 to vector<16xi32>
        %gather3A_649 = tpu.vector_load_idx %arg6[%add3A_52, %broadcast_in_dim3A_648] : memref<112x128xf32, #tpu.memory_space<vmem>>[vector<16xi32>, vector<16xi32>], vector<16xf32>,
        %gather3A_650 = tpu.vector_load_idx %arg7[%add3A_52, %broadcast_in_dim3A_648] : memref<112x128xf32, #tpu.memory_space<vmem>>[vector<16xi32>, vector<16xi32>], vector<16xf32>,
        %mul3A_651 = arith.mulf %gather3A_649, %gather3A_650 : vector<16xf32>
        %add3A_652 = arith.addf %add3A_646, %mul3A_651 : vector<16xf32>
        %broadcast_in_dim3A_653 = arith.constant 100 : i32
        %broadcast_in_dim3A_654 = vector.broadcast %broadcast_in_dim3A_653 : i32 to vector<16xi32>
        %gather3A_655 = tpu.vector_load_idx %arg6[%add3A_52, %broadcast_in_dim3A_654] : memref<112x128xf32, #tpu.memory_space<vmem>>[vector<16xi32>, vector<16xi32>], vector<16xf32>,
        %gather3A_656 = tpu.vector_load_idx %arg7[%add3A_52, %broadcast_in_dim3A_654] : memref<112x128xf32, #tpu.memory_space<vmem>>[vector<16xi32>, vector<16xi32>], vector<16xf32>,
        %mul3A_657 = arith.mulf %gather3A_655, %gather3A_656 : vector<16xf32>
        %add3A_658 = arith.addf %add3A_652, %mul3A_657 : vector<16xf32>
        %broadcast_in_dim3A_659 = arith.constant 101 : i32
        %broadcast_in_dim3A_660 = vector.broadcast %broadcast_in_dim3A_659 : i32 to vector<16xi32>
        %gather3A_661 = tpu.vector_load_idx %arg6[%add3A_52, %broadcast_in_dim3A_660] : memref<112x128xf32, #tpu.memory_space<vmem>>[vector<16xi32>, vector<16xi32>], vector<16xf32>,
        %gather3A_662 = tpu.vector_load_idx %arg7[%add3A_52, %broadcast_in_dim3A_660] : memref<112x128xf32, #tpu.memory_space<vmem>>[vector<16xi32>, vector<16xi32>], vector<16xf32>,
        %mul3A_663 = arith.mulf %gather3A_661, %gather3A_662 : vector<16xf32>
        %add3A_664 = arith.addf %add3A_658, %mul3A_663 : vector<16xf32>
        %broadcast_in_dim3A_665 = arith.constant 102 : i32
        %broadcast_in_dim3A_666 = vector.broadcast %broadcast_in_dim3A_665 : i32 to vector<16xi32>
        %gather3A_667 = tpu.vector_load_idx %arg6[%add3A_52, %broadcast_in_dim3A_666] : memref<112x128xf32, #tpu.memory_space<vmem>>[vector<16xi32>, vector<16xi32>], vector<16xf32>,
        %gather3A_668 = tpu.vector_load_idx %arg7[%add3A_52, %broadcast_in_dim3A_666] : memref<112x128xf32, #tpu.memory_space<vmem>>[vector<16xi32>, vector<16xi32>], vector<16xf32>,
        %mul3A_669 = arith.mulf %gather3A_667, %gather3A_668 : vector<16xf32>
        %add3A_670 = arith.addf %add3A_664, %mul3A_669 : vector<16xf32>
        %broadcast_in_dim3A_671 = arith.constant 103 : i32
        %broadcast_in_dim3A_672 = vector.broadcast %broadcast_in_dim3A_671 : i32 to vector<16xi32>
        %gather3A_673 = tpu.vector_load_idx %arg6[%add3A_52, %broadcast_in_dim3A_672] : memref<112x128xf32, #tpu.memory_space<vmem>>[vector<16xi32>, vector<16xi32>], vector<16xf32>,
        %gather3A_674 = tpu.vector_load_idx %arg7[%add3A_52, %broadcast_in_dim3A_672] : memref<112x128xf32, #tpu.memory_space<vmem>>[vector<16xi32>, vector<16xi32>], vector<16xf32>,
        %mul3A_675 = arith.mulf %gather3A_673, %gather3A_674 : vector<16xf32>
        %add3A_676 = arith.addf %add3A_670, %mul3A_675 : vector<16xf32>
        %broadcast_in_dim3A_677 = arith.constant 104 : i32
        %broadcast_in_dim3A_678 = vector.broadcast %broadcast_in_dim3A_677 : i32 to vector<16xi32>
        %gather3A_679 = tpu.vector_load_idx %arg6[%add3A_52, %broadcast_in_dim3A_678] : memref<112x128xf32, #tpu.memory_space<vmem>>[vector<16xi32>, vector<16xi32>], vector<16xf32>,
        %gather3A_680 = tpu.vector_load_idx %arg7[%add3A_52, %broadcast_in_dim3A_678] : memref<112x128xf32, #tpu.memory_space<vmem>>[vector<16xi32>, vector<16xi32>], vector<16xf32>,
        %mul3A_681 = arith.mulf %gather3A_679, %gather3A_680 : vector<16xf32>
        %add3A_682 = arith.addf %add3A_676, %mul3A_681 : vector<16xf32>
        %broadcast_in_dim3A_683 = arith.constant 105 : i32
        %broadcast_in_dim3A_684 = vector.broadcast %broadcast_in_dim3A_683 : i32 to vector<16xi32>
        %gather3A_685 = tpu.vector_load_idx %arg6[%add3A_52, %broadcast_in_dim3A_684] : memref<112x128xf32, #tpu.memory_space<vmem>>[vector<16xi32>, vector<16xi32>], vector<16xf32>,
        %gather3A_686 = tpu.vector_load_idx %arg7[%add3A_52, %broadcast_in_dim3A_684] : memref<112x128xf32, #tpu.memory_space<vmem>>[vector<16xi32>, vector<16xi32>], vector<16xf32>,
        %mul3A_687 = arith.mulf %gather3A_685, %gather3A_686 : vector<16xf32>
        %add3A_688 = arith.addf %add3A_682, %mul3A_687 : vector<16xf32>
        %broadcast_in_dim3A_689 = arith.constant 106 : i32
        %broadcast_in_dim3A_690 = vector.broadcast %broadcast_in_dim3A_689 : i32 to vector<16xi32>
        %gather3A_691 = tpu.vector_load_idx %arg6[%add3A_52, %broadcast_in_dim3A_690] : memref<112x128xf32, #tpu.memory_space<vmem>>[vector<16xi32>, vector<16xi32>], vector<16xf32>,
        %gather3A_692 = tpu.vector_load_idx %arg7[%add3A_52, %broadcast_in_dim3A_690] : memref<112x128xf32, #tpu.memory_space<vmem>>[vector<16xi32>, vector<16xi32>], vector<16xf32>,
        %mul3A_693 = arith.mulf %gather3A_691, %gather3A_692 : vector<16xf32>
        %add3A_694 = arith.addf %add3A_688, %mul3A_693 : vector<16xf32>
        %broadcast_in_dim3A_695 = arith.constant 107 : i32
        %broadcast_in_dim3A_696 = vector.broadcast %broadcast_in_dim3A_695 : i32 to vector<16xi32>
        %gather3A_697 = tpu.vector_load_idx %arg6[%add3A_52, %broadcast_in_dim3A_696] : memref<112x128xf32, #tpu.memory_space<vmem>>[vector<16xi32>, vector<16xi32>], vector<16xf32>,
        %gather3A_698 = tpu.vector_load_idx %arg7[%add3A_52, %broadcast_in_dim3A_696] : memref<112x128xf32, #tpu.memory_space<vmem>>[vector<16xi32>, vector<16xi32>], vector<16xf32>,
        %mul3A_699 = arith.mulf %gather3A_697, %gather3A_698 : vector<16xf32>
        %add3A_700 = arith.addf %add3A_694, %mul3A_699 : vector<16xf32>
        %broadcast_in_dim3A_701 = arith.constant 108 : i32
        %broadcast_in_dim3A_702 = vector.broadcast %broadcast_in_dim3A_701 : i32 to vector<16xi32>
        %gather3A_703 = tpu.vector_load_idx %arg6[%add3A_52, %broadcast_in_dim3A_702] : memref<112x128xf32, #tpu.memory_space<vmem>>[vector<16xi32>, vector<16xi32>], vector<16xf32>,
        %gather3A_704 = tpu.vector_load_idx %arg7[%add3A_52, %broadcast_in_dim3A_702] : memref<112x128xf32, #tpu.memory_space<vmem>>[vector<16xi32>, vector<16xi32>], vector<16xf32>,
        %mul3A_705 = arith.mulf %gather3A_703, %gather3A_704 : vector<16xf32>
        %add3A_706 = arith.addf %add3A_700, %mul3A_705 : vector<16xf32>
        %broadcast_in_dim3A_707 = arith.constant 109 : i32
        %broadcast_in_dim3A_708 = vector.broadcast %broadcast_in_dim3A_707 : i32 to vector<16xi32>
        %gather3A_709 = tpu.vector_load_idx %arg6[%add3A_52, %broadcast_in_dim3A_708] : memref<112x128xf32, #tpu.memory_space<vmem>>[vector<16xi32>, vector<16xi32>], vector<16xf32>,
        %gather3A_710 = tpu.vector_load_idx %arg7[%add3A_52, %broadcast_in_dim3A_708] : memref<112x128xf32, #tpu.memory_space<vmem>>[vector<16xi32>, vector<16xi32>], vector<16xf32>,
        %mul3A_711 = arith.mulf %gather3A_709, %gather3A_710 : vector<16xf32>
        %add3A_712 = arith.addf %add3A_706, %mul3A_711 : vector<16xf32>
        %broadcast_in_dim3A_713 = arith.constant 110 : i32
        %broadcast_in_dim3A_714 = vector.broadcast %broadcast_in_dim3A_713 : i32 to vector<16xi32>
        %gather3A_715 = tpu.vector_load_idx %arg6[%add3A_52, %broadcast_in_dim3A_714] : memref<112x128xf32, #tpu.memory_space<vmem>>[vector<16xi32>, vector<16xi32>], vector<16xf32>,
        %gather3A_716 = tpu.vector_load_idx %arg7[%add3A_52, %broadcast_in_dim3A_714] : memref<112x128xf32, #tpu.memory_space<vmem>>[vector<16xi32>, vector<16xi32>], vector<16xf32>,
        %mul3A_717 = arith.mulf %gather3A_715, %gather3A_716 : vector<16xf32>
        %add3A_718 = arith.addf %add3A_712, %mul3A_717 : vector<16xf32>
        %broadcast_in_dim3A_719 = arith.constant 111 : i32
        %broadcast_in_dim3A_720 = vector.broadcast %broadcast_in_dim3A_719 : i32 to vector<16xi32>
        %gather3A_721 = tpu.vector_load_idx %arg6[%add3A_52, %broadcast_in_dim3A_720] : memref<112x128xf32, #tpu.memory_space<vmem>>[vector<16xi32>, vector<16xi32>], vector<16xf32>,
        %gather3A_722 = tpu.vector_load_idx %arg7[%add3A_52, %broadcast_in_dim3A_720] : memref<112x128xf32, #tpu.memory_space<vmem>>[vector<16xi32>, vector<16xi32>], vector<16xf32>,
        %mul3A_723 = arith.mulf %gather3A_721, %gather3A_722 : vector<16xf32>
        %add3A_724 = arith.addf %add3A_718, %mul3A_723 : vector<16xf32>
        %broadcast_in_dim3A_725 = arith.constant 112 : i32
        %broadcast_in_dim3A_726 = vector.broadcast %broadcast_in_dim3A_725 : i32 to vector<16xi32>
        %gather3A_727 = tpu.vector_load_idx %arg6[%add3A_52, %broadcast_in_dim3A_726] : memref<112x128xf32, #tpu.memory_space<vmem>>[vector<16xi32>, vector<16xi32>], vector<16xf32>,
        %gather3A_728 = tpu.vector_load_idx %arg7[%add3A_52, %broadcast_in_dim3A_726] : memref<112x128xf32, #tpu.memory_space<vmem>>[vector<16xi32>, vector<16xi32>], vector<16xf32>,
        %mul3A_729 = arith.mulf %gather3A_727, %gather3A_728 : vector<16xf32>
        %add3A_730 = arith.addf %add3A_724, %mul3A_729 : vector<16xf32>
        %broadcast_in_dim3A_731 = arith.constant 113 : i32
        %broadcast_in_dim3A_732 = vector.broadcast %broadcast_in_dim3A_731 : i32 to vector<16xi32>
        %gather3A_733 = tpu.vector_load_idx %arg6[%add3A_52, %broadcast_in_dim3A_732] : memref<112x128xf32, #tpu.memory_space<vmem>>[vector<16xi32>, vector<16xi32>], vector<16xf32>,
        %gather3A_734 = tpu.vector_load_idx %arg7[%add3A_52, %broadcast_in_dim3A_732] : memref<112x128xf32, #tpu.memory_space<vmem>>[vector<16xi32>, vector<16xi32>], vector<16xf32>,
        %mul3A_735 = arith.mulf %gather3A_733, %gather3A_734 : vector<16xf32>
        %add3A_736 = arith.addf %add3A_730, %mul3A_735 : vector<16xf32>
        %broadcast_in_dim3A_737 = arith.constant 114 : i32
        %broadcast_in_dim3A_738 = vector.broadcast %broadcast_in_dim3A_737 : i32 to vector<16xi32>
        %gather3A_739 = tpu.vector_load_idx %arg6[%add3A_52, %broadcast_in_dim3A_738] : memref<112x128xf32, #tpu.memory_space<vmem>>[vector<16xi32>, vector<16xi32>], vector<16xf32>,
        %gather3A_740 = tpu.vector_load_idx %arg7[%add3A_52, %broadcast_in_dim3A_738] : memref<112x128xf32, #tpu.memory_space<vmem>>[vector<16xi32>, vector<16xi32>], vector<16xf32>,
        %mul3A_741 = arith.mulf %gather3A_739, %gather3A_740 : vector<16xf32>
        %add3A_742 = arith.addf %add3A_736, %mul3A_741 : vector<16xf32>
        %broadcast_in_dim3A_743 = arith.constant 115 : i32
        %broadcast_in_dim3A_744 = vector.broadcast %broadcast_in_dim3A_743 : i32 to vector<16xi32>
        %gather3A_745 = tpu.vector_load_idx %arg6[%add3A_52, %broadcast_in_dim3A_744] : memref<112x128xf32, #tpu.memory_space<vmem>>[vector<16xi32>, vector<16xi32>], vector<16xf32>,
        %gather3A_746 = tpu.vector_load_idx %arg7[%add3A_52, %broadcast_in_dim3A_744] : memref<112x128xf32, #tpu.memory_space<vmem>>[vector<16xi32>, vector<16xi32>], vector<16xf32>,
        %mul3A_747 = arith.mulf %gather3A_745, %gather3A_746 : vector<16xf32>
        %add3A_748 = arith.addf %add3A_742, %mul3A_747 : vector<16xf32>
        %broadcast_in_dim3A_749 = arith.constant 116 : i32
        %broadcast_in_dim3A_750 = vector.broadcast %broadcast_in_dim3A_749 : i32 to vector<16xi32>
        %gather3A_751 = tpu.vector_load_idx %arg6[%add3A_52, %broadcast_in_dim3A_750] : memref<112x128xf32, #tpu.memory_space<vmem>>[vector<16xi32>, vector<16xi32>], vector<16xf32>,
        %gather3A_752 = tpu.vector_load_idx %arg7[%add3A_52, %broadcast_in_dim3A_750] : memref<112x128xf32, #tpu.memory_space<vmem>>[vector<16xi32>, vector<16xi32>], vector<16xf32>,
        %mul3A_753 = arith.mulf %gather3A_751, %gather3A_752 : vector<16xf32>
        %add3A_754 = arith.addf %add3A_748, %mul3A_753 : vector<16xf32>
        %broadcast_in_dim3A_755 = arith.constant 117 : i32
        %broadcast_in_dim3A_756 = vector.broadcast %broadcast_in_dim3A_755 : i32 to vector<16xi32>
        %gather3A_757 = tpu.vector_load_idx %arg6[%add3A_52, %broadcast_in_dim3A_756] : memref<112x128xf32, #tpu.memory_space<vmem>>[vector<16xi32>, vector<16xi32>], vector<16xf32>,
        %gather3A_758 = tpu.vector_load_idx %arg7[%add3A_52, %broadcast_in_dim3A_756] : memref<112x128xf32, #tpu.memory_space<vmem>>[vector<16xi32>, vector<16xi32>], vector<16xf32>,
        %mul3A_759 = arith.mulf %gather3A_757, %gather3A_758 : vector<16xf32>
        %add3A_760 = arith.addf %add3A_754, %mul3A_759 : vector<16xf32>
        %broadcast_in_dim3A_761 = arith.constant 118 : i32
        %broadcast_in_dim3A_762 = vector.broadcast %broadcast_in_dim3A_761 : i32 to vector<16xi32>
        %gather3A_763 = tpu.vector_load_idx %arg6[%add3A_52, %broadcast_in_dim3A_762] : memref<112x128xf32, #tpu.memory_space<vmem>>[vector<16xi32>, vector<16xi32>], vector<16xf32>,
        %gather3A_764 = tpu.vector_load_idx %arg7[%add3A_52, %broadcast_in_dim3A_762] : memref<112x128xf32, #tpu.memory_space<vmem>>[vector<16xi32>, vector<16xi32>], vector<16xf32>,
        %mul3A_765 = arith.mulf %gather3A_763, %gather3A_764 : vector<16xf32>
        %add3A_766 = arith.addf %add3A_760, %mul3A_765 : vector<16xf32>
        %broadcast_in_dim3A_767 = arith.constant 119 : i32
        %broadcast_in_dim3A_768 = vector.broadcast %broadcast_in_dim3A_767 : i32 to vector<16xi32>
        %gather3A_769 = tpu.vector_load_idx %arg6[%add3A_52, %broadcast_in_dim3A_768] : memref<112x128xf32, #tpu.memory_space<vmem>>[vector<16xi32>, vector<16xi32>], vector<16xf32>,
        %gather3A_770 = tpu.vector_load_idx %arg7[%add3A_52, %broadcast_in_dim3A_768] : memref<112x128xf32, #tpu.memory_space<vmem>>[vector<16xi32>, vector<16xi32>], vector<16xf32>,
        %mul3A_771 = arith.mulf %gather3A_769, %gather3A_770 : vector<16xf32>
        %add3A_772 = arith.addf %add3A_766, %mul3A_771 : vector<16xf32>
        %broadcast_in_dim3A_773 = arith.constant 120 : i32
        %broadcast_in_dim3A_774 = vector.broadcast %broadcast_in_dim3A_773 : i32 to vector<16xi32>
        %gather3A_775 = tpu.vector_load_idx %arg6[%add3A_52, %broadcast_in_dim3A_774] : memref<112x128xf32, #tpu.memory_space<vmem>>[vector<16xi32>, vector<16xi32>], vector<16xf32>,
        %gather3A_776 = tpu.vector_load_idx %arg7[%add3A_52, %broadcast_in_dim3A_774] : memref<112x128xf32, #tpu.memory_space<vmem>>[vector<16xi32>, vector<16xi32>], vector<16xf32>,
        %mul3A_777 = arith.mulf %gather3A_775, %gather3A_776 : vector<16xf32>
        %add3A_778 = arith.addf %add3A_772, %mul3A_777 : vector<16xf32>
        %broadcast_in_dim3A_779 = arith.constant 121 : i32
        %broadcast_in_dim3A_780 = vector.broadcast %broadcast_in_dim3A_779 : i32 to vector<16xi32>
        %gather3A_781 = tpu.vector_load_idx %arg6[%add3A_52, %broadcast_in_dim3A_780] : memref<112x128xf32, #tpu.memory_space<vmem>>[vector<16xi32>, vector<16xi32>], vector<16xf32>,
        %gather3A_782 = tpu.vector_load_idx %arg7[%add3A_52, %broadcast_in_dim3A_780] : memref<112x128xf32, #tpu.memory_space<vmem>>[vector<16xi32>, vector<16xi32>], vector<16xf32>,
        %mul3A_783 = arith.mulf %gather3A_781, %gather3A_782 : vector<16xf32>
        %add3A_784 = arith.addf %add3A_778, %mul3A_783 : vector<16xf32>
        %broadcast_in_dim3A_785 = arith.constant 122 : i32
        %broadcast_in_dim3A_786 = vector.broadcast %broadcast_in_dim3A_785 : i32 to vector<16xi32>
        %gather3A_787 = tpu.vector_load_idx %arg6[%add3A_52, %broadcast_in_dim3A_786] : memref<112x128xf32, #tpu.memory_space<vmem>>[vector<16xi32>, vector<16xi32>], vector<16xf32>,
        %gather3A_788 = tpu.vector_load_idx %arg7[%add3A_52, %broadcast_in_dim3A_786] : memref<112x128xf32, #tpu.memory_space<vmem>>[vector<16xi32>, vector<16xi32>], vector<16xf32>,
        %mul3A_789 = arith.mulf %gather3A_787, %gather3A_788 : vector<16xf32>
        %add3A_790 = arith.addf %add3A_784, %mul3A_789 : vector<16xf32>
        %broadcast_in_dim3A_791 = arith.constant 123 : i32
        %broadcast_in_dim3A_792 = vector.broadcast %broadcast_in_dim3A_791 : i32 to vector<16xi32>
        %gather3A_793 = tpu.vector_load_idx %arg6[%add3A_52, %broadcast_in_dim3A_792] : memref<112x128xf32, #tpu.memory_space<vmem>>[vector<16xi32>, vector<16xi32>], vector<16xf32>,
        %gather3A_794 = tpu.vector_load_idx %arg7[%add3A_52, %broadcast_in_dim3A_792] : memref<112x128xf32, #tpu.memory_space<vmem>>[vector<16xi32>, vector<16xi32>], vector<16xf32>,
        %mul3A_795 = arith.mulf %gather3A_793, %gather3A_794 : vector<16xf32>
        %add3A_796 = arith.addf %add3A_790, %mul3A_795 : vector<16xf32>
        %broadcast_in_dim3A_797 = arith.constant 124 : i32
        %broadcast_in_dim3A_798 = vector.broadcast %broadcast_in_dim3A_797 : i32 to vector<16xi32>
        %gather3A_799 = tpu.vector_load_idx %arg6[%add3A_52, %broadcast_in_dim3A_798] : memref<112x128xf32, #tpu.memory_space<vmem>>[vector<16xi32>, vector<16xi32>], vector<16xf32>,
        %gather3A_800 = tpu.vector_load_idx %arg7[%add3A_52, %broadcast_in_dim3A_798] : memref<112x128xf32, #tpu.memory_space<vmem>>[vector<16xi32>, vector<16xi32>], vector<16xf32>,
        %mul3A_801 = arith.mulf %gather3A_799, %gather3A_800 : vector<16xf32>
        %add3A_802 = arith.addf %add3A_796, %mul3A_801 : vector<16xf32>
        %broadcast_in_dim3A_803 = arith.constant 125 : i32
        %broadcast_in_dim3A_804 = vector.broadcast %broadcast_in_dim3A_803 : i32 to vector<16xi32>
        %gather3A_805 = tpu.vector_load_idx %arg6[%add3A_52, %broadcast_in_dim3A_804] : memref<112x128xf32, #tpu.memory_space<vmem>>[vector<16xi32>, vector<16xi32>], vector<16xf32>,
        %gather3A_806 = tpu.vector_load_idx %arg7[%add3A_52, %broadcast_in_dim3A_804] : memref<112x128xf32, #tpu.memory_space<vmem>>[vector<16xi32>, vector<16xi32>], vector<16xf32>,
        %mul3A_807 = arith.mulf %gather3A_805, %gather3A_806 : vector<16xf32>
        %add3A_808 = arith.addf %add3A_802, %mul3A_807 : vector<16xf32>
        %broadcast_in_dim3A_809 = arith.constant 126 : i32
        %broadcast_in_dim3A_810 = vector.broadcast %broadcast_in_dim3A_809 : i32 to vector<16xi32>
        %gather3A_811 = tpu.vector_load_idx %arg6[%add3A_52, %broadcast_in_dim3A_810] : memref<112x128xf32, #tpu.memory_space<vmem>>[vector<16xi32>, vector<16xi32>], vector<16xf32>,
        %gather3A_812 = tpu.vector_load_idx %arg7[%add3A_52, %broadcast_in_dim3A_810] : memref<112x128xf32, #tpu.memory_space<vmem>>[vector<16xi32>, vector<16xi32>], vector<16xf32>,
        %mul3A_813 = arith.mulf %gather3A_811, %gather3A_812 : vector<16xf32>
        %add3A_814 = arith.addf %add3A_808, %mul3A_813 : vector<16xf32>
        %broadcast_in_dim3A_815 = arith.constant 127 : i32
        %broadcast_in_dim3A_816 = vector.broadcast %broadcast_in_dim3A_815 : i32 to vector<16xi32>
        %gather3A_817 = tpu.vector_load_idx %arg6[%add3A_52, %broadcast_in_dim3A_816] : memref<112x128xf32, #tpu.memory_space<vmem>>[vector<16xi32>, vector<16xi32>], vector<16xf32>,
        %gather3A_818 = tpu.vector_load_idx %arg7[%add3A_52, %broadcast_in_dim3A_816] : memref<112x128xf32, #tpu.memory_space<vmem>>[vector<16xi32>, vector<16xi32>], vector<16xf32>,
        %mul3A_819 = arith.mulf %gather3A_817, %gather3A_818 : vector<16xf32>
        %add3A_820 = arith.addf %add3A_814, %mul3A_819 : vector<16xf32>
        %mul3A_821 = arith.constant 112 : i32
        %mul3A_822 = arith.muli %scan3A_8, %mul3A_821 : i32
        %mul3A_823 = arith.constant 16 : i32
        %mul3A_824 = arith.muli %scan3A_48, %mul3A_823 : i32
        %add3A_825 = arith.addi %mul3A_822, %mul3A_824 : i32
        %swap3A = arith.index_cast %add3A_825 : i32 to index
        %swap3A_826 = tpu.vector_load %arg10[%swap3A] {strides = array<i32>} : memref<3136xf32, #tpu.memory_space<vmem>>, vector<16xf32>,
        tpu.vector_store %arg10[%swap3A], %add3A_820 {strides = array<i32>} : memref<3136xf32, #tpu.memory_space<vmem>>, vector<16xf32>,
      }
      %scan3A_47 = arith.constant 7 : i32
    }
    %scan3A_7 = arith.constant 28 : i32
    "tpu.region"() ({
      %run_scoped3A = tpu.sem_alloc : memref<!tpu.dma_semaphore, #tpu.memory_space<semaphore_mem>>
      %dma_start3A = tpu.memref_slice %arg5[%mul3A_2] : memref<100352xf32, #tpu.memory_space<hbm>> -> memref<3136xf32, #tpu.memory_space<hbm>>
      %dma_start3A_8 = tpu.memref_slice %arg5[%mul3A_2] : memref<100352xf32, #tpu.memory_space<hbm>> -> memref<3136xf32, #tpu.memory_space<hbm>>
      tpu.enqueue_dma source(%arg10 : memref<3136xf32, #tpu.memory_space<vmem>>) target(%dma_start3A_8 : memref<3136xf32, #tpu.memory_space<hbm>>) target_semaphore(%run_scoped3A : memref<!tpu.dma_semaphore, #tpu.memory_space<semaphore_mem>>)
      %dma_wait3A = tpu.memref_slice %arg5[%mul3A_2] : memref<100352xf32, #tpu.memory_space<hbm>> -> memref<3136xf32, #tpu.memory_space<hbm>>
      %dma_wait3A_9 = tpu.memref_slice %arg5[%mul3A_2] : memref<100352xf32, #tpu.memory_space<hbm>> -> memref<3136xf32, #tpu.memory_space<hbm>>
      tpu.wait_dma2 semaphore(%run_scoped3A : memref<!tpu.dma_semaphore, #tpu.memory_space<semaphore_mem>>) src(%arg10 : memref<3136xf32, #tpu.memory_space<vmem>>) dst(%dma_wait3A_9 : memref<3136xf32, #tpu.memory_space<hbm>>)
      tpu.yield
    }) : () -> ()
    return
  }
}

#map = affine_map<(d0, d1) -> (0, 0, 0)>
#map1 = affine_map<(d0, d1) -> (0)>
module attributes {stable_mosaic.version = 14 : i64} {
  func.func @seg_sum_counts(%arg0: i32, %arg1: i32, %arg2: memref<2x10000x128xf32, #tpu.memory_space<hbm>>, %arg3: memref<320000xi32, #tpu.memory_space<hbm>>, %arg4: memref<320000xi32, #tpu.memory_space<hbm>>, %arg5: memref<2x10240x128xf32, #tpu.memory_space<hbm>>, %arg6: memref<2x16x10240xf32, #tpu.memory_space<hbm>>, %arg7: memref<80x128xf32, #tpu.memory_space<vmem>>, %arg8: memref<80x128xf32, #tpu.memory_space<vmem>>, %arg9: memref<2x1x4000xi32, #tpu.memory_space<vmem>>, %arg10: memref<80xi32, #tpu.memory_space<vmem>>, %arg11: memref<80xi32, #tpu.memory_space<vmem>>, %arg12: memref<80xi32, #tpu.memory_space<vmem>>, %arg13: memref<80xi32, #tpu.memory_space<vmem>>, %arg14: memref<10240xf32, #tpu.memory_space<vmem>>, %arg15: memref<10240x128xf32, #tpu.memory_space<vmem_shared>>, %arg16: memref<!tpu.dma_semaphore, #tpu.memory_space<semaphore_mem>>, %arg17: memref<!tpu.dma_semaphore, #tpu.memory_space<semaphore_mem>>) attributes {dimension_semantics = [#tpu.dimension_semantics<core_parallel>, #tpu.dimension_semantics<subcore_parallel>], iteration_bounds = array<i64: 2, 16>, scalar_prefetch = 0 : i64, scratch_operands = 11 : i64, tpu.core_type = #tpu.core_type<sc_vector_subcore>, window_params = [{transform_indices = #map}, {transform_indices = #map1}, {transform_indices = #map1}, {transform_indices = #map}, {transform_indices = #map}]} {
    %broadcast_in_dim3A = arith.constant 0.000000e+00 : f32
    %broadcast_in_dim3A_0 = vector.broadcast %broadcast_in_dim3A : f32 to vector<16xf32>
    %scan3A = arith.constant 0 : i32
    %scan3A_1 = arith.constant 0 : i32
    %scan3A_2 = arith.constant 80 : i32
    %scan3A_3 = arith.addi %scan3A_1, %scan3A_2 : i32
    %scan3A_4 = arith.constant 1 : i32
    scf.for %scan3A_61 = %scan3A_1 to %scan3A_3 step %scan3A_4  : i32 {
      %swap3A = arith.index_cast %scan3A_61 : i32 to index
      %swap3A_62 = arith.constant 0 : index
      %swap3A_63 = tpu.vector_load %arg7[%swap3A, %swap3A_62] {strides = array<i32>} : memref<80x128xf32, #tpu.memory_space<vmem>>, vector<16xf32>,
      tpu.vector_store %arg7[%swap3A, %swap3A_62], %broadcast_in_dim3A_0 {strides = array<i32>} : memref<80x128xf32, #tpu.memory_space<vmem>>, vector<16xf32>,
      %swap3A_64 = arith.index_cast %scan3A_61 : i32 to index
      %swap3A_65 = arith.constant 16 : index
      %swap3A_66 = tpu.vector_load %arg7[%swap3A_64, %swap3A_65] {strides = array<i32>} : memref<80x128xf32, #tpu.memory_space<vmem>>, vector<16xf32>,
      tpu.vector_store %arg7[%swap3A_64, %swap3A_65], %broadcast_in_dim3A_0 {strides = array<i32>} : memref<80x128xf32, #tpu.memory_space<vmem>>, vector<16xf32>,
      %swap3A_67 = arith.index_cast %scan3A_61 : i32 to index
      %swap3A_68 = arith.constant 32 : index
      %swap3A_69 = tpu.vector_load %arg7[%swap3A_67, %swap3A_68] {strides = array<i32>} : memref<80x128xf32, #tpu.memory_space<vmem>>, vector<16xf32>,
      tpu.vector_store %arg7[%swap3A_67, %swap3A_68], %broadcast_in_dim3A_0 {strides = array<i32>} : memref<80x128xf32, #tpu.memory_space<vmem>>, vector<16xf32>,
      %swap3A_70 = arith.index_cast %scan3A_61 : i32 to index
      %swap3A_71 = arith.constant 48 : index
      %swap3A_72 = tpu.vector_load %arg7[%swap3A_70, %swap3A_71] {strides = array<i32>} : memref<80x128xf32, #tpu.memory_space<vmem>>, vector<16xf32>,
      tpu.vector_store %arg7[%swap3A_70, %swap3A_71], %broadcast_in_dim3A_0 {strides = array<i32>} : memref<80x128xf32, #tpu.memory_space<vmem>>, vector<16xf32>,
      %swap3A_73 = arith.index_cast %scan3A_61 : i32 to index
      %swap3A_74 = arith.constant 64 : index
      %swap3A_75 = tpu.vector_load %arg7[%swap3A_73, %swap3A_74] {strides = array<i32>} : memref<80x128xf32, #tpu.memory_space<vmem>>, vector<16xf32>,
      tpu.vector_store %arg7[%swap3A_73, %swap3A_74], %broadcast_in_dim3A_0 {strides = array<i32>} : memref<80x128xf32, #tpu.memory_space<vmem>>, vector<16xf32>,
      %swap3A_76 = arith.index_cast %scan3A_61 : i32 to index
      %swap3A_77 = arith.constant 80 : index
      %swap3A_78 = tpu.vector_load %arg7[%swap3A_76, %swap3A_77] {strides = array<i32>} : memref<80x128xf32, #tpu.memory_space<vmem>>, vector<16xf32>,
      tpu.vector_store %arg7[%swap3A_76, %swap3A_77], %broadcast_in_dim3A_0 {strides = array<i32>} : memref<80x128xf32, #tpu.memory_space<vmem>>, vector<16xf32>,
      %swap3A_79 = arith.index_cast %scan3A_61 : i32 to index
      %swap3A_80 = arith.constant 96 : index
      %swap3A_81 = tpu.vector_load %arg7[%swap3A_79, %swap3A_80] {strides = array<i32>} : memref<80x128xf32, #tpu.memory_space<vmem>>, vector<16xf32>,
      tpu.vector_store %arg7[%swap3A_79, %swap3A_80], %broadcast_in_dim3A_0 {strides = array<i32>} : memref<80x128xf32, #tpu.memory_space<vmem>>, vector<16xf32>,
      %swap3A_82 = arith.index_cast %scan3A_61 : i32 to index
      %swap3A_83 = arith.constant 112 : index
      %swap3A_84 = tpu.vector_load %arg7[%swap3A_82, %swap3A_83] {strides = array<i32>} : memref<80x128xf32, #tpu.memory_space<vmem>>, vector<16xf32>,
      tpu.vector_store %arg7[%swap3A_82, %swap3A_83], %broadcast_in_dim3A_0 {strides = array<i32>} : memref<80x128xf32, #tpu.memory_space<vmem>>, vector<16xf32>,
    }
    %scan3A_5 = arith.constant 80 : i32
    %mul3A = arith.constant 640 : i32
    %mul3A_6 = arith.muli %arg1, %mul3A : i32
    %add3A = arith.constant 0 : i32
    %add3A_7 = arith.addi %mul3A_6, %add3A : i32
    "tpu.region"() ({
      %run_scoped3A = tpu.sem_alloc : memref<!tpu.dma_semaphore, #tpu.memory_space<semaphore_mem>>
      %dma_start3A = arith.constant 0 : i32
      %dma_start3A_61 = tpu.memref_slice %arg15[%add3A_7, %dma_start3A] : memref<10240x128xf32, #tpu.memory_space<vmem_shared>> -> memref<80x128xf32, #tpu.memory_space<vmem_shared>>
      %dma_start3A_62 = arith.constant 0 : i32
      %dma_start3A_63 = tpu.memref_slice %arg15[%add3A_7, %dma_start3A_62] : memref<10240x128xf32, #tpu.memory_space<vmem_shared>> -> memref<80x128xf32, #tpu.memory_space<vmem_shared>>
      tpu.enqueue_dma source(%arg7 : memref<80x128xf32, #tpu.memory_space<vmem>>) target(%dma_start3A_63 : memref<80x128xf32, #tpu.memory_space<vmem_shared>>) target_semaphore(%run_scoped3A : memref<!tpu.dma_semaphore, #tpu.memory_space<semaphore_mem>>)
      %dma_wait3A = arith.constant 0 : i32
      %dma_wait3A_64 = tpu.memref_slice %arg15[%add3A_7, %dma_wait3A] : memref<10240x128xf32, #tpu.memory_space<vmem_shared>> -> memref<80x128xf32, #tpu.memory_space<vmem_shared>>
      %dma_wait3A_65 = arith.constant 0 : i32
      %dma_wait3A_66 = tpu.memref_slice %arg15[%add3A_7, %dma_wait3A_65] : memref<10240x128xf32, #tpu.memory_space<vmem_shared>> -> memref<80x128xf32, #tpu.memory_space<vmem_shared>>
      tpu.wait_dma2 semaphore(%run_scoped3A : memref<!tpu.dma_semaphore, #tpu.memory_space<semaphore_mem>>) src(%arg7 : memref<80x128xf32, #tpu.memory_space<vmem>>) dst(%dma_wait3A_66 : memref<80x128xf32, #tpu.memory_space<vmem_shared>>)
      tpu.yield
    }) : () -> ()
    %add3A_8 = arith.constant 80 : i32
    %add3A_9 = arith.addi %mul3A_6, %add3A_8 : i32
    "tpu.region"() ({
      %run_scoped3A = tpu.sem_alloc : memref<!tpu.dma_semaphore, #tpu.memory_space<semaphore_mem>>
      %dma_start3A = arith.constant 0 : i32
      %dma_start3A_61 = tpu.memref_slice %arg15[%add3A_9, %dma_start3A] : memref<10240x128xf32, #tpu.memory_space<vmem_shared>> -> memref<80x128xf32, #tpu.memory_space<vmem_shared>>
      %dma_start3A_62 = arith.constant 0 : i32
      %dma_start3A_63 = tpu.memref_slice %arg15[%add3A_9, %dma_start3A_62] : memref<10240x128xf32, #tpu.memory_space<vmem_shared>> -> memref<80x128xf32, #tpu.memory_space<vmem_shared>>
      tpu.enqueue_dma source(%arg7 : memref<80x128xf32, #tpu.memory_space<vmem>>) target(%dma_start3A_63 : memref<80x128xf32, #tpu.memory_space<vmem_shared>>) target_semaphore(%run_scoped3A : memref<!tpu.dma_semaphore, #tpu.memory_space<semaphore_mem>>)
      %dma_wait3A = arith.constant 0 : i32
      %dma_wait3A_64 = tpu.memref_slice %arg15[%add3A_9, %dma_wait3A] : memref<10240x128xf32, #tpu.memory_space<vmem_shared>> -> memref<80x128xf32, #tpu.memory_space<vmem_shared>>
      %dma_wait3A_65 = arith.constant 0 : i32
      %dma_wait3A_66 = tpu.memref_slice %arg15[%add3A_9, %dma_wait3A_65] : memref<10240x128xf32, #tpu.memory_space<vmem_shared>> -> memref<80x128xf32, #tpu.memory_space<vmem_shared>>
      tpu.wait_dma2 semaphore(%run_scoped3A : memref<!tpu.dma_semaphore, #tpu.memory_space<semaphore_mem>>) src(%arg7 : memref<80x128xf32, #tpu.memory_space<vmem>>) dst(%dma_wait3A_66 : memref<80x128xf32, #tpu.memory_space<vmem_shared>>)
      tpu.yield
    }) : () -> ()
    %add3A_10 = arith.constant 160 : i32
    %add3A_11 = arith.addi %mul3A_6, %add3A_10 : i32
    "tpu.region"() ({
      %run_scoped3A = tpu.sem_alloc : memref<!tpu.dma_semaphore, #tpu.memory_space<semaphore_mem>>
      %dma_start3A = arith.constant 0 : i32
      %dma_start3A_61 = tpu.memref_slice %arg15[%add3A_11, %dma_start3A] : memref<10240x128xf32, #tpu.memory_space<vmem_shared>> -> memref<80x128xf32, #tpu.memory_space<vmem_shared>>
      %dma_start3A_62 = arith.constant 0 : i32
      %dma_start3A_63 = tpu.memref_slice %arg15[%add3A_11, %dma_start3A_62] : memref<10240x128xf32, #tpu.memory_space<vmem_shared>> -> memref<80x128xf32, #tpu.memory_space<vmem_shared>>
      tpu.enqueue_dma source(%arg7 : memref<80x128xf32, #tpu.memory_space<vmem>>) target(%dma_start3A_63 : memref<80x128xf32, #tpu.memory_space<vmem_shared>>) target_semaphore(%run_scoped3A : memref<!tpu.dma_semaphore, #tpu.memory_space<semaphore_mem>>)
      %dma_wait3A = arith.constant 0 : i32
      %dma_wait3A_64 = tpu.memref_slice %arg15[%add3A_11, %dma_wait3A] : memref<10240x128xf32, #tpu.memory_space<vmem_shared>> -> memref<80x128xf32, #tpu.memory_space<vmem_shared>>
      %dma_wait3A_65 = arith.constant 0 : i32
      %dma_wait3A_66 = tpu.memref_slice %arg15[%add3A_11, %dma_wait3A_65] : memref<10240x128xf32, #tpu.memory_space<vmem_shared>> -> memref<80x128xf32, #tpu.memory_space<vmem_shared>>
      tpu.wait_dma2 semaphore(%run_scoped3A : memref<!tpu.dma_semaphore, #tpu.memory_space<semaphore_mem>>) src(%arg7 : memref<80x128xf32, #tpu.memory_space<vmem>>) dst(%dma_wait3A_66 : memref<80x128xf32, #tpu.memory_space<vmem_shared>>)
      tpu.yield
    }) : () -> ()
    %add3A_12 = arith.constant 240 : i32
    %add3A_13 = arith.addi %mul3A_6, %add3A_12 : i32
    "tpu.region"() ({
      %run_scoped3A = tpu.sem_alloc : memref<!tpu.dma_semaphore, #tpu.memory_space<semaphore_mem>>
      %dma_start3A = arith.constant 0 : i32
      %dma_start3A_61 = tpu.memref_slice %arg15[%add3A_13, %dma_start3A] : memref<10240x128xf32, #tpu.memory_space<vmem_shared>> -> memref<80x128xf32, #tpu.memory_space<vmem_shared>>
      %dma_start3A_62 = arith.constant 0 : i32
      %dma_start3A_63 = tpu.memref_slice %arg15[%add3A_13, %dma_start3A_62] : memref<10240x128xf32, #tpu.memory_space<vmem_shared>> -> memref<80x128xf32, #tpu.memory_space<vmem_shared>>
      tpu.enqueue_dma source(%arg7 : memref<80x128xf32, #tpu.memory_space<vmem>>) target(%dma_start3A_63 : memref<80x128xf32, #tpu.memory_space<vmem_shared>>) target_semaphore(%run_scoped3A : memref<!tpu.dma_semaphore, #tpu.memory_space<semaphore_mem>>)
      %dma_wait3A = arith.constant 0 : i32
      %dma_wait3A_64 = tpu.memref_slice %arg15[%add3A_13, %dma_wait3A] : memref<10240x128xf32, #tpu.memory_space<vmem_shared>> -> memref<80x128xf32, #tpu.memory_space<vmem_shared>>
      %dma_wait3A_65 = arith.constant 0 : i32
      %dma_wait3A_66 = tpu.memref_slice %arg15[%add3A_13, %dma_wait3A_65] : memref<10240x128xf32, #tpu.memory_space<vmem_shared>> -> memref<80x128xf32, #tpu.memory_space<vmem_shared>>
      tpu.wait_dma2 semaphore(%run_scoped3A : memref<!tpu.dma_semaphore, #tpu.memory_space<semaphore_mem>>) src(%arg7 : memref<80x128xf32, #tpu.memory_space<vmem>>) dst(%dma_wait3A_66 : memref<80x128xf32, #tpu.memory_space<vmem_shared>>)
      tpu.yield
    }) : () -> ()
    %add3A_14 = arith.constant 320 : i32
    %add3A_15 = arith.addi %mul3A_6, %add3A_14 : i32
    "tpu.region"() ({
      %run_scoped3A = tpu.sem_alloc : memref<!tpu.dma_semaphore, #tpu.memory_space<semaphore_mem>>
      %dma_start3A = arith.constant 0 : i32
      %dma_start3A_61 = tpu.memref_slice %arg15[%add3A_15, %dma_start3A] : memref<10240x128xf32, #tpu.memory_space<vmem_shared>> -> memref<80x128xf32, #tpu.memory_space<vmem_shared>>
      %dma_start3A_62 = arith.constant 0 : i32
      %dma_start3A_63 = tpu.memref_slice %arg15[%add3A_15, %dma_start3A_62] : memref<10240x128xf32, #tpu.memory_space<vmem_shared>> -> memref<80x128xf32, #tpu.memory_space<vmem_shared>>
      tpu.enqueue_dma source(%arg7 : memref<80x128xf32, #tpu.memory_space<vmem>>) target(%dma_start3A_63 : memref<80x128xf32, #tpu.memory_space<vmem_shared>>) target_semaphore(%run_scoped3A : memref<!tpu.dma_semaphore, #tpu.memory_space<semaphore_mem>>)
      %dma_wait3A = arith.constant 0 : i32
      %dma_wait3A_64 = tpu.memref_slice %arg15[%add3A_15, %dma_wait3A] : memref<10240x128xf32, #tpu.memory_space<vmem_shared>> -> memref<80x128xf32, #tpu.memory_space<vmem_shared>>
      %dma_wait3A_65 = arith.constant 0 : i32
      %dma_wait3A_66 = tpu.memref_slice %arg15[%add3A_15, %dma_wait3A_65] : memref<10240x128xf32, #tpu.memory_space<vmem_shared>> -> memref<80x128xf32, #tpu.memory_space<vmem_shared>>
      tpu.wait_dma2 semaphore(%run_scoped3A : memref<!tpu.dma_semaphore, #tpu.memory_space<semaphore_mem>>) src(%arg7 : memref<80x128xf32, #tpu.memory_space<vmem>>) dst(%dma_wait3A_66 : memref<80x128xf32, #tpu.memory_space<vmem_shared>>)
      tpu.yield
    }) : () -> ()
    %add3A_16 = arith.constant 400 : i32
    %add3A_17 = arith.addi %mul3A_6, %add3A_16 : i32
    "tpu.region"() ({
      %run_scoped3A = tpu.sem_alloc : memref<!tpu.dma_semaphore, #tpu.memory_space<semaphore_mem>>
      %dma_start3A = arith.constant 0 : i32
      %dma_start3A_61 = tpu.memref_slice %arg15[%add3A_17, %dma_start3A] : memref<10240x128xf32, #tpu.memory_space<vmem_shared>> -> memref<80x128xf32, #tpu.memory_space<vmem_shared>>
      %dma_start3A_62 = arith.constant 0 : i32
      %dma_start3A_63 = tpu.memref_slice %arg15[%add3A_17, %dma_start3A_62] : memref<10240x128xf32, #tpu.memory_space<vmem_shared>> -> memref<80x128xf32, #tpu.memory_space<vmem_shared>>
      tpu.enqueue_dma source(%arg7 : memref<80x128xf32, #tpu.memory_space<vmem>>) target(%dma_start3A_63 : memref<80x128xf32, #tpu.memory_space<vmem_shared>>) target_semaphore(%run_scoped3A : memref<!tpu.dma_semaphore, #tpu.memory_space<semaphore_mem>>)
      %dma_wait3A = arith.constant 0 : i32
      %dma_wait3A_64 = tpu.memref_slice %arg15[%add3A_17, %dma_wait3A] : memref<10240x128xf32, #tpu.memory_space<vmem_shared>> -> memref<80x128xf32, #tpu.memory_space<vmem_shared>>
      %dma_wait3A_65 = arith.constant 0 : i32
      %dma_wait3A_66 = tpu.memref_slice %arg15[%add3A_17, %dma_wait3A_65] : memref<10240x128xf32, #tpu.memory_space<vmem_shared>> -> memref<80x128xf32, #tpu.memory_space<vmem_shared>>
      tpu.wait_dma2 semaphore(%run_scoped3A : memref<!tpu.dma_semaphore, #tpu.memory_space<semaphore_mem>>) src(%arg7 : memref<80x128xf32, #tpu.memory_space<vmem>>) dst(%dma_wait3A_66 : memref<80x128xf32, #tpu.memory_space<vmem_shared>>)
      tpu.yield
    }) : () -> ()
    %add3A_18 = arith.constant 480 : i32
    %add3A_19 = arith.addi %mul3A_6, %add3A_18 : i32
    "tpu.region"() ({
      %run_scoped3A = tpu.sem_alloc : memref<!tpu.dma_semaphore, #tpu.memory_space<semaphore_mem>>
      %dma_start3A = arith.constant 0 : i32
      %dma_start3A_61 = tpu.memref_slice %arg15[%add3A_19, %dma_start3A] : memref<10240x128xf32, #tpu.memory_space<vmem_shared>> -> memref<80x128xf32, #tpu.memory_space<vmem_shared>>
      %dma_start3A_62 = arith.constant 0 : i32
      %dma_start3A_63 = tpu.memref_slice %arg15[%add3A_19, %dma_start3A_62] : memref<10240x128xf32, #tpu.memory_space<vmem_shared>> -> memref<80x128xf32, #tpu.memory_space<vmem_shared>>
      tpu.enqueue_dma source(%arg7 : memref<80x128xf32, #tpu.memory_space<vmem>>) target(%dma_start3A_63 : memref<80x128xf32, #tpu.memory_space<vmem_shared>>) target_semaphore(%run_scoped3A : memref<!tpu.dma_semaphore, #tpu.memory_space<semaphore_mem>>)
      %dma_wait3A = arith.constant 0 : i32
      %dma_wait3A_64 = tpu.memref_slice %arg15[%add3A_19, %dma_wait3A] : memref<10240x128xf32, #tpu.memory_space<vmem_shared>> -> memref<80x128xf32, #tpu.memory_space<vmem_shared>>
      %dma_wait3A_65 = arith.constant 0 : i32
      %dma_wait3A_66 = tpu.memref_slice %arg15[%add3A_19, %dma_wait3A_65] : memref<10240x128xf32, #tpu.memory_space<vmem_shared>> -> memref<80x128xf32, #tpu.memory_space<vmem_shared>>
      tpu.wait_dma2 semaphore(%run_scoped3A : memref<!tpu.dma_semaphore, #tpu.memory_space<semaphore_mem>>) src(%arg7 : memref<80x128xf32, #tpu.memory_space<vmem>>) dst(%dma_wait3A_66 : memref<80x128xf32, #tpu.memory_space<vmem_shared>>)
      tpu.yield
    }) : () -> ()
    %add3A_20 = arith.constant 560 : i32
    %add3A_21 = arith.addi %mul3A_6, %add3A_20 : i32
    "tpu.region"() ({
      %run_scoped3A = tpu.sem_alloc : memref<!tpu.dma_semaphore, #tpu.memory_space<semaphore_mem>>
      %dma_start3A = arith.constant 0 : i32
      %dma_start3A_61 = tpu.memref_slice %arg15[%add3A_21, %dma_start3A] : memref<10240x128xf32, #tpu.memory_space<vmem_shared>> -> memref<80x128xf32, #tpu.memory_space<vmem_shared>>
      %dma_start3A_62 = arith.constant 0 : i32
      %dma_start3A_63 = tpu.memref_slice %arg15[%add3A_21, %dma_start3A_62] : memref<10240x128xf32, #tpu.memory_space<vmem_shared>> -> memref<80x128xf32, #tpu.memory_space<vmem_shared>>
      tpu.enqueue_dma source(%arg7 : memref<80x128xf32, #tpu.memory_space<vmem>>) target(%dma_start3A_63 : memref<80x128xf32, #tpu.memory_space<vmem_shared>>) target_semaphore(%run_scoped3A : memref<!tpu.dma_semaphore, #tpu.memory_space<semaphore_mem>>)
      %dma_wait3A = arith.constant 0 : i32
      %dma_wait3A_64 = tpu.memref_slice %arg15[%add3A_21, %dma_wait3A] : memref<10240x128xf32, #tpu.memory_space<vmem_shared>> -> memref<80x128xf32, #tpu.memory_space<vmem_shared>>
      %dma_wait3A_65 = arith.constant 0 : i32
      %dma_wait3A_66 = tpu.memref_slice %arg15[%add3A_21, %dma_wait3A_65] : memref<10240x128xf32, #tpu.memory_space<vmem_shared>> -> memref<80x128xf32, #tpu.memory_space<vmem_shared>>
      tpu.wait_dma2 semaphore(%run_scoped3A : memref<!tpu.dma_semaphore, #tpu.memory_space<semaphore_mem>>) src(%arg7 : memref<80x128xf32, #tpu.memory_space<vmem>>) dst(%dma_wait3A_66 : memref<80x128xf32, #tpu.memory_space<vmem_shared>>)
      tpu.yield
    }) : () -> ()
    %broadcast_in_dim3A_22 = arith.constant 0.000000e+00 : f32
    %broadcast_in_dim3A_23 = vector.broadcast %broadcast_in_dim3A_22 : f32 to vector<16xf32>
    %scan3A_24 = arith.constant 0 : i32
    %scan3A_25 = arith.constant 0 : i32
    %scan3A_26 = arith.constant 640 : i32
    %scan3A_27 = arith.addi %scan3A_25, %scan3A_26 : i32
    %scan3A_28 = arith.constant 1 : i32
    scf.for %scan3A_61 = %scan3A_25 to %scan3A_27 step %scan3A_28  : i32 {
      %mul3A_62 = arith.constant 16 : i32
      %mul3A_63 = arith.muli %scan3A_61, %mul3A_62 : i32
      %swap3A = arith.index_cast %mul3A_63 : i32 to index
      %swap3A_64 = tpu.vector_load %arg14[%swap3A] {strides = array<i32>} : memref<10240xf32, #tpu.memory_space<vmem>>, vector<16xf32>,
      tpu.vector_store %arg14[%swap3A], %broadcast_in_dim3A_23 {strides = array<i32>} : memref<10240xf32, #tpu.memory_space<vmem>>, vector<16xf32>,
    }
    %scan3A_29 = arith.constant 640 : i32
    %barrier3A = arith.constant 0 : index
    tpu.barrier barrier_id(%barrier3A)
    %mul3A_30 = arith.constant 20000 : i32
    %mul3A_31 = arith.muli %arg1, %mul3A_30 : i32
    %broadcast_in_dim3A_32 = arith.constant 0 : i32
    %broadcast_in_dim3A_33 = vector.broadcast %broadcast_in_dim3A_32 : i32 to vector<16xi32>
    %add3A_34 = vector.broadcast %arg0 : i32 to vector<16xi32>
    %add3A_35 = arith.addi %broadcast_in_dim3A_33, %add3A_34 : vector<16xi32>
    %broadcast_in_dim3A_36 = arith.constant 1.000000e+00 : f32
    %broadcast_in_dim3A_37 = vector.broadcast %broadcast_in_dim3A_36 : f32 to vector<16xf32>
    %scan3A_38 = arith.constant 0 : i32
    %scan3A_39 = arith.constant 0 : i32
    %scan3A_40 = arith.constant 5 : i32
    %scan3A_41 = arith.addi %scan3A_39, %scan3A_40 : i32
    %scan3A_42 = arith.constant 1 : i32
    scf.for %scan3A_61 = %scan3A_39 to %scan3A_41 step %scan3A_42  : i32 {
      %mul3A_62 = arith.constant 4000 : i32
      %mul3A_63 = arith.muli %scan3A_61, %mul3A_62 : i32
      %add3A_64 = arith.addi %mul3A_31, %mul3A_63 : i32
      %run_scoped3A = arith.constant 0 : i32
      %run_scoped3A_65 = arith.constant 0 : i32
      "tpu.region"() ({
        %run_scoped3A_74 = tpu.sem_alloc : memref<!tpu.dma_semaphore, #tpu.memory_space<semaphore_mem>>
        %dma_start3A = arith.constant 0 : i32
        %dma_start3A_75 = tpu.memref_slice %arg9[%run_scoped3A, %run_scoped3A_65, %dma_start3A] : memref<2x1x4000xi32, #tpu.memory_space<vmem>> -> memref<1x1x4000xi32, #tpu.memory_space<vmem>>
        %dma_start3A_76 = tpu.memref_squeeze %dma_start3A_75 : memref<1x1x4000xi32, #tpu.memory_space<vmem>> -> memref<4000xi32, #tpu.memory_space<vmem>>
        %dma_start3A_77 = tpu.memref_slice %arg3[%add3A_64] : memref<320000xi32, #tpu.memory_space<hbm>> -> memref<4000xi32, #tpu.memory_space<hbm>>
        %dma_start3A_78 = arith.constant 0 : i32
        %dma_start3A_79 = tpu.memref_slice %arg9[%run_scoped3A, %run_scoped3A_65, %dma_start3A_78] : memref<2x1x4000xi32, #tpu.memory_space<vmem>> -> memref<1x1x4000xi32, #tpu.memory_space<vmem>>
        %dma_start3A_80 = tpu.memref_squeeze %dma_start3A_79 : memref<1x1x4000xi32, #tpu.memory_space<vmem>> -> memref<4000xi32, #tpu.memory_space<vmem>>
        %dma_start3A_81 = tpu.memref_slice %arg3[%add3A_64] : memref<320000xi32, #tpu.memory_space<hbm>> -> memref<4000xi32, #tpu.memory_space<hbm>>
        tpu.enqueue_dma source(%dma_start3A_81 : memref<4000xi32, #tpu.memory_space<hbm>>) target(%dma_start3A_80 : memref<4000xi32, #tpu.memory_space<vmem>>) target_semaphore(%run_scoped3A_74 : memref<!tpu.dma_semaphore, #tpu.memory_space<semaphore_mem>>)
        %dma_wait3A = arith.constant 0 : i32
        %dma_wait3A_82 = tpu.memref_slice %arg9[%run_scoped3A, %run_scoped3A_65, %dma_wait3A] : memref<2x1x4000xi32, #tpu.memory_space<vmem>> -> memref<1x1x4000xi32, #tpu.memory_space<vmem>>
        %dma_wait3A_83 = tpu.memref_squeeze %dma_wait3A_82 : memref<1x1x4000xi32, #tpu.memory_space<vmem>> -> memref<4000xi32, #tpu.memory_space<vmem>>
        %dma_wait3A_84 = tpu.memref_slice %arg3[%add3A_64] : memref<320000xi32, #tpu.memory_space<hbm>> -> memref<4000xi32, #tpu.memory_space<hbm>>
        %dma_wait3A_85 = arith.constant 0 : i32
        %dma_wait3A_86 = tpu.memref_slice %arg9[%run_scoped3A, %run_scoped3A_65, %dma_wait3A_85] : memref<2x1x4000xi32, #tpu.memory_space<vmem>> -> memref<1x1x4000xi32, #tpu.memory_space<vmem>>
        %dma_wait3A_87 = tpu.memref_squeeze %dma_wait3A_86 : memref<1x1x4000xi32, #tpu.memory_space<vmem>> -> memref<4000xi32, #tpu.memory_space<vmem>>
        %dma_wait3A_88 = tpu.memref_slice %arg3[%add3A_64] : memref<320000xi32, #tpu.memory_space<hbm>> -> memref<4000xi32, #tpu.memory_space<hbm>>
        tpu.wait_dma2 semaphore(%run_scoped3A_74 : memref<!tpu.dma_semaphore, #tpu.memory_space<semaphore_mem>>) src(%dma_wait3A_88 : memref<4000xi32, #tpu.memory_space<hbm>>) dst(%dma_wait3A_87 : memref<4000xi32, #tpu.memory_space<vmem>>)
        tpu.yield
      }) : () -> ()
      %run_scoped3A_66 = arith.constant 1 : i32
      %run_scoped3A_67 = arith.constant 0 : i32
      "tpu.region"() ({
        %run_scoped3A_74 = tpu.sem_alloc : memref<!tpu.dma_semaphore, #tpu.memory_space<semaphore_mem>>
        %dma_start3A = arith.constant 0 : i32
        %dma_start3A_75 = tpu.memref_slice %arg9[%run_scoped3A_66, %run_scoped3A_67, %dma_start3A] : memref<2x1x4000xi32, #tpu.memory_space<vmem>> -> memref<1x1x4000xi32, #tpu.memory_space<vmem>>
        %dma_start3A_76 = tpu.memref_squeeze %dma_start3A_75 : memref<1x1x4000xi32, #tpu.memory_space<vmem>> -> memref<4000xi32, #tpu.memory_space<vmem>>
        %dma_start3A_77 = tpu.memref_slice %arg4[%add3A_64] : memref<320000xi32, #tpu.memory_space<hbm>> -> memref<4000xi32, #tpu.memory_space<hbm>>
        %dma_start3A_78 = arith.constant 0 : i32
        %dma_start3A_79 = tpu.memref_slice %arg9[%run_scoped3A_66, %run_scoped3A_67, %dma_start3A_78] : memref<2x1x4000xi32, #tpu.memory_space<vmem>> -> memref<1x1x4000xi32, #tpu.memory_space<vmem>>
        %dma_start3A_80 = tpu.memref_squeeze %dma_start3A_79 : memref<1x1x4000xi32, #tpu.memory_space<vmem>> -> memref<4000xi32, #tpu.memory_space<vmem>>
        %dma_start3A_81 = tpu.memref_slice %arg4[%add3A_64] : memref<320000xi32, #tpu.memory_space<hbm>> -> memref<4000xi32, #tpu.memory_space<hbm>>
        tpu.enqueue_dma source(%dma_start3A_81 : memref<4000xi32, #tpu.memory_space<hbm>>) target(%dma_start3A_80 : memref<4000xi32, #tpu.memory_space<vmem>>) target_semaphore(%run_scoped3A_74 : memref<!tpu.dma_semaphore, #tpu.memory_space<semaphore_mem>>)
        %dma_wait3A = arith.constant 0 : i32
        %dma_wait3A_82 = tpu.memref_slice %arg9[%run_scoped3A_66, %run_scoped3A_67, %dma_wait3A] : memref<2x1x4000xi32, #tpu.memory_space<vmem>> -> memref<1x1x4000xi32, #tpu.memory_space<vmem>>
        %dma_wait3A_83 = tpu.memref_squeeze %dma_wait3A_82 : memref<1x1x4000xi32, #tpu.memory_space<vmem>> -> memref<4000xi32, #tpu.memory_space<vmem>>
        %dma_wait3A_84 = tpu.memref_slice %arg4[%add3A_64] : memref<320000xi32, #tpu.memory_space<hbm>> -> memref<4000xi32, #tpu.memory_space<hbm>>
        %dma_wait3A_85 = arith.constant 0 : i32
        %dma_wait3A_86 = tpu.memref_slice %arg9[%run_scoped3A_66, %run_scoped3A_67, %dma_wait3A_85] : memref<2x1x4000xi32, #tpu.memory_space<vmem>> -> memref<1x1x4000xi32, #tpu.memory_space<vmem>>
        %dma_wait3A_87 = tpu.memref_squeeze %dma_wait3A_86 : memref<1x1x4000xi32, #tpu.memory_space<vmem>> -> memref<4000xi32, #tpu.memory_space<vmem>>
        %dma_wait3A_88 = tpu.memref_slice %arg4[%add3A_64] : memref<320000xi32, #tpu.memory_space<hbm>> -> memref<4000xi32, #tpu.memory_space<hbm>>
        tpu.wait_dma2 semaphore(%run_scoped3A_74 : memref<!tpu.dma_semaphore, #tpu.memory_space<semaphore_mem>>) src(%dma_wait3A_88 : memref<4000xi32, #tpu.memory_space<hbm>>) dst(%dma_wait3A_87 : memref<4000xi32, #tpu.memory_space<vmem>>)
        tpu.yield
      }) : () -> ()
      %scan3A_68 = arith.constant 0 : i32
      %scan3A_69 = arith.constant 0 : i32
      %scan3A_70 = arith.constant 25 : i32
      %scan3A_71 = arith.addi %scan3A_69, %scan3A_70 : i32
      %scan3A_72 = arith.constant 1 : i32
      scf.for %scan3A_74 = %scan3A_69 to %scan3A_71 step %scan3A_72  : i32 {
        %mul3A_75 = arith.constant 2 : i32
        %mul3A_76 = arith.muli %mul3A_75, %scan3A_74 : i32
        %mul3A_77 = arith.constant 80 : i32
        %mul3A_78 = arith.muli %mul3A_76, %mul3A_77 : i32
        %add3A_79 = arith.constant 80 : i32
        %add3A_80 = arith.addi %mul3A_78, %add3A_79 : i32
        %scan3A_81 = arith.constant 0 : i32
        %scan3A_82 = arith.constant 0 : i32
        %scan3A_83 = arith.constant 5 : i32
        %scan3A_84 = arith.addi %scan3A_82, %scan3A_83 : i32
        %scan3A_85 = arith.constant 1 : i32
        scf.for %scan3A_122 = %scan3A_82 to %scan3A_84 step %scan3A_85  : i32 {
          %mul3A_123 = arith.constant 16 : i32
          %mul3A_124 = arith.muli %scan3A_122, %mul3A_123 : i32
          %add3A_125 = arith.addi %mul3A_78, %mul3A_124 : i32
          %get3A = arith.constant 0 : i32
          %get3A_126 = arith.constant 0 : i32
          %get3A_127 = arith.index_cast %get3A : i32 to index
          %get3A_128 = arith.index_cast %get3A_126 : i32 to index
          %get3A_129 = arith.index_cast %add3A_125 : i32 to index
          %get3A_130 = tpu.vector_load %arg9[%get3A_127, %get3A_128, %get3A_129] {strides = array<i32>} : memref<2x1x4000xi32, #tpu.memory_space<vmem>>, vector<16xi32>,
          %mul3A_131 = arith.constant 16 : i32
          %mul3A_132 = arith.muli %scan3A_122, %mul3A_131 : i32
          %add3A_133 = arith.addi %mul3A_78, %mul3A_132 : i32
          %get3A_134 = arith.constant 1 : i32
          %get3A_135 = arith.constant 0 : i32
          %get3A_136 = arith.index_cast %get3A_134 : i32 to index
          %get3A_137 = arith.index_cast %get3A_135 : i32 to index
          %get3A_138 = arith.index_cast %add3A_133 : i32 to index
          %get3A_139 = tpu.vector_load %arg9[%get3A_136, %get3A_137, %get3A_138] {strides = array<i32>} : memref<2x1x4000xi32, #tpu.memory_space<vmem>>, vector<16xi32>,
          %sub3A_140 = arith.subi %get3A_139, %get3A_130 : vector<16xi32>
          %mul3A_141 = arith.muli %sub3A_140, %add3A_35 : vector<16xi32>
          %add3A_142 = arith.addi %get3A_130, %mul3A_141 : vector<16xi32>
          %mul3A_143 = arith.constant 16 : i32
          %mul3A_144 = arith.muli %scan3A_122, %mul3A_143 : i32
          %swap3A = arith.index_cast %mul3A_144 : i32 to index
          %swap3A_145 = tpu.vector_load %arg10[%swap3A] {strides = array<i32>} : memref<80xi32, #tpu.memory_space<vmem>>, vector<16xi32>,
          tpu.vector_store %arg10[%swap3A], %add3A_142 {strides = array<i32>} : memref<80xi32, #tpu.memory_space<vmem>>, vector<16xi32>,
          %sub3A_146 = arith.subi %get3A_139, %mul3A_141 : vector<16xi32>
          %mul3A_147 = arith.constant 16 : i32
          %mul3A_148 = arith.muli %scan3A_122, %mul3A_147 : i32
          %swap3A_149 = arith.index_cast %mul3A_148 : i32 to index
          %swap3A_150 = tpu.vector_load %arg12[%swap3A_149] {strides = array<i32>} : memref<80xi32, #tpu.memory_space<vmem>>, vector<16xi32>,
          tpu.vector_store %arg12[%swap3A_149], %sub3A_146 {strides = array<i32>} : memref<80xi32, #tpu.memory_space<vmem>>, vector<16xi32>,
          tpu.vector_store_idx %arg14[%add3A_142], %broadcast_in_dim3A_37 {add = true} : memref<10240xf32, #tpu.memory_space<vmem>>[vector<16xi32>], vector<16xf32>,
        }
        %scan3A_86 = arith.constant 5 : i32
        %sub3A = arith.constant 1 : i32
        %sub3A_87 = arith.subi %sub3A, %arg0 : i32
        %dma_start3A = arith.constant 0 : i32
        %dma_start3A_88 = arith.constant 0 : i32
        %dma_start3A_89 = tpu.memref_slice %arg2[%sub3A_87, %dma_start3A, %dma_start3A_88] : memref<2x10000x128xf32, #tpu.memory_space<hbm>> -> memref<1x10000x128xf32, #tpu.memory_space<hbm>>
        %dma_start3A_90 = tpu.memref_squeeze %dma_start3A_89 : memref<1x10000x128xf32, #tpu.memory_space<hbm>> -> memref<10000x128xf32, #tpu.memory_space<hbm>>
        %dma_start3A_91 = arith.constant 0 : i32
        %dma_start3A_92 = arith.constant 0 : i32
        %dma_start3A_93 = tpu.memref_slice %dma_start3A_90[%dma_start3A_91, %dma_start3A_92] : memref<10000x128xf32, #tpu.memory_space<hbm>> -> memref<10000x128xf32, #tpu.memory_space<hbm>>
        tpu.enqueue_indirect_dma source(%dma_start3A_93 : memref<10000x128xf32, #tpu.memory_space<hbm>>) target(%arg7 : memref<80x128xf32, #tpu.memory_space<vmem>>) offsets(%arg12 : memref<80xi32, #tpu.memory_space<vmem>>) semaphore(%arg16 : memref<!tpu.dma_semaphore, #tpu.memory_space<semaphore_mem>>)
        %scan3A_94 = arith.constant 0 : i32
        %scan3A_95 = arith.constant 0 : i32
        %scan3A_96 = arith.constant 5 : i32
        %scan3A_97 = arith.addi %scan3A_95, %scan3A_96 : i32
        %scan3A_98 = arith.constant 1 : i32
        scf.for %scan3A_122 = %scan3A_95 to %scan3A_97 step %scan3A_98  : i32 {
          %mul3A_123 = arith.constant 16 : i32
          %mul3A_124 = arith.muli %scan3A_122, %mul3A_123 : i32
          %add3A_125 = arith.addi %add3A_80, %mul3A_124 : i32
          %get3A = arith.constant 0 : i32
          %get3A_126 = arith.constant 0 : i32
          %get3A_127 = arith.index_cast %get3A : i32 to index
          %get3A_128 = arith.index_cast %get3A_126 : i32 to index
          %get3A_129 = arith.index_cast %add3A_125 : i32 to index
          %get3A_130 = tpu.vector_load %arg9[%get3A_127, %get3A_128, %get3A_129] {strides = array<i32>} : memref<2x1x4000xi32, #tpu.memory_space<vmem>>, vector<16xi32>,
          %mul3A_131 = arith.constant 16 : i32
          %mul3A_132 = arith.muli %scan3A_122, %mul3A_131 : i32
          %add3A_133 = arith.addi %add3A_80, %mul3A_132 : i32
          %get3A_134 = arith.constant 1 : i32
          %get3A_135 = arith.constant 0 : i32
          %get3A_136 = arith.index_cast %get3A_134 : i32 to index
          %get3A_137 = arith.index_cast %get3A_135 : i32 to index
          %get3A_138 = arith.index_cast %add3A_133 : i32 to index
          %get3A_139 = tpu.vector_load %arg9[%get3A_136, %get3A_137, %get3A_138] {strides = array<i32>} : memref<2x1x4000xi32, #tpu.memory_space<vmem>>, vector<16xi32>,
          %sub3A_140 = arith.subi %get3A_139, %get3A_130 : vector<16xi32>
          %mul3A_141 = arith.muli %sub3A_140, %add3A_35 : vector<16xi32>
          %add3A_142 = arith.addi %get3A_130, %mul3A_141 : vector<16xi32>
          %mul3A_143 = arith.constant 16 : i32
          %mul3A_144 = arith.muli %scan3A_122, %mul3A_143 : i32
          %swap3A = arith.index_cast %mul3A_144 : i32 to index
          %swap3A_145 = tpu.vector_load %arg11[%swap3A] {strides = array<i32>} : memref<80xi32, #tpu.memory_space<vmem>>, vector<16xi32>,
          tpu.vector_store %arg11[%swap3A], %add3A_142 {strides = array<i32>} : memref<80xi32, #tpu.memory_space<vmem>>, vector<16xi32>,
          %sub3A_146 = arith.subi %get3A_139, %mul3A_141 : vector<16xi32>
          %mul3A_147 = arith.constant 16 : i32
          %mul3A_148 = arith.muli %scan3A_122, %mul3A_147 : i32
          %swap3A_149 = arith.index_cast %mul3A_148 : i32 to index
          %swap3A_150 = tpu.vector_load %arg13[%swap3A_149] {strides = array<i32>} : memref<80xi32, #tpu.memory_space<vmem>>, vector<16xi32>,
          tpu.vector_store %arg13[%swap3A_149], %sub3A_146 {strides = array<i32>} : memref<80xi32, #tpu.memory_space<vmem>>, vector<16xi32>,
          tpu.vector_store_idx %arg14[%add3A_142], %broadcast_in_dim3A_37 {add = true} : memref<10240xf32, #tpu.memory_space<vmem>>[vector<16xi32>], vector<16xf32>,
        }
        %scan3A_99 = arith.constant 5 : i32
        %dma_wait3A = arith.constant 0 : i32
        %dma_wait3A_100 = arith.constant 0 : i32
        %dma_wait3A_101 = tpu.memref_slice %arg2[%sub3A_87, %dma_wait3A, %dma_wait3A_100] : memref<2x10000x128xf32, #tpu.memory_space<hbm>> -> memref<1x10000x128xf32, #tpu.memory_space<hbm>>
        %dma_wait3A_102 = tpu.memref_squeeze %dma_wait3A_101 : memref<1x10000x128xf32, #tpu.memory_space<hbm>> -> memref<10000x128xf32, #tpu.memory_space<hbm>>
        %dma_wait3A_103 = arith.constant 0 : i32
        %dma_wait3A_104 = arith.constant 0 : i32
        %dma_wait3A_105 = tpu.memref_slice %dma_wait3A_102[%dma_wait3A_103, %dma_wait3A_104] : memref<10000x128xf32, #tpu.memory_space<hbm>> -> memref<10000x128xf32, #tpu.memory_space<hbm>>
        tpu.wait_indirect_dma semaphore(%arg16 : memref<!tpu.dma_semaphore, #tpu.memory_space<semaphore_mem>>) src(%dma_wait3A_105 : memref<10000x128xf32, #tpu.memory_space<hbm>>) dst(%arg7 : memref<80x128xf32, #tpu.memory_space<vmem>>)
        %sub3A_106 = arith.constant 1 : i32
        %sub3A_107 = arith.subi %sub3A_106, %arg0 : i32
        %dma_start3A_108 = arith.constant 0 : i32
        %dma_start3A_109 = arith.constant 0 : i32
        %dma_start3A_110 = tpu.memref_slice %arg2[%sub3A_107, %dma_start3A_108, %dma_start3A_109] : memref<2x10000x128xf32, #tpu.memory_space<hbm>> -> memref<1x10000x128xf32, #tpu.memory_space<hbm>>
        %dma_start3A_111 = tpu.memref_squeeze %dma_start3A_110 : memref<1x10000x128xf32, #tpu.memory_space<hbm>> -> memref<10000x128xf32, #tpu.memory_space<hbm>>
        %dma_start3A_112 = arith.constant 0 : i32
        %dma_start3A_113 = arith.constant 0 : i32
        %dma_start3A_114 = tpu.memref_slice %dma_start3A_111[%dma_start3A_112, %dma_start3A_113] : memref<10000x128xf32, #tpu.memory_space<hbm>> -> memref<10000x128xf32, #tpu.memory_space<hbm>>
        tpu.enqueue_indirect_dma source(%dma_start3A_114 : memref<10000x128xf32, #tpu.memory_space<hbm>>) target(%arg8 : memref<80x128xf32, #tpu.memory_space<vmem>>) offsets(%arg13 : memref<80xi32, #tpu.memory_space<vmem>>) semaphore(%arg17 : memref<!tpu.dma_semaphore, #tpu.memory_space<semaphore_mem>>)
        "tpu.region"() ({
          %run_scoped3A_122 = tpu.sem_alloc : memref<!tpu.dma_semaphore, #tpu.memory_space<semaphore_mem>>
          %dma_start3A_123 = arith.constant 0 : i32
          %dma_start3A_124 = arith.constant 0 : i32
          %dma_start3A_125 = tpu.memref_slice %arg15[%dma_start3A_123, %dma_start3A_124] : memref<10240x128xf32, #tpu.memory_space<vmem_shared>> -> memref<10240x128xf32, #tpu.memory_space<vmem_shared>>
          tpu.enqueue_indirect_dma source(%arg7 : memref<80x128xf32, #tpu.memory_space<vmem>>) target(%dma_start3A_125 : memref<10240x128xf32, #tpu.memory_space<vmem_shared>>) offsets(%arg10 : memref<80xi32, #tpu.memory_space<vmem>>) semaphore(%run_scoped3A_122 : memref<!tpu.dma_semaphore, #tpu.memory_space<semaphore_mem>>) {add = true}
          %dma_wait3A_126 = arith.constant 0 : i32
          %dma_wait3A_127 = arith.constant 0 : i32
          %dma_wait3A_128 = tpu.memref_slice %arg15[%dma_wait3A_126, %dma_wait3A_127] : memref<10240x128xf32, #tpu.memory_space<vmem_shared>> -> memref<10240x128xf32, #tpu.memory_space<vmem_shared>>
          tpu.wait_indirect_dma semaphore(%run_scoped3A_122 : memref<!tpu.dma_semaphore, #tpu.memory_space<semaphore_mem>>) src(%arg7 : memref<80x128xf32, #tpu.memory_space<vmem>>) dst(%dma_wait3A_128 : memref<10240x128xf32, #tpu.memory_space<vmem_shared>>)
          tpu.yield
        }) : () -> ()
        %dma_wait3A_115 = arith.constant 0 : i32
        %dma_wait3A_116 = arith.constant 0 : i32
        %dma_wait3A_117 = tpu.memref_slice %arg2[%sub3A_107, %dma_wait3A_115, %dma_wait3A_116] : memref<2x10000x128xf32, #tpu.memory_space<hbm>> -> memref<1x10000x128xf32, #tpu.memory_space<hbm>>
        %dma_wait3A_118 = tpu.memref_squeeze %dma_wait3A_117 : memref<1x10000x128xf32, #tpu.memory_space<hbm>> -> memref<10000x128xf32, #tpu.memory_space<hbm>>
        %dma_wait3A_119 = arith.constant 0 : i32
        %dma_wait3A_120 = arith.constant 0 : i32
        %dma_wait3A_121 = tpu.memref_slice %dma_wait3A_118[%dma_wait3A_119, %dma_wait3A_120] : memref<10000x128xf32, #tpu.memory_space<hbm>> -> memref<10000x128xf32, #tpu.memory_space<hbm>>
        tpu.wait_indirect_dma semaphore(%arg17 : memref<!tpu.dma_semaphore, #tpu.memory_space<semaphore_mem>>) src(%dma_wait3A_121 : memref<10000x128xf32, #tpu.memory_space<hbm>>) dst(%arg8 : memref<80x128xf32, #tpu.memory_space<vmem>>)
        "tpu.region"() ({
          %run_scoped3A_122 = tpu.sem_alloc : memref<!tpu.dma_semaphore, #tpu.memory_space<semaphore_mem>>
          %dma_start3A_123 = arith.constant 0 : i32
          %dma_start3A_124 = arith.constant 0 : i32
          %dma_start3A_125 = tpu.memref_slice %arg15[%dma_start3A_123, %dma_start3A_124] : memref<10240x128xf32, #tpu.memory_space<vmem_shared>> -> memref<10240x128xf32, #tpu.memory_space<vmem_shared>>
          tpu.enqueue_indirect_dma source(%arg8 : memref<80x128xf32, #tpu.memory_space<vmem>>) target(%dma_start3A_125 : memref<10240x128xf32, #tpu.memory_space<vmem_shared>>) offsets(%arg11 : memref<80xi32, #tpu.memory_space<vmem>>) semaphore(%run_scoped3A_122 : memref<!tpu.dma_semaphore, #tpu.memory_space<semaphore_mem>>) {add = true}
          %dma_wait3A_126 = arith.constant 0 : i32
          %dma_wait3A_127 = arith.constant 0 : i32
          %dma_wait3A_128 = tpu.memref_slice %arg15[%dma_wait3A_126, %dma_wait3A_127] : memref<10240x128xf32, #tpu.memory_space<vmem_shared>> -> memref<10240x128xf32, #tpu.memory_space<vmem_shared>>
          tpu.wait_indirect_dma semaphore(%run_scoped3A_122 : memref<!tpu.dma_semaphore, #tpu.memory_space<semaphore_mem>>) src(%arg8 : memref<80x128xf32, #tpu.memory_space<vmem>>) dst(%dma_wait3A_128 : memref<10240x128xf32, #tpu.memory_space<vmem_shared>>)
          tpu.yield
        }) : () -> ()
      }
      %scan3A_73 = arith.constant 25 : i32
    }
    %scan3A_43 = arith.constant 5 : i32
    "tpu.region"() ({
      %run_scoped3A = tpu.sem_alloc : memref<!tpu.dma_semaphore, #tpu.memory_space<semaphore_mem>>
      %dma_start3A = arith.constant 0 : i32
      %dma_start3A_61 = tpu.memref_slice %arg6[%arg0, %arg1, %dma_start3A] : memref<2x16x10240xf32, #tpu.memory_space<hbm>> -> memref<1x1x10240xf32, #tpu.memory_space<hbm>>
      %dma_start3A_62 = tpu.memref_squeeze %dma_start3A_61 : memref<1x1x10240xf32, #tpu.memory_space<hbm>> -> memref<10240xf32, #tpu.memory_space<hbm>>
      %dma_start3A_63 = arith.constant 0 : i32
      %dma_start3A_64 = tpu.memref_slice %arg6[%arg0, %arg1, %dma_start3A_63] : memref<2x16x10240xf32, #tpu.memory_space<hbm>> -> memref<1x1x10240xf32, #tpu.memory_space<hbm>>
      %dma_start3A_65 = tpu.memref_squeeze %dma_start3A_64 : memref<1x1x10240xf32, #tpu.memory_space<hbm>> -> memref<10240xf32, #tpu.memory_space<hbm>>
      tpu.enqueue_dma source(%arg14 : memref<10240xf32, #tpu.memory_space<vmem>>) target(%dma_start3A_65 : memref<10240xf32, #tpu.memory_space<hbm>>) target_semaphore(%run_scoped3A : memref<!tpu.dma_semaphore, #tpu.memory_space<semaphore_mem>>)
      %dma_wait3A = arith.constant 0 : i32
      %dma_wait3A_66 = tpu.memref_slice %arg6[%arg0, %arg1, %dma_wait3A] : memref<2x16x10240xf32, #tpu.memory_space<hbm>> -> memref<1x1x10240xf32, #tpu.memory_space<hbm>>
      %dma_wait3A_67 = tpu.memref_squeeze %dma_wait3A_66 : memref<1x1x10240xf32, #tpu.memory_space<hbm>> -> memref<10240xf32, #tpu.memory_space<hbm>>
      %dma_wait3A_68 = arith.constant 0 : i32
      %dma_wait3A_69 = tpu.memref_slice %arg6[%arg0, %arg1, %dma_wait3A_68] : memref<2x16x10240xf32, #tpu.memory_space<hbm>> -> memref<1x1x10240xf32, #tpu.memory_space<hbm>>
      %dma_wait3A_70 = tpu.memref_squeeze %dma_wait3A_69 : memref<1x1x10240xf32, #tpu.memory_space<hbm>> -> memref<10240xf32, #tpu.memory_space<hbm>>
      tpu.wait_dma2 semaphore(%run_scoped3A : memref<!tpu.dma_semaphore, #tpu.memory_space<semaphore_mem>>) src(%arg14 : memref<10240xf32, #tpu.memory_space<vmem>>) dst(%dma_wait3A_70 : memref<10240xf32, #tpu.memory_space<hbm>>)
      tpu.yield
    }) : () -> ()
    %barrier3A_44 = arith.constant 0 : index
    tpu.barrier barrier_id(%barrier3A_44)
    %add3A_45 = arith.constant 0 : i32
    %add3A_46 = arith.addi %mul3A_6, %add3A_45 : i32
    "tpu.region"() ({
      %run_scoped3A = tpu.sem_alloc : memref<!tpu.dma_semaphore, #tpu.memory_space<semaphore_mem>>
      %dma_start3A = arith.constant 0 : i32
      %dma_start3A_61 = tpu.memref_slice %arg15[%add3A_46, %dma_start3A] : memref<10240x128xf32, #tpu.memory_space<vmem_shared>> -> memref<80x128xf32, #tpu.memory_space<vmem_shared>>
      %dma_start3A_62 = arith.constant 0 : i32
      %dma_start3A_63 = tpu.memref_slice %arg15[%add3A_46, %dma_start3A_62] : memref<10240x128xf32, #tpu.memory_space<vmem_shared>> -> memref<80x128xf32, #tpu.memory_space<vmem_shared>>
      tpu.enqueue_dma source(%dma_start3A_63 : memref<80x128xf32, #tpu.memory_space<vmem_shared>>) target(%arg7 : memref<80x128xf32, #tpu.memory_space<vmem>>) target_semaphore(%run_scoped3A : memref<!tpu.dma_semaphore, #tpu.memory_space<semaphore_mem>>)
      %dma_wait3A = arith.constant 0 : i32
      %dma_wait3A_64 = tpu.memref_slice %arg15[%add3A_46, %dma_wait3A] : memref<10240x128xf32, #tpu.memory_space<vmem_shared>> -> memref<80x128xf32, #tpu.memory_space<vmem_shared>>
      %dma_wait3A_65 = arith.constant 0 : i32
      %dma_wait3A_66 = tpu.memref_slice %arg15[%add3A_46, %dma_wait3A_65] : memref<10240x128xf32, #tpu.memory_space<vmem_shared>> -> memref<80x128xf32, #tpu.memory_space<vmem_shared>>
      tpu.wait_dma2 semaphore(%run_scoped3A : memref<!tpu.dma_semaphore, #tpu.memory_space<semaphore_mem>>) src(%dma_wait3A_66 : memref<80x128xf32, #tpu.memory_space<vmem_shared>>) dst(%arg7 : memref<80x128xf32, #tpu.memory_space<vmem>>)
      tpu.yield
    }) : () -> ()
    "tpu.region"() ({
      %run_scoped3A = tpu.sem_alloc : memref<!tpu.dma_semaphore, #tpu.memory_space<semaphore_mem>>
      %dma_start3A = arith.constant 0 : i32
      %dma_start3A_61 = tpu.memref_slice %arg5[%arg0, %add3A_46, %dma_start3A] : memref<2x10240x128xf32, #tpu.memory_space<hbm>> -> memref<1x80x128xf32, #tpu.memory_space<hbm>>
      %dma_start3A_62 = tpu.memref_squeeze %dma_start3A_61 : memref<1x80x128xf32, #tpu.memory_space<hbm>> -> memref<80x128xf32, #tpu.memory_space<hbm>>
      %dma_start3A_63 = arith.constant 0 : i32
      %dma_start3A_64 = tpu.memref_slice %arg5[%arg0, %add3A_46, %dma_start3A_63] : memref<2x10240x128xf32, #tpu.memory_space<hbm>> -> memref<1x80x128xf32, #tpu.memory_space<hbm>>
      %dma_start3A_65 = tpu.memref_squeeze %dma_start3A_64 : memref<1x80x128xf32, #tpu.memory_space<hbm>> -> memref<80x128xf32, #tpu.memory_space<hbm>>
      tpu.enqueue_dma source(%arg7 : memref<80x128xf32, #tpu.memory_space<vmem>>) target(%dma_start3A_65 : memref<80x128xf32, #tpu.memory_space<hbm>>) target_semaphore(%run_scoped3A : memref<!tpu.dma_semaphore, #tpu.memory_space<semaphore_mem>>)
      %dma_wait3A = arith.constant 0 : i32
      %dma_wait3A_66 = tpu.memref_slice %arg5[%arg0, %add3A_46, %dma_wait3A] : memref<2x10240x128xf32, #tpu.memory_space<hbm>> -> memref<1x80x128xf32, #tpu.memory_space<hbm>>
      %dma_wait3A_67 = tpu.memref_squeeze %dma_wait3A_66 : memref<1x80x128xf32, #tpu.memory_space<hbm>> -> memref<80x128xf32, #tpu.memory_space<hbm>>
      %dma_wait3A_68 = arith.constant 0 : i32
      %dma_wait3A_69 = tpu.memref_slice %arg5[%arg0, %add3A_46, %dma_wait3A_68] : memref<2x10240x128xf32, #tpu.memory_space<hbm>> -> memref<1x80x128xf32, #tpu.memory_space<hbm>>
      %dma_wait3A_70 = tpu.memref_squeeze %dma_wait3A_69 : memref<1x80x128xf32, #tpu.memory_space<hbm>> -> memref<80x128xf32, #tpu.memory_space<hbm>>
      tpu.wait_dma2 semaphore(%run_scoped3A : memref<!tpu.dma_semaphore, #tpu.memory_space<semaphore_mem>>) src(%arg7 : memref<80x128xf32, #tpu.memory_space<vmem>>) dst(%dma_wait3A_70 : memref<80x128xf32, #tpu.memory_space<hbm>>)
      tpu.yield
    }) : () -> ()
    %add3A_47 = arith.constant 80 : i32
    %add3A_48 = arith.addi %mul3A_6, %add3A_47 : i32
    "tpu.region"() ({
      %run_scoped3A = tpu.sem_alloc : memref<!tpu.dma_semaphore, #tpu.memory_space<semaphore_mem>>
      %dma_start3A = arith.constant 0 : i32
      %dma_start3A_61 = tpu.memref_slice %arg15[%add3A_48, %dma_start3A] : memref<10240x128xf32, #tpu.memory_space<vmem_shared>> -> memref<80x128xf32, #tpu.memory_space<vmem_shared>>
      %dma_start3A_62 = arith.constant 0 : i32
      %dma_start3A_63 = tpu.memref_slice %arg15[%add3A_48, %dma_start3A_62] : memref<10240x128xf32, #tpu.memory_space<vmem_shared>> -> memref<80x128xf32, #tpu.memory_space<vmem_shared>>
      tpu.enqueue_dma source(%dma_start3A_63 : memref<80x128xf32, #tpu.memory_space<vmem_shared>>) target(%arg7 : memref<80x128xf32, #tpu.memory_space<vmem>>) target_semaphore(%run_scoped3A : memref<!tpu.dma_semaphore, #tpu.memory_space<semaphore_mem>>)
      %dma_wait3A = arith.constant 0 : i32
      %dma_wait3A_64 = tpu.memref_slice %arg15[%add3A_48, %dma_wait3A] : memref<10240x128xf32, #tpu.memory_space<vmem_shared>> -> memref<80x128xf32, #tpu.memory_space<vmem_shared>>
      %dma_wait3A_65 = arith.constant 0 : i32
      %dma_wait3A_66 = tpu.memref_slice %arg15[%add3A_48, %dma_wait3A_65] : memref<10240x128xf32, #tpu.memory_space<vmem_shared>> -> memref<80x128xf32, #tpu.memory_space<vmem_shared>>
      tpu.wait_dma2 semaphore(%run_scoped3A : memref<!tpu.dma_semaphore, #tpu.memory_space<semaphore_mem>>) src(%dma_wait3A_66 : memref<80x128xf32, #tpu.memory_space<vmem_shared>>) dst(%arg7 : memref<80x128xf32, #tpu.memory_space<vmem>>)
      tpu.yield
    }) : () -> ()
    "tpu.region"() ({
      %run_scoped3A = tpu.sem_alloc : memref<!tpu.dma_semaphore, #tpu.memory_space<semaphore_mem>>
      %dma_start3A = arith.constant 0 : i32
      %dma_start3A_61 = tpu.memref_slice %arg5[%arg0, %add3A_48, %dma_start3A] : memref<2x10240x128xf32, #tpu.memory_space<hbm>> -> memref<1x80x128xf32, #tpu.memory_space<hbm>>
      %dma_start3A_62 = tpu.memref_squeeze %dma_start3A_61 : memref<1x80x128xf32, #tpu.memory_space<hbm>> -> memref<80x128xf32, #tpu.memory_space<hbm>>
      %dma_start3A_63 = arith.constant 0 : i32
      %dma_start3A_64 = tpu.memref_slice %arg5[%arg0, %add3A_48, %dma_start3A_63] : memref<2x10240x128xf32, #tpu.memory_space<hbm>> -> memref<1x80x128xf32, #tpu.memory_space<hbm>>
      %dma_start3A_65 = tpu.memref_squeeze %dma_start3A_64 : memref<1x80x128xf32, #tpu.memory_space<hbm>> -> memref<80x128xf32, #tpu.memory_space<hbm>>
      tpu.enqueue_dma source(%arg7 : memref<80x128xf32, #tpu.memory_space<vmem>>) target(%dma_start3A_65 : memref<80x128xf32, #tpu.memory_space<hbm>>) target_semaphore(%run_scoped3A : memref<!tpu.dma_semaphore, #tpu.memory_space<semaphore_mem>>)
      %dma_wait3A = arith.constant 0 : i32
      %dma_wait3A_66 = tpu.memref_slice %arg5[%arg0, %add3A_48, %dma_wait3A] : memref<2x10240x128xf32, #tpu.memory_space<hbm>> -> memref<1x80x128xf32, #tpu.memory_space<hbm>>
      %dma_wait3A_67 = tpu.memref_squeeze %dma_wait3A_66 : memref<1x80x128xf32, #tpu.memory_space<hbm>> -> memref<80x128xf32, #tpu.memory_space<hbm>>
      %dma_wait3A_68 = arith.constant 0 : i32
      %dma_wait3A_69 = tpu.memref_slice %arg5[%arg0, %add3A_48, %dma_wait3A_68] : memref<2x10240x128xf32, #tpu.memory_space<hbm>> -> memref<1x80x128xf32, #tpu.memory_space<hbm>>
      %dma_wait3A_70 = tpu.memref_squeeze %dma_wait3A_69 : memref<1x80x128xf32, #tpu.memory_space<hbm>> -> memref<80x128xf32, #tpu.memory_space<hbm>>
      tpu.wait_dma2 semaphore(%run_scoped3A : memref<!tpu.dma_semaphore, #tpu.memory_space<semaphore_mem>>) src(%arg7 : memref<80x128xf32, #tpu.memory_space<vmem>>) dst(%dma_wait3A_70 : memref<80x128xf32, #tpu.memory_space<hbm>>)
      tpu.yield
    }) : () -> ()
    %add3A_49 = arith.constant 160 : i32
    %add3A_50 = arith.addi %mul3A_6, %add3A_49 : i32
    "tpu.region"() ({
      %run_scoped3A = tpu.sem_alloc : memref<!tpu.dma_semaphore, #tpu.memory_space<semaphore_mem>>
      %dma_start3A = arith.constant 0 : i32
      %dma_start3A_61 = tpu.memref_slice %arg15[%add3A_50, %dma_start3A] : memref<10240x128xf32, #tpu.memory_space<vmem_shared>> -> memref<80x128xf32, #tpu.memory_space<vmem_shared>>
      %dma_start3A_62 = arith.constant 0 : i32
      %dma_start3A_63 = tpu.memref_slice %arg15[%add3A_50, %dma_start3A_62] : memref<10240x128xf32, #tpu.memory_space<vmem_shared>> -> memref<80x128xf32, #tpu.memory_space<vmem_shared>>
      tpu.enqueue_dma source(%dma_start3A_63 : memref<80x128xf32, #tpu.memory_space<vmem_shared>>) target(%arg7 : memref<80x128xf32, #tpu.memory_space<vmem>>) target_semaphore(%run_scoped3A : memref<!tpu.dma_semaphore, #tpu.memory_space<semaphore_mem>>)
      %dma_wait3A = arith.constant 0 : i32
      %dma_wait3A_64 = tpu.memref_slice %arg15[%add3A_50, %dma_wait3A] : memref<10240x128xf32, #tpu.memory_space<vmem_shared>> -> memref<80x128xf32, #tpu.memory_space<vmem_shared>>
      %dma_wait3A_65 = arith.constant 0 : i32
      %dma_wait3A_66 = tpu.memref_slice %arg15[%add3A_50, %dma_wait3A_65] : memref<10240x128xf32, #tpu.memory_space<vmem_shared>> -> memref<80x128xf32, #tpu.memory_space<vmem_shared>>
      tpu.wait_dma2 semaphore(%run_scoped3A : memref<!tpu.dma_semaphore, #tpu.memory_space<semaphore_mem>>) src(%dma_wait3A_66 : memref<80x128xf32, #tpu.memory_space<vmem_shared>>) dst(%arg7 : memref<80x128xf32, #tpu.memory_space<vmem>>)
      tpu.yield
    }) : () -> ()
    "tpu.region"() ({
      %run_scoped3A = tpu.sem_alloc : memref<!tpu.dma_semaphore, #tpu.memory_space<semaphore_mem>>
      %dma_start3A = arith.constant 0 : i32
      %dma_start3A_61 = tpu.memref_slice %arg5[%arg0, %add3A_50, %dma_start3A] : memref<2x10240x128xf32, #tpu.memory_space<hbm>> -> memref<1x80x128xf32, #tpu.memory_space<hbm>>
      %dma_start3A_62 = tpu.memref_squeeze %dma_start3A_61 : memref<1x80x128xf32, #tpu.memory_space<hbm>> -> memref<80x128xf32, #tpu.memory_space<hbm>>
      %dma_start3A_63 = arith.constant 0 : i32
      %dma_start3A_64 = tpu.memref_slice %arg5[%arg0, %add3A_50, %dma_start3A_63] : memref<2x10240x128xf32, #tpu.memory_space<hbm>> -> memref<1x80x128xf32, #tpu.memory_space<hbm>>
      %dma_start3A_65 = tpu.memref_squeeze %dma_start3A_64 : memref<1x80x128xf32, #tpu.memory_space<hbm>> -> memref<80x128xf32, #tpu.memory_space<hbm>>
      tpu.enqueue_dma source(%arg7 : memref<80x128xf32, #tpu.memory_space<vmem>>) target(%dma_start3A_65 : memref<80x128xf32, #tpu.memory_space<hbm>>) target_semaphore(%run_scoped3A : memref<!tpu.dma_semaphore, #tpu.memory_space<semaphore_mem>>)
      %dma_wait3A = arith.constant 0 : i32
      %dma_wait3A_66 = tpu.memref_slice %arg5[%arg0, %add3A_50, %dma_wait3A] : memref<2x10240x128xf32, #tpu.memory_space<hbm>> -> memref<1x80x128xf32, #tpu.memory_space<hbm>>
      %dma_wait3A_67 = tpu.memref_squeeze %dma_wait3A_66 : memref<1x80x128xf32, #tpu.memory_space<hbm>> -> memref<80x128xf32, #tpu.memory_space<hbm>>
      %dma_wait3A_68 = arith.constant 0 : i32
      %dma_wait3A_69 = tpu.memref_slice %arg5[%arg0, %add3A_50, %dma_wait3A_68] : memref<2x10240x128xf32, #tpu.memory_space<hbm>> -> memref<1x80x128xf32, #tpu.memory_space<hbm>>
      %dma_wait3A_70 = tpu.memref_squeeze %dma_wait3A_69 : memref<1x80x128xf32, #tpu.memory_space<hbm>> -> memref<80x128xf32, #tpu.memory_space<hbm>>
      tpu.wait_dma2 semaphore(%run_scoped3A : memref<!tpu.dma_semaphore, #tpu.memory_space<semaphore_mem>>) src(%arg7 : memref<80x128xf32, #tpu.memory_space<vmem>>) dst(%dma_wait3A_70 : memref<80x128xf32, #tpu.memory_space<hbm>>)
      tpu.yield
    }) : () -> ()
    %add3A_51 = arith.constant 240 : i32
    %add3A_52 = arith.addi %mul3A_6, %add3A_51 : i32
    "tpu.region"() ({
      %run_scoped3A = tpu.sem_alloc : memref<!tpu.dma_semaphore, #tpu.memory_space<semaphore_mem>>
      %dma_start3A = arith.constant 0 : i32
      %dma_start3A_61 = tpu.memref_slice %arg15[%add3A_52, %dma_start3A] : memref<10240x128xf32, #tpu.memory_space<vmem_shared>> -> memref<80x128xf32, #tpu.memory_space<vmem_shared>>
      %dma_start3A_62 = arith.constant 0 : i32
      %dma_start3A_63 = tpu.memref_slice %arg15[%add3A_52, %dma_start3A_62] : memref<10240x128xf32, #tpu.memory_space<vmem_shared>> -> memref<80x128xf32, #tpu.memory_space<vmem_shared>>
      tpu.enqueue_dma source(%dma_start3A_63 : memref<80x128xf32, #tpu.memory_space<vmem_shared>>) target(%arg7 : memref<80x128xf32, #tpu.memory_space<vmem>>) target_semaphore(%run_scoped3A : memref<!tpu.dma_semaphore, #tpu.memory_space<semaphore_mem>>)
      %dma_wait3A = arith.constant 0 : i32
      %dma_wait3A_64 = tpu.memref_slice %arg15[%add3A_52, %dma_wait3A] : memref<10240x128xf32, #tpu.memory_space<vmem_shared>> -> memref<80x128xf32, #tpu.memory_space<vmem_shared>>
      %dma_wait3A_65 = arith.constant 0 : i32
      %dma_wait3A_66 = tpu.memref_slice %arg15[%add3A_52, %dma_wait3A_65] : memref<10240x128xf32, #tpu.memory_space<vmem_shared>> -> memref<80x128xf32, #tpu.memory_space<vmem_shared>>
      tpu.wait_dma2 semaphore(%run_scoped3A : memref<!tpu.dma_semaphore, #tpu.memory_space<semaphore_mem>>) src(%dma_wait3A_66 : memref<80x128xf32, #tpu.memory_space<vmem_shared>>) dst(%arg7 : memref<80x128xf32, #tpu.memory_space<vmem>>)
      tpu.yield
    }) : () -> ()
    "tpu.region"() ({
      %run_scoped3A = tpu.sem_alloc : memref<!tpu.dma_semaphore, #tpu.memory_space<semaphore_mem>>
      %dma_start3A = arith.constant 0 : i32
      %dma_start3A_61 = tpu.memref_slice %arg5[%arg0, %add3A_52, %dma_start3A] : memref<2x10240x128xf32, #tpu.memory_space<hbm>> -> memref<1x80x128xf32, #tpu.memory_space<hbm>>
      %dma_start3A_62 = tpu.memref_squeeze %dma_start3A_61 : memref<1x80x128xf32, #tpu.memory_space<hbm>> -> memref<80x128xf32, #tpu.memory_space<hbm>>
      %dma_start3A_63 = arith.constant 0 : i32
      %dma_start3A_64 = tpu.memref_slice %arg5[%arg0, %add3A_52, %dma_start3A_63] : memref<2x10240x128xf32, #tpu.memory_space<hbm>> -> memref<1x80x128xf32, #tpu.memory_space<hbm>>
      %dma_start3A_65 = tpu.memref_squeeze %dma_start3A_64 : memref<1x80x128xf32, #tpu.memory_space<hbm>> -> memref<80x128xf32, #tpu.memory_space<hbm>>
      tpu.enqueue_dma source(%arg7 : memref<80x128xf32, #tpu.memory_space<vmem>>) target(%dma_start3A_65 : memref<80x128xf32, #tpu.memory_space<hbm>>) target_semaphore(%run_scoped3A : memref<!tpu.dma_semaphore, #tpu.memory_space<semaphore_mem>>)
      %dma_wait3A = arith.constant 0 : i32
      %dma_wait3A_66 = tpu.memref_slice %arg5[%arg0, %add3A_52, %dma_wait3A] : memref<2x10240x128xf32, #tpu.memory_space<hbm>> -> memref<1x80x128xf32, #tpu.memory_space<hbm>>
      %dma_wait3A_67 = tpu.memref_squeeze %dma_wait3A_66 : memref<1x80x128xf32, #tpu.memory_space<hbm>> -> memref<80x128xf32, #tpu.memory_space<hbm>>
      %dma_wait3A_68 = arith.constant 0 : i32
      %dma_wait3A_69 = tpu.memref_slice %arg5[%arg0, %add3A_52, %dma_wait3A_68] : memref<2x10240x128xf32, #tpu.memory_space<hbm>> -> memref<1x80x128xf32, #tpu.memory_space<hbm>>
      %dma_wait3A_70 = tpu.memref_squeeze %dma_wait3A_69 : memref<1x80x128xf32, #tpu.memory_space<hbm>> -> memref<80x128xf32, #tpu.memory_space<hbm>>
      tpu.wait_dma2 semaphore(%run_scoped3A : memref<!tpu.dma_semaphore, #tpu.memory_space<semaphore_mem>>) src(%arg7 : memref<80x128xf32, #tpu.memory_space<vmem>>) dst(%dma_wait3A_70 : memref<80x128xf32, #tpu.memory_space<hbm>>)
      tpu.yield
    }) : () -> ()
    %add3A_53 = arith.constant 320 : i32
    %add3A_54 = arith.addi %mul3A_6, %add3A_53 : i32
    "tpu.region"() ({
      %run_scoped3A = tpu.sem_alloc : memref<!tpu.dma_semaphore, #tpu.memory_space<semaphore_mem>>
      %dma_start3A = arith.constant 0 : i32
      %dma_start3A_61 = tpu.memref_slice %arg15[%add3A_54, %dma_start3A] : memref<10240x128xf32, #tpu.memory_space<vmem_shared>> -> memref<80x128xf32, #tpu.memory_space<vmem_shared>>
      %dma_start3A_62 = arith.constant 0 : i32
      %dma_start3A_63 = tpu.memref_slice %arg15[%add3A_54, %dma_start3A_62] : memref<10240x128xf32, #tpu.memory_space<vmem_shared>> -> memref<80x128xf32, #tpu.memory_space<vmem_shared>>
      tpu.enqueue_dma source(%dma_start3A_63 : memref<80x128xf32, #tpu.memory_space<vmem_shared>>) target(%arg7 : memref<80x128xf32, #tpu.memory_space<vmem>>) target_semaphore(%run_scoped3A : memref<!tpu.dma_semaphore, #tpu.memory_space<semaphore_mem>>)
      %dma_wait3A = arith.constant 0 : i32
      %dma_wait3A_64 = tpu.memref_slice %arg15[%add3A_54, %dma_wait3A] : memref<10240x128xf32, #tpu.memory_space<vmem_shared>> -> memref<80x128xf32, #tpu.memory_space<vmem_shared>>
      %dma_wait3A_65 = arith.constant 0 : i32
      %dma_wait3A_66 = tpu.memref_slice %arg15[%add3A_54, %dma_wait3A_65] : memref<10240x128xf32, #tpu.memory_space<vmem_shared>> -> memref<80x128xf32, #tpu.memory_space<vmem_shared>>
      tpu.wait_dma2 semaphore(%run_scoped3A : memref<!tpu.dma_semaphore, #tpu.memory_space<semaphore_mem>>) src(%dma_wait3A_66 : memref<80x128xf32, #tpu.memory_space<vmem_shared>>) dst(%arg7 : memref<80x128xf32, #tpu.memory_space<vmem>>)
      tpu.yield
    }) : () -> ()
    "tpu.region"() ({
      %run_scoped3A = tpu.sem_alloc : memref<!tpu.dma_semaphore, #tpu.memory_space<semaphore_mem>>
      %dma_start3A = arith.constant 0 : i32
      %dma_start3A_61 = tpu.memref_slice %arg5[%arg0, %add3A_54, %dma_start3A] : memref<2x10240x128xf32, #tpu.memory_space<hbm>> -> memref<1x80x128xf32, #tpu.memory_space<hbm>>
      %dma_start3A_62 = tpu.memref_squeeze %dma_start3A_61 : memref<1x80x128xf32, #tpu.memory_space<hbm>> -> memref<80x128xf32, #tpu.memory_space<hbm>>
      %dma_start3A_63 = arith.constant 0 : i32
      %dma_start3A_64 = tpu.memref_slice %arg5[%arg0, %add3A_54, %dma_start3A_63] : memref<2x10240x128xf32, #tpu.memory_space<hbm>> -> memref<1x80x128xf32, #tpu.memory_space<hbm>>
      %dma_start3A_65 = tpu.memref_squeeze %dma_start3A_64 : memref<1x80x128xf32, #tpu.memory_space<hbm>> -> memref<80x128xf32, #tpu.memory_space<hbm>>
      tpu.enqueue_dma source(%arg7 : memref<80x128xf32, #tpu.memory_space<vmem>>) target(%dma_start3A_65 : memref<80x128xf32, #tpu.memory_space<hbm>>) target_semaphore(%run_scoped3A : memref<!tpu.dma_semaphore, #tpu.memory_space<semaphore_mem>>)
      %dma_wait3A = arith.constant 0 : i32
      %dma_wait3A_66 = tpu.memref_slice %arg5[%arg0, %add3A_54, %dma_wait3A] : memref<2x10240x128xf32, #tpu.memory_space<hbm>> -> memref<1x80x128xf32, #tpu.memory_space<hbm>>
      %dma_wait3A_67 = tpu.memref_squeeze %dma_wait3A_66 : memref<1x80x128xf32, #tpu.memory_space<hbm>> -> memref<80x128xf32, #tpu.memory_space<hbm>>
      %dma_wait3A_68 = arith.constant 0 : i32
      %dma_wait3A_69 = tpu.memref_slice %arg5[%arg0, %add3A_54, %dma_wait3A_68] : memref<2x10240x128xf32, #tpu.memory_space<hbm>> -> memref<1x80x128xf32, #tpu.memory_space<hbm>>
      %dma_wait3A_70 = tpu.memref_squeeze %dma_wait3A_69 : memref<1x80x128xf32, #tpu.memory_space<hbm>> -> memref<80x128xf32, #tpu.memory_space<hbm>>
      tpu.wait_dma2 semaphore(%run_scoped3A : memref<!tpu.dma_semaphore, #tpu.memory_space<semaphore_mem>>) src(%arg7 : memref<80x128xf32, #tpu.memory_space<vmem>>) dst(%dma_wait3A_70 : memref<80x128xf32, #tpu.memory_space<hbm>>)
      tpu.yield
    }) : () -> ()
    %add3A_55 = arith.constant 400 : i32
    %add3A_56 = arith.addi %mul3A_6, %add3A_55 : i32
    "tpu.region"() ({
      %run_scoped3A = tpu.sem_alloc : memref<!tpu.dma_semaphore, #tpu.memory_space<semaphore_mem>>
      %dma_start3A = arith.constant 0 : i32
      %dma_start3A_61 = tpu.memref_slice %arg15[%add3A_56, %dma_start3A] : memref<10240x128xf32, #tpu.memory_space<vmem_shared>> -> memref<80x128xf32, #tpu.memory_space<vmem_shared>>
      %dma_start3A_62 = arith.constant 0 : i32
      %dma_start3A_63 = tpu.memref_slice %arg15[%add3A_56, %dma_start3A_62] : memref<10240x128xf32, #tpu.memory_space<vmem_shared>> -> memref<80x128xf32, #tpu.memory_space<vmem_shared>>
      tpu.enqueue_dma source(%dma_start3A_63 : memref<80x128xf32, #tpu.memory_space<vmem_shared>>) target(%arg7 : memref<80x128xf32, #tpu.memory_space<vmem>>) target_semaphore(%run_scoped3A : memref<!tpu.dma_semaphore, #tpu.memory_space<semaphore_mem>>)
      %dma_wait3A = arith.constant 0 : i32
      %dma_wait3A_64 = tpu.memref_slice %arg15[%add3A_56, %dma_wait3A] : memref<10240x128xf32, #tpu.memory_space<vmem_shared>> -> memref<80x128xf32, #tpu.memory_space<vmem_shared>>
      %dma_wait3A_65 = arith.constant 0 : i32
      %dma_wait3A_66 = tpu.memref_slice %arg15[%add3A_56, %dma_wait3A_65] : memref<10240x128xf32, #tpu.memory_space<vmem_shared>> -> memref<80x128xf32, #tpu.memory_space<vmem_shared>>
      tpu.wait_dma2 semaphore(%run_scoped3A : memref<!tpu.dma_semaphore, #tpu.memory_space<semaphore_mem>>) src(%dma_wait3A_66 : memref<80x128xf32, #tpu.memory_space<vmem_shared>>) dst(%arg7 : memref<80x128xf32, #tpu.memory_space<vmem>>)
      tpu.yield
    }) : () -> ()
    "tpu.region"() ({
      %run_scoped3A = tpu.sem_alloc : memref<!tpu.dma_semaphore, #tpu.memory_space<semaphore_mem>>
      %dma_start3A = arith.constant 0 : i32
      %dma_start3A_61 = tpu.memref_slice %arg5[%arg0, %add3A_56, %dma_start3A] : memref<2x10240x128xf32, #tpu.memory_space<hbm>> -> memref<1x80x128xf32, #tpu.memory_space<hbm>>
      %dma_start3A_62 = tpu.memref_squeeze %dma_start3A_61 : memref<1x80x128xf32, #tpu.memory_space<hbm>> -> memref<80x128xf32, #tpu.memory_space<hbm>>
      %dma_start3A_63 = arith.constant 0 : i32
      %dma_start3A_64 = tpu.memref_slice %arg5[%arg0, %add3A_56, %dma_start3A_63] : memref<2x10240x128xf32, #tpu.memory_space<hbm>> -> memref<1x80x128xf32, #tpu.memory_space<hbm>>
      %dma_start3A_65 = tpu.memref_squeeze %dma_start3A_64 : memref<1x80x128xf32, #tpu.memory_space<hbm>> -> memref<80x128xf32, #tpu.memory_space<hbm>>
      tpu.enqueue_dma source(%arg7 : memref<80x128xf32, #tpu.memory_space<vmem>>) target(%dma_start3A_65 : memref<80x128xf32, #tpu.memory_space<hbm>>) target_semaphore(%run_scoped3A : memref<!tpu.dma_semaphore, #tpu.memory_space<semaphore_mem>>)
      %dma_wait3A = arith.constant 0 : i32
      %dma_wait3A_66 = tpu.memref_slice %arg5[%arg0, %add3A_56, %dma_wait3A] : memref<2x10240x128xf32, #tpu.memory_space<hbm>> -> memref<1x80x128xf32, #tpu.memory_space<hbm>>
      %dma_wait3A_67 = tpu.memref_squeeze %dma_wait3A_66 : memref<1x80x128xf32, #tpu.memory_space<hbm>> -> memref<80x128xf32, #tpu.memory_space<hbm>>
      %dma_wait3A_68 = arith.constant 0 : i32
      %dma_wait3A_69 = tpu.memref_slice %arg5[%arg0, %add3A_56, %dma_wait3A_68] : memref<2x10240x128xf32, #tpu.memory_space<hbm>> -> memref<1x80x128xf32, #tpu.memory_space<hbm>>
      %dma_wait3A_70 = tpu.memref_squeeze %dma_wait3A_69 : memref<1x80x128xf32, #tpu.memory_space<hbm>> -> memref<80x128xf32, #tpu.memory_space<hbm>>
      tpu.wait_dma2 semaphore(%run_scoped3A : memref<!tpu.dma_semaphore, #tpu.memory_space<semaphore_mem>>) src(%arg7 : memref<80x128xf32, #tpu.memory_space<vmem>>) dst(%dma_wait3A_70 : memref<80x128xf32, #tpu.memory_space<hbm>>)
      tpu.yield
    }) : () -> ()
    %add3A_57 = arith.constant 480 : i32
    %add3A_58 = arith.addi %mul3A_6, %add3A_57 : i32
    "tpu.region"() ({
      %run_scoped3A = tpu.sem_alloc : memref<!tpu.dma_semaphore, #tpu.memory_space<semaphore_mem>>
      %dma_start3A = arith.constant 0 : i32
      %dma_start3A_61 = tpu.memref_slice %arg15[%add3A_58, %dma_start3A] : memref<10240x128xf32, #tpu.memory_space<vmem_shared>> -> memref<80x128xf32, #tpu.memory_space<vmem_shared>>
      %dma_start3A_62 = arith.constant 0 : i32
      %dma_start3A_63 = tpu.memref_slice %arg15[%add3A_58, %dma_start3A_62] : memref<10240x128xf32, #tpu.memory_space<vmem_shared>> -> memref<80x128xf32, #tpu.memory_space<vmem_shared>>
      tpu.enqueue_dma source(%dma_start3A_63 : memref<80x128xf32, #tpu.memory_space<vmem_shared>>) target(%arg7 : memref<80x128xf32, #tpu.memory_space<vmem>>) target_semaphore(%run_scoped3A : memref<!tpu.dma_semaphore, #tpu.memory_space<semaphore_mem>>)
      %dma_wait3A = arith.constant 0 : i32
      %dma_wait3A_64 = tpu.memref_slice %arg15[%add3A_58, %dma_wait3A] : memref<10240x128xf32, #tpu.memory_space<vmem_shared>> -> memref<80x128xf32, #tpu.memory_space<vmem_shared>>
      %dma_wait3A_65 = arith.constant 0 : i32
      %dma_wait3A_66 = tpu.memref_slice %arg15[%add3A_58, %dma_wait3A_65] : memref<10240x128xf32, #tpu.memory_space<vmem_shared>> -> memref<80x128xf32, #tpu.memory_space<vmem_shared>>
      tpu.wait_dma2 semaphore(%run_scoped3A : memref<!tpu.dma_semaphore, #tpu.memory_space<semaphore_mem>>) src(%dma_wait3A_66 : memref<80x128xf32, #tpu.memory_space<vmem_shared>>) dst(%arg7 : memref<80x128xf32, #tpu.memory_space<vmem>>)
      tpu.yield
    }) : () -> ()
    "tpu.region"() ({
      %run_scoped3A = tpu.sem_alloc : memref<!tpu.dma_semaphore, #tpu.memory_space<semaphore_mem>>
      %dma_start3A = arith.constant 0 : i32
      %dma_start3A_61 = tpu.memref_slice %arg5[%arg0, %add3A_58, %dma_start3A] : memref<2x10240x128xf32, #tpu.memory_space<hbm>> -> memref<1x80x128xf32, #tpu.memory_space<hbm>>
      %dma_start3A_62 = tpu.memref_squeeze %dma_start3A_61 : memref<1x80x128xf32, #tpu.memory_space<hbm>> -> memref<80x128xf32, #tpu.memory_space<hbm>>
      %dma_start3A_63 = arith.constant 0 : i32
      %dma_start3A_64 = tpu.memref_slice %arg5[%arg0, %add3A_58, %dma_start3A_63] : memref<2x10240x128xf32, #tpu.memory_space<hbm>> -> memref<1x80x128xf32, #tpu.memory_space<hbm>>
      %dma_start3A_65 = tpu.memref_squeeze %dma_start3A_64 : memref<1x80x128xf32, #tpu.memory_space<hbm>> -> memref<80x128xf32, #tpu.memory_space<hbm>>
      tpu.enqueue_dma source(%arg7 : memref<80x128xf32, #tpu.memory_space<vmem>>) target(%dma_start3A_65 : memref<80x128xf32, #tpu.memory_space<hbm>>) target_semaphore(%run_scoped3A : memref<!tpu.dma_semaphore, #tpu.memory_space<semaphore_mem>>)
      %dma_wait3A = arith.constant 0 : i32
      %dma_wait3A_66 = tpu.memref_slice %arg5[%arg0, %add3A_58, %dma_wait3A] : memref<2x10240x128xf32, #tpu.memory_space<hbm>> -> memref<1x80x128xf32, #tpu.memory_space<hbm>>
      %dma_wait3A_67 = tpu.memref_squeeze %dma_wait3A_66 : memref<1x80x128xf32, #tpu.memory_space<hbm>> -> memref<80x128xf32, #tpu.memory_space<hbm>>
      %dma_wait3A_68 = arith.constant 0 : i32
      %dma_wait3A_69 = tpu.memref_slice %arg5[%arg0, %add3A_58, %dma_wait3A_68] : memref<2x10240x128xf32, #tpu.memory_space<hbm>> -> memref<1x80x128xf32, #tpu.memory_space<hbm>>
      %dma_wait3A_70 = tpu.memref_squeeze %dma_wait3A_69 : memref<1x80x128xf32, #tpu.memory_space<hbm>> -> memref<80x128xf32, #tpu.memory_space<hbm>>
      tpu.wait_dma2 semaphore(%run_scoped3A : memref<!tpu.dma_semaphore, #tpu.memory_space<semaphore_mem>>) src(%arg7 : memref<80x128xf32, #tpu.memory_space<vmem>>) dst(%dma_wait3A_70 : memref<80x128xf32, #tpu.memory_space<hbm>>)
      tpu.yield
    }) : () -> ()
    %add3A_59 = arith.constant 560 : i32
    %add3A_60 = arith.addi %mul3A_6, %add3A_59 : i32
    "tpu.region"() ({
      %run_scoped3A = tpu.sem_alloc : memref<!tpu.dma_semaphore, #tpu.memory_space<semaphore_mem>>
      %dma_start3A = arith.constant 0 : i32
      %dma_start3A_61 = tpu.memref_slice %arg15[%add3A_60, %dma_start3A] : memref<10240x128xf32, #tpu.memory_space<vmem_shared>> -> memref<80x128xf32, #tpu.memory_space<vmem_shared>>
      %dma_start3A_62 = arith.constant 0 : i32
      %dma_start3A_63 = tpu.memref_slice %arg15[%add3A_60, %dma_start3A_62] : memref<10240x128xf32, #tpu.memory_space<vmem_shared>> -> memref<80x128xf32, #tpu.memory_space<vmem_shared>>
      tpu.enqueue_dma source(%dma_start3A_63 : memref<80x128xf32, #tpu.memory_space<vmem_shared>>) target(%arg7 : memref<80x128xf32, #tpu.memory_space<vmem>>) target_semaphore(%run_scoped3A : memref<!tpu.dma_semaphore, #tpu.memory_space<semaphore_mem>>)
      %dma_wait3A = arith.constant 0 : i32
      %dma_wait3A_64 = tpu.memref_slice %arg15[%add3A_60, %dma_wait3A] : memref<10240x128xf32, #tpu.memory_space<vmem_shared>> -> memref<80x128xf32, #tpu.memory_space<vmem_shared>>
      %dma_wait3A_65 = arith.constant 0 : i32
      %dma_wait3A_66 = tpu.memref_slice %arg15[%add3A_60, %dma_wait3A_65] : memref<10240x128xf32, #tpu.memory_space<vmem_shared>> -> memref<80x128xf32, #tpu.memory_space<vmem_shared>>
      tpu.wait_dma2 semaphore(%run_scoped3A : memref<!tpu.dma_semaphore, #tpu.memory_space<semaphore_mem>>) src(%dma_wait3A_66 : memref<80x128xf32, #tpu.memory_space<vmem_shared>>) dst(%arg7 : memref<80x128xf32, #tpu.memory_space<vmem>>)
      tpu.yield
    }) : () -> ()
    "tpu.region"() ({
      %run_scoped3A = tpu.sem_alloc : memref<!tpu.dma_semaphore, #tpu.memory_space<semaphore_mem>>
      %dma_start3A = arith.constant 0 : i32
      %dma_start3A_61 = tpu.memref_slice %arg5[%arg0, %add3A_60, %dma_start3A] : memref<2x10240x128xf32, #tpu.memory_space<hbm>> -> memref<1x80x128xf32, #tpu.memory_space<hbm>>
      %dma_start3A_62 = tpu.memref_squeeze %dma_start3A_61 : memref<1x80x128xf32, #tpu.memory_space<hbm>> -> memref<80x128xf32, #tpu.memory_space<hbm>>
      %dma_start3A_63 = arith.constant 0 : i32
      %dma_start3A_64 = tpu.memref_slice %arg5[%arg0, %add3A_60, %dma_start3A_63] : memref<2x10240x128xf32, #tpu.memory_space<hbm>> -> memref<1x80x128xf32, #tpu.memory_space<hbm>>
      %dma_start3A_65 = tpu.memref_squeeze %dma_start3A_64 : memref<1x80x128xf32, #tpu.memory_space<hbm>> -> memref<80x128xf32, #tpu.memory_space<hbm>>
      tpu.enqueue_dma source(%arg7 : memref<80x128xf32, #tpu.memory_space<vmem>>) target(%dma_start3A_65 : memref<80x128xf32, #tpu.memory_space<hbm>>) target_semaphore(%run_scoped3A : memref<!tpu.dma_semaphore, #tpu.memory_space<semaphore_mem>>)
      %dma_wait3A = arith.constant 0 : i32
      %dma_wait3A_66 = tpu.memref_slice %arg5[%arg0, %add3A_60, %dma_wait3A] : memref<2x10240x128xf32, #tpu.memory_space<hbm>> -> memref<1x80x128xf32, #tpu.memory_space<hbm>>
      %dma_wait3A_67 = tpu.memref_squeeze %dma_wait3A_66 : memref<1x80x128xf32, #tpu.memory_space<hbm>> -> memref<80x128xf32, #tpu.memory_space<hbm>>
      %dma_wait3A_68 = arith.constant 0 : i32
      %dma_wait3A_69 = tpu.memref_slice %arg5[%arg0, %add3A_60, %dma_wait3A_68] : memref<2x10240x128xf32, #tpu.memory_space<hbm>> -> memref<1x80x128xf32, #tpu.memory_space<hbm>>
      %dma_wait3A_70 = tpu.memref_squeeze %dma_wait3A_69 : memref<1x80x128xf32, #tpu.memory_space<hbm>> -> memref<80x128xf32, #tpu.memory_space<hbm>>
      tpu.wait_dma2 semaphore(%run_scoped3A : memref<!tpu.dma_semaphore, #tpu.memory_space<semaphore_mem>>) src(%arg7 : memref<80x128xf32, #tpu.memory_space<vmem>>) dst(%dma_wait3A_70 : memref<80x128xf32, #tpu.memory_space<hbm>>)
      tpu.yield
    }) : () -> ()
    return
  }
}

#map = affine_map<(d0, d1) -> (0, 0, 0)>
#map1 = affine_map<(d0, d1) -> (0)>
module attributes {stable_mosaic.version = 14 : i64} {
  func.func @seg_sum(%arg0: i32, %arg1: i32, %arg2: memref<2x10000x128xf32, #tpu.memory_space<hbm>>, %arg3: memref<320000xi32, #tpu.memory_space<hbm>>, %arg4: memref<320000xi32, #tpu.memory_space<hbm>>, %arg5: memref<2x10240x128xf32, #tpu.memory_space<hbm>>, %arg6: memref<80x128xf32, #tpu.memory_space<vmem>>, %arg7: memref<80x128xf32, #tpu.memory_space<vmem>>, %arg8: memref<2x1x4000xi32, #tpu.memory_space<vmem>>, %arg9: memref<80xi32, #tpu.memory_space<vmem>>, %arg10: memref<80xi32, #tpu.memory_space<vmem>>, %arg11: memref<80xi32, #tpu.memory_space<vmem>>, %arg12: memref<80xi32, #tpu.memory_space<vmem>>, %arg13: memref<10240x128xf32, #tpu.memory_space<vmem_shared>>, %arg14: memref<!tpu.dma_semaphore, #tpu.memory_space<semaphore_mem>>, %arg15: memref<!tpu.dma_semaphore, #tpu.memory_space<semaphore_mem>>) attributes {dimension_semantics = [#tpu.dimension_semantics<core_parallel>, #tpu.dimension_semantics<subcore_parallel>], iteration_bounds = array<i64: 2, 16>, scalar_prefetch = 0 : i64, scratch_operands = 10 : i64, tpu.core_type = #tpu.core_type<sc_vector_subcore>, window_params = [{transform_indices = #map}, {transform_indices = #map1}, {transform_indices = #map1}, {transform_indices = #map}]} {
    %broadcast_in_dim3A = arith.constant 0.000000e+00 : f32
    %broadcast_in_dim3A_0 = vector.broadcast %broadcast_in_dim3A : f32 to vector<16xf32>
    %scan3A = arith.constant 0 : i32
    %scan3A_1 = arith.constant 0 : i32
    %scan3A_2 = arith.constant 80 : i32
    %scan3A_3 = arith.addi %scan3A_1, %scan3A_2 : i32
    %scan3A_4 = arith.constant 1 : i32
    scf.for %scan3A_53 = %scan3A_1 to %scan3A_3 step %scan3A_4  : i32 {
      %swap3A = arith.index_cast %scan3A_53 : i32 to index
      %swap3A_54 = arith.constant 0 : index
      %swap3A_55 = tpu.vector_load %arg6[%swap3A, %swap3A_54] {strides = array<i32>} : memref<80x128xf32, #tpu.memory_space<vmem>>, vector<16xf32>,
      tpu.vector_store %arg6[%swap3A, %swap3A_54], %broadcast_in_dim3A_0 {strides = array<i32>} : memref<80x128xf32, #tpu.memory_space<vmem>>, vector<16xf32>,
      %swap3A_56 = arith.index_cast %scan3A_53 : i32 to index
      %swap3A_57 = arith.constant 16 : index
      %swap3A_58 = tpu.vector_load %arg6[%swap3A_56, %swap3A_57] {strides = array<i32>} : memref<80x128xf32, #tpu.memory_space<vmem>>, vector<16xf32>,
      tpu.vector_store %arg6[%swap3A_56, %swap3A_57], %broadcast_in_dim3A_0 {strides = array<i32>} : memref<80x128xf32, #tpu.memory_space<vmem>>, vector<16xf32>,
      %swap3A_59 = arith.index_cast %scan3A_53 : i32 to index
      %swap3A_60 = arith.constant 32 : index
      %swap3A_61 = tpu.vector_load %arg6[%swap3A_59, %swap3A_60] {strides = array<i32>} : memref<80x128xf32, #tpu.memory_space<vmem>>, vector<16xf32>,
      tpu.vector_store %arg6[%swap3A_59, %swap3A_60], %broadcast_in_dim3A_0 {strides = array<i32>} : memref<80x128xf32, #tpu.memory_space<vmem>>, vector<16xf32>,
      %swap3A_62 = arith.index_cast %scan3A_53 : i32 to index
      %swap3A_63 = arith.constant 48 : index
      %swap3A_64 = tpu.vector_load %arg6[%swap3A_62, %swap3A_63] {strides = array<i32>} : memref<80x128xf32, #tpu.memory_space<vmem>>, vector<16xf32>,
      tpu.vector_store %arg6[%swap3A_62, %swap3A_63], %broadcast_in_dim3A_0 {strides = array<i32>} : memref<80x128xf32, #tpu.memory_space<vmem>>, vector<16xf32>,
      %swap3A_65 = arith.index_cast %scan3A_53 : i32 to index
      %swap3A_66 = arith.constant 64 : index
      %swap3A_67 = tpu.vector_load %arg6[%swap3A_65, %swap3A_66] {strides = array<i32>} : memref<80x128xf32, #tpu.memory_space<vmem>>, vector<16xf32>,
      tpu.vector_store %arg6[%swap3A_65, %swap3A_66], %broadcast_in_dim3A_0 {strides = array<i32>} : memref<80x128xf32, #tpu.memory_space<vmem>>, vector<16xf32>,
      %swap3A_68 = arith.index_cast %scan3A_53 : i32 to index
      %swap3A_69 = arith.constant 80 : index
      %swap3A_70 = tpu.vector_load %arg6[%swap3A_68, %swap3A_69] {strides = array<i32>} : memref<80x128xf32, #tpu.memory_space<vmem>>, vector<16xf32>,
      tpu.vector_store %arg6[%swap3A_68, %swap3A_69], %broadcast_in_dim3A_0 {strides = array<i32>} : memref<80x128xf32, #tpu.memory_space<vmem>>, vector<16xf32>,
      %swap3A_71 = arith.index_cast %scan3A_53 : i32 to index
      %swap3A_72 = arith.constant 96 : index
      %swap3A_73 = tpu.vector_load %arg6[%swap3A_71, %swap3A_72] {strides = array<i32>} : memref<80x128xf32, #tpu.memory_space<vmem>>, vector<16xf32>,
      tpu.vector_store %arg6[%swap3A_71, %swap3A_72], %broadcast_in_dim3A_0 {strides = array<i32>} : memref<80x128xf32, #tpu.memory_space<vmem>>, vector<16xf32>,
      %swap3A_74 = arith.index_cast %scan3A_53 : i32 to index
      %swap3A_75 = arith.constant 112 : index
      %swap3A_76 = tpu.vector_load %arg6[%swap3A_74, %swap3A_75] {strides = array<i32>} : memref<80x128xf32, #tpu.memory_space<vmem>>, vector<16xf32>,
      tpu.vector_store %arg6[%swap3A_74, %swap3A_75], %broadcast_in_dim3A_0 {strides = array<i32>} : memref<80x128xf32, #tpu.memory_space<vmem>>, vector<16xf32>,
    }
    %scan3A_5 = arith.constant 80 : i32
    %mul3A = arith.constant 640 : i32
    %mul3A_6 = arith.muli %arg1, %mul3A : i32
    %add3A = arith.constant 0 : i32
    %add3A_7 = arith.addi %mul3A_6, %add3A : i32
    "tpu.region"() ({
      %run_scoped3A = tpu.sem_alloc : memref<!tpu.dma_semaphore, #tpu.memory_space<semaphore_mem>>
      %dma_start3A = arith.constant 0 : i32
      %dma_start3A_53 = tpu.memref_slice %arg13[%add3A_7, %dma_start3A] : memref<10240x128xf32, #tpu.memory_space<vmem_shared>> -> memref<80x128xf32, #tpu.memory_space<vmem_shared>>
      %dma_start3A_54 = arith.constant 0 : i32
      %dma_start3A_55 = tpu.memref_slice %arg13[%add3A_7, %dma_start3A_54] : memref<10240x128xf32, #tpu.memory_space<vmem_shared>> -> memref<80x128xf32, #tpu.memory_space<vmem_shared>>
      tpu.enqueue_dma source(%arg6 : memref<80x128xf32, #tpu.memory_space<vmem>>) target(%dma_start3A_55 : memref<80x128xf32, #tpu.memory_space<vmem_shared>>) target_semaphore(%run_scoped3A : memref<!tpu.dma_semaphore, #tpu.memory_space<semaphore_mem>>)
      %dma_wait3A = arith.constant 0 : i32
      %dma_wait3A_56 = tpu.memref_slice %arg13[%add3A_7, %dma_wait3A] : memref<10240x128xf32, #tpu.memory_space<vmem_shared>> -> memref<80x128xf32, #tpu.memory_space<vmem_shared>>
      %dma_wait3A_57 = arith.constant 0 : i32
      %dma_wait3A_58 = tpu.memref_slice %arg13[%add3A_7, %dma_wait3A_57] : memref<10240x128xf32, #tpu.memory_space<vmem_shared>> -> memref<80x128xf32, #tpu.memory_space<vmem_shared>>
      tpu.wait_dma2 semaphore(%run_scoped3A : memref<!tpu.dma_semaphore, #tpu.memory_space<semaphore_mem>>) src(%arg6 : memref<80x128xf32, #tpu.memory_space<vmem>>) dst(%dma_wait3A_58 : memref<80x128xf32, #tpu.memory_space<vmem_shared>>)
      tpu.yield
    }) : () -> ()
    %add3A_8 = arith.constant 80 : i32
    %add3A_9 = arith.addi %mul3A_6, %add3A_8 : i32
    "tpu.region"() ({
      %run_scoped3A = tpu.sem_alloc : memref<!tpu.dma_semaphore, #tpu.memory_space<semaphore_mem>>
      %dma_start3A = arith.constant 0 : i32
      %dma_start3A_53 = tpu.memref_slice %arg13[%add3A_9, %dma_start3A] : memref<10240x128xf32, #tpu.memory_space<vmem_shared>> -> memref<80x128xf32, #tpu.memory_space<vmem_shared>>
      %dma_start3A_54 = arith.constant 0 : i32
      %dma_start3A_55 = tpu.memref_slice %arg13[%add3A_9, %dma_start3A_54] : memref<10240x128xf32, #tpu.memory_space<vmem_shared>> -> memref<80x128xf32, #tpu.memory_space<vmem_shared>>
      tpu.enqueue_dma source(%arg6 : memref<80x128xf32, #tpu.memory_space<vmem>>) target(%dma_start3A_55 : memref<80x128xf32, #tpu.memory_space<vmem_shared>>) target_semaphore(%run_scoped3A : memref<!tpu.dma_semaphore, #tpu.memory_space<semaphore_mem>>)
      %dma_wait3A = arith.constant 0 : i32
      %dma_wait3A_56 = tpu.memref_slice %arg13[%add3A_9, %dma_wait3A] : memref<10240x128xf32, #tpu.memory_space<vmem_shared>> -> memref<80x128xf32, #tpu.memory_space<vmem_shared>>
      %dma_wait3A_57 = arith.constant 0 : i32
      %dma_wait3A_58 = tpu.memref_slice %arg13[%add3A_9, %dma_wait3A_57] : memref<10240x128xf32, #tpu.memory_space<vmem_shared>> -> memref<80x128xf32, #tpu.memory_space<vmem_shared>>
      tpu.wait_dma2 semaphore(%run_scoped3A : memref<!tpu.dma_semaphore, #tpu.memory_space<semaphore_mem>>) src(%arg6 : memref<80x128xf32, #tpu.memory_space<vmem>>) dst(%dma_wait3A_58 : memref<80x128xf32, #tpu.memory_space<vmem_shared>>)
      tpu.yield
    }) : () -> ()
    %add3A_10 = arith.constant 160 : i32
    %add3A_11 = arith.addi %mul3A_6, %add3A_10 : i32
    "tpu.region"() ({
      %run_scoped3A = tpu.sem_alloc : memref<!tpu.dma_semaphore, #tpu.memory_space<semaphore_mem>>
      %dma_start3A = arith.constant 0 : i32
      %dma_start3A_53 = tpu.memref_slice %arg13[%add3A_11, %dma_start3A] : memref<10240x128xf32, #tpu.memory_space<vmem_shared>> -> memref<80x128xf32, #tpu.memory_space<vmem_shared>>
      %dma_start3A_54 = arith.constant 0 : i32
      %dma_start3A_55 = tpu.memref_slice %arg13[%add3A_11, %dma_start3A_54] : memref<10240x128xf32, #tpu.memory_space<vmem_shared>> -> memref<80x128xf32, #tpu.memory_space<vmem_shared>>
      tpu.enqueue_dma source(%arg6 : memref<80x128xf32, #tpu.memory_space<vmem>>) target(%dma_start3A_55 : memref<80x128xf32, #tpu.memory_space<vmem_shared>>) target_semaphore(%run_scoped3A : memref<!tpu.dma_semaphore, #tpu.memory_space<semaphore_mem>>)
      %dma_wait3A = arith.constant 0 : i32
      %dma_wait3A_56 = tpu.memref_slice %arg13[%add3A_11, %dma_wait3A] : memref<10240x128xf32, #tpu.memory_space<vmem_shared>> -> memref<80x128xf32, #tpu.memory_space<vmem_shared>>
      %dma_wait3A_57 = arith.constant 0 : i32
      %dma_wait3A_58 = tpu.memref_slice %arg13[%add3A_11, %dma_wait3A_57] : memref<10240x128xf32, #tpu.memory_space<vmem_shared>> -> memref<80x128xf32, #tpu.memory_space<vmem_shared>>
      tpu.wait_dma2 semaphore(%run_scoped3A : memref<!tpu.dma_semaphore, #tpu.memory_space<semaphore_mem>>) src(%arg6 : memref<80x128xf32, #tpu.memory_space<vmem>>) dst(%dma_wait3A_58 : memref<80x128xf32, #tpu.memory_space<vmem_shared>>)
      tpu.yield
    }) : () -> ()
    %add3A_12 = arith.constant 240 : i32
    %add3A_13 = arith.addi %mul3A_6, %add3A_12 : i32
    "tpu.region"() ({
      %run_scoped3A = tpu.sem_alloc : memref<!tpu.dma_semaphore, #tpu.memory_space<semaphore_mem>>
      %dma_start3A = arith.constant 0 : i32
      %dma_start3A_53 = tpu.memref_slice %arg13[%add3A_13, %dma_start3A] : memref<10240x128xf32, #tpu.memory_space<vmem_shared>> -> memref<80x128xf32, #tpu.memory_space<vmem_shared>>
      %dma_start3A_54 = arith.constant 0 : i32
      %dma_start3A_55 = tpu.memref_slice %arg13[%add3A_13, %dma_start3A_54] : memref<10240x128xf32, #tpu.memory_space<vmem_shared>> -> memref<80x128xf32, #tpu.memory_space<vmem_shared>>
      tpu.enqueue_dma source(%arg6 : memref<80x128xf32, #tpu.memory_space<vmem>>) target(%dma_start3A_55 : memref<80x128xf32, #tpu.memory_space<vmem_shared>>) target_semaphore(%run_scoped3A : memref<!tpu.dma_semaphore, #tpu.memory_space<semaphore_mem>>)
      %dma_wait3A = arith.constant 0 : i32
      %dma_wait3A_56 = tpu.memref_slice %arg13[%add3A_13, %dma_wait3A] : memref<10240x128xf32, #tpu.memory_space<vmem_shared>> -> memref<80x128xf32, #tpu.memory_space<vmem_shared>>
      %dma_wait3A_57 = arith.constant 0 : i32
      %dma_wait3A_58 = tpu.memref_slice %arg13[%add3A_13, %dma_wait3A_57] : memref<10240x128xf32, #tpu.memory_space<vmem_shared>> -> memref<80x128xf32, #tpu.memory_space<vmem_shared>>
      tpu.wait_dma2 semaphore(%run_scoped3A : memref<!tpu.dma_semaphore, #tpu.memory_space<semaphore_mem>>) src(%arg6 : memref<80x128xf32, #tpu.memory_space<vmem>>) dst(%dma_wait3A_58 : memref<80x128xf32, #tpu.memory_space<vmem_shared>>)
      tpu.yield
    }) : () -> ()
    %add3A_14 = arith.constant 320 : i32
    %add3A_15 = arith.addi %mul3A_6, %add3A_14 : i32
    "tpu.region"() ({
      %run_scoped3A = tpu.sem_alloc : memref<!tpu.dma_semaphore, #tpu.memory_space<semaphore_mem>>
      %dma_start3A = arith.constant 0 : i32
      %dma_start3A_53 = tpu.memref_slice %arg13[%add3A_15, %dma_start3A] : memref<10240x128xf32, #tpu.memory_space<vmem_shared>> -> memref<80x128xf32, #tpu.memory_space<vmem_shared>>
      %dma_start3A_54 = arith.constant 0 : i32
      %dma_start3A_55 = tpu.memref_slice %arg13[%add3A_15, %dma_start3A_54] : memref<10240x128xf32, #tpu.memory_space<vmem_shared>> -> memref<80x128xf32, #tpu.memory_space<vmem_shared>>
      tpu.enqueue_dma source(%arg6 : memref<80x128xf32, #tpu.memory_space<vmem>>) target(%dma_start3A_55 : memref<80x128xf32, #tpu.memory_space<vmem_shared>>) target_semaphore(%run_scoped3A : memref<!tpu.dma_semaphore, #tpu.memory_space<semaphore_mem>>)
      %dma_wait3A = arith.constant 0 : i32
      %dma_wait3A_56 = tpu.memref_slice %arg13[%add3A_15, %dma_wait3A] : memref<10240x128xf32, #tpu.memory_space<vmem_shared>> -> memref<80x128xf32, #tpu.memory_space<vmem_shared>>
      %dma_wait3A_57 = arith.constant 0 : i32
      %dma_wait3A_58 = tpu.memref_slice %arg13[%add3A_15, %dma_wait3A_57] : memref<10240x128xf32, #tpu.memory_space<vmem_shared>> -> memref<80x128xf32, #tpu.memory_space<vmem_shared>>
      tpu.wait_dma2 semaphore(%run_scoped3A : memref<!tpu.dma_semaphore, #tpu.memory_space<semaphore_mem>>) src(%arg6 : memref<80x128xf32, #tpu.memory_space<vmem>>) dst(%dma_wait3A_58 : memref<80x128xf32, #tpu.memory_space<vmem_shared>>)
      tpu.yield
    }) : () -> ()
    %add3A_16 = arith.constant 400 : i32
    %add3A_17 = arith.addi %mul3A_6, %add3A_16 : i32
    "tpu.region"() ({
      %run_scoped3A = tpu.sem_alloc : memref<!tpu.dma_semaphore, #tpu.memory_space<semaphore_mem>>
      %dma_start3A = arith.constant 0 : i32
      %dma_start3A_53 = tpu.memref_slice %arg13[%add3A_17, %dma_start3A] : memref<10240x128xf32, #tpu.memory_space<vmem_shared>> -> memref<80x128xf32, #tpu.memory_space<vmem_shared>>
      %dma_start3A_54 = arith.constant 0 : i32
      %dma_start3A_55 = tpu.memref_slice %arg13[%add3A_17, %dma_start3A_54] : memref<10240x128xf32, #tpu.memory_space<vmem_shared>> -> memref<80x128xf32, #tpu.memory_space<vmem_shared>>
      tpu.enqueue_dma source(%arg6 : memref<80x128xf32, #tpu.memory_space<vmem>>) target(%dma_start3A_55 : memref<80x128xf32, #tpu.memory_space<vmem_shared>>) target_semaphore(%run_scoped3A : memref<!tpu.dma_semaphore, #tpu.memory_space<semaphore_mem>>)
      %dma_wait3A = arith.constant 0 : i32
      %dma_wait3A_56 = tpu.memref_slice %arg13[%add3A_17, %dma_wait3A] : memref<10240x128xf32, #tpu.memory_space<vmem_shared>> -> memref<80x128xf32, #tpu.memory_space<vmem_shared>>
      %dma_wait3A_57 = arith.constant 0 : i32
      %dma_wait3A_58 = tpu.memref_slice %arg13[%add3A_17, %dma_wait3A_57] : memref<10240x128xf32, #tpu.memory_space<vmem_shared>> -> memref<80x128xf32, #tpu.memory_space<vmem_shared>>
      tpu.wait_dma2 semaphore(%run_scoped3A : memref<!tpu.dma_semaphore, #tpu.memory_space<semaphore_mem>>) src(%arg6 : memref<80x128xf32, #tpu.memory_space<vmem>>) dst(%dma_wait3A_58 : memref<80x128xf32, #tpu.memory_space<vmem_shared>>)
      tpu.yield
    }) : () -> ()
    %add3A_18 = arith.constant 480 : i32
    %add3A_19 = arith.addi %mul3A_6, %add3A_18 : i32
    "tpu.region"() ({
      %run_scoped3A = tpu.sem_alloc : memref<!tpu.dma_semaphore, #tpu.memory_space<semaphore_mem>>
      %dma_start3A = arith.constant 0 : i32
      %dma_start3A_53 = tpu.memref_slice %arg13[%add3A_19, %dma_start3A] : memref<10240x128xf32, #tpu.memory_space<vmem_shared>> -> memref<80x128xf32, #tpu.memory_space<vmem_shared>>
      %dma_start3A_54 = arith.constant 0 : i32
      %dma_start3A_55 = tpu.memref_slice %arg13[%add3A_19, %dma_start3A_54] : memref<10240x128xf32, #tpu.memory_space<vmem_shared>> -> memref<80x128xf32, #tpu.memory_space<vmem_shared>>
      tpu.enqueue_dma source(%arg6 : memref<80x128xf32, #tpu.memory_space<vmem>>) target(%dma_start3A_55 : memref<80x128xf32, #tpu.memory_space<vmem_shared>>) target_semaphore(%run_scoped3A : memref<!tpu.dma_semaphore, #tpu.memory_space<semaphore_mem>>)
      %dma_wait3A = arith.constant 0 : i32
      %dma_wait3A_56 = tpu.memref_slice %arg13[%add3A_19, %dma_wait3A] : memref<10240x128xf32, #tpu.memory_space<vmem_shared>> -> memref<80x128xf32, #tpu.memory_space<vmem_shared>>
      %dma_wait3A_57 = arith.constant 0 : i32
      %dma_wait3A_58 = tpu.memref_slice %arg13[%add3A_19, %dma_wait3A_57] : memref<10240x128xf32, #tpu.memory_space<vmem_shared>> -> memref<80x128xf32, #tpu.memory_space<vmem_shared>>
      tpu.wait_dma2 semaphore(%run_scoped3A : memref<!tpu.dma_semaphore, #tpu.memory_space<semaphore_mem>>) src(%arg6 : memref<80x128xf32, #tpu.memory_space<vmem>>) dst(%dma_wait3A_58 : memref<80x128xf32, #tpu.memory_space<vmem_shared>>)
      tpu.yield
    }) : () -> ()
    %add3A_20 = arith.constant 560 : i32
    %add3A_21 = arith.addi %mul3A_6, %add3A_20 : i32
    "tpu.region"() ({
      %run_scoped3A = tpu.sem_alloc : memref<!tpu.dma_semaphore, #tpu.memory_space<semaphore_mem>>
      %dma_start3A = arith.constant 0 : i32
      %dma_start3A_53 = tpu.memref_slice %arg13[%add3A_21, %dma_start3A] : memref<10240x128xf32, #tpu.memory_space<vmem_shared>> -> memref<80x128xf32, #tpu.memory_space<vmem_shared>>
      %dma_start3A_54 = arith.constant 0 : i32
      %dma_start3A_55 = tpu.memref_slice %arg13[%add3A_21, %dma_start3A_54] : memref<10240x128xf32, #tpu.memory_space<vmem_shared>> -> memref<80x128xf32, #tpu.memory_space<vmem_shared>>
      tpu.enqueue_dma source(%arg6 : memref<80x128xf32, #tpu.memory_space<vmem>>) target(%dma_start3A_55 : memref<80x128xf32, #tpu.memory_space<vmem_shared>>) target_semaphore(%run_scoped3A : memref<!tpu.dma_semaphore, #tpu.memory_space<semaphore_mem>>)
      %dma_wait3A = arith.constant 0 : i32
      %dma_wait3A_56 = tpu.memref_slice %arg13[%add3A_21, %dma_wait3A] : memref<10240x128xf32, #tpu.memory_space<vmem_shared>> -> memref<80x128xf32, #tpu.memory_space<vmem_shared>>
      %dma_wait3A_57 = arith.constant 0 : i32
      %dma_wait3A_58 = tpu.memref_slice %arg13[%add3A_21, %dma_wait3A_57] : memref<10240x128xf32, #tpu.memory_space<vmem_shared>> -> memref<80x128xf32, #tpu.memory_space<vmem_shared>>
      tpu.wait_dma2 semaphore(%run_scoped3A : memref<!tpu.dma_semaphore, #tpu.memory_space<semaphore_mem>>) src(%arg6 : memref<80x128xf32, #tpu.memory_space<vmem>>) dst(%dma_wait3A_58 : memref<80x128xf32, #tpu.memory_space<vmem_shared>>)
      tpu.yield
    }) : () -> ()
    %barrier3A = arith.constant 0 : index
    tpu.barrier barrier_id(%barrier3A)
    %mul3A_22 = arith.constant 20000 : i32
    %mul3A_23 = arith.muli %arg1, %mul3A_22 : i32
    %broadcast_in_dim3A_24 = arith.constant 0 : i32
    %broadcast_in_dim3A_25 = vector.broadcast %broadcast_in_dim3A_24 : i32 to vector<16xi32>
    %add3A_26 = vector.broadcast %arg0 : i32 to vector<16xi32>
    %add3A_27 = arith.addi %broadcast_in_dim3A_25, %add3A_26 : vector<16xi32>
    %broadcast_in_dim3A_28 = arith.constant 1.000000e+00 : f32
    %broadcast_in_dim3A_29 = vector.broadcast %broadcast_in_dim3A_28 : f32 to vector<16xf32>
    %scan3A_30 = arith.constant 0 : i32
    %scan3A_31 = arith.constant 0 : i32
    %scan3A_32 = arith.constant 5 : i32
    %scan3A_33 = arith.addi %scan3A_31, %scan3A_32 : i32
    %scan3A_34 = arith.constant 1 : i32
    scf.for %scan3A_53 = %scan3A_31 to %scan3A_33 step %scan3A_34  : i32 {
      %mul3A_54 = arith.constant 4000 : i32
      %mul3A_55 = arith.muli %scan3A_53, %mul3A_54 : i32
      %add3A_56 = arith.addi %mul3A_23, %mul3A_55 : i32
      %run_scoped3A = arith.constant 0 : i32
      %run_scoped3A_57 = arith.constant 0 : i32
      "tpu.region"() ({
        %run_scoped3A_66 = tpu.sem_alloc : memref<!tpu.dma_semaphore, #tpu.memory_space<semaphore_mem>>
        %dma_start3A = arith.constant 0 : i32
        %dma_start3A_67 = tpu.memref_slice %arg8[%run_scoped3A, %run_scoped3A_57, %dma_start3A] : memref<2x1x4000xi32, #tpu.memory_space<vmem>> -> memref<1x1x4000xi32, #tpu.memory_space<vmem>>
        %dma_start3A_68 = tpu.memref_squeeze %dma_start3A_67 : memref<1x1x4000xi32, #tpu.memory_space<vmem>> -> memref<4000xi32, #tpu.memory_space<vmem>>
        %dma_start3A_69 = tpu.memref_slice %arg3[%add3A_56] : memref<320000xi32, #tpu.memory_space<hbm>> -> memref<4000xi32, #tpu.memory_space<hbm>>
        %dma_start3A_70 = arith.constant 0 : i32
        %dma_start3A_71 = tpu.memref_slice %arg8[%run_scoped3A, %run_scoped3A_57, %dma_start3A_70] : memref<2x1x4000xi32, #tpu.memory_space<vmem>> -> memref<1x1x4000xi32, #tpu.memory_space<vmem>>
        %dma_start3A_72 = tpu.memref_squeeze %dma_start3A_71 : memref<1x1x4000xi32, #tpu.memory_space<vmem>> -> memref<4000xi32, #tpu.memory_space<vmem>>
        %dma_start3A_73 = tpu.memref_slice %arg3[%add3A_56] : memref<320000xi32, #tpu.memory_space<hbm>> -> memref<4000xi32, #tpu.memory_space<hbm>>
        tpu.enqueue_dma source(%dma_start3A_73 : memref<4000xi32, #tpu.memory_space<hbm>>) target(%dma_start3A_72 : memref<4000xi32, #tpu.memory_space<vmem>>) target_semaphore(%run_scoped3A_66 : memref<!tpu.dma_semaphore, #tpu.memory_space<semaphore_mem>>)
        %dma_wait3A = arith.constant 0 : i32
        %dma_wait3A_74 = tpu.memref_slice %arg8[%run_scoped3A, %run_scoped3A_57, %dma_wait3A] : memref<2x1x4000xi32, #tpu.memory_space<vmem>> -> memref<1x1x4000xi32, #tpu.memory_space<vmem>>
        %dma_wait3A_75 = tpu.memref_squeeze %dma_wait3A_74 : memref<1x1x4000xi32, #tpu.memory_space<vmem>> -> memref<4000xi32, #tpu.memory_space<vmem>>
        %dma_wait3A_76 = tpu.memref_slice %arg3[%add3A_56] : memref<320000xi32, #tpu.memory_space<hbm>> -> memref<4000xi32, #tpu.memory_space<hbm>>
        %dma_wait3A_77 = arith.constant 0 : i32
        %dma_wait3A_78 = tpu.memref_slice %arg8[%run_scoped3A, %run_scoped3A_57, %dma_wait3A_77] : memref<2x1x4000xi32, #tpu.memory_space<vmem>> -> memref<1x1x4000xi32, #tpu.memory_space<vmem>>
        %dma_wait3A_79 = tpu.memref_squeeze %dma_wait3A_78 : memref<1x1x4000xi32, #tpu.memory_space<vmem>> -> memref<4000xi32, #tpu.memory_space<vmem>>
        %dma_wait3A_80 = tpu.memref_slice %arg3[%add3A_56] : memref<320000xi32, #tpu.memory_space<hbm>> -> memref<4000xi32, #tpu.memory_space<hbm>>
        tpu.wait_dma2 semaphore(%run_scoped3A_66 : memref<!tpu.dma_semaphore, #tpu.memory_space<semaphore_mem>>) src(%dma_wait3A_80 : memref<4000xi32, #tpu.memory_space<hbm>>) dst(%dma_wait3A_79 : memref<4000xi32, #tpu.memory_space<vmem>>)
        tpu.yield
      }) : () -> ()
      %run_scoped3A_58 = arith.constant 1 : i32
      %run_scoped3A_59 = arith.constant 0 : i32
      "tpu.region"() ({
        %run_scoped3A_66 = tpu.sem_alloc : memref<!tpu.dma_semaphore, #tpu.memory_space<semaphore_mem>>
        %dma_start3A = arith.constant 0 : i32
        %dma_start3A_67 = tpu.memref_slice %arg8[%run_scoped3A_58, %run_scoped3A_59, %dma_start3A] : memref<2x1x4000xi32, #tpu.memory_space<vmem>> -> memref<1x1x4000xi32, #tpu.memory_space<vmem>>
        %dma_start3A_68 = tpu.memref_squeeze %dma_start3A_67 : memref<1x1x4000xi32, #tpu.memory_space<vmem>> -> memref<4000xi32, #tpu.memory_space<vmem>>
        %dma_start3A_69 = tpu.memref_slice %arg4[%add3A_56] : memref<320000xi32, #tpu.memory_space<hbm>> -> memref<4000xi32, #tpu.memory_space<hbm>>
        %dma_start3A_70 = arith.constant 0 : i32
        %dma_start3A_71 = tpu.memref_slice %arg8[%run_scoped3A_58, %run_scoped3A_59, %dma_start3A_70] : memref<2x1x4000xi32, #tpu.memory_space<vmem>> -> memref<1x1x4000xi32, #tpu.memory_space<vmem>>
        %dma_start3A_72 = tpu.memref_squeeze %dma_start3A_71 : memref<1x1x4000xi32, #tpu.memory_space<vmem>> -> memref<4000xi32, #tpu.memory_space<vmem>>
        %dma_start3A_73 = tpu.memref_slice %arg4[%add3A_56] : memref<320000xi32, #tpu.memory_space<hbm>> -> memref<4000xi32, #tpu.memory_space<hbm>>
        tpu.enqueue_dma source(%dma_start3A_73 : memref<4000xi32, #tpu.memory_space<hbm>>) target(%dma_start3A_72 : memref<4000xi32, #tpu.memory_space<vmem>>) target_semaphore(%run_scoped3A_66 : memref<!tpu.dma_semaphore, #tpu.memory_space<semaphore_mem>>)
        %dma_wait3A = arith.constant 0 : i32
        %dma_wait3A_74 = tpu.memref_slice %arg8[%run_scoped3A_58, %run_scoped3A_59, %dma_wait3A] : memref<2x1x4000xi32, #tpu.memory_space<vmem>> -> memref<1x1x4000xi32, #tpu.memory_space<vmem>>
        %dma_wait3A_75 = tpu.memref_squeeze %dma_wait3A_74 : memref<1x1x4000xi32, #tpu.memory_space<vmem>> -> memref<4000xi32, #tpu.memory_space<vmem>>
        %dma_wait3A_76 = tpu.memref_slice %arg4[%add3A_56] : memref<320000xi32, #tpu.memory_space<hbm>> -> memref<4000xi32, #tpu.memory_space<hbm>>
        %dma_wait3A_77 = arith.constant 0 : i32
        %dma_wait3A_78 = tpu.memref_slice %arg8[%run_scoped3A_58, %run_scoped3A_59, %dma_wait3A_77] : memref<2x1x4000xi32, #tpu.memory_space<vmem>> -> memref<1x1x4000xi32, #tpu.memory_space<vmem>>
        %dma_wait3A_79 = tpu.memref_squeeze %dma_wait3A_78 : memref<1x1x4000xi32, #tpu.memory_space<vmem>> -> memref<4000xi32, #tpu.memory_space<vmem>>
        %dma_wait3A_80 = tpu.memref_slice %arg4[%add3A_56] : memref<320000xi32, #tpu.memory_space<hbm>> -> memref<4000xi32, #tpu.memory_space<hbm>>
        tpu.wait_dma2 semaphore(%run_scoped3A_66 : memref<!tpu.dma_semaphore, #tpu.memory_space<semaphore_mem>>) src(%dma_wait3A_80 : memref<4000xi32, #tpu.memory_space<hbm>>) dst(%dma_wait3A_79 : memref<4000xi32, #tpu.memory_space<vmem>>)
        tpu.yield
      }) : () -> ()
      %scan3A_60 = arith.constant 0 : i32
      %scan3A_61 = arith.constant 0 : i32
      %scan3A_62 = arith.constant 25 : i32
      %scan3A_63 = arith.addi %scan3A_61, %scan3A_62 : i32
      %scan3A_64 = arith.constant 1 : i32
      scf.for %scan3A_66 = %scan3A_61 to %scan3A_63 step %scan3A_64  : i32 {
        %mul3A_67 = arith.constant 2 : i32
        %mul3A_68 = arith.muli %mul3A_67, %scan3A_66 : i32
        %mul3A_69 = arith.constant 80 : i32
        %mul3A_70 = arith.muli %mul3A_68, %mul3A_69 : i32
        %add3A_71 = arith.constant 80 : i32
        %add3A_72 = arith.addi %mul3A_70, %add3A_71 : i32
        %scan3A_73 = arith.constant 0 : i32
        %scan3A_74 = arith.constant 0 : i32
        %scan3A_75 = arith.constant 5 : i32
        %scan3A_76 = arith.addi %scan3A_74, %scan3A_75 : i32
        %scan3A_77 = arith.constant 1 : i32
        scf.for %scan3A_114 = %scan3A_74 to %scan3A_76 step %scan3A_77  : i32 {
          %mul3A_115 = arith.constant 16 : i32
          %mul3A_116 = arith.muli %scan3A_114, %mul3A_115 : i32
          %add3A_117 = arith.addi %mul3A_70, %mul3A_116 : i32
          %get3A = arith.constant 0 : i32
          %get3A_118 = arith.constant 0 : i32
          %get3A_119 = arith.index_cast %get3A : i32 to index
          %get3A_120 = arith.index_cast %get3A_118 : i32 to index
          %get3A_121 = arith.index_cast %add3A_117 : i32 to index
          %get3A_122 = tpu.vector_load %arg8[%get3A_119, %get3A_120, %get3A_121] {strides = array<i32>} : memref<2x1x4000xi32, #tpu.memory_space<vmem>>, vector<16xi32>,
          %mul3A_123 = arith.constant 16 : i32
          %mul3A_124 = arith.muli %scan3A_114, %mul3A_123 : i32
          %add3A_125 = arith.addi %mul3A_70, %mul3A_124 : i32
          %get3A_126 = arith.constant 1 : i32
          %get3A_127 = arith.constant 0 : i32
          %get3A_128 = arith.index_cast %get3A_126 : i32 to index
          %get3A_129 = arith.index_cast %get3A_127 : i32 to index
          %get3A_130 = arith.index_cast %add3A_125 : i32 to index
          %get3A_131 = tpu.vector_load %arg8[%get3A_128, %get3A_129, %get3A_130] {strides = array<i32>} : memref<2x1x4000xi32, #tpu.memory_space<vmem>>, vector<16xi32>,
          %sub3A_132 = arith.subi %get3A_131, %get3A_122 : vector<16xi32>
          %mul3A_133 = arith.muli %sub3A_132, %add3A_27 : vector<16xi32>
          %add3A_134 = arith.addi %get3A_122, %mul3A_133 : vector<16xi32>
          %mul3A_135 = arith.constant 16 : i32
          %mul3A_136 = arith.muli %scan3A_114, %mul3A_135 : i32
          %swap3A = arith.index_cast %mul3A_136 : i32 to index
          %swap3A_137 = tpu.vector_load %arg9[%swap3A] {strides = array<i32>} : memref<80xi32, #tpu.memory_space<vmem>>, vector<16xi32>,
          tpu.vector_store %arg9[%swap3A], %add3A_134 {strides = array<i32>} : memref<80xi32, #tpu.memory_space<vmem>>, vector<16xi32>,
          %sub3A_138 = arith.subi %get3A_131, %mul3A_133 : vector<16xi32>
          %mul3A_139 = arith.constant 16 : i32
          %mul3A_140 = arith.muli %scan3A_114, %mul3A_139 : i32
          %swap3A_141 = arith.index_cast %mul3A_140 : i32 to index
          %swap3A_142 = tpu.vector_load %arg11[%swap3A_141] {strides = array<i32>} : memref<80xi32, #tpu.memory_space<vmem>>, vector<16xi32>,
          tpu.vector_store %arg11[%swap3A_141], %sub3A_138 {strides = array<i32>} : memref<80xi32, #tpu.memory_space<vmem>>, vector<16xi32>,
        }
        %scan3A_78 = arith.constant 5 : i32
        %sub3A = arith.constant 1 : i32
        %sub3A_79 = arith.subi %sub3A, %arg0 : i32
        %dma_start3A = arith.constant 0 : i32
        %dma_start3A_80 = arith.constant 0 : i32
        %dma_start3A_81 = tpu.memref_slice %arg2[%sub3A_79, %dma_start3A, %dma_start3A_80] : memref<2x10000x128xf32, #tpu.memory_space<hbm>> -> memref<1x10000x128xf32, #tpu.memory_space<hbm>>
        %dma_start3A_82 = tpu.memref_squeeze %dma_start3A_81 : memref<1x10000x128xf32, #tpu.memory_space<hbm>> -> memref<10000x128xf32, #tpu.memory_space<hbm>>
        %dma_start3A_83 = arith.constant 0 : i32
        %dma_start3A_84 = arith.constant 0 : i32
        %dma_start3A_85 = tpu.memref_slice %dma_start3A_82[%dma_start3A_83, %dma_start3A_84] : memref<10000x128xf32, #tpu.memory_space<hbm>> -> memref<10000x128xf32, #tpu.memory_space<hbm>>
        tpu.enqueue_indirect_dma source(%dma_start3A_85 : memref<10000x128xf32, #tpu.memory_space<hbm>>) target(%arg6 : memref<80x128xf32, #tpu.memory_space<vmem>>) offsets(%arg11 : memref<80xi32, #tpu.memory_space<vmem>>) semaphore(%arg14 : memref<!tpu.dma_semaphore, #tpu.memory_space<semaphore_mem>>)
        %scan3A_86 = arith.constant 0 : i32
        %scan3A_87 = arith.constant 0 : i32
        %scan3A_88 = arith.constant 5 : i32
        %scan3A_89 = arith.addi %scan3A_87, %scan3A_88 : i32
        %scan3A_90 = arith.constant 1 : i32
        scf.for %scan3A_114 = %scan3A_87 to %scan3A_89 step %scan3A_90  : i32 {
          %mul3A_115 = arith.constant 16 : i32
          %mul3A_116 = arith.muli %scan3A_114, %mul3A_115 : i32
          %add3A_117 = arith.addi %add3A_72, %mul3A_116 : i32
          %get3A = arith.constant 0 : i32
          %get3A_118 = arith.constant 0 : i32
          %get3A_119 = arith.index_cast %get3A : i32 to index
          %get3A_120 = arith.index_cast %get3A_118 : i32 to index
          %get3A_121 = arith.index_cast %add3A_117 : i32 to index
          %get3A_122 = tpu.vector_load %arg8[%get3A_119, %get3A_120, %get3A_121] {strides = array<i32>} : memref<2x1x4000xi32, #tpu.memory_space<vmem>>, vector<16xi32>,
          %mul3A_123 = arith.constant 16 : i32
          %mul3A_124 = arith.muli %scan3A_114, %mul3A_123 : i32
          %add3A_125 = arith.addi %add3A_72, %mul3A_124 : i32
          %get3A_126 = arith.constant 1 : i32
          %get3A_127 = arith.constant 0 : i32
          %get3A_128 = arith.index_cast %get3A_126 : i32 to index
          %get3A_129 = arith.index_cast %get3A_127 : i32 to index
          %get3A_130 = arith.index_cast %add3A_125 : i32 to index
          %get3A_131 = tpu.vector_load %arg8[%get3A_128, %get3A_129, %get3A_130] {strides = array<i32>} : memref<2x1x4000xi32, #tpu.memory_space<vmem>>, vector<16xi32>,
          %sub3A_132 = arith.subi %get3A_131, %get3A_122 : vector<16xi32>
          %mul3A_133 = arith.muli %sub3A_132, %add3A_27 : vector<16xi32>
          %add3A_134 = arith.addi %get3A_122, %mul3A_133 : vector<16xi32>
          %mul3A_135 = arith.constant 16 : i32
          %mul3A_136 = arith.muli %scan3A_114, %mul3A_135 : i32
          %swap3A = arith.index_cast %mul3A_136 : i32 to index
          %swap3A_137 = tpu.vector_load %arg10[%swap3A] {strides = array<i32>} : memref<80xi32, #tpu.memory_space<vmem>>, vector<16xi32>,
          tpu.vector_store %arg10[%swap3A], %add3A_134 {strides = array<i32>} : memref<80xi32, #tpu.memory_space<vmem>>, vector<16xi32>,
          %sub3A_138 = arith.subi %get3A_131, %mul3A_133 : vector<16xi32>
          %mul3A_139 = arith.constant 16 : i32
          %mul3A_140 = arith.muli %scan3A_114, %mul3A_139 : i32
          %swap3A_141 = arith.index_cast %mul3A_140 : i32 to index
          %swap3A_142 = tpu.vector_load %arg12[%swap3A_141] {strides = array<i32>} : memref<80xi32, #tpu.memory_space<vmem>>, vector<16xi32>,
          tpu.vector_store %arg12[%swap3A_141], %sub3A_138 {strides = array<i32>} : memref<80xi32, #tpu.memory_space<vmem>>, vector<16xi32>,
        }
        %scan3A_91 = arith.constant 5 : i32
        %dma_wait3A = arith.constant 0 : i32
        %dma_wait3A_92 = arith.constant 0 : i32
        %dma_wait3A_93 = tpu.memref_slice %arg2[%sub3A_79, %dma_wait3A, %dma_wait3A_92] : memref<2x10000x128xf32, #tpu.memory_space<hbm>> -> memref<1x10000x128xf32, #tpu.memory_space<hbm>>
        %dma_wait3A_94 = tpu.memref_squeeze %dma_wait3A_93 : memref<1x10000x128xf32, #tpu.memory_space<hbm>> -> memref<10000x128xf32, #tpu.memory_space<hbm>>
        %dma_wait3A_95 = arith.constant 0 : i32
        %dma_wait3A_96 = arith.constant 0 : i32
        %dma_wait3A_97 = tpu.memref_slice %dma_wait3A_94[%dma_wait3A_95, %dma_wait3A_96] : memref<10000x128xf32, #tpu.memory_space<hbm>> -> memref<10000x128xf32, #tpu.memory_space<hbm>>
        tpu.wait_indirect_dma semaphore(%arg14 : memref<!tpu.dma_semaphore, #tpu.memory_space<semaphore_mem>>) src(%dma_wait3A_97 : memref<10000x128xf32, #tpu.memory_space<hbm>>) dst(%arg6 : memref<80x128xf32, #tpu.memory_space<vmem>>)
        %sub3A_98 = arith.constant 1 : i32
        %sub3A_99 = arith.subi %sub3A_98, %arg0 : i32
        %dma_start3A_100 = arith.constant 0 : i32
        %dma_start3A_101 = arith.constant 0 : i32
        %dma_start3A_102 = tpu.memref_slice %arg2[%sub3A_99, %dma_start3A_100, %dma_start3A_101] : memref<2x10000x128xf32, #tpu.memory_space<hbm>> -> memref<1x10000x128xf32, #tpu.memory_space<hbm>>
        %dma_start3A_103 = tpu.memref_squeeze %dma_start3A_102 : memref<1x10000x128xf32, #tpu.memory_space<hbm>> -> memref<10000x128xf32, #tpu.memory_space<hbm>>
        %dma_start3A_104 = arith.constant 0 : i32
        %dma_start3A_105 = arith.constant 0 : i32
        %dma_start3A_106 = tpu.memref_slice %dma_start3A_103[%dma_start3A_104, %dma_start3A_105] : memref<10000x128xf32, #tpu.memory_space<hbm>> -> memref<10000x128xf32, #tpu.memory_space<hbm>>
        tpu.enqueue_indirect_dma source(%dma_start3A_106 : memref<10000x128xf32, #tpu.memory_space<hbm>>) target(%arg7 : memref<80x128xf32, #tpu.memory_space<vmem>>) offsets(%arg12 : memref<80xi32, #tpu.memory_space<vmem>>) semaphore(%arg15 : memref<!tpu.dma_semaphore, #tpu.memory_space<semaphore_mem>>)
        "tpu.region"() ({
          %run_scoped3A_114 = tpu.sem_alloc : memref<!tpu.dma_semaphore, #tpu.memory_space<semaphore_mem>>
          %dma_start3A_115 = arith.constant 0 : i32
          %dma_start3A_116 = arith.constant 0 : i32
          %dma_start3A_117 = tpu.memref_slice %arg13[%dma_start3A_115, %dma_start3A_116] : memref<10240x128xf32, #tpu.memory_space<vmem_shared>> -> memref<10240x128xf32, #tpu.memory_space<vmem_shared>>
          tpu.enqueue_indirect_dma source(%arg6 : memref<80x128xf32, #tpu.memory_space<vmem>>) target(%dma_start3A_117 : memref<10240x128xf32, #tpu.memory_space<vmem_shared>>) offsets(%arg9 : memref<80xi32, #tpu.memory_space<vmem>>) semaphore(%run_scoped3A_114 : memref<!tpu.dma_semaphore, #tpu.memory_space<semaphore_mem>>) {add = true}
          %dma_wait3A_118 = arith.constant 0 : i32
          %dma_wait3A_119 = arith.constant 0 : i32
          %dma_wait3A_120 = tpu.memref_slice %arg13[%dma_wait3A_118, %dma_wait3A_119] : memref<10240x128xf32, #tpu.memory_space<vmem_shared>> -> memref<10240x128xf32, #tpu.memory_space<vmem_shared>>
          tpu.wait_indirect_dma semaphore(%run_scoped3A_114 : memref<!tpu.dma_semaphore, #tpu.memory_space<semaphore_mem>>) src(%arg6 : memref<80x128xf32, #tpu.memory_space<vmem>>) dst(%dma_wait3A_120 : memref<10240x128xf32, #tpu.memory_space<vmem_shared>>)
          tpu.yield
        }) : () -> ()
        %dma_wait3A_107 = arith.constant 0 : i32
        %dma_wait3A_108 = arith.constant 0 : i32
        %dma_wait3A_109 = tpu.memref_slice %arg2[%sub3A_99, %dma_wait3A_107, %dma_wait3A_108] : memref<2x10000x128xf32, #tpu.memory_space<hbm>> -> memref<1x10000x128xf32, #tpu.memory_space<hbm>>
        %dma_wait3A_110 = tpu.memref_squeeze %dma_wait3A_109 : memref<1x10000x128xf32, #tpu.memory_space<hbm>> -> memref<10000x128xf32, #tpu.memory_space<hbm>>
        %dma_wait3A_111 = arith.constant 0 : i32
        %dma_wait3A_112 = arith.constant 0 : i32
        %dma_wait3A_113 = tpu.memref_slice %dma_wait3A_110[%dma_wait3A_111, %dma_wait3A_112] : memref<10000x128xf32, #tpu.memory_space<hbm>> -> memref<10000x128xf32, #tpu.memory_space<hbm>>
        tpu.wait_indirect_dma semaphore(%arg15 : memref<!tpu.dma_semaphore, #tpu.memory_space<semaphore_mem>>) src(%dma_wait3A_113 : memref<10000x128xf32, #tpu.memory_space<hbm>>) dst(%arg7 : memref<80x128xf32, #tpu.memory_space<vmem>>)
        "tpu.region"() ({
          %run_scoped3A_114 = tpu.sem_alloc : memref<!tpu.dma_semaphore, #tpu.memory_space<semaphore_mem>>
          %dma_start3A_115 = arith.constant 0 : i32
          %dma_start3A_116 = arith.constant 0 : i32
          %dma_start3A_117 = tpu.memref_slice %arg13[%dma_start3A_115, %dma_start3A_116] : memref<10240x128xf32, #tpu.memory_space<vmem_shared>> -> memref<10240x128xf32, #tpu.memory_space<vmem_shared>>
          tpu.enqueue_indirect_dma source(%arg7 : memref<80x128xf32, #tpu.memory_space<vmem>>) target(%dma_start3A_117 : memref<10240x128xf32, #tpu.memory_space<vmem_shared>>) offsets(%arg10 : memref<80xi32, #tpu.memory_space<vmem>>) semaphore(%run_scoped3A_114 : memref<!tpu.dma_semaphore, #tpu.memory_space<semaphore_mem>>) {add = true}
          %dma_wait3A_118 = arith.constant 0 : i32
          %dma_wait3A_119 = arith.constant 0 : i32
          %dma_wait3A_120 = tpu.memref_slice %arg13[%dma_wait3A_118, %dma_wait3A_119] : memref<10240x128xf32, #tpu.memory_space<vmem_shared>> -> memref<10240x128xf32, #tpu.memory_space<vmem_shared>>
          tpu.wait_indirect_dma semaphore(%run_scoped3A_114 : memref<!tpu.dma_semaphore, #tpu.memory_space<semaphore_mem>>) src(%arg7 : memref<80x128xf32, #tpu.memory_space<vmem>>) dst(%dma_wait3A_120 : memref<10240x128xf32, #tpu.memory_space<vmem_shared>>)
          tpu.yield
        }) : () -> ()
      }
      %scan3A_65 = arith.constant 25 : i32
    }
    %scan3A_35 = arith.constant 5 : i32
    %barrier3A_36 = arith.constant 0 : index
    tpu.barrier barrier_id(%barrier3A_36)
    %add3A_37 = arith.constant 0 : i32
    %add3A_38 = arith.addi %mul3A_6, %add3A_37 : i32
    "tpu.region"() ({
      %run_scoped3A = tpu.sem_alloc : memref<!tpu.dma_semaphore, #tpu.memory_space<semaphore_mem>>
      %dma_start3A = arith.constant 0 : i32
      %dma_start3A_53 = tpu.memref_slice %arg13[%add3A_38, %dma_start3A] : memref<10240x128xf32, #tpu.memory_space<vmem_shared>> -> memref<80x128xf32, #tpu.memory_space<vmem_shared>>
      %dma_start3A_54 = arith.constant 0 : i32
      %dma_start3A_55 = tpu.memref_slice %arg13[%add3A_38, %dma_start3A_54] : memref<10240x128xf32, #tpu.memory_space<vmem_shared>> -> memref<80x128xf32, #tpu.memory_space<vmem_shared>>
      tpu.enqueue_dma source(%dma_start3A_55 : memref<80x128xf32, #tpu.memory_space<vmem_shared>>) target(%arg6 : memref<80x128xf32, #tpu.memory_space<vmem>>) target_semaphore(%run_scoped3A : memref<!tpu.dma_semaphore, #tpu.memory_space<semaphore_mem>>)
      %dma_wait3A = arith.constant 0 : i32
      %dma_wait3A_56 = tpu.memref_slice %arg13[%add3A_38, %dma_wait3A] : memref<10240x128xf32, #tpu.memory_space<vmem_shared>> -> memref<80x128xf32, #tpu.memory_space<vmem_shared>>
      %dma_wait3A_57 = arith.constant 0 : i32
      %dma_wait3A_58 = tpu.memref_slice %arg13[%add3A_38, %dma_wait3A_57] : memref<10240x128xf32, #tpu.memory_space<vmem_shared>> -> memref<80x128xf32, #tpu.memory_space<vmem_shared>>
      tpu.wait_dma2 semaphore(%run_scoped3A : memref<!tpu.dma_semaphore, #tpu.memory_space<semaphore_mem>>) src(%dma_wait3A_58 : memref<80x128xf32, #tpu.memory_space<vmem_shared>>) dst(%arg6 : memref<80x128xf32, #tpu.memory_space<vmem>>)
      tpu.yield
    }) : () -> ()
    "tpu.region"() ({
      %run_scoped3A = tpu.sem_alloc : memref<!tpu.dma_semaphore, #tpu.memory_space<semaphore_mem>>
      %dma_start3A = arith.constant 0 : i32
      %dma_start3A_53 = tpu.memref_slice %arg5[%arg0, %add3A_38, %dma_start3A] : memref<2x10240x128xf32, #tpu.memory_space<hbm>> -> memref<1x80x128xf32, #tpu.memory_space<hbm>>
      %dma_start3A_54 = tpu.memref_squeeze %dma_start3A_53 : memref<1x80x128xf32, #tpu.memory_space<hbm>> -> memref<80x128xf32, #tpu.memory_space<hbm>>
      %dma_start3A_55 = arith.constant 0 : i32
      %dma_start3A_56 = tpu.memref_slice %arg5[%arg0, %add3A_38, %dma_start3A_55] : memref<2x10240x128xf32, #tpu.memory_space<hbm>> -> memref<1x80x128xf32, #tpu.memory_space<hbm>>
      %dma_start3A_57 = tpu.memref_squeeze %dma_start3A_56 : memref<1x80x128xf32, #tpu.memory_space<hbm>> -> memref<80x128xf32, #tpu.memory_space<hbm>>
      tpu.enqueue_dma source(%arg6 : memref<80x128xf32, #tpu.memory_space<vmem>>) target(%dma_start3A_57 : memref<80x128xf32, #tpu.memory_space<hbm>>) target_semaphore(%run_scoped3A : memref<!tpu.dma_semaphore, #tpu.memory_space<semaphore_mem>>)
      %dma_wait3A = arith.constant 0 : i32
      %dma_wait3A_58 = tpu.memref_slice %arg5[%arg0, %add3A_38, %dma_wait3A] : memref<2x10240x128xf32, #tpu.memory_space<hbm>> -> memref<1x80x128xf32, #tpu.memory_space<hbm>>
      %dma_wait3A_59 = tpu.memref_squeeze %dma_wait3A_58 : memref<1x80x128xf32, #tpu.memory_space<hbm>> -> memref<80x128xf32, #tpu.memory_space<hbm>>
      %dma_wait3A_60 = arith.constant 0 : i32
      %dma_wait3A_61 = tpu.memref_slice %arg5[%arg0, %add3A_38, %dma_wait3A_60] : memref<2x10240x128xf32, #tpu.memory_space<hbm>> -> memref<1x80x128xf32, #tpu.memory_space<hbm>>
      %dma_wait3A_62 = tpu.memref_squeeze %dma_wait3A_61 : memref<1x80x128xf32, #tpu.memory_space<hbm>> -> memref<80x128xf32, #tpu.memory_space<hbm>>
      tpu.wait_dma2 semaphore(%run_scoped3A : memref<!tpu.dma_semaphore, #tpu.memory_space<semaphore_mem>>) src(%arg6 : memref<80x128xf32, #tpu.memory_space<vmem>>) dst(%dma_wait3A_62 : memref<80x128xf32, #tpu.memory_space<hbm>>)
      tpu.yield
    }) : () -> ()
    %add3A_39 = arith.constant 80 : i32
    %add3A_40 = arith.addi %mul3A_6, %add3A_39 : i32
    "tpu.region"() ({
      %run_scoped3A = tpu.sem_alloc : memref<!tpu.dma_semaphore, #tpu.memory_space<semaphore_mem>>
      %dma_start3A = arith.constant 0 : i32
      %dma_start3A_53 = tpu.memref_slice %arg13[%add3A_40, %dma_start3A] : memref<10240x128xf32, #tpu.memory_space<vmem_shared>> -> memref<80x128xf32, #tpu.memory_space<vmem_shared>>
      %dma_start3A_54 = arith.constant 0 : i32
      %dma_start3A_55 = tpu.memref_slice %arg13[%add3A_40, %dma_start3A_54] : memref<10240x128xf32, #tpu.memory_space<vmem_shared>> -> memref<80x128xf32, #tpu.memory_space<vmem_shared>>
      tpu.enqueue_dma source(%dma_start3A_55 : memref<80x128xf32, #tpu.memory_space<vmem_shared>>) target(%arg6 : memref<80x128xf32, #tpu.memory_space<vmem>>) target_semaphore(%run_scoped3A : memref<!tpu.dma_semaphore, #tpu.memory_space<semaphore_mem>>)
      %dma_wait3A = arith.constant 0 : i32
      %dma_wait3A_56 = tpu.memref_slice %arg13[%add3A_40, %dma_wait3A] : memref<10240x128xf32, #tpu.memory_space<vmem_shared>> -> memref<80x128xf32, #tpu.memory_space<vmem_shared>>
      %dma_wait3A_57 = arith.constant 0 : i32
      %dma_wait3A_58 = tpu.memref_slice %arg13[%add3A_40, %dma_wait3A_57] : memref<10240x128xf32, #tpu.memory_space<vmem_shared>> -> memref<80x128xf32, #tpu.memory_space<vmem_shared>>
      tpu.wait_dma2 semaphore(%run_scoped3A : memref<!tpu.dma_semaphore, #tpu.memory_space<semaphore_mem>>) src(%dma_wait3A_58 : memref<80x128xf32, #tpu.memory_space<vmem_shared>>) dst(%arg6 : memref<80x128xf32, #tpu.memory_space<vmem>>)
      tpu.yield
    }) : () -> ()
    "tpu.region"() ({
      %run_scoped3A = tpu.sem_alloc : memref<!tpu.dma_semaphore, #tpu.memory_space<semaphore_mem>>
      %dma_start3A = arith.constant 0 : i32
      %dma_start3A_53 = tpu.memref_slice %arg5[%arg0, %add3A_40, %dma_start3A] : memref<2x10240x128xf32, #tpu.memory_space<hbm>> -> memref<1x80x128xf32, #tpu.memory_space<hbm>>
      %dma_start3A_54 = tpu.memref_squeeze %dma_start3A_53 : memref<1x80x128xf32, #tpu.memory_space<hbm>> -> memref<80x128xf32, #tpu.memory_space<hbm>>
      %dma_start3A_55 = arith.constant 0 : i32
      %dma_start3A_56 = tpu.memref_slice %arg5[%arg0, %add3A_40, %dma_start3A_55] : memref<2x10240x128xf32, #tpu.memory_space<hbm>> -> memref<1x80x128xf32, #tpu.memory_space<hbm>>
      %dma_start3A_57 = tpu.memref_squeeze %dma_start3A_56 : memref<1x80x128xf32, #tpu.memory_space<hbm>> -> memref<80x128xf32, #tpu.memory_space<hbm>>
      tpu.enqueue_dma source(%arg6 : memref<80x128xf32, #tpu.memory_space<vmem>>) target(%dma_start3A_57 : memref<80x128xf32, #tpu.memory_space<hbm>>) target_semaphore(%run_scoped3A : memref<!tpu.dma_semaphore, #tpu.memory_space<semaphore_mem>>)
      %dma_wait3A = arith.constant 0 : i32
      %dma_wait3A_58 = tpu.memref_slice %arg5[%arg0, %add3A_40, %dma_wait3A] : memref<2x10240x128xf32, #tpu.memory_space<hbm>> -> memref<1x80x128xf32, #tpu.memory_space<hbm>>
      %dma_wait3A_59 = tpu.memref_squeeze %dma_wait3A_58 : memref<1x80x128xf32, #tpu.memory_space<hbm>> -> memref<80x128xf32, #tpu.memory_space<hbm>>
      %dma_wait3A_60 = arith.constant 0 : i32
      %dma_wait3A_61 = tpu.memref_slice %arg5[%arg0, %add3A_40, %dma_wait3A_60] : memref<2x10240x128xf32, #tpu.memory_space<hbm>> -> memref<1x80x128xf32, #tpu.memory_space<hbm>>
      %dma_wait3A_62 = tpu.memref_squeeze %dma_wait3A_61 : memref<1x80x128xf32, #tpu.memory_space<hbm>> -> memref<80x128xf32, #tpu.memory_space<hbm>>
      tpu.wait_dma2 semaphore(%run_scoped3A : memref<!tpu.dma_semaphore, #tpu.memory_space<semaphore_mem>>) src(%arg6 : memref<80x128xf32, #tpu.memory_space<vmem>>) dst(%dma_wait3A_62 : memref<80x128xf32, #tpu.memory_space<hbm>>)
      tpu.yield
    }) : () -> ()
    %add3A_41 = arith.constant 160 : i32
    %add3A_42 = arith.addi %mul3A_6, %add3A_41 : i32
    "tpu.region"() ({
      %run_scoped3A = tpu.sem_alloc : memref<!tpu.dma_semaphore, #tpu.memory_space<semaphore_mem>>
      %dma_start3A = arith.constant 0 : i32
      %dma_start3A_53 = tpu.memref_slice %arg13[%add3A_42, %dma_start3A] : memref<10240x128xf32, #tpu.memory_space<vmem_shared>> -> memref<80x128xf32, #tpu.memory_space<vmem_shared>>
      %dma_start3A_54 = arith.constant 0 : i32
      %dma_start3A_55 = tpu.memref_slice %arg13[%add3A_42, %dma_start3A_54] : memref<10240x128xf32, #tpu.memory_space<vmem_shared>> -> memref<80x128xf32, #tpu.memory_space<vmem_shared>>
      tpu.enqueue_dma source(%dma_start3A_55 : memref<80x128xf32, #tpu.memory_space<vmem_shared>>) target(%arg6 : memref<80x128xf32, #tpu.memory_space<vmem>>) target_semaphore(%run_scoped3A : memref<!tpu.dma_semaphore, #tpu.memory_space<semaphore_mem>>)
      %dma_wait3A = arith.constant 0 : i32
      %dma_wait3A_56 = tpu.memref_slice %arg13[%add3A_42, %dma_wait3A] : memref<10240x128xf32, #tpu.memory_space<vmem_shared>> -> memref<80x128xf32, #tpu.memory_space<vmem_shared>>
      %dma_wait3A_57 = arith.constant 0 : i32
      %dma_wait3A_58 = tpu.memref_slice %arg13[%add3A_42, %dma_wait3A_57] : memref<10240x128xf32, #tpu.memory_space<vmem_shared>> -> memref<80x128xf32, #tpu.memory_space<vmem_shared>>
      tpu.wait_dma2 semaphore(%run_scoped3A : memref<!tpu.dma_semaphore, #tpu.memory_space<semaphore_mem>>) src(%dma_wait3A_58 : memref<80x128xf32, #tpu.memory_space<vmem_shared>>) dst(%arg6 : memref<80x128xf32, #tpu.memory_space<vmem>>)
      tpu.yield
    }) : () -> ()
    "tpu.region"() ({
      %run_scoped3A = tpu.sem_alloc : memref<!tpu.dma_semaphore, #tpu.memory_space<semaphore_mem>>
      %dma_start3A = arith.constant 0 : i32
      %dma_start3A_53 = tpu.memref_slice %arg5[%arg0, %add3A_42, %dma_start3A] : memref<2x10240x128xf32, #tpu.memory_space<hbm>> -> memref<1x80x128xf32, #tpu.memory_space<hbm>>
      %dma_start3A_54 = tpu.memref_squeeze %dma_start3A_53 : memref<1x80x128xf32, #tpu.memory_space<hbm>> -> memref<80x128xf32, #tpu.memory_space<hbm>>
      %dma_start3A_55 = arith.constant 0 : i32
      %dma_start3A_56 = tpu.memref_slice %arg5[%arg0, %add3A_42, %dma_start3A_55] : memref<2x10240x128xf32, #tpu.memory_space<hbm>> -> memref<1x80x128xf32, #tpu.memory_space<hbm>>
      %dma_start3A_57 = tpu.memref_squeeze %dma_start3A_56 : memref<1x80x128xf32, #tpu.memory_space<hbm>> -> memref<80x128xf32, #tpu.memory_space<hbm>>
      tpu.enqueue_dma source(%arg6 : memref<80x128xf32, #tpu.memory_space<vmem>>) target(%dma_start3A_57 : memref<80x128xf32, #tpu.memory_space<hbm>>) target_semaphore(%run_scoped3A : memref<!tpu.dma_semaphore, #tpu.memory_space<semaphore_mem>>)
      %dma_wait3A = arith.constant 0 : i32
      %dma_wait3A_58 = tpu.memref_slice %arg5[%arg0, %add3A_42, %dma_wait3A] : memref<2x10240x128xf32, #tpu.memory_space<hbm>> -> memref<1x80x128xf32, #tpu.memory_space<hbm>>
      %dma_wait3A_59 = tpu.memref_squeeze %dma_wait3A_58 : memref<1x80x128xf32, #tpu.memory_space<hbm>> -> memref<80x128xf32, #tpu.memory_space<hbm>>
      %dma_wait3A_60 = arith.constant 0 : i32
      %dma_wait3A_61 = tpu.memref_slice %arg5[%arg0, %add3A_42, %dma_wait3A_60] : memref<2x10240x128xf32, #tpu.memory_space<hbm>> -> memref<1x80x128xf32, #tpu.memory_space<hbm>>
      %dma_wait3A_62 = tpu.memref_squeeze %dma_wait3A_61 : memref<1x80x128xf32, #tpu.memory_space<hbm>> -> memref<80x128xf32, #tpu.memory_space<hbm>>
      tpu.wait_dma2 semaphore(%run_scoped3A : memref<!tpu.dma_semaphore, #tpu.memory_space<semaphore_mem>>) src(%arg6 : memref<80x128xf32, #tpu.memory_space<vmem>>) dst(%dma_wait3A_62 : memref<80x128xf32, #tpu.memory_space<hbm>>)
      tpu.yield
    }) : () -> ()
    %add3A_43 = arith.constant 240 : i32
    %add3A_44 = arith.addi %mul3A_6, %add3A_43 : i32
    "tpu.region"() ({
      %run_scoped3A = tpu.sem_alloc : memref<!tpu.dma_semaphore, #tpu.memory_space<semaphore_mem>>
      %dma_start3A = arith.constant 0 : i32
      %dma_start3A_53 = tpu.memref_slice %arg13[%add3A_44, %dma_start3A] : memref<10240x128xf32, #tpu.memory_space<vmem_shared>> -> memref<80x128xf32, #tpu.memory_space<vmem_shared>>
      %dma_start3A_54 = arith.constant 0 : i32
      %dma_start3A_55 = tpu.memref_slice %arg13[%add3A_44, %dma_start3A_54] : memref<10240x128xf32, #tpu.memory_space<vmem_shared>> -> memref<80x128xf32, #tpu.memory_space<vmem_shared>>
      tpu.enqueue_dma source(%dma_start3A_55 : memref<80x128xf32, #tpu.memory_space<vmem_shared>>) target(%arg6 : memref<80x128xf32, #tpu.memory_space<vmem>>) target_semaphore(%run_scoped3A : memref<!tpu.dma_semaphore, #tpu.memory_space<semaphore_mem>>)
      %dma_wait3A = arith.constant 0 : i32
      %dma_wait3A_56 = tpu.memref_slice %arg13[%add3A_44, %dma_wait3A] : memref<10240x128xf32, #tpu.memory_space<vmem_shared>> -> memref<80x128xf32, #tpu.memory_space<vmem_shared>>
      %dma_wait3A_57 = arith.constant 0 : i32
      %dma_wait3A_58 = tpu.memref_slice %arg13[%add3A_44, %dma_wait3A_57] : memref<10240x128xf32, #tpu.memory_space<vmem_shared>> -> memref<80x128xf32, #tpu.memory_space<vmem_shared>>
      tpu.wait_dma2 semaphore(%run_scoped3A : memref<!tpu.dma_semaphore, #tpu.memory_space<semaphore_mem>>) src(%dma_wait3A_58 : memref<80x128xf32, #tpu.memory_space<vmem_shared>>) dst(%arg6 : memref<80x128xf32, #tpu.memory_space<vmem>>)
      tpu.yield
    }) : () -> ()
    "tpu.region"() ({
      %run_scoped3A = tpu.sem_alloc : memref<!tpu.dma_semaphore, #tpu.memory_space<semaphore_mem>>
      %dma_start3A = arith.constant 0 : i32
      %dma_start3A_53 = tpu.memref_slice %arg5[%arg0, %add3A_44, %dma_start3A] : memref<2x10240x128xf32, #tpu.memory_space<hbm>> -> memref<1x80x128xf32, #tpu.memory_space<hbm>>
      %dma_start3A_54 = tpu.memref_squeeze %dma_start3A_53 : memref<1x80x128xf32, #tpu.memory_space<hbm>> -> memref<80x128xf32, #tpu.memory_space<hbm>>
      %dma_start3A_55 = arith.constant 0 : i32
      %dma_start3A_56 = tpu.memref_slice %arg5[%arg0, %add3A_44, %dma_start3A_55] : memref<2x10240x128xf32, #tpu.memory_space<hbm>> -> memref<1x80x128xf32, #tpu.memory_space<hbm>>
      %dma_start3A_57 = tpu.memref_squeeze %dma_start3A_56 : memref<1x80x128xf32, #tpu.memory_space<hbm>> -> memref<80x128xf32, #tpu.memory_space<hbm>>
      tpu.enqueue_dma source(%arg6 : memref<80x128xf32, #tpu.memory_space<vmem>>) target(%dma_start3A_57 : memref<80x128xf32, #tpu.memory_space<hbm>>) target_semaphore(%run_scoped3A : memref<!tpu.dma_semaphore, #tpu.memory_space<semaphore_mem>>)
      %dma_wait3A = arith.constant 0 : i32
      %dma_wait3A_58 = tpu.memref_slice %arg5[%arg0, %add3A_44, %dma_wait3A] : memref<2x10240x128xf32, #tpu.memory_space<hbm>> -> memref<1x80x128xf32, #tpu.memory_space<hbm>>
      %dma_wait3A_59 = tpu.memref_squeeze %dma_wait3A_58 : memref<1x80x128xf32, #tpu.memory_space<hbm>> -> memref<80x128xf32, #tpu.memory_space<hbm>>
      %dma_wait3A_60 = arith.constant 0 : i32
      %dma_wait3A_61 = tpu.memref_slice %arg5[%arg0, %add3A_44, %dma_wait3A_60] : memref<2x10240x128xf32, #tpu.memory_space<hbm>> -> memref<1x80x128xf32, #tpu.memory_space<hbm>>
      %dma_wait3A_62 = tpu.memref_squeeze %dma_wait3A_61 : memref<1x80x128xf32, #tpu.memory_space<hbm>> -> memref<80x128xf32, #tpu.memory_space<hbm>>
      tpu.wait_dma2 semaphore(%run_scoped3A : memref<!tpu.dma_semaphore, #tpu.memory_space<semaphore_mem>>) src(%arg6 : memref<80x128xf32, #tpu.memory_space<vmem>>) dst(%dma_wait3A_62 : memref<80x128xf32, #tpu.memory_space<hbm>>)
      tpu.yield
    }) : () -> ()
    %add3A_45 = arith.constant 320 : i32
    %add3A_46 = arith.addi %mul3A_6, %add3A_45 : i32
    "tpu.region"() ({
      %run_scoped3A = tpu.sem_alloc : memref<!tpu.dma_semaphore, #tpu.memory_space<semaphore_mem>>
      %dma_start3A = arith.constant 0 : i32
      %dma_start3A_53 = tpu.memref_slice %arg13[%add3A_46, %dma_start3A] : memref<10240x128xf32, #tpu.memory_space<vmem_shared>> -> memref<80x128xf32, #tpu.memory_space<vmem_shared>>
      %dma_start3A_54 = arith.constant 0 : i32
      %dma_start3A_55 = tpu.memref_slice %arg13[%add3A_46, %dma_start3A_54] : memref<10240x128xf32, #tpu.memory_space<vmem_shared>> -> memref<80x128xf32, #tpu.memory_space<vmem_shared>>
      tpu.enqueue_dma source(%dma_start3A_55 : memref<80x128xf32, #tpu.memory_space<vmem_shared>>) target(%arg6 : memref<80x128xf32, #tpu.memory_space<vmem>>) target_semaphore(%run_scoped3A : memref<!tpu.dma_semaphore, #tpu.memory_space<semaphore_mem>>)
      %dma_wait3A = arith.constant 0 : i32
      %dma_wait3A_56 = tpu.memref_slice %arg13[%add3A_46, %dma_wait3A] : memref<10240x128xf32, #tpu.memory_space<vmem_shared>> -> memref<80x128xf32, #tpu.memory_space<vmem_shared>>
      %dma_wait3A_57 = arith.constant 0 : i32
      %dma_wait3A_58 = tpu.memref_slice %arg13[%add3A_46, %dma_wait3A_57] : memref<10240x128xf32, #tpu.memory_space<vmem_shared>> -> memref<80x128xf32, #tpu.memory_space<vmem_shared>>
      tpu.wait_dma2 semaphore(%run_scoped3A : memref<!tpu.dma_semaphore, #tpu.memory_space<semaphore_mem>>) src(%dma_wait3A_58 : memref<80x128xf32, #tpu.memory_space<vmem_shared>>) dst(%arg6 : memref<80x128xf32, #tpu.memory_space<vmem>>)
      tpu.yield
    }) : () -> ()
    "tpu.region"() ({
      %run_scoped3A = tpu.sem_alloc : memref<!tpu.dma_semaphore, #tpu.memory_space<semaphore_mem>>
      %dma_start3A = arith.constant 0 : i32
      %dma_start3A_53 = tpu.memref_slice %arg5[%arg0, %add3A_46, %dma_start3A] : memref<2x10240x128xf32, #tpu.memory_space<hbm>> -> memref<1x80x128xf32, #tpu.memory_space<hbm>>
      %dma_start3A_54 = tpu.memref_squeeze %dma_start3A_53 : memref<1x80x128xf32, #tpu.memory_space<hbm>> -> memref<80x128xf32, #tpu.memory_space<hbm>>
      %dma_start3A_55 = arith.constant 0 : i32
      %dma_start3A_56 = tpu.memref_slice %arg5[%arg0, %add3A_46, %dma_start3A_55] : memref<2x10240x128xf32, #tpu.memory_space<hbm>> -> memref<1x80x128xf32, #tpu.memory_space<hbm>>
      %dma_start3A_57 = tpu.memref_squeeze %dma_start3A_56 : memref<1x80x128xf32, #tpu.memory_space<hbm>> -> memref<80x128xf32, #tpu.memory_space<hbm>>
      tpu.enqueue_dma source(%arg6 : memref<80x128xf32, #tpu.memory_space<vmem>>) target(%dma_start3A_57 : memref<80x128xf32, #tpu.memory_space<hbm>>) target_semaphore(%run_scoped3A : memref<!tpu.dma_semaphore, #tpu.memory_space<semaphore_mem>>)
      %dma_wait3A = arith.constant 0 : i32
      %dma_wait3A_58 = tpu.memref_slice %arg5[%arg0, %add3A_46, %dma_wait3A] : memref<2x10240x128xf32, #tpu.memory_space<hbm>> -> memref<1x80x128xf32, #tpu.memory_space<hbm>>
      %dma_wait3A_59 = tpu.memref_squeeze %dma_wait3A_58 : memref<1x80x128xf32, #tpu.memory_space<hbm>> -> memref<80x128xf32, #tpu.memory_space<hbm>>
      %dma_wait3A_60 = arith.constant 0 : i32
      %dma_wait3A_61 = tpu.memref_slice %arg5[%arg0, %add3A_46, %dma_wait3A_60] : memref<2x10240x128xf32, #tpu.memory_space<hbm>> -> memref<1x80x128xf32, #tpu.memory_space<hbm>>
      %dma_wait3A_62 = tpu.memref_squeeze %dma_wait3A_61 : memref<1x80x128xf32, #tpu.memory_space<hbm>> -> memref<80x128xf32, #tpu.memory_space<hbm>>
      tpu.wait_dma2 semaphore(%run_scoped3A : memref<!tpu.dma_semaphore, #tpu.memory_space<semaphore_mem>>) src(%arg6 : memref<80x128xf32, #tpu.memory_space<vmem>>) dst(%dma_wait3A_62 : memref<80x128xf32, #tpu.memory_space<hbm>>)
      tpu.yield
    }) : () -> ()
    %add3A_47 = arith.constant 400 : i32
    %add3A_48 = arith.addi %mul3A_6, %add3A_47 : i32
    "tpu.region"() ({
      %run_scoped3A = tpu.sem_alloc : memref<!tpu.dma_semaphore, #tpu.memory_space<semaphore_mem>>
      %dma_start3A = arith.constant 0 : i32
      %dma_start3A_53 = tpu.memref_slice %arg13[%add3A_48, %dma_start3A] : memref<10240x128xf32, #tpu.memory_space<vmem_shared>> -> memref<80x128xf32, #tpu.memory_space<vmem_shared>>
      %dma_start3A_54 = arith.constant 0 : i32
      %dma_start3A_55 = tpu.memref_slice %arg13[%add3A_48, %dma_start3A_54] : memref<10240x128xf32, #tpu.memory_space<vmem_shared>> -> memref<80x128xf32, #tpu.memory_space<vmem_shared>>
      tpu.enqueue_dma source(%dma_start3A_55 : memref<80x128xf32, #tpu.memory_space<vmem_shared>>) target(%arg6 : memref<80x128xf32, #tpu.memory_space<vmem>>) target_semaphore(%run_scoped3A : memref<!tpu.dma_semaphore, #tpu.memory_space<semaphore_mem>>)
      %dma_wait3A = arith.constant 0 : i32
      %dma_wait3A_56 = tpu.memref_slice %arg13[%add3A_48, %dma_wait3A] : memref<10240x128xf32, #tpu.memory_space<vmem_shared>> -> memref<80x128xf32, #tpu.memory_space<vmem_shared>>
      %dma_wait3A_57 = arith.constant 0 : i32
      %dma_wait3A_58 = tpu.memref_slice %arg13[%add3A_48, %dma_wait3A_57] : memref<10240x128xf32, #tpu.memory_space<vmem_shared>> -> memref<80x128xf32, #tpu.memory_space<vmem_shared>>
      tpu.wait_dma2 semaphore(%run_scoped3A : memref<!tpu.dma_semaphore, #tpu.memory_space<semaphore_mem>>) src(%dma_wait3A_58 : memref<80x128xf32, #tpu.memory_space<vmem_shared>>) dst(%arg6 : memref<80x128xf32, #tpu.memory_space<vmem>>)
      tpu.yield
    }) : () -> ()
    "tpu.region"() ({
      %run_scoped3A = tpu.sem_alloc : memref<!tpu.dma_semaphore, #tpu.memory_space<semaphore_mem>>
      %dma_start3A = arith.constant 0 : i32
      %dma_start3A_53 = tpu.memref_slice %arg5[%arg0, %add3A_48, %dma_start3A] : memref<2x10240x128xf32, #tpu.memory_space<hbm>> -> memref<1x80x128xf32, #tpu.memory_space<hbm>>
      %dma_start3A_54 = tpu.memref_squeeze %dma_start3A_53 : memref<1x80x128xf32, #tpu.memory_space<hbm>> -> memref<80x128xf32, #tpu.memory_space<hbm>>
      %dma_start3A_55 = arith.constant 0 : i32
      %dma_start3A_56 = tpu.memref_slice %arg5[%arg0, %add3A_48, %dma_start3A_55] : memref<2x10240x128xf32, #tpu.memory_space<hbm>> -> memref<1x80x128xf32, #tpu.memory_space<hbm>>
      %dma_start3A_57 = tpu.memref_squeeze %dma_start3A_56 : memref<1x80x128xf32, #tpu.memory_space<hbm>> -> memref<80x128xf32, #tpu.memory_space<hbm>>
      tpu.enqueue_dma source(%arg6 : memref<80x128xf32, #tpu.memory_space<vmem>>) target(%dma_start3A_57 : memref<80x128xf32, #tpu.memory_space<hbm>>) target_semaphore(%run_scoped3A : memref<!tpu.dma_semaphore, #tpu.memory_space<semaphore_mem>>)
      %dma_wait3A = arith.constant 0 : i32
      %dma_wait3A_58 = tpu.memref_slice %arg5[%arg0, %add3A_48, %dma_wait3A] : memref<2x10240x128xf32, #tpu.memory_space<hbm>> -> memref<1x80x128xf32, #tpu.memory_space<hbm>>
      %dma_wait3A_59 = tpu.memref_squeeze %dma_wait3A_58 : memref<1x80x128xf32, #tpu.memory_space<hbm>> -> memref<80x128xf32, #tpu.memory_space<hbm>>
      %dma_wait3A_60 = arith.constant 0 : i32
      %dma_wait3A_61 = tpu.memref_slice %arg5[%arg0, %add3A_48, %dma_wait3A_60] : memref<2x10240x128xf32, #tpu.memory_space<hbm>> -> memref<1x80x128xf32, #tpu.memory_space<hbm>>
      %dma_wait3A_62 = tpu.memref_squeeze %dma_wait3A_61 : memref<1x80x128xf32, #tpu.memory_space<hbm>> -> memref<80x128xf32, #tpu.memory_space<hbm>>
      tpu.wait_dma2 semaphore(%run_scoped3A : memref<!tpu.dma_semaphore, #tpu.memory_space<semaphore_mem>>) src(%arg6 : memref<80x128xf32, #tpu.memory_space<vmem>>) dst(%dma_wait3A_62 : memref<80x128xf32, #tpu.memory_space<hbm>>)
      tpu.yield
    }) : () -> ()
    %add3A_49 = arith.constant 480 : i32
    %add3A_50 = arith.addi %mul3A_6, %add3A_49 : i32
    "tpu.region"() ({
      %run_scoped3A = tpu.sem_alloc : memref<!tpu.dma_semaphore, #tpu.memory_space<semaphore_mem>>
      %dma_start3A = arith.constant 0 : i32
      %dma_start3A_53 = tpu.memref_slice %arg13[%add3A_50, %dma_start3A] : memref<10240x128xf32, #tpu.memory_space<vmem_shared>> -> memref<80x128xf32, #tpu.memory_space<vmem_shared>>
      %dma_start3A_54 = arith.constant 0 : i32
      %dma_start3A_55 = tpu.memref_slice %arg13[%add3A_50, %dma_start3A_54] : memref<10240x128xf32, #tpu.memory_space<vmem_shared>> -> memref<80x128xf32, #tpu.memory_space<vmem_shared>>
      tpu.enqueue_dma source(%dma_start3A_55 : memref<80x128xf32, #tpu.memory_space<vmem_shared>>) target(%arg6 : memref<80x128xf32, #tpu.memory_space<vmem>>) target_semaphore(%run_scoped3A : memref<!tpu.dma_semaphore, #tpu.memory_space<semaphore_mem>>)
      %dma_wait3A = arith.constant 0 : i32
      %dma_wait3A_56 = tpu.memref_slice %arg13[%add3A_50, %dma_wait3A] : memref<10240x128xf32, #tpu.memory_space<vmem_shared>> -> memref<80x128xf32, #tpu.memory_space<vmem_shared>>
      %dma_wait3A_57 = arith.constant 0 : i32
      %dma_wait3A_58 = tpu.memref_slice %arg13[%add3A_50, %dma_wait3A_57] : memref<10240x128xf32, #tpu.memory_space<vmem_shared>> -> memref<80x128xf32, #tpu.memory_space<vmem_shared>>
      tpu.wait_dma2 semaphore(%run_scoped3A : memref<!tpu.dma_semaphore, #tpu.memory_space<semaphore_mem>>) src(%dma_wait3A_58 : memref<80x128xf32, #tpu.memory_space<vmem_shared>>) dst(%arg6 : memref<80x128xf32, #tpu.memory_space<vmem>>)
      tpu.yield
    }) : () -> ()
    "tpu.region"() ({
      %run_scoped3A = tpu.sem_alloc : memref<!tpu.dma_semaphore, #tpu.memory_space<semaphore_mem>>
      %dma_start3A = arith.constant 0 : i32
      %dma_start3A_53 = tpu.memref_slice %arg5[%arg0, %add3A_50, %dma_start3A] : memref<2x10240x128xf32, #tpu.memory_space<hbm>> -> memref<1x80x128xf32, #tpu.memory_space<hbm>>
      %dma_start3A_54 = tpu.memref_squeeze %dma_start3A_53 : memref<1x80x128xf32, #tpu.memory_space<hbm>> -> memref<80x128xf32, #tpu.memory_space<hbm>>
      %dma_start3A_55 = arith.constant 0 : i32
      %dma_start3A_56 = tpu.memref_slice %arg5[%arg0, %add3A_50, %dma_start3A_55] : memref<2x10240x128xf32, #tpu.memory_space<hbm>> -> memref<1x80x128xf32, #tpu.memory_space<hbm>>
      %dma_start3A_57 = tpu.memref_squeeze %dma_start3A_56 : memref<1x80x128xf32, #tpu.memory_space<hbm>> -> memref<80x128xf32, #tpu.memory_space<hbm>>
      tpu.enqueue_dma source(%arg6 : memref<80x128xf32, #tpu.memory_space<vmem>>) target(%dma_start3A_57 : memref<80x128xf32, #tpu.memory_space<hbm>>) target_semaphore(%run_scoped3A : memref<!tpu.dma_semaphore, #tpu.memory_space<semaphore_mem>>)
      %dma_wait3A = arith.constant 0 : i32
      %dma_wait3A_58 = tpu.memref_slice %arg5[%arg0, %add3A_50, %dma_wait3A] : memref<2x10240x128xf32, #tpu.memory_space<hbm>> -> memref<1x80x128xf32, #tpu.memory_space<hbm>>
      %dma_wait3A_59 = tpu.memref_squeeze %dma_wait3A_58 : memref<1x80x128xf32, #tpu.memory_space<hbm>> -> memref<80x128xf32, #tpu.memory_space<hbm>>
      %dma_wait3A_60 = arith.constant 0 : i32
      %dma_wait3A_61 = tpu.memref_slice %arg5[%arg0, %add3A_50, %dma_wait3A_60] : memref<2x10240x128xf32, #tpu.memory_space<hbm>> -> memref<1x80x128xf32, #tpu.memory_space<hbm>>
      %dma_wait3A_62 = tpu.memref_squeeze %dma_wait3A_61 : memref<1x80x128xf32, #tpu.memory_space<hbm>> -> memref<80x128xf32, #tpu.memory_space<hbm>>
      tpu.wait_dma2 semaphore(%run_scoped3A : memref<!tpu.dma_semaphore, #tpu.memory_space<semaphore_mem>>) src(%arg6 : memref<80x128xf32, #tpu.memory_space<vmem>>) dst(%dma_wait3A_62 : memref<80x128xf32, #tpu.memory_space<hbm>>)
      tpu.yield
    }) : () -> ()
    %add3A_51 = arith.constant 560 : i32
    %add3A_52 = arith.addi %mul3A_6, %add3A_51 : i32
    "tpu.region"() ({
      %run_scoped3A = tpu.sem_alloc : memref<!tpu.dma_semaphore, #tpu.memory_space<semaphore_mem>>
      %dma_start3A = arith.constant 0 : i32
      %dma_start3A_53 = tpu.memref_slice %arg13[%add3A_52, %dma_start3A] : memref<10240x128xf32, #tpu.memory_space<vmem_shared>> -> memref<80x128xf32, #tpu.memory_space<vmem_shared>>
      %dma_start3A_54 = arith.constant 0 : i32
      %dma_start3A_55 = tpu.memref_slice %arg13[%add3A_52, %dma_start3A_54] : memref<10240x128xf32, #tpu.memory_space<vmem_shared>> -> memref<80x128xf32, #tpu.memory_space<vmem_shared>>
      tpu.enqueue_dma source(%dma_start3A_55 : memref<80x128xf32, #tpu.memory_space<vmem_shared>>) target(%arg6 : memref<80x128xf32, #tpu.memory_space<vmem>>) target_semaphore(%run_scoped3A : memref<!tpu.dma_semaphore, #tpu.memory_space<semaphore_mem>>)
      %dma_wait3A = arith.constant 0 : i32
      %dma_wait3A_56 = tpu.memref_slice %arg13[%add3A_52, %dma_wait3A] : memref<10240x128xf32, #tpu.memory_space<vmem_shared>> -> memref<80x128xf32, #tpu.memory_space<vmem_shared>>
      %dma_wait3A_57 = arith.constant 0 : i32
      %dma_wait3A_58 = tpu.memref_slice %arg13[%add3A_52, %dma_wait3A_57] : memref<10240x128xf32, #tpu.memory_space<vmem_shared>> -> memref<80x128xf32, #tpu.memory_space<vmem_shared>>
      tpu.wait_dma2 semaphore(%run_scoped3A : memref<!tpu.dma_semaphore, #tpu.memory_space<semaphore_mem>>) src(%dma_wait3A_58 : memref<80x128xf32, #tpu.memory_space<vmem_shared>>) dst(%arg6 : memref<80x128xf32, #tpu.memory_space<vmem>>)
      tpu.yield
    }) : () -> ()
    "tpu.region"() ({
      %run_scoped3A = tpu.sem_alloc : memref<!tpu.dma_semaphore, #tpu.memory_space<semaphore_mem>>
      %dma_start3A = arith.constant 0 : i32
      %dma_start3A_53 = tpu.memref_slice %arg5[%arg0, %add3A_52, %dma_start3A] : memref<2x10240x128xf32, #tpu.memory_space<hbm>> -> memref<1x80x128xf32, #tpu.memory_space<hbm>>
      %dma_start3A_54 = tpu.memref_squeeze %dma_start3A_53 : memref<1x80x128xf32, #tpu.memory_space<hbm>> -> memref<80x128xf32, #tpu.memory_space<hbm>>
      %dma_start3A_55 = arith.constant 0 : i32
      %dma_start3A_56 = tpu.memref_slice %arg5[%arg0, %add3A_52, %dma_start3A_55] : memref<2x10240x128xf32, #tpu.memory_space<hbm>> -> memref<1x80x128xf32, #tpu.memory_space<hbm>>
      %dma_start3A_57 = tpu.memref_squeeze %dma_start3A_56 : memref<1x80x128xf32, #tpu.memory_space<hbm>> -> memref<80x128xf32, #tpu.memory_space<hbm>>
      tpu.enqueue_dma source(%arg6 : memref<80x128xf32, #tpu.memory_space<vmem>>) target(%dma_start3A_57 : memref<80x128xf32, #tpu.memory_space<hbm>>) target_semaphore(%run_scoped3A : memref<!tpu.dma_semaphore, #tpu.memory_space<semaphore_mem>>)
      %dma_wait3A = arith.constant 0 : i32
      %dma_wait3A_58 = tpu.memref_slice %arg5[%arg0, %add3A_52, %dma_wait3A] : memref<2x10240x128xf32, #tpu.memory_space<hbm>> -> memref<1x80x128xf32, #tpu.memory_space<hbm>>
      %dma_wait3A_59 = tpu.memref_squeeze %dma_wait3A_58 : memref<1x80x128xf32, #tpu.memory_space<hbm>> -> memref<80x128xf32, #tpu.memory_space<hbm>>
      %dma_wait3A_60 = arith.constant 0 : i32
      %dma_wait3A_61 = tpu.memref_slice %arg5[%arg0, %add3A_52, %dma_wait3A_60] : memref<2x10240x128xf32, #tpu.memory_space<hbm>> -> memref<1x80x128xf32, #tpu.memory_space<hbm>>
      %dma_wait3A_62 = tpu.memref_squeeze %dma_wait3A_61 : memref<1x80x128xf32, #tpu.memory_space<hbm>> -> memref<80x128xf32, #tpu.memory_space<hbm>>
      tpu.wait_dma2 semaphore(%run_scoped3A : memref<!tpu.dma_semaphore, #tpu.memory_space<semaphore_mem>>) src(%arg6 : memref<80x128xf32, #tpu.memory_space<vmem>>) dst(%dma_wait3A_62 : memref<80x128xf32, #tpu.memory_space<hbm>>)
      tpu.yield
    }) : () -> ()
    return
  }
}

module attributes {stable_mosaic.version = 14 : i64} {
  func.func @_x2_body(%arg0: i32, %arg1: memref<1000x128xf32, #tpu.memory_space<vmem>>, %arg2: memref<1000x10xf32, #tpu.memory_space<vmem>>, %arg3: memref<1000x128xf32, #tpu.memory_space<vmem>>, %arg4: memref<10x128xf32, #tpu.memory_space<vmem>>, %arg5: memref<1x128xf32, #tpu.memory_space<vmem>>, %arg6: memref<2x1000x128xf32, #tpu.memory_space<vmem>>) attributes {dimension_semantics = [#tpu.dimension_semantics<arbitrary>], iteration_bounds = array<i64: 10>, scalar_prefetch = 0 : i64, scratch_operands = 0 : i64, tpu.core_type = #tpu.core_type<tc>, window_params = [{transform_indices = @transform_0, window_bounds = array<i64: 1000, 128>}, {transform_indices = @transform_1, window_bounds = array<i64: 1000, 10>}, {transform_indices = @transform_2, window_bounds = array<i64: 1000, 128>}, {pipeline_mode = #tpu.pipeline_mode<synchronous>, transform_indices = @transform_3, window_bounds = array<i64: 10, 128>}, {pipeline_mode = #tpu.pipeline_mode<synchronous>, transform_indices = @transform_4, window_bounds = array<i64: 1, 128>}, {transform_indices = @transform_5, window_bounds = array<i64: 2, 1000, 128>}]} {
    %get3A = arith.constant 0 : index
    %get3A_0 = arith.constant 0 : index
    %get3A_1 = vector.load %arg1[%get3A, %get3A_0] : memref<1000x128xf32, #tpu.memory_space<vmem>>, vector<1000x128xf32>
    %swap3A = arith.constant 0 : index
    %swap3A_2 = arith.constant 0 : index
    %swap3A_3 = arith.constant 0 : index
    %swap3A_4 = vector.load %arg6[%swap3A, %swap3A_2, %swap3A_3] : memref<2x1000x128xf32, #tpu.memory_space<vmem>>, vector<1x1000x128xf32>
    %swap3A_5 = vector.shape_cast %swap3A_4 : vector<1x1000x128xf32> to vector<1000x128xf32>
    %swap3A_6 = vector.shape_cast %get3A_1 : vector<1000x128xf32> to vector<1x1000x128xf32>
    tpu.vector_store %arg6[%swap3A, %swap3A_2, %swap3A_3], %swap3A_6 {strides = array<i32>} : memref<2x1000x128xf32, #tpu.memory_space<vmem>>, vector<1x1000x128xf32>,
    %get3A_7 = arith.constant 0 : index
    %get3A_8 = arith.constant 0 : index
    %get3A_9 = vector.load %arg5[%get3A_7, %get3A_8] : memref<1x128xf32, #tpu.memory_space<vmem>>, vector<1x128xf32>
    %get3A_10 = arith.constant 0 : index
    %get3A_11 = arith.constant 0 : index
    %get3A_12 = vector.load %arg3[%get3A_10, %get3A_11] : memref<1000x128xf32, #tpu.memory_space<vmem>>, vector<1000x128xf32>
    %add3A = vector.broadcast %get3A_9 : vector<1x128xf32> to vector<1000x128xf32>
    %add3A_13 = arith.addf %add3A, %get3A_12 : vector<1000x128xf32>
    %get3A_14 = arith.constant 0 : index
    %get3A_15 = arith.constant 0 : index
    %get3A_16 = vector.load %arg2[%get3A_14, %get3A_15] : memref<1000x10xf32, #tpu.memory_space<vmem>>, vector<1000x10xf32>
    %get3A_17 = arith.constant 0 : index
    %get3A_18 = arith.constant 0 : index
    %get3A_19 = vector.load %arg4[%get3A_17, %get3A_18] : memref<10x128xf32, #tpu.memory_space<vmem>>, vector<10x128xf32>
    %slice3A = vector.extract_strided_slice %get3A_16 {offsets = [0, 0], sizes = [1000, 1], strides = [1, 1]} : vector<1000x10xf32> to vector<1000x1xf32>
    %slice3A_20 = vector.extract_strided_slice %get3A_19 {offsets = [0, 0], sizes = [1, 128], strides = [1, 1]} : vector<10x128xf32> to vector<1x128xf32>
    %mul3A = vector.broadcast %slice3A : vector<1000x1xf32> to vector<1000x128xf32>
    %mul3A_21 = vector.broadcast %slice3A_20 : vector<1x128xf32> to vector<1000x128xf32>
    %mul3A_22 = arith.mulf %mul3A, %mul3A_21 : vector<1000x128xf32>
    %add3A_23 = arith.addf %add3A_13, %mul3A_22 : vector<1000x128xf32>
    %slice3A_24 = vector.extract_strided_slice %get3A_16 {offsets = [0, 1], sizes = [1000, 1], strides = [1, 1]} : vector<1000x10xf32> to vector<1000x1xf32>
    %slice3A_25 = vector.extract_strided_slice %get3A_19 {offsets = [1, 0], sizes = [1, 128], strides = [1, 1]} : vector<10x128xf32> to vector<1x128xf32>
    %mul3A_26 = vector.broadcast %slice3A_24 : vector<1000x1xf32> to vector<1000x128xf32>
    %mul3A_27 = vector.broadcast %slice3A_25 : vector<1x128xf32> to vector<1000x128xf32>
    %mul3A_28 = arith.mulf %mul3A_26, %mul3A_27 : vector<1000x128xf32>
    %add3A_29 = arith.addf %add3A_23, %mul3A_28 : vector<1000x128xf32>
    %slice3A_30 = vector.extract_strided_slice %get3A_16 {offsets = [0, 2], sizes = [1000, 1], strides = [1, 1]} : vector<1000x10xf32> to vector<1000x1xf32>
    %slice3A_31 = vector.extract_strided_slice %get3A_19 {offsets = [2, 0], sizes = [1, 128], strides = [1, 1]} : vector<10x128xf32> to vector<1x128xf32>
    %mul3A_32 = vector.broadcast %slice3A_30 : vector<1000x1xf32> to vector<1000x128xf32>
    %mul3A_33 = vector.broadcast %slice3A_31 : vector<1x128xf32> to vector<1000x128xf32>
    %mul3A_34 = arith.mulf %mul3A_32, %mul3A_33 : vector<1000x128xf32>
    %add3A_35 = arith.addf %add3A_29, %mul3A_34 : vector<1000x128xf32>
    %slice3A_36 = vector.extract_strided_slice %get3A_16 {offsets = [0, 3], sizes = [1000, 1], strides = [1, 1]} : vector<1000x10xf32> to vector<1000x1xf32>
    %slice3A_37 = vector.extract_strided_slice %get3A_19 {offsets = [3, 0], sizes = [1, 128], strides = [1, 1]} : vector<10x128xf32> to vector<1x128xf32>
    %mul3A_38 = vector.broadcast %slice3A_36 : vector<1000x1xf32> to vector<1000x128xf32>
    %mul3A_39 = vector.broadcast %slice3A_37 : vector<1x128xf32> to vector<1000x128xf32>
    %mul3A_40 = arith.mulf %mul3A_38, %mul3A_39 : vector<1000x128xf32>
    %add3A_41 = arith.addf %add3A_35, %mul3A_40 : vector<1000x128xf32>
    %slice3A_42 = vector.extract_strided_slice %get3A_16 {offsets = [0, 4], sizes = [1000, 1], strides = [1, 1]} : vector<1000x10xf32> to vector<1000x1xf32>
    %slice3A_43 = vector.extract_strided_slice %get3A_19 {offsets = [4, 0], sizes = [1, 128], strides = [1, 1]} : vector<10x128xf32> to vector<1x128xf32>
    %mul3A_44 = vector.broadcast %slice3A_42 : vector<1000x1xf32> to vector<1000x128xf32>
    %mul3A_45 = vector.broadcast %slice3A_43 : vector<1x128xf32> to vector<1000x128xf32>
    %mul3A_46 = arith.mulf %mul3A_44, %mul3A_45 : vector<1000x128xf32>
    %add3A_47 = arith.addf %add3A_41, %mul3A_46 : vector<1000x128xf32>
    %slice3A_48 = vector.extract_strided_slice %get3A_16 {offsets = [0, 5], sizes = [1000, 1], strides = [1, 1]} : vector<1000x10xf32> to vector<1000x1xf32>
    %slice3A_49 = vector.extract_strided_slice %get3A_19 {offsets = [5, 0], sizes = [1, 128], strides = [1, 1]} : vector<10x128xf32> to vector<1x128xf32>
    %mul3A_50 = vector.broadcast %slice3A_48 : vector<1000x1xf32> to vector<1000x128xf32>
    %mul3A_51 = vector.broadcast %slice3A_49 : vector<1x128xf32> to vector<1000x128xf32>
    %mul3A_52 = arith.mulf %mul3A_50, %mul3A_51 : vector<1000x128xf32>
    %add3A_53 = arith.addf %add3A_47, %mul3A_52 : vector<1000x128xf32>
    %slice3A_54 = vector.extract_strided_slice %get3A_16 {offsets = [0, 6], sizes = [1000, 1], strides = [1, 1]} : vector<1000x10xf32> to vector<1000x1xf32>
    %slice3A_55 = vector.extract_strided_slice %get3A_19 {offsets = [6, 0], sizes = [1, 128], strides = [1, 1]} : vector<10x128xf32> to vector<1x128xf32>
    %mul3A_56 = vector.broadcast %slice3A_54 : vector<1000x1xf32> to vector<1000x128xf32>
    %mul3A_57 = vector.broadcast %slice3A_55 : vector<1x128xf32> to vector<1000x128xf32>
    %mul3A_58 = arith.mulf %mul3A_56, %mul3A_57 : vector<1000x128xf32>
    %add3A_59 = arith.addf %add3A_53, %mul3A_58 : vector<1000x128xf32>
    %slice3A_60 = vector.extract_strided_slice %get3A_16 {offsets = [0, 7], sizes = [1000, 1], strides = [1, 1]} : vector<1000x10xf32> to vector<1000x1xf32>
    %slice3A_61 = vector.extract_strided_slice %get3A_19 {offsets = [7, 0], sizes = [1, 128], strides = [1, 1]} : vector<10x128xf32> to vector<1x128xf32>
    %mul3A_62 = vector.broadcast %slice3A_60 : vector<1000x1xf32> to vector<1000x128xf32>
    %mul3A_63 = vector.broadcast %slice3A_61 : vector<1x128xf32> to vector<1000x128xf32>
    %mul3A_64 = arith.mulf %mul3A_62, %mul3A_63 : vector<1000x128xf32>
    %add3A_65 = arith.addf %add3A_59, %mul3A_64 : vector<1000x128xf32>
    %slice3A_66 = vector.extract_strided_slice %get3A_16 {offsets = [0, 8], sizes = [1000, 1], strides = [1, 1]} : vector<1000x10xf32> to vector<1000x1xf32>
    %slice3A_67 = vector.extract_strided_slice %get3A_19 {offsets = [8, 0], sizes = [1, 128], strides = [1, 1]} : vector<10x128xf32> to vector<1x128xf32>
    %mul3A_68 = vector.broadcast %slice3A_66 : vector<1000x1xf32> to vector<1000x128xf32>
    %mul3A_69 = vector.broadcast %slice3A_67 : vector<1x128xf32> to vector<1000x128xf32>
    %mul3A_70 = arith.mulf %mul3A_68, %mul3A_69 : vector<1000x128xf32>
    %add3A_71 = arith.addf %add3A_65, %mul3A_70 : vector<1000x128xf32>
    %slice3A_72 = vector.extract_strided_slice %get3A_16 {offsets = [0, 9], sizes = [1000, 1], strides = [1, 1]} : vector<1000x10xf32> to vector<1000x1xf32>
    %slice3A_73 = vector.extract_strided_slice %get3A_19 {offsets = [9, 0], sizes = [1, 128], strides = [1, 1]} : vector<10x128xf32> to vector<1x128xf32>
    %mul3A_74 = vector.broadcast %slice3A_72 : vector<1000x1xf32> to vector<1000x128xf32>
    %mul3A_75 = vector.broadcast %slice3A_73 : vector<1x128xf32> to vector<1000x128xf32>
    %mul3A_76 = arith.mulf %mul3A_74, %mul3A_75 : vector<1000x128xf32>
    %add3A_77 = arith.addf %add3A_71, %mul3A_76 : vector<1000x128xf32>
    %swap3A_78 = arith.constant 1 : index
    %swap3A_79 = arith.constant 0 : index
    %swap3A_80 = arith.constant 0 : index
    %swap3A_81 = vector.load %arg6[%swap3A_78, %swap3A_79, %swap3A_80] : memref<2x1000x128xf32, #tpu.memory_space<vmem>>, vector<1x1000x128xf32>
    %swap3A_82 = vector.shape_cast %swap3A_81 : vector<1x1000x128xf32> to vector<1000x128xf32>
    %swap3A_83 = vector.shape_cast %add3A_77 : vector<1000x128xf32> to vector<1x1000x128xf32>
    tpu.vector_store %arg6[%swap3A_78, %swap3A_79, %swap3A_80], %swap3A_83 {strides = array<i32>} : memref<2x1000x128xf32, #tpu.memory_space<vmem>>, vector<1x1000x128xf32>,
    return
  }
  func.func @transform_0(%arg0: i32) -> (i32, i32) {
    %c0_i32 = arith.constant 0 : i32
    %c0_i32_0 = arith.constant 0 : i32
    return %arg0, %c0_i32 : i32, i32
  }
  func.func @transform_1(%arg0: i32) -> (i32, i32) {
    %c0_i32 = arith.constant 0 : i32
    %c0_i32_0 = arith.constant 0 : i32
    return %arg0, %c0_i32 : i32, i32
  }
  func.func @transform_2(%arg0: i32) -> (i32, i32) {
    %c0_i32 = arith.constant 0 : i32
    %c0_i32_0 = arith.constant 0 : i32
    return %arg0, %c0_i32 : i32, i32
  }
  func.func @transform_3(%arg0: i32) -> (i32, i32) {
    %c0_i32 = arith.constant 0 : i32
    %c0_i32_0 = arith.constant 0 : i32
    %c0_i32_1 = arith.constant 0 : i32
    return %c0_i32, %c0_i32_0 : i32, i32
  }
  func.func @transform_4(%arg0: i32) -> (i32, i32) {
    %c0_i32 = arith.constant 0 : i32
    %c0_i32_0 = arith.constant 0 : i32
    %c0_i32_1 = arith.constant 0 : i32
    return %c0_i32, %c0_i32_0 : i32, i32
  }
  func.func @transform_5(%arg0: i32) -> (i32, i32, i32) {
    %c0_i32 = arith.constant 0 : i32
    %c0_i32_0 = arith.constant 0 : i32
    %c0_i32_1 = arith.constant 0 : i32
    return %c0_i32, %arg0, %c0_i32_0 : i32, i32, i32
  }
}

module attributes {stable_mosaic.version = 14 : i64} {
  func.func @_cnt_inv_body(%arg0: i32, %arg1: i32, %arg2: memref<1x16x1024xf32, #tpu.memory_space<vmem>>, %arg3: memref<1x1024x1xf32, #tpu.memory_space<vmem>>) attributes {dimension_semantics = [#tpu.dimension_semantics<arbitrary>, #tpu.dimension_semantics<arbitrary>], iteration_bounds = array<i64: 2, 10>, scalar_prefetch = 0 : i64, scratch_operands = 0 : i64, tpu.core_type = #tpu.core_type<tc>, window_params = [{transform_indices = @transform_0, window_bounds = array<i64: 1, 16, 1024>}, {transform_indices = @transform_1, window_bounds = array<i64: 1, 1024, 1>}]} {
    %get3A = arith.constant 0 : index
    %get3A_0 = arith.constant 0 : index
    %get3A_1 = arith.constant 0 : index
    %get3A_2 = vector.load %arg2[%get3A, %get3A_0, %get3A_1] : memref<1x16x1024xf32, #tpu.memory_space<vmem>>, vector<1x16x1024xf32>
    %get3A_3 = vector.shape_cast %get3A_2 : vector<1x16x1024xf32> to vector<16x1024xf32>
    %reduce_sum3A = arith.constant dense<0.000000e+00> : vector<1024xf32>
    %reduce_sum3A_4 = vector.multi_reduction <add>, %get3A_3, %reduce_sum3A [0] : vector<16x1024xf32> to vector<1024xf32>
    %max3A = arith.constant 1.000000e+00 : f32
    %max3A_5 = vector.broadcast %max3A : f32 to vector<1024xf32>
    %max3A_6 = arith.maximumf %reduce_sum3A_4, %max3A_5 : vector<1024xf32>
    %div3A = arith.constant 1.000000e+00 : f32
    %div3A_7 = vector.broadcast %div3A : f32 to vector<1024xf32>
    %div3A_8 = arith.divf %div3A_7, %max3A_6 : vector<1024xf32>
    %broadcast_in_dim3A = vector.shape_cast %div3A_8 : vector<1024xf32> to vector<1024x1xf32>
    %swap3A = arith.constant 0 : index
    %swap3A_9 = arith.constant 0 : index
    %swap3A_10 = arith.constant 0 : index
    %swap3A_11 = vector.load %arg3[%swap3A, %swap3A_9, %swap3A_10] : memref<1x1024x1xf32, #tpu.memory_space<vmem>>, vector<1x1024x1xf32>
    %swap3A_12 = vector.shape_cast %swap3A_11 : vector<1x1024x1xf32> to vector<1024x1xf32>
    %swap3A_13 = vector.shape_cast %broadcast_in_dim3A : vector<1024x1xf32> to vector<1x1024x1xf32>
    tpu.vector_store %arg3[%swap3A, %swap3A_9, %swap3A_10], %swap3A_13 {strides = array<i32>} : memref<1x1024x1xf32, #tpu.memory_space<vmem>>, vector<1x1024x1xf32>,
    return
  }
  func.func @transform_0(%arg0: i32, %arg1: i32) -> (i32, i32, i32) {
    %c0_i32 = arith.constant 0 : i32
    %c0_i32_0 = arith.constant 0 : i32
    return %arg0, %c0_i32, %arg1 : i32, i32, i32
  }
  func.func @transform_1(%arg0: i32, %arg1: i32) -> (i32, i32, i32) {
    %c0_i32 = arith.constant 0 : i32
    %c0_i32_0 = arith.constant 0 : i32
    return %arg0, %arg1, %c0_i32 : i32, i32, i32
  }
}

module attributes {stable_mosaic.version = 14 : i64} {
  func.func @body(%arg0: i32, %arg1: i32, %arg2: memref<1x1000x128xf32, #tpu.memory_space<vmem>>, %arg3: memref<1x1000x128xf32, #tpu.memory_space<vmem>>, %arg4: memref<1x1000x1xf32, #tpu.memory_space<vmem>>, %arg5: memref<1x128x128xf32, #tpu.memory_space<vmem>>, %arg6: memref<1x1x128xf32, #tpu.memory_space<vmem>>, %arg7: memref<1x128x128xf32, #tpu.memory_space<vmem>>, %arg8: memref<1x1000x128xf32, #tpu.memory_space<vmem>>) attributes {dimension_semantics = [#tpu.dimension_semantics<arbitrary>, #tpu.dimension_semantics<arbitrary>], iteration_bounds = array<i64: 2, 10>, scalar_prefetch = 0 : i64, scratch_operands = 0 : i64, tpu.core_type = #tpu.core_type<tc>, window_params = [{transform_indices = @transform_0, window_bounds = array<i64: 1, 1000, 128>}, {transform_indices = @transform_1, window_bounds = array<i64: 1, 1000, 128>}, {transform_indices = @transform_2, window_bounds = array<i64: 1, 1000, 1>}, {transform_indices = @transform_3, window_bounds = array<i64: 1, 128, 128>}, {transform_indices = @transform_4, window_bounds = array<i64: 1, 1, 128>}, {transform_indices = @transform_5, window_bounds = array<i64: 1, 128, 128>}, {transform_indices = @transform_6, window_bounds = array<i64: 1, 1000, 128>}]} {
    %get3A = arith.constant 0 : index
    %get3A_0 = arith.constant 0 : index
    %get3A_1 = arith.constant 0 : index
    %get3A_2 = vector.load %arg4[%get3A, %get3A_0, %get3A_1] : memref<1x1000x1xf32, #tpu.memory_space<vmem>>, vector<1x1000x1xf32>
    %get3A_3 = vector.shape_cast %get3A_2 : vector<1x1000x1xf32> to vector<1000x1xf32>
    %get3A_4 = arith.constant 0 : index
    %get3A_5 = arith.constant 0 : index
    %get3A_6 = arith.constant 0 : index
    %get3A_7 = vector.load %arg2[%get3A_4, %get3A_5, %get3A_6] : memref<1x1000x128xf32, #tpu.memory_space<vmem>>, vector<1x1000x128xf32>
    %get3A_8 = vector.shape_cast %get3A_7 : vector<1x1000x128xf32> to vector<1000x128xf32>
    %mul3A = vector.broadcast %get3A_3 : vector<1000x1xf32> to vector<1000x128xf32>
    %mul3A_9 = arith.mulf %get3A_8, %mul3A : vector<1000x128xf32>
    %get3A_10 = arith.constant 0 : index
    %get3A_11 = arith.constant 0 : index
    %get3A_12 = arith.constant 0 : index
    %get3A_13 = vector.load %arg5[%get3A_10, %get3A_11, %get3A_12] : memref<1x128x128xf32, #tpu.memory_space<vmem>>, vector<1x128x128xf32>
    %get3A_14 = vector.shape_cast %get3A_13 : vector<1x128x128xf32> to vector<128x128xf32>
    %dot_general3A = arith.constant dense<0.000000e+00> : vector<1000x128xf32>
    %dot_general3A_15 = tpu.matmul %mul3A_9, %get3A_14, %dot_general3A {dimension_numbers = #tpu.dot_dimension_numbers<[1], [0], [0], [1], [0, 0, 1, 1], [], []>, transpose_lhs_hint = false} : vector<1000x128xf32>, vector<128x128xf32>, vector<1000x128xf32> -> vector<1000x128xf32>
    %get3A_16 = arith.constant 0 : index
    %get3A_17 = arith.constant 0 : index
    %get3A_18 = arith.constant 0 : index
    %get3A_19 = vector.load %arg6[%get3A_16, %get3A_17, %get3A_18] : memref<1x1x128xf32, #tpu.memory_space<vmem>>, vector<1x1x128xf32>
    %get3A_20 = vector.shape_cast %get3A_19 : vector<1x1x128xf32> to vector<1x128xf32>
    %add3A = vector.broadcast %get3A_20 : vector<1x128xf32> to vector<1000x128xf32>
    %add3A_21 = arith.addf %dot_general3A_15, %add3A : vector<1000x128xf32>
    %get3A_22 = arith.constant 0 : index
    %get3A_23 = arith.constant 0 : index
    %get3A_24 = arith.constant 0 : index
    %get3A_25 = vector.load %arg3[%get3A_22, %get3A_23, %get3A_24] : memref<1x1000x128xf32, #tpu.memory_space<vmem>>, vector<1x1000x128xf32>
    %get3A_26 = vector.shape_cast %get3A_25 : vector<1x1000x128xf32> to vector<1000x128xf32>
    %get3A_27 = arith.constant 0 : index
    %get3A_28 = arith.constant 0 : index
    %get3A_29 = arith.constant 0 : index
    %get3A_30 = vector.load %arg7[%get3A_27, %get3A_28, %get3A_29] : memref<1x128x128xf32, #tpu.memory_space<vmem>>, vector<1x128x128xf32>
    %get3A_31 = vector.shape_cast %get3A_30 : vector<1x128x128xf32> to vector<128x128xf32>
    %dot_general3A_32 = arith.constant dense<0.000000e+00> : vector<1000x128xf32>
    %dot_general3A_33 = tpu.matmul %get3A_26, %get3A_31, %dot_general3A_32 {dimension_numbers = #tpu.dot_dimension_numbers<[1], [0], [0], [1], [0, 0, 1, 1], [], []>, transpose_lhs_hint = false} : vector<1000x128xf32>, vector<128x128xf32>, vector<1000x128xf32> -> vector<1000x128xf32>
    %add3A_34 = arith.addf %add3A_21, %dot_general3A_33 : vector<1000x128xf32>
    %max3A = arith.constant 0.000000e+00 : f32
    %max3A_35 = vector.broadcast %max3A : f32 to vector<1000x128xf32>
    %max3A_36 = arith.maximumf %add3A_34, %max3A_35 : vector<1000x128xf32>
    %swap3A = arith.constant 0 : index
    %swap3A_37 = arith.constant 0 : index
    %swap3A_38 = arith.constant 0 : index
    %swap3A_39 = vector.load %arg8[%swap3A, %swap3A_37, %swap3A_38] : memref<1x1000x128xf32, #tpu.memory_space<vmem>>, vector<1x1000x128xf32>
    %swap3A_40 = vector.shape_cast %swap3A_39 : vector<1x1000x128xf32> to vector<1000x128xf32>
    %swap3A_41 = vector.shape_cast %max3A_36 : vector<1000x128xf32> to vector<1x1000x128xf32>
    tpu.vector_store %arg8[%swap3A, %swap3A_37, %swap3A_38], %swap3A_41 {strides = array<i32>} : memref<1x1000x128xf32, #tpu.memory_space<vmem>>, vector<1x1000x128xf32>,
    return
  }
  func.func @transform_0(%arg0: i32, %arg1: i32) -> (i32, i32, i32) {
    %c0_i32 = arith.constant 0 : i32
    %c0_i32_0 = arith.constant 0 : i32
    return %arg0, %arg1, %c0_i32 : i32, i32, i32
  }
  func.func @transform_1(%arg0: i32, %arg1: i32) -> (i32, i32, i32) {
    %c0_i32 = arith.constant 0 : i32
    %c0_i32_0 = arith.constant 0 : i32
    return %arg0, %arg1, %c0_i32 : i32, i32, i32
  }
  func.func @transform_2(%arg0: i32, %arg1: i32) -> (i32, i32, i32) {
    %c0_i32 = arith.constant 0 : i32
    %c0_i32_0 = arith.constant 0 : i32
    return %arg0, %arg1, %c0_i32 : i32, i32, i32
  }
  func.func @transform_3(%arg0: i32, %arg1: i32) -> (i32, i32, i32) {
    %c0_i32 = arith.constant 0 : i32
    %c0_i32_0 = arith.constant 0 : i32
    %c0_i32_1 = arith.constant 0 : i32
    return %arg0, %c0_i32, %c0_i32_0 : i32, i32, i32
  }
  func.func @transform_4(%arg0: i32, %arg1: i32) -> (i32, i32, i32) {
    %c0_i32 = arith.constant 0 : i32
    %c0_i32_0 = arith.constant 0 : i32
    %c0_i32_1 = arith.constant 0 : i32
    return %arg0, %c0_i32, %c0_i32_0 : i32, i32, i32
  }
  func.func @transform_5(%arg0: i32, %arg1: i32) -> (i32, i32, i32) {
    %c0_i32 = arith.constant 0 : i32
    %c0_i32_0 = arith.constant 0 : i32
    %c0_i32_1 = arith.constant 0 : i32
    return %arg0, %c0_i32, %c0_i32_0 : i32, i32, i32
  }
  func.func @transform_6(%arg0: i32, %arg1: i32) -> (i32, i32, i32) {
    %c0_i32 = arith.constant 0 : i32
    %c0_i32_0 = arith.constant 0 : i32
    return %arg0, %arg1, %c0_i32 : i32, i32, i32
  }
}

module attributes {stable_mosaic.version = 14 : i64} {
  func.func @body(%arg0: i32, %arg1: i32, %arg2: memref<1x1000x128xf32, #tpu.memory_space<vmem>>, %arg3: memref<1x1000x128xf32, #tpu.memory_space<vmem>>, %arg4: memref<1x1000x1xf32, #tpu.memory_space<vmem>>, %arg5: memref<1x128x128xf32, #tpu.memory_space<vmem>>, %arg6: memref<1x1x128xf32, #tpu.memory_space<vmem>>, %arg7: memref<1x128x128xf32, #tpu.memory_space<vmem>>, %arg8: memref<1x1000x128xf32, #tpu.memory_space<vmem>>) attributes {dimension_semantics = [#tpu.dimension_semantics<arbitrary>, #tpu.dimension_semantics<arbitrary>], iteration_bounds = array<i64: 2, 10>, scalar_prefetch = 0 : i64, scratch_operands = 0 : i64, tpu.core_type = #tpu.core_type<tc>, window_params = [{transform_indices = @transform_0, window_bounds = array<i64: 1, 1000, 128>}, {transform_indices = @transform_1, window_bounds = array<i64: 1, 1000, 128>}, {transform_indices = @transform_2, window_bounds = array<i64: 1, 1000, 1>}, {transform_indices = @transform_3, window_bounds = array<i64: 1, 128, 128>}, {transform_indices = @transform_4, window_bounds = array<i64: 1, 1, 128>}, {transform_indices = @transform_5, window_bounds = array<i64: 1, 128, 128>}, {transform_indices = @transform_6, window_bounds = array<i64: 1, 1000, 128>}]} {
    %get3A = arith.constant 0 : index
    %get3A_0 = arith.constant 0 : index
    %get3A_1 = arith.constant 0 : index
    %get3A_2 = vector.load %arg4[%get3A, %get3A_0, %get3A_1] : memref<1x1000x1xf32, #tpu.memory_space<vmem>>, vector<1x1000x1xf32>
    %get3A_3 = vector.shape_cast %get3A_2 : vector<1x1000x1xf32> to vector<1000x1xf32>
    %get3A_4 = arith.constant 0 : index
    %get3A_5 = arith.constant 0 : index
    %get3A_6 = arith.constant 0 : index
    %get3A_7 = vector.load %arg2[%get3A_4, %get3A_5, %get3A_6] : memref<1x1000x128xf32, #tpu.memory_space<vmem>>, vector<1x1000x128xf32>
    %get3A_8 = vector.shape_cast %get3A_7 : vector<1x1000x128xf32> to vector<1000x128xf32>
    %mul3A = vector.broadcast %get3A_3 : vector<1000x1xf32> to vector<1000x128xf32>
    %mul3A_9 = arith.mulf %get3A_8, %mul3A : vector<1000x128xf32>
    %get3A_10 = arith.constant 0 : index
    %get3A_11 = arith.constant 0 : index
    %get3A_12 = arith.constant 0 : index
    %get3A_13 = vector.load %arg5[%get3A_10, %get3A_11, %get3A_12] : memref<1x128x128xf32, #tpu.memory_space<vmem>>, vector<1x128x128xf32>
    %get3A_14 = vector.shape_cast %get3A_13 : vector<1x128x128xf32> to vector<128x128xf32>
    %dot_general3A = arith.constant dense<0.000000e+00> : vector<1000x128xf32>
    %dot_general3A_15 = tpu.matmul %mul3A_9, %get3A_14, %dot_general3A {dimension_numbers = #tpu.dot_dimension_numbers<[1], [0], [0], [1], [0, 0, 1, 1], [], []>, transpose_lhs_hint = false} : vector<1000x128xf32>, vector<128x128xf32>, vector<1000x128xf32> -> vector<1000x128xf32>
    %get3A_16 = arith.constant 0 : index
    %get3A_17 = arith.constant 0 : index
    %get3A_18 = arith.constant 0 : index
    %get3A_19 = vector.load %arg6[%get3A_16, %get3A_17, %get3A_18] : memref<1x1x128xf32, #tpu.memory_space<vmem>>, vector<1x1x128xf32>
    %get3A_20 = vector.shape_cast %get3A_19 : vector<1x1x128xf32> to vector<1x128xf32>
    %add3A = vector.broadcast %get3A_20 : vector<1x128xf32> to vector<1000x128xf32>
    %add3A_21 = arith.addf %dot_general3A_15, %add3A : vector<1000x128xf32>
    %get3A_22 = arith.constant 0 : index
    %get3A_23 = arith.constant 0 : index
    %get3A_24 = arith.constant 0 : index
    %get3A_25 = vector.load %arg3[%get3A_22, %get3A_23, %get3A_24] : memref<1x1000x128xf32, #tpu.memory_space<vmem>>, vector<1x1000x128xf32>
    %get3A_26 = vector.shape_cast %get3A_25 : vector<1x1000x128xf32> to vector<1000x128xf32>
    %get3A_27 = arith.constant 0 : index
    %get3A_28 = arith.constant 0 : index
    %get3A_29 = arith.constant 0 : index
    %get3A_30 = vector.load %arg7[%get3A_27, %get3A_28, %get3A_29] : memref<1x128x128xf32, #tpu.memory_space<vmem>>, vector<1x128x128xf32>
    %get3A_31 = vector.shape_cast %get3A_30 : vector<1x128x128xf32> to vector<128x128xf32>
    %dot_general3A_32 = arith.constant dense<0.000000e+00> : vector<1000x128xf32>
    %dot_general3A_33 = tpu.matmul %get3A_26, %get3A_31, %dot_general3A_32 {dimension_numbers = #tpu.dot_dimension_numbers<[1], [0], [0], [1], [0, 0, 1, 1], [], []>, transpose_lhs_hint = false} : vector<1000x128xf32>, vector<128x128xf32>, vector<1000x128xf32> -> vector<1000x128xf32>
    %add3A_34 = arith.addf %add3A_21, %dot_general3A_33 : vector<1000x128xf32>
    %swap3A = arith.constant 0 : index
    %swap3A_35 = arith.constant 0 : index
    %swap3A_36 = arith.constant 0 : index
    %swap3A_37 = vector.load %arg8[%swap3A, %swap3A_35, %swap3A_36] : memref<1x1000x128xf32, #tpu.memory_space<vmem>>, vector<1x1000x128xf32>
    %swap3A_38 = vector.shape_cast %swap3A_37 : vector<1x1000x128xf32> to vector<1000x128xf32>
    %swap3A_39 = vector.shape_cast %add3A_34 : vector<1000x128xf32> to vector<1x1000x128xf32>
    tpu.vector_store %arg8[%swap3A, %swap3A_35, %swap3A_36], %swap3A_39 {strides = array<i32>} : memref<1x1000x128xf32, #tpu.memory_space<vmem>>, vector<1x1000x128xf32>,
    return
  }
  func.func @transform_0(%arg0: i32, %arg1: i32) -> (i32, i32, i32) {
    %c0_i32 = arith.constant 0 : i32
    %c0_i32_0 = arith.constant 0 : i32
    return %arg0, %arg1, %c0_i32 : i32, i32, i32
  }
  func.func @transform_1(%arg0: i32, %arg1: i32) -> (i32, i32, i32) {
    %c0_i32 = arith.constant 0 : i32
    %c0_i32_0 = arith.constant 0 : i32
    return %arg0, %arg1, %c0_i32 : i32, i32, i32
  }
  func.func @transform_2(%arg0: i32, %arg1: i32) -> (i32, i32, i32) {
    %c0_i32 = arith.constant 0 : i32
    %c0_i32_0 = arith.constant 0 : i32
    return %arg0, %arg1, %c0_i32 : i32, i32, i32
  }
  func.func @transform_3(%arg0: i32, %arg1: i32) -> (i32, i32, i32) {
    %c0_i32 = arith.constant 0 : i32
    %c0_i32_0 = arith.constant 0 : i32
    %c0_i32_1 = arith.constant 0 : i32
    return %arg0, %c0_i32, %c0_i32_0 : i32, i32, i32
  }
  func.func @transform_4(%arg0: i32, %arg1: i32) -> (i32, i32, i32) {
    %c0_i32 = arith.constant 0 : i32
    %c0_i32_0 = arith.constant 0 : i32
    %c0_i32_1 = arith.constant 0 : i32
    return %arg0, %c0_i32, %c0_i32_0 : i32, i32, i32
  }
  func.func @transform_5(%arg0: i32, %arg1: i32) -> (i32, i32, i32) {
    %c0_i32 = arith.constant 0 : i32
    %c0_i32_0 = arith.constant 0 : i32
    %c0_i32_1 = arith.constant 0 : i32
    return %arg0, %c0_i32, %c0_i32_0 : i32, i32, i32
  }
  func.func @transform_6(%arg0: i32, %arg1: i32) -> (i32, i32, i32) {
    %c0_i32 = arith.constant 0 : i32
    %c0_i32_0 = arith.constant 0 : i32
    return %arg0, %arg1, %c0_i32 : i32, i32, i32
  }
}

</mosaic_0001>

<sc_bundles>
// kernel: edge_dot_classifier.3.cloned.1.call-start
scs
__scs_entry_jumppad:
0x0: {  	(pc) =	sbr.rel $0x88, $3  }
0x1: {  	(tag) =	ssettag $0x0;
	lr =	simm.s32 $0x1  }
0x2: {  	[smem:$0x3F8E] =	sst lr;
	_ =	strace $0xD0000000  }
0x3: {  	_ = 	snop  }
0x4: {  	_ = 	snop  }
0x5: {  	_ = 	snop  }
0x6: {  	_ = 	snop  }
0x7: {  	_ = 	snop  }
__scs_overlays_trampoline_lowered:
0x8: {  	[smem:$0x3F9D] =	sst s0  }
0x9: {  	[smem:$0x3F9E] =	sst s1  }
0xa: {  	[smem:$0x3F9F] =	sst s2  }
0xb: {  	[smem:$0x3FA0] =	sst s3  }
0xc: {  	[smem:$0x3FA1] =	sst s4  }
0xd: {  	[smem:$0x3FA2] =	sst s5  }
0xe: {  	[smem:$0x3FA3] =	sst s6  }
0xf: {  	[smem:$0x3FA4] =	sst s7  }
0x10: {  	[smem:$0x3FA5] =	sst s8  }
0x11: {  	[smem:$0x3FA6] =	sst s9;
	s0 =	simm.s32 @!p0 $0x0  }
0x12: {  	s1 =	sld [smem:$0x3F8C];
	s0 =	simm.s32 @p0 $0x1  }
0x13: {  	[smem:$0x3FA7] =	sst s0;
	s0 =	simm.s32 @!p1 $0x0  }
0x14: {  	s2 =	sld [smem:$0x3F8B];
	s0 =	simm.s32 @p1 $0x1  }
0x15: {  	[smem:$0x3FA8] =	sst s0;
	s0 =	simm.s32 @!p2 $0x0  }
0x16: {  	s3 =	sld [smem:$0x3FDB];
	s0 =	simm.s32 @p2 $0x1  }
0x17: {  	s4 =	simm.s32 $0x1BF5;
	[smem:$0x3FAA] =	sst s0  }
0x18: {  	s0 =	sld [smem:$0x3F8D];
	_ =	swait.ge [sflag:s4], $0x0  }
0x19: {  	s7 =	sld [smem:$0x3F8E]  }
0x1a: {  	s8 =	sadd.s32 $0xFFFFE003, lr  }
0x1b: {  	s9 =	sadd.s32 $0xFFFFFEF7, lr;
	s5 =	simm.s32 $0xFFFFFFFF;
	p2 =	slt.u32 s8, $0xFFFFF086  }
0x1c: {  	p1 =	slt.u32 s9, $0xF7A;
	s5 =	simm.s32 @!p2 $0x0  }
0x1d: {  	s5 =	simm.s32 @p1 $0x1;
	p0 =	seq.s32 s7, s2  }
0x1e: {  	s7 =	smul.u32 @!p0 $0xF7A, s2;
	p2 =	seq.s32 @!p0 s5, $0x0  }
0x1f: {  	s9 =	smul.u32 $0xF7A, s1;
	s8 =	simm.s32 @!p0 $0x1BF5;
	p2 =	por !p2, p0  }
0x20: {  	[sflag:s8] =	ssyncset.s32 @!p0 $0xFFFFF086;
	s6 =	sadd.s32 @!p0 s3, s7;
	s7 =	simm.s32 @!p0 $0x108  }
0x21: {  	s3 =	sadd.s32 s3, s9;
	s6 =	sadd.s32 @!p0 $0x88, s6;
	s7 =	simm.s32 @p2 $0x1082  }
0x22: {  	[simem:s7], [sflag:s8] =	dma.local @!p0 [hbm:s6], $0xF7A  }
0x23: {  	s9 =	sor.u32 $0xD0000000, s2;
	s6 =	simm.s32 $0x108;
	_ =	swait.ge @!p0 [sflag:s8], $0x0  }
0x24: {  	s3 =	sadd.s32 $0x88, s3;
	s6 =	simm.s32 @!p1 $0x1082;
	[sflag:s4] =	ssyncset.s32 $0xFFFFF086  }
0x25: {  	[simem:s6], [sflag:s4] =	dma.local [hbm:s3], $0xF7A  }
0x26: {  	[smem:$0x3F8E] =	sst s1;
	(tag) =	ssettag s2;
	_ =	strace s9  }
0x27: {  	s1 =	sld [smem:$0x3F9E]  }
0x28: {  	s2 =	sld [smem:$0x3F9F]  }
0x29: {  	s4 =	sld [smem:$0x3FA1]  }
0x2a: {  	p0 =	seq.s32 s5, $0x0;
	s5 =	sld [smem:$0x3FA2]  }
0x2b: {  	s6 =	sld [smem:$0x3FA3]  }
0x2c: {  	s7 =	sld [smem:$0x3FA4]  }
0x2d: {  	s3 =	simm.s32 $0x108;
	s8 =	sld [smem:$0x3FA5]  }
0x2e: {  	s3 =	simm.s32 @!p0 $0x1082;
	s9 =	sld [smem:$0x3FA6]  }
0x2f: {  	lr =	sadd.s32 s0, s3;
	s0 =	sld [smem:$0x3F9D]  }
0x30: {  	s3 =	sld [smem:$0x3FA0]  }
0x31: {  	[smem:$0x3FA9] =	sst s10  }
0x32: {  	s10 =	sld [smem:$0x3FA7];
	_ =	sdelay $0x3  }
0x33: {  	p0 =	seq.s32 s10, $0x1;
	s10 =	sld [smem:$0x3FA9];
	_ =	sdelay $0x3  }
0x34: {  	[smem:$0x3FA9] =	sst s10  }
0x35: {  	s10 =	sld [smem:$0x3FA8];
	_ =	sdelay $0x3  }
0x36: {  	p1 =	seq.s32 s10, $0x1;
	s10 =	sld [smem:$0x3FA9];
	_ =	sdelay $0x3  }
0x37: {  	[smem:$0x3FA9] =	sst s10  }
0x38: {  	s10 =	sld [smem:$0x3FAA]  }
0x39: {  	_ = 	snop;
	(pc) =	sbr.ind lr, $3  }
0x3a: {  	_ = 	snop  }
0x3b: {  	_ = 	snop  }
0x3c: {  	p2 =	seq.s32 s10, $0x1;
	s10 =	sld [smem:$0x3FA9]  }
0x3d: {  	_ =	shalt  }
0x3e: {  	_ =	shalt  }
0x3f: {  	_ =	shalt  }
0x40: {  	_ =	shalt  }
0x41: {  	_ =	shalt  }
0x42: {  	_ =	shalt  }
0x43: {  	_ =	shalt  }
0x44: {  	_ =	shalt  }
0x45: {  	_ =	shalt  }
0x46: {  	_ =	shalt  }
0x47: {  	_ =	shalt  }
0x48: {  	_ =	shalt  }
0x49: {  	_ =	shalt  }
0x4a: {  	_ =	shalt  }
0x4b: {  	_ =	shalt  }
0x4c: {  	_ =	shalt  }
0x4d: {  	_ =	shalt  }
0x4e: {  	_ =	shalt  }
0x4f: {  	_ =	shalt  }
0x50: {  	_ =	shalt  }
0x51: {  	_ =	shalt  }
0x52: {  	_ =	shalt  }
0x53: {  	_ =	shalt  }
0x54: {  	_ =	shalt  }
0x55: {  	_ =	shalt  }
0x56: {  	_ =	shalt  }
0x57: {  	_ =	shalt  }
0x58: {  	_ =	shalt  }
0x59: {  	_ =	shalt  }
0x5a: {  	_ =	shalt  }
0x5b: {  	_ =	shalt  }
0x5c: {  	_ =	shalt  }
0x5d: {  	_ =	shalt  }
0x5e: {  	_ =	shalt  }
0x5f: {  	_ =	shalt  }
0x60: {  	_ =	shalt  }
0x61: {  	_ =	shalt  }
0x62: {  	_ =	shalt  }
0x63: {  	_ =	shalt  }
0x64: {  	_ =	shalt  }
0x65: {  	_ =	shalt  }
0x66: {  	_ =	shalt  }
0x67: {  	_ =	shalt  }
0x68: {  	_ =	shalt  }
0x69: {  	_ =	shalt  }
0x6a: {  	_ =	shalt  }
0x6b: {  	_ =	shalt  }
0x6c: {  	_ =	shalt  }
0x6d: {  	_ =	shalt  }
0x6e: {  	_ =	shalt  }
0x6f: {  	_ =	shalt  }
0x70: {  	_ =	shalt  }
0x71: {  	_ =	shalt  }
0x72: {  	_ =	shalt  }
0x73: {  	_ =	shalt  }
0x74: {  	_ =	shalt  }
0x75: {  	_ =	shalt  }
0x76: {  	_ =	shalt  }
0x77: {  	_ =	shalt  }
0x78: {  	_ =	shalt  }
0x79: {  	_ =	shalt  }
0x7a: {  	_ =	shalt  }
0x7b: {  	_ =	shalt  }
0x7c: {  	_ =	shalt  }
0x7d: {  	_ =	shalt  }
0x7e: {  	_ =	shalt  }
0x7f: {  	_ =	shalt  }
0x80: {  	_ =	shalt  }
0x81: {  	_ =	shalt  }
0x82: {  	_ =	shalt  }
0x83: {  	_ =	shalt  }
0x84: {  	_ =	shalt  }
0x85: {  	_ =	shalt  }
0x86: {  	_ =	shalt  }
0x87: {  	_ =	shalt  }
.Lfunc_end0:
.L_simem_size_0:
called_computation.2_lowered:
.L_overlay_start_0:
0x88: {  	s2 =	sld [smem:$0x3FD9]  }
0x89: {  	s3 =	sld [smem:$0x3FFE];
	_ =	sdelay $0x1  }
0x8a: {  	s1 =	srdreg.scid  }
0x8b: {  	s0 =	sand.u32 $0x1, s1  }
0x8c: {  	s17 =	sshll.u32 s0, $0xA;
	s2 =	sadd.s32 s3, s2  }
0x8d: {  	s2 =	sadd.s32 s2, s17  }
0x8e: {  	[smem:$0x3FB5] =	sst s2  }
0x8f: {  	_ = 	snop  }
0x90: {  	s2 =	sld [smem:$0x3FD0];
	(tm) =	ssettm $0x1  }
0x91: {  	s18 =	sld [smem:$0x3FFB];
	_ =	sdelay $0x3  }
0x92: {  	_ =	strace s18  }
0x93: {  	s3 =	sld [smem:$0x3FFC];
	_ =	sdelay $0x3  }
0x94: {  	_ =	strace s3  }
0x95: {  	s3 =	sld [smem:$0x3FFD];
	_ =	sdelay $0x3  }
0x96: {  	_ =	strace s3  }
0x97: {  	_ =	strace $0x8FFFFFFF  }
0x98: {  	s19 =	sld [smem:$0x3FDB];
	_ =	sdelay $0x1  }
0x99: {  	s4 =	simm.s32 $_scs_section_size  }
0x9a: {  	s5 =	simm.s32 $_size__tile_overlayer_lowered;
	s6 =	simm.s32 $_tile_overlayer_lowered  }
0x9b: {  	s22 =	simm.s32 $0x1BFF;
	s21 =	sshll.u32 s6, $0x1;
	s3 =	sadd.s32 s4, s19  }
0x9c: {  	s7 =	simm.s32 $0x0;
	s20 =	sshll.u32 s5, $0x1;
	s5 =	sadd.s32 s21, s3  }
0x9d: {  	[timem:s7], [sflag:s22] =	dma.local [hbm:s5], s20  }
0x9e: {  	_ =	swait.ge [sflag:s22], s20  }
0x9f: {  	s4 =	ssub.s32 $0x0, s20;
	[sflag:s22] =	ssyncset.done $0x0  }
0xa0: {  	[sflag:s22] =	ssyncadd.s32 s4;
	_ =	sdelay $0x1  }
0xa1: {  	s23 =	simm.s32 $0x1B8B  }
0xa2: {  	_ =	swait.ge [sflag:s23], $0x1  }
0xa3: {  	[sflag:s23] =	ssyncset.done $0x0  }
0xa4: {  	s25 =	simm.s32 $0x1B8E;
	s24 =	sld [smem:$0x3FFE];
	[sflag:s23] =	ssyncadd.s32 $0xFFFFFFFF  }
0xa5: {  	s26 =	simm.s32 $execute0_lowered;
	[smem:$0x3FD2] =	sst s25  }
0xa6: {  	s5 =	sshll.u32 s26, $0x1;
	_ =	strace $0x8000004C;
	[dreg:$0x1] =	wrdreg $0xFFFFFFFF  }
0xa7: {  	s28 =	simm.s32 $_size_execute0_lowered;
	s3 =	sadd.s32 s3, s5;
	[dreg:$0x0] =	wrdreg $0x0  }
0xa8: {  	s5 =	sshll.u32 s28, $0x1;
	[dreg:$0x2] =	wrdreg s3  }
0xa9: {  	[dreg:$0x3] =	wrdreg s5  }
0xaa: {  	[dreg:$0x4] =	wrdreg $0xC0  }
0xab: {  	_ =	task [dreg:s7], $0x5FFFF  }
0xac: {  	[dreg:$0x1] =	wrdreg $0xFFFFFFFF  }
0xad: {  	[dreg:$0x0] =	wrdreg $0x60  }
0xae: {  	[dreg:$0x2] =	wrdreg s24  }
0xaf: {  	[dreg:$0x3] =	wrdreg s2  }
0xb0: {  	[dreg:$0x4] =	wrdreg $0x9  }
0xb1: {  	_ =	task.clear_ibuf [dreg:s7], $0x5FFFF;
	_ =	strace $0x9000004C  }
0xb2: {  	s29 =	simm.s32 $0x9;
	_ =	strace $0x8000004E  }
0xb3: {  	_ =	swait.ge [sflag:s29], $0x1  }
0xb4: {  	[sflag:s29] =	ssyncadd.s32 $0xFFFFFFFF  }
0xb5: {  	_ =	strace $0x9000004E  }
0xb6: {  	_ =	sfence  }
0xb7: {  	s30 =	sld [smem:$0x0];
	_ =	sdelay $0x2  }
0xb8: {  	s31 =	sshll.u32 s1, $0xD;
	s1 =	sshrl.u32 s1, $0x2  }
0xb9: {  	s3 =	sand.u32 $0x4000, s31;
	s1 =	sadd.s32 s1, s30  }
0xba: {  	s0 =	sor.u32 s3, s0;
	s1 =	sshll.u32 s1, $0x11  }
0xbb: {  	s0 =	sor.u32 s1, s0  }
0xbc: {  	s0 =	sadd.s32 $0x8F2B, s0  }
0xbd: {  	[sflag:s0] =	ssyncadd.remote.s32 $0x1  }
0xbe: {  	_ =	sfence.sel $0xFFFF  }
0xbf: {  	[dreg:$0x0] =	wrdreg $0xFFFFFFFF;
	(pc) =	sbr.abs _section_cstart, $3  }
0xc0: {  	[dreg:$0x1] =	wrdreg $0xFFFFFFFF  }
0xc1: {  	_ =	task.clear_ibuf [dreg:s7], $0x2FFFF;
	_ =	strace $0x9FFFFFFF  }
0xc2: {  	(tm) =	ssettm $0x7FFFFFFF  }
0xc3: {  	_ =	shalt  }
tec
execute0_lowered:
.L_overlay_start_1:
0x0: {  	(tag) =	ssettag $0x1  }
0x1: {  	s7 =	rddreg [dreg:$0x0]  }
0x2: {  	s8 =	rddreg [dreg:$0x1]  }
0x3: {  	s0 =	rddreg [dreg:$0x2]  }
0x4: {  	s3 =	srdreg.scid;
	s1 =	stileid.u32  }
0x5: {  	s2 =	simm.s32 $0x0;
	s11 =	simm.s32 $0x3;
	s12 =	simm.s32 $0x7080  }
0x6: {  	s13 =	simm.s32 $0x70;
	s14 =	simm.s32 $0x3800;
	s15 =	simm.s32 $0x1  }
0x7: {  	s16 =	simm.s32 $0x2;
	s17 =	simm.s32 $0x7100;
	s18 =	simm.s32 $0x0  }
0x8: {  	s23 =	simm.s32 $0x0;
	s3 =	sand.u32 $0x1, s3;
	s4 =	sshll.u32 s1, $0x1  }
0x9: {  	[smem:$0x7FF] =	sst s2;
	s5 =	sadd.s32 $0xB4E00, s7;
	s4 =	sor.u32 s3, s4  }
0xa: {  	s6 =	sadd.s32 $0xB8000, s7;
	s9 =	ssub.s32 $0x2, s3;
	s3 =	smul.u32 $0xC40, s4  }
0xb: {  	v0 =	vlaneseq.u32;
	_ =	strace $0x8000004D;
	s4 =	sadd.s32 $0x3000, s7;
	s10 =	sshrl.u32 s9, $0x1  }
0xc: {  	v0 =	vmul.u32 $0x80, v0;
	s7 =	sadd.s32 $0x2A100, s7;
	s9 =	ssub.s32 s9, s10;
	s31 =	sshrl.u32 s3, $0x3  }
0xd: {  	s10 =	simm.s32 $0x7000;
	s9 =	smax.u32 s9, $0x1;
	s8 =	sadd.s32 s8, s31  }
.LBB2_1:
0xe: {  	s19 =	simm.s32 $0x7100;
	s20 =	simm.s32 $0x0  }
.LBB2_2:
0xf: {  	s21 =	smul.u32 $0x70, s20;
	_ =	sdelay $0x1  }
0x10: {  	s21 =	sadd.s32 s3, s21  }
0x11: {  	s21 =	sshrl.u32 s21, $0x3  }
0x12: {  	s22 =	sadd.s32 s5, s21  }
0x13: {  	[tilespmem:s10], [sflag:$0x3] =	stream.linear.gather [hbm4b:s22+s23], $0x70, $0x38;
	[tilespmem:$0x7D80] =	vst v63  }
0x14: {  	_ =	swait.ge [sflag:s11], $0x70  }
0x15: {  	[sflag:s11] =	ssyncset.done $0x0  }
0x16: {  	s21 =	sadd.s32 s6, s21;
	[sflag:s11] =	ssyncadd.s32 $0xFFFFFF90  }
0x17: {  	[tilespmem:s12], [sflag:$0x3] =	stream.linear.gather [hbm4b:s21+s23], $0x70, $0x38;
	[tilespmem:$0x7D80] =	vst v63  }
0x18: {  	_ =	swait.ge [sflag:s11], $0x70  }
0x19: {  	[sflag:s11] =	ssyncset.done $0x0  }
0x1a: {  	[sflag:s11] =	ssyncadd.s32 $0xFFFFFF90  }
0x1b: {  	[tilespmem:s23], [sflag:$0x1] =	stream.indirect.gather [hbm4b:s4+s13], $0x80, s10, s13, $0xb8;
	[tilespmem:$0x7D80] =	vst v63  }
0x1c: {  	_ = 	snop  }
0x1d: {  	v1 =	vmov s23;
	[tilespmem:s14], [sflag:$0x2] =	stream.indirect.gather [hbm4b:s7+s13], $0x80, s12, s13, $0xb8;
	[tilespmem:$0x7D80] =	vst v63  }
0x1e: {  	v1 =	vshll.u32 v1, $0x7;
	_ =	swait.ge [sflag:s15], $0x3800  }
0x1f: {  	v1 =	vor.u32 v0, v1;
	[sflag:s15] =	ssyncset.done $0x0  }
0x20: {  	[sflag:s15] =	ssyncadd.s32 $0xFFFFC800  }
0x21: {  	v2 =	vor.u32 $0x1, v1;
	_ =	swait.ge [sflag:s16], $0x3800  }
0x22: {  	[sflag:s16] =	ssyncset.done $0x0  }
0x23: {  	v3 =	vor.u32 $0x2, v1;
	[sflag:s16] =	ssyncadd.s32 $0xFFFFC800  }
0x24: {  	v4 =	vld.idx.msk [tilespmem:v1+s14+$0x0], $0xffff  }
0x25: {  	v6 =	vor.u32 $0x3, v1;
	v5 =	vld.idx.msk [tilespmem:v1+s2+$0x0], $0xffff  }
0x26: {  	v7 =	vld.idx.msk [tilespmem:v2+s2+$0x0], $0xffff  }
0x27: {  	v8 =	vor.u32 $0x4, v1;
	v2 =	vld.idx.msk [tilespmem:v2+s14+$0x0], $0xffff  }
0x28: {  	v9 =	vld.idx.msk [tilespmem:v3+s2+$0x0], $0xffff  }
0x29: {  	v10 =	vor.u32 $0x5, v1;
	v3 =	vld.idx.msk [tilespmem:v3+s14+$0x0], $0xffff  }
0x2a: {  	v11 =	vld.idx.msk [tilespmem:v6+s2+$0x0], $0xffff;
	v4 =	vmul.f32 v4, v5  }
0x2b: {  	v5 =	vld.idx.msk [tilespmem:v6+s14+$0x0], $0xffff;
	v6 =	vor.u32 $0x6, v1  }
0x2c: {  	v12 =	vld.idx.msk [tilespmem:v8+s2+$0x0], $0xffff;
	v2 =	vmul.f32 v2, v7;
	v4 =	vadd.f32 $0.0e+00, v4  }
0x2d: {  	v40 =	vor.u32 $0x7, v1;
	v7 =	vld.idx.msk [tilespmem:v8+s14+$0x0], $0xffff  }
0x2e: {  	v13 =	vld.idx.msk [tilespmem:v10+s2+$0x0], $0xffff;
	v3 =	vmul.f32 v3, v9;
	v2 =	vadd.f32 v2, v4  }
0x2f: {  	v41 =	vor.u32 $0x8, v1;
	v4 =	vld.idx.msk [tilespmem:v10+s14+$0x0], $0xffff  }
0x30: {  	v42 =	vld.idx.msk [tilespmem:v6+s2+$0x0], $0xffff;
	v2 =	vadd.f32 v3, v2;
	v3 =	vmul.f32 v5, v11  }
0x31: {  	v5 =	vld.idx.msk [tilespmem:v6+s14+$0x0], $0xffff;
	v6 =	vor.u32 $0x9, v1  }
0x32: {  	v43 =	vld.idx.msk [tilespmem:v40+s2+$0x0], $0xffff;
	v2 =	vadd.f32 v3, v2;
	v3 =	vmul.f32 v7, v12  }
0x33: {  	v44 =	vor.u32 $0xA, v1;
	v7 =	vld.idx.msk [tilespmem:v40+s14+$0x0], $0xffff  }
0x34: {  	v45 =	vld.idx.msk [tilespmem:v41+s2+$0x0], $0xffff;
	v2 =	vadd.f32 v3, v2;
	v3 =	vmul.f32 v4, v13  }
0x35: {  	v46 =	vor.u32 $0xB, v1;
	v4 =	vld.idx.msk [tilespmem:v41+s14+$0x0], $0xffff  }
0x36: {  	v47 =	vld.idx.msk [tilespmem:v6+s2+$0x0], $0xffff;
	v2 =	vadd.f32 v3, v2;
	v3 =	vmul.f32 v5, v42  }
0x37: {  	v5 =	vld.idx.msk [tilespmem:v6+s14+$0x0], $0xffff;
	v6 =	vor.u32 $0xC, v1  }
0x38: {  	v48 =	vld.idx.msk [tilespmem:v44+s2+$0x0], $0xffff;
	v2 =	vadd.f32 v3, v2;
	v3 =	vmul.f32 v7, v43  }
0x39: {  	v49 =	vor.u32 $0xD, v1;
	v7 =	vld.idx.msk [tilespmem:v44+s14+$0x0], $0xffff  }
0x3a: {  	v50 =	vld.idx.msk [tilespmem:v46+s2+$0x0], $0xffff;
	v2 =	vadd.f32 v3, v2;
	v3 =	vmul.f32 v4, v45  }
0x3b: {  	v51 =	vor.u32 $0xE, v1;
	v4 =	vld.idx.msk [tilespmem:v46+s14+$0x0], $0xffff  }
0x3c: {  	v52 =	vld.idx.msk [tilespmem:v6+s2+$0x0], $0xffff;
	v2 =	vadd.f32 v3, v2;
	v3 =	vmul.f32 v5, v47  }
0x3d: {  	v5 =	vld.idx.msk [tilespmem:v6+s14+$0x0], $0xffff;
	v6 =	vor.u32 $0xF, v1  }
0x3e: {  	v53 =	vld.idx.msk [tilespmem:v49+s2+$0x0], $0xffff;
	v2 =	vadd.f32 v3, v2;
	v3 =	vmul.f32 v7, v48  }
0x3f: {  	v54 =	vor.u32 $0x10, v1;
	v7 =	vld.idx.msk [tilespmem:v49+s14+$0x0], $0xffff  }
0x40: {  	v55 =	vld.idx.msk [tilespmem:v51+s2+$0x0], $0xffff;
	v2 =	vadd.f32 v3, v2;
	v3 =	vmul.f32 v4, v50  }
0x41: {  	v56 =	vor.u32 $0x11, v1;
	v4 =	vld.idx.msk [tilespmem:v51+s14+$0x0], $0xffff  }
0x42: {  	v57 =	vld.idx.msk [tilespmem:v6+s2+$0x0], $0xffff;
	v2 =	vadd.f32 v3, v2;
	v3 =	vmul.f32 v5, v52  }
0x43: {  	v5 =	vld.idx.msk [tilespmem:v6+s14+$0x0], $0xffff;
	v6 =	vor.u32 $0x12, v1  }
0x44: {  	v58 =	vld.idx.msk [tilespmem:v54+s2+$0x0], $0xffff;
	v2 =	vadd.f32 v3, v2;
	v3 =	vmul.f32 v7, v53  }
0x45: {  	v59 =	vor.u32 $0x13, v1;
	v7 =	vld.idx.msk [tilespmem:v54+s14+$0x0], $0xffff  }
0x46: {  	v60 =	vld.idx.msk [tilespmem:v56+s2+$0x0], $0xffff;
	v2 =	vadd.f32 v3, v2;
	v3 =	vmul.f32 v4, v55  }
0x47: {  	v61 =	vor.u32 $0x14, v1;
	v4 =	vld.idx.msk [tilespmem:v56+s14+$0x0], $0xffff  }
0x48: {  	v62 =	vld.idx.msk [tilespmem:v6+s2+$0x0], $0xffff;
	v2 =	vadd.f32 v3, v2;
	v3 =	vmul.f32 v5, v57  }
0x49: {  	v5 =	vld.idx.msk [tilespmem:v6+s14+$0x0], $0xffff;
	v6 =	vor.u32 $0x15, v1  }
0x4a: {  	v63 =	vld.idx.msk [tilespmem:v59+s2+$0x0], $0xffff;
	v2 =	vadd.f32 v3, v2;
	v3 =	vmul.f32 v7, v58  }
0x4b: {  	v16 =	vor.u32 $0x16, v1;
	v7 =	vld.idx.msk [tilespmem:v59+s14+$0x0], $0xffff  }
0x4c: {  	v17 =	vld.idx.msk [tilespmem:v61+s2+$0x0], $0xffff;
	v2 =	vadd.f32 v3, v2;
	v3 =	vmul.f32 v4, v60  }
0x4d: {  	v18 =	vor.u32 $0x17, v1;
	v4 =	vld.idx.msk [tilespmem:v61+s14+$0x0], $0xffff  }
0x4e: {  	v19 =	vld.idx.msk [tilespmem:v6+s2+$0x0], $0xffff;
	v2 =	vadd.f32 v3, v2;
	v3 =	vmul.f32 v5, v62  }
0x4f: {  	v5 =	vld.idx.msk [tilespmem:v6+s14+$0x0], $0xffff;
	v6 =	vor.u32 $0x18, v1  }
0x50: {  	v20 =	vld.idx.msk [tilespmem:v16+s2+$0x0], $0xffff;
	v2 =	vadd.f32 v3, v2;
	v3 =	vmul.f32 v7, v63  }
0x51: {  	v21 =	vor.u32 $0x19, v1;
	v7 =	vld.idx.msk [tilespmem:v16+s14+$0x0], $0xffff  }
0x52: {  	v22 =	vld.idx.msk [tilespmem:v18+s2+$0x0], $0xffff;
	v2 =	vadd.f32 v3, v2;
	v3 =	vmul.f32 v4, v17  }
0x53: {  	v23 =	vor.u32 $0x1A, v1;
	v4 =	vld.idx.msk [tilespmem:v18+s14+$0x0], $0xffff  }
0x54: {  	v24 =	vld.idx.msk [tilespmem:v6+s2+$0x0], $0xffff;
	v2 =	vadd.f32 v3, v2;
	v3 =	vmul.f32 v5, v19  }
0x55: {  	v5 =	vld.idx.msk [tilespmem:v6+s14+$0x0], $0xffff;
	v6 =	vor.u32 $0x1B, v1  }
0x56: {  	v25 =	vld.idx.msk [tilespmem:v21+s2+$0x0], $0xffff;
	v2 =	vadd.f32 v3, v2;
	v3 =	vmul.f32 v7, v20  }
0x57: {  	v26 =	vor.u32 $0x1C, v1;
	v7 =	vld.idx.msk [tilespmem:v21+s14+$0x0], $0xffff  }
0x58: {  	v27 =	vld.idx.msk [tilespmem:v23+s2+$0x0], $0xffff;
	v2 =	vadd.f32 v3, v2;
	v3 =	vmul.f32 v4, v22  }
0x59: {  	v28 =	vor.u32 $0x1D, v1;
	v4 =	vld.idx.msk [tilespmem:v23+s14+$0x0], $0xffff  }
0x5a: {  	v29 =	vld.idx.msk [tilespmem:v6+s2+$0x0], $0xffff;
	v2 =	vadd.f32 v3, v2;
	v3 =	vmul.f32 v5, v24  }
0x5b: {  	v5 =	vld.idx.msk [tilespmem:v6+s14+$0x0], $0xffff;
	v6 =	vor.u32 $0x1E, v1  }
0x5c: {  	v30 =	vld.idx.msk [tilespmem:v26+s2+$0x0], $0xffff;
	v2 =	vadd.f32 v3, v2;
	v3 =	vmul.f32 v7, v25  }
0x5d: {  	v31 =	vor.u32 $0x1F, v1;
	v7 =	vld.idx.msk [tilespmem:v26+s14+$0x0], $0xffff  }
0x5e: {  	v32 =	vld.idx.msk [tilespmem:v28+s2+$0x0], $0xffff;
	v2 =	vadd.f32 v3, v2;
	v3 =	vmul.f32 v4, v27  }
0x5f: {  	v33 =	vor.u32 $0x20, v1;
	v4 =	vld.idx.msk [tilespmem:v28+s14+$0x0], $0xffff  }
0x60: {  	v34 =	vld.idx.msk [tilespmem:v6+s2+$0x0], $0xffff;
	v2 =	vadd.f32 v3, v2;
	v3 =	vmul.f32 v5, v29  }
0x61: {  	v5 =	vld.idx.msk [tilespmem:v6+s14+$0x0], $0xffff;
	v6 =	vor.u32 $0x21, v1  }
0x62: {  	v35 =	vld.idx.msk [tilespmem:v31+s2+$0x0], $0xffff;
	v2 =	vadd.f32 v3, v2;
	v3 =	vmul.f32 v7, v30  }
0x63: {  	v36 =	vor.u32 $0x22, v1;
	v7 =	vld.idx.msk [tilespmem:v31+s14+$0x0], $0xffff  }
0x64: {  	v37 =	vld.idx.msk [tilespmem:v33+s2+$0x0], $0xffff;
	v2 =	vadd.f32 v3, v2;
	v3 =	vmul.f32 v4, v32  }
0x65: {  	v38 =	vor.u32 $0x23, v1;
	v4 =	vld.idx.msk [tilespmem:v33+s14+$0x0], $0xffff  }
0x66: {  	v39 =	vld.idx.msk [tilespmem:v6+s2+$0x0], $0xffff;
	v2 =	vadd.f32 v3, v2;
	v3 =	vmul.f32 v5, v34  }
0x67: {  	v5 =	vld.idx.msk [tilespmem:v6+s14+$0x0], $0xffff;
	v6 =	vor.u32 $0x24, v1  }
0x68: {  	v40 =	vld.idx.msk [tilespmem:v36+s2+$0x0], $0xffff;
	v2 =	vadd.f32 v3, v2;
	v3 =	vmul.f32 v7, v35  }
0x69: {  	v41 =	vor.u32 $0x25, v1;
	v7 =	vld.idx.msk [tilespmem:v36+s14+$0x0], $0xffff  }
0x6a: {  	v42 =	vld.idx.msk [tilespmem:v38+s2+$0x0], $0xffff;
	v2 =	vadd.f32 v3, v2;
	v3 =	vmul.f32 v4, v37  }
0x6b: {  	v43 =	vor.u32 $0x26, v1;
	v4 =	vld.idx.msk [tilespmem:v38+s14+$0x0], $0xffff  }
0x6c: {  	v44 =	vld.idx.msk [tilespmem:v6+s2+$0x0], $0xffff;
	v2 =	vadd.f32 v3, v2;
	v3 =	vmul.f32 v5, v39  }
0x6d: {  	v5 =	vld.idx.msk [tilespmem:v6+s14+$0x0], $0xffff;
	v6 =	vor.u32 $0x27, v1  }
0x6e: {  	v45 =	vld.idx.msk [tilespmem:v41+s2+$0x0], $0xffff;
	v2 =	vadd.f32 v3, v2;
	v3 =	vmul.f32 v7, v40  }
0x6f: {  	v46 =	vor.u32 $0x28, v1;
	v7 =	vld.idx.msk [tilespmem:v41+s14+$0x0], $0xffff  }
0x70: {  	v47 =	vld.idx.msk [tilespmem:v43+s2+$0x0], $0xffff;
	v2 =	vadd.f32 v3, v2;
	v3 =	vmul.f32 v4, v42  }
0x71: {  	v48 =	vor.u32 $0x29, v1;
	v4 =	vld.idx.msk [tilespmem:v43+s14+$0x0], $0xffff  }
0x72: {  	v49 =	vld.idx.msk [tilespmem:v6+s2+$0x0], $0xffff;
	v2 =	vadd.f32 v3, v2;
	v3 =	vmul.f32 v5, v44  }
0x73: {  	v5 =	vld.idx.msk [tilespmem:v6+s14+$0x0], $0xffff;
	v6 =	vor.u32 $0x2A, v1  }
0x74: {  	v50 =	vld.idx.msk [tilespmem:v46+s2+$0x0], $0xffff;
	v2 =	vadd.f32 v3, v2;
	v3 =	vmul.f32 v7, v45  }
0x75: {  	v51 =	vor.u32 $0x2B, v1;
	v7 =	vld.idx.msk [tilespmem:v46+s14+$0x0], $0xffff  }
0x76: {  	v52 =	vld.idx.msk [tilespmem:v48+s2+$0x0], $0xffff;
	v2 =	vadd.f32 v3, v2;
	v3 =	vmul.f32 v4, v47  }
0x77: {  	v53 =	vor.u32 $0x2C, v1;
	v4 =	vld.idx.msk [tilespmem:v48+s14+$0x0], $0xffff  }
0x78: {  	v54 =	vld.idx.msk [tilespmem:v6+s2+$0x0], $0xffff;
	v2 =	vadd.f32 v3, v2;
	v3 =	vmul.f32 v5, v49  }
0x79: {  	v5 =	vld.idx.msk [tilespmem:v6+s14+$0x0], $0xffff;
	v6 =	vor.u32 $0x2D, v1  }
0x7a: {  	v55 =	vld.idx.msk [tilespmem:v51+s2+$0x0], $0xffff;
	v2 =	vadd.f32 v3, v2;
	v3 =	vmul.f32 v7, v50  }
0x7b: {  	v56 =	vor.u32 $0x2E, v1;
	v7 =	vld.idx.msk [tilespmem:v51+s14+$0x0], $0xffff  }
0x7c: {  	v57 =	vld.idx.msk [tilespmem:v53+s2+$0x0], $0xffff;
	v2 =	vadd.f32 v3, v2;
	v3 =	vmul.f32 v4, v52  }
0x7d: {  	v58 =	vor.u32 $0x2F, v1;
	v4 =	vld.idx.msk [tilespmem:v53+s14+$0x0], $0xffff  }
0x7e: {  	v59 =	vld.idx.msk [tilespmem:v6+s2+$0x0], $0xffff;
	v2 =	vadd.f32 v3, v2;
	v3 =	vmul.f32 v5, v54  }
0x7f: {  	v5 =	vld.idx.msk [tilespmem:v6+s14+$0x0], $0xffff;
	v6 =	vor.u32 $0x30, v1  }
0x80: {  	v60 =	vld.idx.msk [tilespmem:v56+s2+$0x0], $0xffff;
	v2 =	vadd.f32 v3, v2;
	v3 =	vmul.f32 v7, v55  }
0x81: {  	v61 =	vor.u32 $0x31, v1;
	v7 =	vld.idx.msk [tilespmem:v56+s14+$0x0], $0xffff  }
0x82: {  	v62 =	vld.idx.msk [tilespmem:v58+s2+$0x0], $0xffff;
	v2 =	vadd.f32 v3, v2;
	v3 =	vmul.f32 v4, v57  }
0x83: {  	v63 =	vor.u32 $0x32, v1;
	v4 =	vld.idx.msk [tilespmem:v58+s14+$0x0], $0xffff  }
0x84: {  	v16 =	vld.idx.msk [tilespmem:v6+s2+$0x0], $0xffff;
	v2 =	vadd.f32 v3, v2;
	v3 =	vmul.f32 v5, v59  }
0x85: {  	v5 =	vld.idx.msk [tilespmem:v6+s14+$0x0], $0xffff;
	v6 =	vor.u32 $0x33, v1  }
0x86: {  	v17 =	vld.idx.msk [tilespmem:v61+s2+$0x0], $0xffff;
	v2 =	vadd.f32 v3, v2;
	v3 =	vmul.f32 v7, v60  }
0x87: {  	v18 =	vor.u32 $0x34, v1;
	v7 =	vld.idx.msk [tilespmem:v61+s14+$0x0], $0xffff  }
0x88: {  	v19 =	vld.idx.msk [tilespmem:v63+s2+$0x0], $0xffff;
	v2 =	vadd.f32 v3, v2;
	v3 =	vmul.f32 v4, v62  }
0x89: {  	v20 =	vor.u32 $0x35, v1;
	v4 =	vld.idx.msk [tilespmem:v63+s14+$0x0], $0xffff  }
0x8a: {  	v21 =	vld.idx.msk [tilespmem:v6+s2+$0x0], $0xffff;
	v2 =	vadd.f32 v3, v2;
	v3 =	vmul.f32 v5, v16  }
0x8b: {  	v5 =	vld.idx.msk [tilespmem:v6+s14+$0x0], $0xffff;
	v6 =	vor.u32 $0x36, v1  }
0x8c: {  	v22 =	vld.idx.msk [tilespmem:v18+s2+$0x0], $0xffff;
	v2 =	vadd.f32 v3, v2;
	v3 =	vmul.f32 v7, v17  }
0x8d: {  	v23 =	vor.u32 $0x37, v1;
	v7 =	vld.idx.msk [tilespmem:v18+s14+$0x0], $0xffff  }
0x8e: {  	v24 =	vld.idx.msk [tilespmem:v20+s2+$0x0], $0xffff;
	v2 =	vadd.f32 v3, v2;
	v3 =	vmul.f32 v4, v19  }
0x8f: {  	v25 =	vor.u32 $0x38, v1;
	v4 =	vld.idx.msk [tilespmem:v20+s14+$0x0], $0xffff  }
0x90: {  	v26 =	vld.idx.msk [tilespmem:v6+s2+$0x0], $0xffff;
	v2 =	vadd.f32 v3, v2;
	v3 =	vmul.f32 v5, v21  }
0x91: {  	v5 =	vld.idx.msk [tilespmem:v6+s14+$0x0], $0xffff;
	v6 =	vor.u32 $0x39, v1  }
0x92: {  	v27 =	vld.idx.msk [tilespmem:v23+s2+$0x0], $0xffff;
	v2 =	vadd.f32 v3, v2;
	v3 =	vmul.f32 v7, v22  }
0x93: {  	v28 =	vor.u32 $0x3A, v1;
	v7 =	vld.idx.msk [tilespmem:v23+s14+$0x0], $0xffff  }
0x94: {  	v29 =	vld.idx.msk [tilespmem:v25+s2+$0x0], $0xffff;
	v2 =	vadd.f32 v3, v2;
	v3 =	vmul.f32 v4, v24  }
0x95: {  	v30 =	vor.u32 $0x3B, v1;
	v4 =	vld.idx.msk [tilespmem:v25+s14+$0x0], $0xffff  }
0x96: {  	v31 =	vld.idx.msk [tilespmem:v6+s2+$0x0], $0xffff;
	v2 =	vadd.f32 v3, v2;
	v3 =	vmul.f32 v5, v26  }
0x97: {  	v5 =	vld.idx.msk [tilespmem:v6+s14+$0x0], $0xffff;
	v6 =	vor.u32 $0x3C, v1  }
0x98: {  	v32 =	vld.idx.msk [tilespmem:v28+s2+$0x0], $0xffff;
	v2 =	vadd.f32 v3, v2;
	v3 =	vmul.f32 v7, v27  }
0x99: {  	v33 =	vor.u32 $0x3D, v1;
	v7 =	vld.idx.msk [tilespmem:v28+s14+$0x0], $0xffff  }
0x9a: {  	v34 =	vld.idx.msk [tilespmem:v30+s2+$0x0], $0xffff;
	v2 =	vadd.f32 v3, v2;
	v3 =	vmul.f32 v4, v29  }
0x9b: {  	v35 =	vor.u32 $0x3E, v1;
	v4 =	vld.idx.msk [tilespmem:v30+s14+$0x0], $0xffff  }
0x9c: {  	v36 =	vld.idx.msk [tilespmem:v6+s2+$0x0], $0xffff;
	v2 =	vadd.f32 v3, v2;
	v3 =	vmul.f32 v5, v31  }
0x9d: {  	v5 =	vld.idx.msk [tilespmem:v6+s14+$0x0], $0xffff;
	v6 =	vor.u32 $0x3F, v1  }
0x9e: {  	v37 =	vld.idx.msk [tilespmem:v33+s2+$0x0], $0xffff;
	v2 =	vadd.f32 v3, v2;
	v3 =	vmul.f32 v7, v32  }
0x9f: {  	v38 =	vor.u32 $0x40, v1;
	v7 =	vld.idx.msk [tilespmem:v33+s14+$0x0], $0xffff  }
0xa0: {  	v39 =	vld.idx.msk [tilespmem:v35+s2+$0x0], $0xffff;
	v2 =	vadd.f32 v3, v2;
	v3 =	vmul.f32 v4, v34  }
0xa1: {  	v40 =	vor.u32 $0x41, v1;
	v4 =	vld.idx.msk [tilespmem:v35+s14+$0x0], $0xffff  }
0xa2: {  	v41 =	vld.idx.msk [tilespmem:v6+s2+$0x0], $0xffff;
	v2 =	vadd.f32 v3, v2;
	v3 =	vmul.f32 v5, v36  }
0xa3: {  	v5 =	vld.idx.msk [tilespmem:v6+s14+$0x0], $0xffff;
	v6 =	vor.u32 $0x42, v1  }
0xa4: {  	v42 =	vld.idx.msk [tilespmem:v38+s2+$0x0], $0xffff;
	v2 =	vadd.f32 v3, v2;
	v3 =	vmul.f32 v7, v37  }
0xa5: {  	v43 =	vor.u32 $0x43, v1;
	v7 =	vld.idx.msk [tilespmem:v38+s14+$0x0], $0xffff  }
0xa6: {  	v44 =	vld.idx.msk [tilespmem:v40+s2+$0x0], $0xffff;
	v2 =	vadd.f32 v3, v2;
	v3 =	vmul.f32 v4, v39  }
0xa7: {  	v45 =	vor.u32 $0x44, v1;
	v4 =	vld.idx.msk [tilespmem:v40+s14+$0x0], $0xffff  }
0xa8: {  	v46 =	vld.idx.msk [tilespmem:v6+s2+$0x0], $0xffff;
	v2 =	vadd.f32 v3, v2;
	v3 =	vmul.f32 v5, v41  }
0xa9: {  	v5 =	vld.idx.msk [tilespmem:v6+s14+$0x0], $0xffff;
	v6 =	vor.u32 $0x45, v1  }
0xaa: {  	v47 =	vld.idx.msk [tilespmem:v43+s2+$0x0], $0xffff;
	v2 =	vadd.f32 v3, v2;
	v3 =	vmul.f32 v7, v42  }
0xab: {  	v48 =	vor.u32 $0x46, v1;
	v7 =	vld.idx.msk [tilespmem:v43+s14+$0x0], $0xffff  }
0xac: {  	v49 =	vld.idx.msk [tilespmem:v45+s2+$0x0], $0xffff;
	v2 =	vadd.f32 v3, v2;
	v3 =	vmul.f32 v4, v44  }
0xad: {  	v50 =	vor.u32 $0x47, v1;
	v4 =	vld.idx.msk [tilespmem:v45+s14+$0x0], $0xffff  }
0xae: {  	v51 =	vld.idx.msk [tilespmem:v6+s2+$0x0], $0xffff;
	v2 =	vadd.f32 v3, v2;
	v3 =	vmul.f32 v5, v46  }
0xaf: {  	v5 =	vld.idx.msk [tilespmem:v6+s14+$0x0], $0xffff;
	v6 =	vor.u32 $0x48, v1  }
0xb0: {  	v52 =	vld.idx.msk [tilespmem:v48+s2+$0x0], $0xffff;
	v2 =	vadd.f32 v3, v2;
	v3 =	vmul.f32 v7, v47  }
0xb1: {  	v53 =	vor.u32 $0x49, v1;
	v7 =	vld.idx.msk [tilespmem:v48+s14+$0x0], $0xffff  }
0xb2: {  	v54 =	vld.idx.msk [tilespmem:v50+s2+$0x0], $0xffff;
	v2 =	vadd.f32 v3, v2;
	v3 =	vmul.f32 v4, v49  }
0xb3: {  	v55 =	vor.u32 $0x4A, v1;
	v4 =	vld.idx.msk [tilespmem:v50+s14+$0x0], $0xffff  }
0xb4: {  	v56 =	vld.idx.msk [tilespmem:v6+s2+$0x0], $0xffff;
	v2 =	vadd.f32 v3, v2;
	v3 =	vmul.f32 v5, v51  }
0xb5: {  	v5 =	vld.idx.msk [tilespmem:v6+s14+$0x0], $0xffff;
	v6 =	vor.u32 $0x4B, v1  }
0xb6: {  	v57 =	vld.idx.msk [tilespmem:v53+s2+$0x0], $0xffff;
	v2 =	vadd.f32 v3, v2;
	v3 =	vmul.f32 v7, v52  }
0xb7: {  	v58 =	vor.u32 $0x4C, v1;
	v7 =	vld.idx.msk [tilespmem:v53+s14+$0x0], $0xffff  }
0xb8: {  	v59 =	vld.idx.msk [tilespmem:v55+s2+$0x0], $0xffff;
	v2 =	vadd.f32 v3, v2;
	v3 =	vmul.f32 v4, v54  }
0xb9: {  	v60 =	vor.u32 $0x4D, v1;
	v4 =	vld.idx.msk [tilespmem:v55+s14+$0x0], $0xffff  }
0xba: {  	v61 =	vld.idx.msk [tilespmem:v6+s2+$0x0], $0xffff;
	v2 =	vadd.f32 v3, v2;
	v3 =	vmul.f32 v5, v56  }
0xbb: {  	v5 =	vld.idx.msk [tilespmem:v6+s14+$0x0], $0xffff;
	v6 =	vor.u32 $0x4E, v1  }
0xbc: {  	v62 =	vld.idx.msk [tilespmem:v58+s2+$0x0], $0xffff;
	v2 =	vadd.f32 v3, v2;
	v3 =	vmul.f32 v7, v57  }
0xbd: {  	v63 =	vor.u32 $0x4F, v1;
	v7 =	vld.idx.msk [tilespmem:v58+s14+$0x0], $0xffff  }
0xbe: {  	v16 =	vld.idx.msk [tilespmem:v60+s2+$0x0], $0xffff;
	v2 =	vadd.f32 v3, v2;
	v3 =	vmul.f32 v4, v59  }
0xbf: {  	v17 =	vor.u32 $0x50, v1;
	v4 =	vld.idx.msk [tilespmem:v60+s14+$0x0], $0xffff  }
0xc0: {  	v18 =	vld.idx.msk [tilespmem:v6+s2+$0x0], $0xffff;
	v2 =	vadd.f32 v3, v2;
	v3 =	vmul.f32 v5, v61  }
0xc1: {  	v5 =	vld.idx.msk [tilespmem:v6+s14+$0x0], $0xffff;
	v6 =	vor.u32 $0x51, v1  }
0xc2: {  	v19 =	vld.idx.msk [tilespmem:v63+s2+$0x0], $0xffff;
	v2 =	vadd.f32 v3, v2;
	v3 =	vmul.f32 v7, v62  }
0xc3: {  	v20 =	vor.u32 $0x52, v1;
	v7 =	vld.idx.msk [tilespmem:v63+s14+$0x0], $0xffff  }
0xc4: {  	v21 =	vld.idx.msk [tilespmem:v17+s2+$0x0], $0xffff;
	v2 =	vadd.f32 v3, v2;
	v3 =	vmul.f32 v4, v16  }
0xc5: {  	v22 =	vor.u32 $0x53, v1;
	v4 =	vld.idx.msk [tilespmem:v17+s14+$0x0], $0xffff  }
0xc6: {  	v23 =	vld.idx.msk [tilespmem:v6+s2+$0x0], $0xffff;
	v2 =	vadd.f32 v3, v2;
	v3 =	vmul.f32 v5, v18  }
0xc7: {  	v5 =	vld.idx.msk [tilespmem:v6+s14+$0x0], $0xffff;
	v6 =	vor.u32 $0x54, v1  }
0xc8: {  	v24 =	vld.idx.msk [tilespmem:v20+s2+$0x0], $0xffff;
	v2 =	vadd.f32 v3, v2;
	v3 =	vmul.f32 v7, v19  }
0xc9: {  	v25 =	vor.u32 $0x55, v1;
	v7 =	vld.idx.msk [tilespmem:v20+s14+$0x0], $0xffff  }
0xca: {  	v26 =	vld.idx.msk [tilespmem:v22+s2+$0x0], $0xffff;
	v2 =	vadd.f32 v3, v2;
	v3 =	vmul.f32 v4, v21  }
0xcb: {  	v27 =	vor.u32 $0x56, v1;
	v4 =	vld.idx.msk [tilespmem:v22+s14+$0x0], $0xffff  }
0xcc: {  	v28 =	vld.idx.msk [tilespmem:v6+s2+$0x0], $0xffff;
	v2 =	vadd.f32 v3, v2;
	v3 =	vmul.f32 v5, v23  }
0xcd: {  	v5 =	vld.idx.msk [tilespmem:v6+s14+$0x0], $0xffff;
	v6 =	vor.u32 $0x57, v1  }
0xce: {  	v29 =	vld.idx.msk [tilespmem:v25+s2+$0x0], $0xffff;
	v2 =	vadd.f32 v3, v2;
	v3 =	vmul.f32 v7, v24  }
0xcf: {  	v30 =	vor.u32 $0x58, v1;
	v7 =	vld.idx.msk [tilespmem:v25+s14+$0x0], $0xffff  }
0xd0: {  	v31 =	vld.idx.msk [tilespmem:v27+s2+$0x0], $0xffff;
	v2 =	vadd.f32 v3, v2;
	v3 =	vmul.f32 v4, v26  }
0xd1: {  	v32 =	vor.u32 $0x59, v1;
	v4 =	vld.idx.msk [tilespmem:v27+s14+$0x0], $0xffff  }
0xd2: {  	v33 =	vld.idx.msk [tilespmem:v6+s2+$0x0], $0xffff;
	v2 =	vadd.f32 v3, v2;
	v3 =	vmul.f32 v5, v28  }
0xd3: {  	v5 =	vld.idx.msk [tilespmem:v6+s14+$0x0], $0xffff;
	v6 =	vor.u32 $0x5A, v1  }
0xd4: {  	v34 =	vld.idx.msk [tilespmem:v30+s2+$0x0], $0xffff;
	v2 =	vadd.f32 v3, v2;
	v3 =	vmul.f32 v7, v29  }
0xd5: {  	v35 =	vor.u32 $0x5B, v1;
	v7 =	vld.idx.msk [tilespmem:v30+s14+$0x0], $0xffff  }
0xd6: {  	v36 =	vld.idx.msk [tilespmem:v32+s2+$0x0], $0xffff;
	v2 =	vadd.f32 v3, v2;
	v3 =	vmul.f32 v4, v31  }
0xd7: {  	v37 =	vor.u32 $0x5C, v1;
	v4 =	vld.idx.msk [tilespmem:v32+s14+$0x0], $0xffff  }
0xd8: {  	v38 =	vld.idx.msk [tilespmem:v6+s2+$0x0], $0xffff;
	v2 =	vadd.f32 v3, v2;
	v3 =	vmul.f32 v5, v33  }
0xd9: {  	v5 =	vld.idx.msk [tilespmem:v6+s14+$0x0], $0xffff;
	v6 =	vor.u32 $0x5D, v1  }
0xda: {  	v39 =	vld.idx.msk [tilespmem:v35+s2+$0x0], $0xffff;
	v2 =	vadd.f32 v3, v2;
	v3 =	vmul.f32 v7, v34  }
0xdb: {  	v40 =	vor.u32 $0x5E, v1;
	v7 =	vld.idx.msk [tilespmem:v35+s14+$0x0], $0xffff  }
0xdc: {  	v41 =	vld.idx.msk [tilespmem:v37+s2+$0x0], $0xffff;
	v2 =	vadd.f32 v3, v2;
	v3 =	vmul.f32 v4, v36  }
0xdd: {  	v42 =	vor.u32 $0x5F, v1;
	v4 =	vld.idx.msk [tilespmem:v37+s14+$0x0], $0xffff  }
0xde: {  	v43 =	vld.idx.msk [tilespmem:v6+s2+$0x0], $0xffff;
	v2 =	vadd.f32 v3, v2;
	v3 =	vmul.f32 v5, v38  }
0xdf: {  	v5 =	vld.idx.msk [tilespmem:v6+s14+$0x0], $0xffff;
	v6 =	vor.u32 $0x60, v1  }
0xe0: {  	v44 =	vld.idx.msk [tilespmem:v40+s2+$0x0], $0xffff;
	v2 =	vadd.f32 v3, v2;
	v3 =	vmul.f32 v7, v39  }
0xe1: {  	v45 =	vor.u32 $0x61, v1;
	v7 =	vld.idx.msk [tilespmem:v40+s14+$0x0], $0xffff  }
0xe2: {  	v46 =	vld.idx.msk [tilespmem:v42+s2+$0x0], $0xffff;
	v2 =	vadd.f32 v3, v2;
	v3 =	vmul.f32 v4, v41  }
0xe3: {  	v47 =	vor.u32 $0x62, v1;
	v4 =	vld.idx.msk [tilespmem:v42+s14+$0x0], $0xffff  }
0xe4: {  	v48 =	vld.idx.msk [tilespmem:v6+s2+$0x0], $0xffff;
	v2 =	vadd.f32 v3, v2;
	v3 =	vmul.f32 v5, v43  }
0xe5: {  	v5 =	vld.idx.msk [tilespmem:v6+s14+$0x0], $0xffff;
	v6 =	vor.u32 $0x63, v1  }
0xe6: {  	v49 =	vld.idx.msk [tilespmem:v45+s2+$0x0], $0xffff;
	v2 =	vadd.f32 v3, v2;
	v3 =	vmul.f32 v7, v44  }
0xe7: {  	v50 =	vor.u32 $0x64, v1;
	v7 =	vld.idx.msk [tilespmem:v45+s14+$0x0], $0xffff  }
0xe8: {  	v51 =	vld.idx.msk [tilespmem:v47+s2+$0x0], $0xffff;
	v2 =	vadd.f32 v3, v2;
	v3 =	vmul.f32 v4, v46  }
0xe9: {  	v52 =	vor.u32 $0x65, v1;
	v4 =	vld.idx.msk [tilespmem:v47+s14+$0x0], $0xffff  }
0xea: {  	v53 =	vld.idx.msk [tilespmem:v6+s2+$0x0], $0xffff;
	v2 =	vadd.f32 v3, v2;
	v3 =	vmul.f32 v5, v48  }
0xeb: {  	v5 =	vld.idx.msk [tilespmem:v6+s14+$0x0], $0xffff;
	v6 =	vor.u32 $0x66, v1  }
0xec: {  	v54 =	vld.idx.msk [tilespmem:v50+s2+$0x0], $0xffff;
	v2 =	vadd.f32 v3, v2;
	v3 =	vmul.f32 v7, v49  }
0xed: {  	v55 =	vor.u32 $0x67, v1;
	v7 =	vld.idx.msk [tilespmem:v50+s14+$0x0], $0xffff  }
0xee: {  	v56 =	vld.idx.msk [tilespmem:v52+s2+$0x0], $0xffff;
	v2 =	vadd.f32 v3, v2;
	v3 =	vmul.f32 v4, v51  }
0xef: {  	v57 =	vor.u32 $0x68, v1;
	v4 =	vld.idx.msk [tilespmem:v52+s14+$0x0], $0xffff  }
0xf0: {  	v58 =	vld.idx.msk [tilespmem:v6+s2+$0x0], $0xffff;
	v2 =	vadd.f32 v3, v2;
	v3 =	vmul.f32 v5, v53  }
0xf1: {  	v5 =	vld.idx.msk [tilespmem:v6+s14+$0x0], $0xffff;
	v6 =	vor.u32 $0x69, v1  }
0xf2: {  	v59 =	vld.idx.msk [tilespmem:v55+s2+$0x0], $0xffff;
	v2 =	vadd.f32 v3, v2;
	v3 =	vmul.f32 v7, v54  }
0xf3: {  	v60 =	vor.u32 $0x6A, v1;
	v7 =	vld.idx.msk [tilespmem:v55+s14+$0x0], $0xffff  }
0xf4: {  	v61 =	vld.idx.msk [tilespmem:v57+s2+$0x0], $0xffff;
	v2 =	vadd.f32 v3, v2;
	v3 =	vmul.f32 v4, v56  }
0xf5: {  	v62 =	vor.u32 $0x6B, v1;
	v4 =	vld.idx.msk [tilespmem:v57+s14+$0x0], $0xffff  }
0xf6: {  	v63 =	vld.idx.msk [tilespmem:v6+s2+$0x0], $0xffff;
	v2 =	vadd.f32 v3, v2;
	v3 =	vmul.f32 v5, v58  }
0xf7: {  	v5 =	vld.idx.msk [tilespmem:v6+s14+$0x0], $0xffff;
	v6 =	vor.u32 $0x6C, v1  }
0xf8: {  	v16 =	vld.idx.msk [tilespmem:v60+s2+$0x0], $0xffff;
	v2 =	vadd.f32 v3, v2;
	v3 =	vmul.f32 v7, v59  }
0xf9: {  	v17 =	vor.u32 $0x6D, v1;
	v7 =	vld.idx.msk [tilespmem:v60+s14+$0x0], $0xffff  }
0xfa: {  	v18 =	vld.idx.msk [tilespmem:v62+s2+$0x0], $0xffff;
	v2 =	vadd.f32 v3, v2;
	v3 =	vmul.f32 v4, v61  }
0xfb: {  	v19 =	vor.u32 $0x6E, v1;
	v4 =	vld.idx.msk [tilespmem:v62+s14+$0x0], $0xffff  }
0xfc: {  	v20 =	vld.idx.msk [tilespmem:v6+s2+$0x0], $0xffff;
	v2 =	vadd.f32 v3, v2;
	v3 =	vmul.f32 v5, v63  }
0xfd: {  	v5 =	vld.idx.msk [tilespmem:v6+s14+$0x0], $0xffff;
	v6 =	vor.u32 $0x6F, v1  }
0xfe: {  	v21 =	vld.idx.msk [tilespmem:v17+s2+$0x0], $0xffff;
	v2 =	vadd.f32 v3, v2;
	v3 =	vmul.f32 v7, v16  }
0xff: {  	v22 =	vor.u32 $0x70, v1;
	v7 =	vld.idx.msk [tilespmem:v17+s14+$0x0], $0xffff  }
0x100: {  	v23 =	vld.idx.msk [tilespmem:v19+s2+$0x0], $0xffff;
	v2 =	vadd.f32 v3, v2;
	v3 =	vmul.f32 v4, v18  }
0x101: {  	v24 =	vor.u32 $0x71, v1;
	v4 =	vld.idx.msk [tilespmem:v19+s14+$0x0], $0xffff  }
0x102: {  	v25 =	vld.idx.msk [tilespmem:v6+s2+$0x0], $0xffff;
	v2 =	vadd.f32 v3, v2;
	v3 =	vmul.f32 v5, v20  }
0x103: {  	v5 =	vld.idx.msk [tilespmem:v6+s14+$0x0], $0xffff;
	v6 =	vor.u32 $0x72, v1  }
0x104: {  	v26 =	vld.idx.msk [tilespmem:v22+s2+$0x0], $0xffff;
	v2 =	vadd.f32 v3, v2;
	v3 =	vmul.f32 v7, v21  }
0x105: {  	v27 =	vor.u32 $0x73, v1;
	v7 =	vld.idx.msk [tilespmem:v22+s14+$0x0], $0xffff  }
0x106: {  	v28 =	vld.idx.msk [tilespmem:v24+s2+$0x0], $0xffff;
	v2 =	vadd.f32 v3, v2;
	v3 =	vmul.f32 v4, v23  }
0x107: {  	v29 =	vor.u32 $0x74, v1;
	v4 =	vld.idx.msk [tilespmem:v24+s14+$0x0], $0xffff  }
0x108: {  	v30 =	vld.idx.msk [tilespmem:v6+s2+$0x0], $0xffff;
	v2 =	vadd.f32 v3, v2;
	v3 =	vmul.f32 v5, v25  }
0x109: {  	v5 =	vld.idx.msk [tilespmem:v6+s14+$0x0], $0xffff;
	v6 =	vor.u32 $0x75, v1  }
0x10a: {  	v31 =	vld.idx.msk [tilespmem:v27+s2+$0x0], $0xffff;
	v2 =	vadd.f32 v3, v2;
	v3 =	vmul.f32 v7, v26  }
0x10b: {  	v32 =	vor.u32 $0x76, v1;
	v7 =	vld.idx.msk [tilespmem:v27+s14+$0x0], $0xffff  }
0x10c: {  	v33 =	vld.idx.msk [tilespmem:v29+s2+$0x0], $0xffff;
	v2 =	vadd.f32 v3, v2;
	v3 =	vmul.f32 v4, v28  }
0x10d: {  	v34 =	vor.u32 $0x77, v1;
	v4 =	vld.idx.msk [tilespmem:v29+s14+$0x0], $0xffff  }
0x10e: {  	v35 =	vld.idx.msk [tilespmem:v6+s2+$0x0], $0xffff;
	v2 =	vadd.f32 v3, v2;
	v3 =	vmul.f32 v5, v30  }
0x10f: {  	v5 =	vld.idx.msk [tilespmem:v6+s14+$0x0], $0xffff;
	v6 =	vor.u32 $0x78, v1  }
0x110: {  	v36 =	vld.idx.msk [tilespmem:v32+s2+$0x0], $0xffff;
	v2 =	vadd.f32 v3, v2;
	v3 =	vmul.f32 v7, v31  }
0x111: {  	v37 =	vor.u32 $0x79, v1;
	v7 =	vld.idx.msk [tilespmem:v32+s14+$0x0], $0xffff  }
0x112: {  	v38 =	vld.idx.msk [tilespmem:v34+s2+$0x0], $0xffff;
	v2 =	vadd.f32 v3, v2;
	v3 =	vmul.f32 v4, v33  }
0x113: {  	v39 =	vor.u32 $0x7A, v1;
	v4 =	vld.idx.msk [tilespmem:v34+s14+$0x0], $0xffff  }
0x114: {  	v40 =	vld.idx.msk [tilespmem:v6+s2+$0x0], $0xffff;
	v2 =	vadd.f32 v3, v2;
	v3 =	vmul.f32 v5, v35  }
0x115: {  	v5 =	vld.idx.msk [tilespmem:v6+s14+$0x0], $0xffff;
	v6 =	vor.u32 $0x7B, v1  }
0x116: {  	v41 =	vld.idx.msk [tilespmem:v37+s2+$0x0], $0xffff;
	v2 =	vadd.f32 v3, v2;
	v3 =	vmul.f32 v7, v36  }
0x117: {  	v42 =	vor.u32 $0x7C, v1;
	v7 =	vld.idx.msk [tilespmem:v37+s14+$0x0], $0xffff  }
0x118: {  	v43 =	vld.idx.msk [tilespmem:v39+s2+$0x0], $0xffff;
	v2 =	vadd.f32 v3, v2;
	v3 =	vmul.f32 v4, v38  }
0x119: {  	v44 =	vor.u32 $0x7D, v1;
	v4 =	vld.idx.msk [tilespmem:v39+s14+$0x0], $0xffff  }
0x11a: {  	v45 =	vld.idx.msk [tilespmem:v6+s2+$0x0], $0xffff;
	v2 =	vadd.f32 v3, v2;
	v3 =	vmul.f32 v5, v40  }
0x11b: {  	v5 =	vld.idx.msk [tilespmem:v6+s14+$0x0], $0xffff;
	v6 =	vor.u32 $0x7E, v1  }
0x11c: {  	v46 =	vld.idx.msk [tilespmem:v42+s2+$0x0], $0xffff;
	v2 =	vadd.f32 v3, v2;
	v3 =	vmul.f32 v7, v41  }
0x11d: {  	v1 =	vor.u32 $0x7F, v1;
	v7 =	vld.idx.msk [tilespmem:v42+s14+$0x0], $0xffff  }
0x11e: {  	v47 =	vld.idx.msk [tilespmem:v44+s2+$0x0], $0xffff;
	v2 =	vadd.f32 v3, v2;
	v3 =	vmul.f32 v4, v43  }
0x11f: {  	v4 =	vld.idx.msk [tilespmem:v44+s14+$0x0], $0xffff  }
0x120: {  	v48 =	vld.idx.msk [tilespmem:v6+s2+$0x0], $0xffff;
	v2 =	vadd.f32 v3, v2;
	v3 =	vmul.f32 v5, v45  }
0x121: {  	v5 =	vld.idx.msk [tilespmem:v6+s14+$0x0], $0xffff  }
0x122: {  	v6 =	vld.idx.msk [tilespmem:v1+s2+$0x0], $0xffff;
	v2 =	vadd.f32 v3, v2;
	v3 =	vmul.f32 v7, v46  }
0x123: {  	v7 =	vld.idx.msk [tilespmem:v1+s14+$0x0], $0xffff  }
0x124: {  	v1 =	vadd.f32 v3, v2;
	v2 =	vmul.f32 v4, v47  }
0x125: {  	s30 =	simm.s32 $0x10  }
0x126: {  	v3 =	vmov s30;
	v4 =	vmul.f32 v5, v48;
	v2 =	vadd.f32 v2, v1  }
0x127: {  	v1 =	vshll.u32 v3, $0x7  }
0x128: {  	v1 =	vor.u32 v0, v1;
	v3 =	vmul.f32 v7, v6;
	v2 =	vadd.f32 v4, v2;
	_ =	sdelay $0x1  }
0x129: {  	v4 =	vor.u32 $0x1, v1;
	v2 =	vadd.f32 v3, v2;
	_ =	sdelay $0x1  }
0x12a: {  	v3 =	vor.u32 $0x2, v1;
	[tilespmem:s19+$0x0] =	vst v2  }
0x12b: {  	v2 =	vld.idx.msk [tilespmem:v1+s14+$0x0], $0xffff  }
0x12c: {  	v6 =	vor.u32 $0x3, v1;
	v5 =	vld.idx.msk [tilespmem:v1+s2+$0x0], $0xffff  }
0x12d: {  	v7 =	vld.idx.msk [tilespmem:v4+s2+$0x0], $0xffff  }
0x12e: {  	v49 =	vor.u32 $0x4, v1;
	v4 =	vld.idx.msk [tilespmem:v4+s14+$0x0], $0xffff  }
0x12f: {  	v50 =	vld.idx.msk [tilespmem:v3+s2+$0x0], $0xffff  }
0x130: {  	v51 =	vor.u32 $0x5, v1;
	v3 =	vld.idx.msk [tilespmem:v3+s14+$0x0], $0xffff  }
0x131: {  	v52 =	vld.idx.msk [tilespmem:v6+s2+$0x0], $0xffff;
	v2 =	vmul.f32 v2, v5  }
0x132: {  	v5 =	vld.idx.msk [tilespmem:v6+s14+$0x0], $0xffff;
	v6 =	vor.u32 $0x6, v1  }
0x133: {  	v53 =	vld.idx.msk [tilespmem:v49+s2+$0x0], $0xffff;
	v4 =	vmul.f32 v4, v7;
	v2 =	vadd.f32 $0.0e+00, v2  }
0x134: {  	v54 =	vor.u32 $0x7, v1;
	v7 =	vld.idx.msk [tilespmem:v49+s14+$0x0], $0xffff  }
0x135: {  	v55 =	vld.idx.msk [tilespmem:v51+s2+$0x0], $0xffff;
	v3 =	vmul.f32 v3, v50;
	v2 =	vadd.f32 v4, v2  }
0x136: {  	v56 =	vor.u32 $0x8, v1;
	v4 =	vld.idx.msk [tilespmem:v51+s14+$0x0], $0xffff  }
0x137: {  	v57 =	vld.idx.msk [tilespmem:v6+s2+$0x0], $0xffff;
	v2 =	vadd.f32 v3, v2;
	v3 =	vmul.f32 v5, v52  }
0x138: {  	v5 =	vld.idx.msk [tilespmem:v6+s14+$0x0], $0xffff;
	v6 =	vor.u32 $0x9, v1  }
0x139: {  	v58 =	vld.idx.msk [tilespmem:v54+s2+$0x0], $0xffff;
	v2 =	vadd.f32 v3, v2;
	v3 =	vmul.f32 v7, v53  }
0x13a: {  	v59 =	vor.u32 $0xA, v1;
	v7 =	vld.idx.msk [tilespmem:v54+s14+$0x0], $0xffff  }
0x13b: {  	v60 =	vld.idx.msk [tilespmem:v56+s2+$0x0], $0xffff;
	v2 =	vadd.f32 v3, v2;
	v3 =	vmul.f32 v4, v55  }
0x13c: {  	v61 =	vor.u32 $0xB, v1;
	v4 =	vld.idx.msk [tilespmem:v56+s14+$0x0], $0xffff  }
0x13d: {  	v62 =	vld.idx.msk [tilespmem:v6+s2+$0x0], $0xffff;
	v2 =	vadd.f32 v3, v2;
	v3 =	vmul.f32 v5, v57  }
0x13e: {  	v5 =	vld.idx.msk [tilespmem:v6+s14+$0x0], $0xffff;
	v6 =	vor.u32 $0xC, v1  }
0x13f: {  	v63 =	vld.idx.msk [tilespmem:v59+s2+$0x0], $0xffff;
	v2 =	vadd.f32 v3, v2;
	v3 =	vmul.f32 v7, v58  }
0x140: {  	v16 =	vor.u32 $0xD, v1;
	v7 =	vld.idx.msk [tilespmem:v59+s14+$0x0], $0xffff  }
0x141: {  	v17 =	vld.idx.msk [tilespmem:v61+s2+$0x0], $0xffff;
	v2 =	vadd.f32 v3, v2;
	v3 =	vmul.f32 v4, v60  }
0x142: {  	v18 =	vor.u32 $0xE, v1;
	v4 =	vld.idx.msk [tilespmem:v61+s14+$0x0], $0xffff  }
0x143: {  	v19 =	vld.idx.msk [tilespmem:v6+s2+$0x0], $0xffff;
	v2 =	vadd.f32 v3, v2;
	v3 =	vmul.f32 v5, v62  }
0x144: {  	v5 =	vld.idx.msk [tilespmem:v6+s14+$0x0], $0xffff;
	v6 =	vor.u32 $0xF, v1  }
0x145: {  	v20 =	vld.idx.msk [tilespmem:v16+s2+$0x0], $0xffff;
	v2 =	vadd.f32 v3, v2;
	v3 =	vmul.f32 v7, v63  }
0x146: {  	v21 =	vor.u32 $0x10, v1;
	v7 =	vld.idx.msk [tilespmem:v16+s14+$0x0], $0xffff  }
0x147: {  	v22 =	vld.idx.msk [tilespmem:v18+s2+$0x0], $0xffff;
	v2 =	vadd.f32 v3, v2;
	v3 =	vmul.f32 v4, v17  }
0x148: {  	v23 =	vor.u32 $0x11, v1;
	v4 =	vld.idx.msk [tilespmem:v18+s14+$0x0], $0xffff  }
0x149: {  	v24 =	vld.idx.msk [tilespmem:v6+s2+$0x0], $0xffff;
	v2 =	vadd.f32 v3, v2;
	v3 =	vmul.f32 v5, v19  }
0x14a: {  	v5 =	vld.idx.msk [tilespmem:v6+s14+$0x0], $0xffff;
	v6 =	vor.u32 $0x12, v1  }
0x14b: {  	v25 =	vld.idx.msk [tilespmem:v21+s2+$0x0], $0xffff;
	v2 =	vadd.f32 v3, v2;
	v3 =	vmul.f32 v7, v20  }
0x14c: {  	v26 =	vor.u32 $0x13, v1;
	v7 =	vld.idx.msk [tilespmem:v21+s14+$0x0], $0xffff  }
0x14d: {  	v27 =	vld.idx.msk [tilespmem:v23+s2+$0x0], $0xffff;
	v2 =	vadd.f32 v3, v2;
	v3 =	vmul.f32 v4, v22  }
0x14e: {  	v28 =	vor.u32 $0x14, v1;
	v4 =	vld.idx.msk [tilespmem:v23+s14+$0x0], $0xffff  }
0x14f: {  	v29 =	vld.idx.msk [tilespmem:v6+s2+$0x0], $0xffff;
	v2 =	vadd.f32 v3, v2;
	v3 =	vmul.f32 v5, v24  }
0x150: {  	v5 =	vld.idx.msk [tilespmem:v6+s14+$0x0], $0xffff;
	v6 =	vor.u32 $0x15, v1  }
0x151: {  	v30 =	vld.idx.msk [tilespmem:v26+s2+$0x0], $0xffff;
	v2 =	vadd.f32 v3, v2;
	v3 =	vmul.f32 v7, v25  }
0x152: {  	v31 =	vor.u32 $0x16, v1;
	v7 =	vld.idx.msk [tilespmem:v26+s14+$0x0], $0xffff  }
0x153: {  	v32 =	vld.idx.msk [tilespmem:v28+s2+$0x0], $0xffff;
	v2 =	vadd.f32 v3, v2;
	v3 =	vmul.f32 v4, v27  }
0x154: {  	v33 =	vor.u32 $0x17, v1;
	v4 =	vld.idx.msk [tilespmem:v28+s14+$0x0], $0xffff  }
0x155: {  	v34 =	vld.idx.msk [tilespmem:v6+s2+$0x0], $0xffff;
	v2 =	vadd.f32 v3, v2;
	v3 =	vmul.f32 v5, v29  }
0x156: {  	v5 =	vld.idx.msk [tilespmem:v6+s14+$0x0], $0xffff;
	v6 =	vor.u32 $0x18, v1  }
0x157: {  	v35 =	vld.idx.msk [tilespmem:v31+s2+$0x0], $0xffff;
	v2 =	vadd.f32 v3, v2;
	v3 =	vmul.f32 v7, v30  }
0x158: {  	v36 =	vor.u32 $0x19, v1;
	v7 =	vld.idx.msk [tilespmem:v31+s14+$0x0], $0xffff  }
0x159: {  	v37 =	vld.idx.msk [tilespmem:v33+s2+$0x0], $0xffff;
	v2 =	vadd.f32 v3, v2;
	v3 =	vmul.f32 v4, v32  }
0x15a: {  	v38 =	vor.u32 $0x1A, v1;
	v4 =	vld.idx.msk [tilespmem:v33+s14+$0x0], $0xffff  }
0x15b: {  	v39 =	vld.idx.msk [tilespmem:v6+s2+$0x0], $0xffff;
	v2 =	vadd.f32 v3, v2;
	v3 =	vmul.f32 v5, v34  }
0x15c: {  	v5 =	vld.idx.msk [tilespmem:v6+s14+$0x0], $0xffff;
	v6 =	vor.u32 $0x1B, v1  }
0x15d: {  	v40 =	vld.idx.msk [tilespmem:v36+s2+$0x0], $0xffff;
	v2 =	vadd.f32 v3, v2;
	v3 =	vmul.f32 v7, v35  }
0x15e: {  	v41 =	vor.u32 $0x1C, v1;
	v7 =	vld.idx.msk [tilespmem:v36+s14+$0x0], $0xffff  }
0x15f: {  	v42 =	vld.idx.msk [tilespmem:v38+s2+$0x0], $0xffff;
	v2 =	vadd.f32 v3, v2;
	v3 =	vmul.f32 v4, v37  }
0x160: {  	v43 =	vor.u32 $0x1D, v1;
	v4 =	vld.idx.msk [tilespmem:v38+s14+$0x0], $0xffff  }
0x161: {  	v44 =	vld.idx.msk [tilespmem:v6+s2+$0x0], $0xffff;
	v2 =	vadd.f32 v3, v2;
	v3 =	vmul.f32 v5, v39  }
0x162: {  	v5 =	vld.idx.msk [tilespmem:v6+s14+$0x0], $0xffff;
	v6 =	vor.u32 $0x1E, v1  }
0x163: {  	v45 =	vld.idx.msk [tilespmem:v41+s2+$0x0], $0xffff;
	v2 =	vadd.f32 v3, v2;
	v3 =	vmul.f32 v7, v40  }
0x164: {  	v46 =	vor.u32 $0x1F, v1;
	v7 =	vld.idx.msk [tilespmem:v41+s14+$0x0], $0xffff  }
0x165: {  	v47 =	vld.idx.msk [tilespmem:v43+s2+$0x0], $0xffff;
	v2 =	vadd.f32 v3, v2;
	v3 =	vmul.f32 v4, v42  }
0x166: {  	v48 =	vor.u32 $0x20, v1;
	v4 =	vld.idx.msk [tilespmem:v43+s14+$0x0], $0xffff  }
0x167: {  	v49 =	vld.idx.msk [tilespmem:v6+s2+$0x0], $0xffff;
	v2 =	vadd.f32 v3, v2;
	v3 =	vmul.f32 v5, v44  }
0x168: {  	v5 =	vld.idx.msk [tilespmem:v6+s14+$0x0], $0xffff;
	v6 =	vor.u32 $0x21, v1  }
0x169: {  	v50 =	vld.idx.msk [tilespmem:v46+s2+$0x0], $0xffff;
	v2 =	vadd.f32 v3, v2;
	v3 =	vmul.f32 v7, v45  }
0x16a: {  	v51 =	vor.u32 $0x22, v1;
	v7 =	vld.idx.msk [tilespmem:v46+s14+$0x0], $0xffff  }
0x16b: {  	v52 =	vld.idx.msk [tilespmem:v48+s2+$0x0], $0xffff;
	v2 =	vadd.f32 v3, v2;
	v3 =	vmul.f32 v4, v47  }
0x16c: {  	v53 =	vor.u32 $0x23, v1;
	v4 =	vld.idx.msk [tilespmem:v48+s14+$0x0], $0xffff  }
0x16d: {  	v54 =	vld.idx.msk [tilespmem:v6+s2+$0x0], $0xffff;
	v2 =	vadd.f32 v3, v2;
	v3 =	vmul.f32 v5, v49  }
0x16e: {  	v5 =	vld.idx.msk [tilespmem:v6+s14+$0x0], $0xffff;
	v6 =	vor.u32 $0x24, v1  }
0x16f: {  	v55 =	vld.idx.msk [tilespmem:v51+s2+$0x0], $0xffff;
	v2 =	vadd.f32 v3, v2;
	v3 =	vmul.f32 v7, v50  }
0x170: {  	v56 =	vor.u32 $0x25, v1;
	v7 =	vld.idx.msk [tilespmem:v51+s14+$0x0], $0xffff  }
0x171: {  	v57 =	vld.idx.msk [tilespmem:v53+s2+$0x0], $0xffff;
	v2 =	vadd.f32 v3, v2;
	v3 =	vmul.f32 v4, v52  }
0x172: {  	v58 =	vor.u32 $0x26, v1;
	v4 =	vld.idx.msk [tilespmem:v53+s14+$0x0], $0xffff  }
0x173: {  	v59 =	vld.idx.msk [tilespmem:v6+s2+$0x0], $0xffff;
	v2 =	vadd.f32 v3, v2;
	v3 =	vmul.f32 v5, v54  }
0x174: {  	v5 =	vld.idx.msk [tilespmem:v6+s14+$0x0], $0xffff;
	v6 =	vor.u32 $0x27, v1  }
0x175: {  	v60 =	vld.idx.msk [tilespmem:v56+s2+$0x0], $0xffff;
	v2 =	vadd.f32 v3, v2;
	v3 =	vmul.f32 v7, v55  }
0x176: {  	v61 =	vor.u32 $0x28, v1;
	v7 =	vld.idx.msk [tilespmem:v56+s14+$0x0], $0xffff  }
0x177: {  	v62 =	vld.idx.msk [tilespmem:v58+s2+$0x0], $0xffff;
	v2 =	vadd.f32 v3, v2;
	v3 =	vmul.f32 v4, v57  }
0x178: {  	v63 =	vor.u32 $0x29, v1;
	v4 =	vld.idx.msk [tilespmem:v58+s14+$0x0], $0xffff  }
0x179: {  	v16 =	vld.idx.msk [tilespmem:v6+s2+$0x0], $0xffff;
	v2 =	vadd.f32 v3, v2;
	v3 =	vmul.f32 v5, v59  }
0x17a: {  	v5 =	vld.idx.msk [tilespmem:v6+s14+$0x0], $0xffff;
	v6 =	vor.u32 $0x2A, v1  }
0x17b: {  	v17 =	vld.idx.msk [tilespmem:v61+s2+$0x0], $0xffff;
	v2 =	vadd.f32 v3, v2;
	v3 =	vmul.f32 v7, v60  }
0x17c: {  	v18 =	vor.u32 $0x2B, v1;
	v7 =	vld.idx.msk [tilespmem:v61+s14+$0x0], $0xffff  }
0x17d: {  	v19 =	vld.idx.msk [tilespmem:v63+s2+$0x0], $0xffff;
	v2 =	vadd.f32 v3, v2;
	v3 =	vmul.f32 v4, v62  }
0x17e: {  	v20 =	vor.u32 $0x2C, v1;
	v4 =	vld.idx.msk [tilespmem:v63+s14+$0x0], $0xffff  }
0x17f: {  	v21 =	vld.idx.msk [tilespmem:v6+s2+$0x0], $0xffff;
	v2 =	vadd.f32 v3, v2;
	v3 =	vmul.f32 v5, v16  }
0x180: {  	v5 =	vld.idx.msk [tilespmem:v6+s14+$0x0], $0xffff;
	v6 =	vor.u32 $0x2D, v1  }
0x181: {  	v22 =	vld.idx.msk [tilespmem:v18+s2+$0x0], $0xffff;
	v2 =	vadd.f32 v3, v2;
	v3 =	vmul.f32 v7, v17  }
0x182: {  	v23 =	vor.u32 $0x2E, v1;
	v7 =	vld.idx.msk [tilespmem:v18+s14+$0x0], $0xffff  }
0x183: {  	v24 =	vld.idx.msk [tilespmem:v20+s2+$0x0], $0xffff;
	v2 =	vadd.f32 v3, v2;
	v3 =	vmul.f32 v4, v19  }
0x184: {  	v25 =	vor.u32 $0x2F, v1;
	v4 =	vld.idx.msk [tilespmem:v20+s14+$0x0], $0xffff  }
0x185: {  	v26 =	vld.idx.msk [tilespmem:v6+s2+$0x0], $0xffff;
	v2 =	vadd.f32 v3, v2;
	v3 =	vmul.f32 v5, v21  }
0x186: {  	v5 =	vld.idx.msk [tilespmem:v6+s14+$0x0], $0xffff;
	v6 =	vor.u32 $0x30, v1  }
0x187: {  	v27 =	vld.idx.msk [tilespmem:v23+s2+$0x0], $0xffff;
	v2 =	vadd.f32 v3, v2;
	v3 =	vmul.f32 v7, v22  }
0x188: {  	v28 =	vor.u32 $0x31, v1;
	v7 =	vld.idx.msk [tilespmem:v23+s14+$0x0], $0xffff  }
0x189: {  	v29 =	vld.idx.msk [tilespmem:v25+s2+$0x0], $0xffff;
	v2 =	vadd.f32 v3, v2;
	v3 =	vmul.f32 v4, v24  }
0x18a: {  	v30 =	vor.u32 $0x32, v1;
	v4 =	vld.idx.msk [tilespmem:v25+s14+$0x0], $0xffff  }
0x18b: {  	v31 =	vld.idx.msk [tilespmem:v6+s2+$0x0], $0xffff;
	v2 =	vadd.f32 v3, v2;
	v3 =	vmul.f32 v5, v26  }
0x18c: {  	v5 =	vld.idx.msk [tilespmem:v6+s14+$0x0], $0xffff;
	v6 =	vor.u32 $0x33, v1  }
0x18d: {  	v32 =	vld.idx.msk [tilespmem:v28+s2+$0x0], $0xffff;
	v2 =	vadd.f32 v3, v2;
	v3 =	vmul.f32 v7, v27  }
0x18e: {  	v33 =	vor.u32 $0x34, v1;
	v7 =	vld.idx.msk [tilespmem:v28+s14+$0x0], $0xffff  }
0x18f: {  	v34 =	vld.idx.msk [tilespmem:v30+s2+$0x0], $0xffff;
	v2 =	vadd.f32 v3, v2;
	v3 =	vmul.f32 v4, v29  }
0x190: {  	v35 =	vor.u32 $0x35, v1;
	v4 =	vld.idx.msk [tilespmem:v30+s14+$0x0], $0xffff  }
0x191: {  	v36 =	vld.idx.msk [tilespmem:v6+s2+$0x0], $0xffff;
	v2 =	vadd.f32 v3, v2;
	v3 =	vmul.f32 v5, v31  }
0x192: {  	v5 =	vld.idx.msk [tilespmem:v6+s14+$0x0], $0xffff;
	v6 =	vor.u32 $0x36, v1  }
0x193: {  	v37 =	vld.idx.msk [tilespmem:v33+s2+$0x0], $0xffff;
	v2 =	vadd.f32 v3, v2;
	v3 =	vmul.f32 v7, v32  }
0x194: {  	v38 =	vor.u32 $0x37, v1;
	v7 =	vld.idx.msk [tilespmem:v33+s14+$0x0], $0xffff  }
0x195: {  	v39 =	vld.idx.msk [tilespmem:v35+s2+$0x0], $0xffff;
	v2 =	vadd.f32 v3, v2;
	v3 =	vmul.f32 v4, v34  }
0x196: {  	v40 =	vor.u32 $0x38, v1;
	v4 =	vld.idx.msk [tilespmem:v35+s14+$0x0], $0xffff  }
0x197: {  	v41 =	vld.idx.msk [tilespmem:v6+s2+$0x0], $0xffff;
	v2 =	vadd.f32 v3, v2;
	v3 =	vmul.f32 v5, v36  }
0x198: {  	v5 =	vld.idx.msk [tilespmem:v6+s14+$0x0], $0xffff;
	v6 =	vor.u32 $0x39, v1  }
0x199: {  	v42 =	vld.idx.msk [tilespmem:v38+s2+$0x0], $0xffff;
	v2 =	vadd.f32 v3, v2;
	v3 =	vmul.f32 v7, v37  }
0x19a: {  	v43 =	vor.u32 $0x3A, v1;
	v7 =	vld.idx.msk [tilespmem:v38+s14+$0x0], $0xffff  }
0x19b: {  	v44 =	vld.idx.msk [tilespmem:v40+s2+$0x0], $0xffff;
	v2 =	vadd.f32 v3, v2;
	v3 =	vmul.f32 v4, v39  }
0x19c: {  	v45 =	vor.u32 $0x3B, v1;
	v4 =	vld.idx.msk [tilespmem:v40+s14+$0x0], $0xffff  }
0x19d: {  	v46 =	vld.idx.msk [tilespmem:v6+s2+$0x0], $0xffff;
	v2 =	vadd.f32 v3, v2;
	v3 =	vmul.f32 v5, v41  }
0x19e: {  	v5 =	vld.idx.msk [tilespmem:v6+s14+$0x0], $0xffff;
	v6 =	vor.u32 $0x3C, v1  }
0x19f: {  	v47 =	vld.idx.msk [tilespmem:v43+s2+$0x0], $0xffff;
	v2 =	vadd.f32 v3, v2;
	v3 =	vmul.f32 v7, v42  }
0x1a0: {  	v48 =	vor.u32 $0x3D, v1;
	v7 =	vld.idx.msk [tilespmem:v43+s14+$0x0], $0xffff  }
0x1a1: {  	v49 =	vld.idx.msk [tilespmem:v45+s2+$0x0], $0xffff;
	v2 =	vadd.f32 v3, v2;
	v3 =	vmul.f32 v4, v44  }
0x1a2: {  	v50 =	vor.u32 $0x3E, v1;
	v4 =	vld.idx.msk [tilespmem:v45+s14+$0x0], $0xffff  }
0x1a3: {  	v51 =	vld.idx.msk [tilespmem:v6+s2+$0x0], $0xffff;
	v2 =	vadd.f32 v3, v2;
	v3 =	vmul.f32 v5, v46  }
0x1a4: {  	v5 =	vld.idx.msk [tilespmem:v6+s14+$0x0], $0xffff;
	v6 =	vor.u32 $0x3F, v1  }
0x1a5: {  	v52 =	vld.idx.msk [tilespmem:v48+s2+$0x0], $0xffff;
	v2 =	vadd.f32 v3, v2;
	v3 =	vmul.f32 v7, v47  }
0x1a6: {  	v53 =	vor.u32 $0x40, v1;
	v7 =	vld.idx.msk [tilespmem:v48+s14+$0x0], $0xffff  }
0x1a7: {  	v54 =	vld.idx.msk [tilespmem:v50+s2+$0x0], $0xffff;
	v2 =	vadd.f32 v3, v2;
	v3 =	vmul.f32 v4, v49  }
0x1a8: {  	v55 =	vor.u32 $0x41, v1;
	v4 =	vld.idx.msk [tilespmem:v50+s14+$0x0], $0xffff  }
0x1a9: {  	v56 =	vld.idx.msk [tilespmem:v6+s2+$0x0], $0xffff;
	v2 =	vadd.f32 v3, v2;
	v3 =	vmul.f32 v5, v51  }
0x1aa: {  	v5 =	vld.idx.msk [tilespmem:v6+s14+$0x0], $0xffff;
	v6 =	vor.u32 $0x42, v1  }
0x1ab: {  	v57 =	vld.idx.msk [tilespmem:v53+s2+$0x0], $0xffff;
	v2 =	vadd.f32 v3, v2;
	v3 =	vmul.f32 v7, v52  }
0x1ac: {  	v58 =	vor.u32 $0x43, v1;
	v7 =	vld.idx.msk [tilespmem:v53+s14+$0x0], $0xffff  }
0x1ad: {  	v59 =	vld.idx.msk [tilespmem:v55+s2+$0x0], $0xffff;
	v2 =	vadd.f32 v3, v2;
	v3 =	vmul.f32 v4, v54  }
0x1ae: {  	v60 =	vor.u32 $0x44, v1;
	v4 =	vld.idx.msk [tilespmem:v55+s14+$0x0], $0xffff  }
0x1af: {  	v61 =	vld.idx.msk [tilespmem:v6+s2+$0x0], $0xffff;
	v2 =	vadd.f32 v3, v2;
	v3 =	vmul.f32 v5, v56  }
0x1b0: {  	v5 =	vld.idx.msk [tilespmem:v6+s14+$0x0], $0xffff;
	v6 =	vor.u32 $0x45, v1  }
0x1b1: {  	v62 =	vld.idx.msk [tilespmem:v58+s2+$0x0], $0xffff;
	v2 =	vadd.f32 v3, v2;
	v3 =	vmul.f32 v7, v57  }
0x1b2: {  	v63 =	vor.u32 $0x46, v1;
	v7 =	vld.idx.msk [tilespmem:v58+s14+$0x0], $0xffff  }
0x1b3: {  	v16 =	vld.idx.msk [tilespmem:v60+s2+$0x0], $0xffff;
	v2 =	vadd.f32 v3, v2;
	v3 =	vmul.f32 v4, v59  }
0x1b4: {  	v17 =	vor.u32 $0x47, v1;
	v4 =	vld.idx.msk [tilespmem:v60+s14+$0x0], $0xffff  }
0x1b5: {  	v18 =	vld.idx.msk [tilespmem:v6+s2+$0x0], $0xffff;
	v2 =	vadd.f32 v3, v2;
	v3 =	vmul.f32 v5, v61  }
0x1b6: {  	v5 =	vld.idx.msk [tilespmem:v6+s14+$0x0], $0xffff;
	v6 =	vor.u32 $0x48, v1  }
0x1b7: {  	v19 =	vld.idx.msk [tilespmem:v63+s2+$0x0], $0xffff;
	v2 =	vadd.f32 v3, v2;
	v3 =	vmul.f32 v7, v62  }
0x1b8: {  	v20 =	vor.u32 $0x49, v1;
	v7 =	vld.idx.msk [tilespmem:v63+s14+$0x0], $0xffff  }
0x1b9: {  	v21 =	vld.idx.msk [tilespmem:v17+s2+$0x0], $0xffff;
	v2 =	vadd.f32 v3, v2;
	v3 =	vmul.f32 v4, v16  }
0x1ba: {  	v22 =	vor.u32 $0x4A, v1;
	v4 =	vld.idx.msk [tilespmem:v17+s14+$0x0], $0xffff  }
0x1bb: {  	v23 =	vld.idx.msk [tilespmem:v6+s2+$0x0], $0xffff;
	v2 =	vadd.f32 v3, v2;
	v3 =	vmul.f32 v5, v18  }
0x1bc: {  	v5 =	vld.idx.msk [tilespmem:v6+s14+$0x0], $0xffff;
	v6 =	vor.u32 $0x4B, v1  }
0x1bd: {  	v24 =	vld.idx.msk [tilespmem:v20+s2+$0x0], $0xffff;
	v2 =	vadd.f32 v3, v2;
	v3 =	vmul.f32 v7, v19  }
0x1be: {  	v25 =	vor.u32 $0x4C, v1;
	v7 =	vld.idx.msk [tilespmem:v20+s14+$0x0], $0xffff  }
0x1bf: {  	v26 =	vld.idx.msk [tilespmem:v22+s2+$0x0], $0xffff;
	v2 =	vadd.f32 v3, v2;
	v3 =	vmul.f32 v4, v21  }
0x1c0: {  	v27 =	vor.u32 $0x4D, v1;
	v4 =	vld.idx.msk [tilespmem:v22+s14+$0x0], $0xffff  }
0x1c1: {  	v28 =	vld.idx.msk [tilespmem:v6+s2+$0x0], $0xffff;
	v2 =	vadd.f32 v3, v2;
	v3 =	vmul.f32 v5, v23  }
0x1c2: {  	v5 =	vld.idx.msk [tilespmem:v6+s14+$0x0], $0xffff;
	v6 =	vor.u32 $0x4E, v1  }
0x1c3: {  	v29 =	vld.idx.msk [tilespmem:v25+s2+$0x0], $0xffff;
	v2 =	vadd.f32 v3, v2;
	v3 =	vmul.f32 v7, v24  }
0x1c4: {  	v30 =	vor.u32 $0x4F, v1;
	v7 =	vld.idx.msk [tilespmem:v25+s14+$0x0], $0xffff  }
0x1c5: {  	v31 =	vld.idx.msk [tilespmem:v27+s2+$0x0], $0xffff;
	v2 =	vadd.f32 v3, v2;
	v3 =	vmul.f32 v4, v26  }
0x1c6: {  	v32 =	vor.u32 $0x50, v1;
	v4 =	vld.idx.msk [tilespmem:v27+s14+$0x0], $0xffff  }
0x1c7: {  	v33 =	vld.idx.msk [tilespmem:v6+s2+$0x0], $0xffff;
	v2 =	vadd.f32 v3, v2;
	v3 =	vmul.f32 v5, v28  }
0x1c8: {  	v5 =	vld.idx.msk [tilespmem:v6+s14+$0x0], $0xffff;
	v6 =	vor.u32 $0x51, v1  }
0x1c9: {  	v34 =	vld.idx.msk [tilespmem:v30+s2+$0x0], $0xffff;
	v2 =	vadd.f32 v3, v2;
	v3 =	vmul.f32 v7, v29  }
0x1ca: {  	v35 =	vor.u32 $0x52, v1;
	v7 =	vld.idx.msk [tilespmem:v30+s14+$0x0], $0xffff  }
0x1cb: {  	v36 =	vld.idx.msk [tilespmem:v32+s2+$0x0], $0xffff;
	v2 =	vadd.f32 v3, v2;
	v3 =	vmul.f32 v4, v31  }
0x1cc: {  	v37 =	vor.u32 $0x53, v1;
	v4 =	vld.idx.msk [tilespmem:v32+s14+$0x0], $0xffff  }
0x1cd: {  	v38 =	vld.idx.msk [tilespmem:v6+s2+$0x0], $0xffff;
	v2 =	vadd.f32 v3, v2;
	v3 =	vmul.f32 v5, v33  }
0x1ce: {  	v5 =	vld.idx.msk [tilespmem:v6+s14+$0x0], $0xffff;
	v6 =	vor.u32 $0x54, v1  }
0x1cf: {  	v39 =	vld.idx.msk [tilespmem:v35+s2+$0x0], $0xffff;
	v2 =	vadd.f32 v3, v2;
	v3 =	vmul.f32 v7, v34  }
0x1d0: {  	v40 =	vor.u32 $0x55, v1;
	v7 =	vld.idx.msk [tilespmem:v35+s14+$0x0], $0xffff  }
0x1d1: {  	v41 =	vld.idx.msk [tilespmem:v37+s2+$0x0], $0xffff;
	v2 =	vadd.f32 v3, v2;
	v3 =	vmul.f32 v4, v36  }
0x1d2: {  	v42 =	vor.u32 $0x56, v1;
	v4 =	vld.idx.msk [tilespmem:v37+s14+$0x0], $0xffff  }
0x1d3: {  	v43 =	vld.idx.msk [tilespmem:v6+s2+$0x0], $0xffff;
	v2 =	vadd.f32 v3, v2;
	v3 =	vmul.f32 v5, v38  }
0x1d4: {  	v5 =	vld.idx.msk [tilespmem:v6+s14+$0x0], $0xffff;
	v6 =	vor.u32 $0x57, v1  }
0x1d5: {  	v44 =	vld.idx.msk [tilespmem:v40+s2+$0x0], $0xffff;
	v2 =	vadd.f32 v3, v2;
	v3 =	vmul.f32 v7, v39  }
0x1d6: {  	v45 =	vor.u32 $0x58, v1;
	v7 =	vld.idx.msk [tilespmem:v40+s14+$0x0], $0xffff  }
0x1d7: {  	v46 =	vld.idx.msk [tilespmem:v42+s2+$0x0], $0xffff;
	v2 =	vadd.f32 v3, v2;
	v3 =	vmul.f32 v4, v41  }
0x1d8: {  	v47 =	vor.u32 $0x59, v1;
	v4 =	vld.idx.msk [tilespmem:v42+s14+$0x0], $0xffff  }
0x1d9: {  	v48 =	vld.idx.msk [tilespmem:v6+s2+$0x0], $0xffff;
	v2 =	vadd.f32 v3, v2;
	v3 =	vmul.f32 v5, v43  }
0x1da: {  	v5 =	vld.idx.msk [tilespmem:v6+s14+$0x0], $0xffff;
	v6 =	vor.u32 $0x5A, v1  }
0x1db: {  	v49 =	vld.idx.msk [tilespmem:v45+s2+$0x0], $0xffff;
	v2 =	vadd.f32 v3, v2;
	v3 =	vmul.f32 v7, v44  }
0x1dc: {  	v50 =	vor.u32 $0x5B, v1;
	v7 =	vld.idx.msk [tilespmem:v45+s14+$0x0], $0xffff  }
0x1dd: {  	v51 =	vld.idx.msk [tilespmem:v47+s2+$0x0], $0xffff;
	v2 =	vadd.f32 v3, v2;
	v3 =	vmul.f32 v4, v46  }
0x1de: {  	v52 =	vor.u32 $0x5C, v1;
	v4 =	vld.idx.msk [tilespmem:v47+s14+$0x0], $0xffff  }
0x1df: {  	v53 =	vld.idx.msk [tilespmem:v6+s2+$0x0], $0xffff;
	v2 =	vadd.f32 v3, v2;
	v3 =	vmul.f32 v5, v48  }
0x1e0: {  	v5 =	vld.idx.msk [tilespmem:v6+s14+$0x0], $0xffff;
	v6 =	vor.u32 $0x5D, v1  }
0x1e1: {  	v54 =	vld.idx.msk [tilespmem:v50+s2+$0x0], $0xffff;
	v2 =	vadd.f32 v3, v2;
	v3 =	vmul.f32 v7, v49  }
0x1e2: {  	v55 =	vor.u32 $0x5E, v1;
	v7 =	vld.idx.msk [tilespmem:v50+s14+$0x0], $0xffff  }
0x1e3: {  	v56 =	vld.idx.msk [tilespmem:v52+s2+$0x0], $0xffff;
	v2 =	vadd.f32 v3, v2;
	v3 =	vmul.f32 v4, v51  }
0x1e4: {  	v57 =	vor.u32 $0x5F, v1;
	v4 =	vld.idx.msk [tilespmem:v52+s14+$0x0], $0xffff  }
0x1e5: {  	v58 =	vld.idx.msk [tilespmem:v6+s2+$0x0], $0xffff;
	v2 =	vadd.f32 v3, v2;
	v3 =	vmul.f32 v5, v53  }
0x1e6: {  	v5 =	vld.idx.msk [tilespmem:v6+s14+$0x0], $0xffff;
	v6 =	vor.u32 $0x60, v1  }
0x1e7: {  	v59 =	vld.idx.msk [tilespmem:v55+s2+$0x0], $0xffff;
	v2 =	vadd.f32 v3, v2;
	v3 =	vmul.f32 v7, v54  }
0x1e8: {  	v60 =	vor.u32 $0x61, v1;
	v7 =	vld.idx.msk [tilespmem:v55+s14+$0x0], $0xffff  }
0x1e9: {  	v61 =	vld.idx.msk [tilespmem:v57+s2+$0x0], $0xffff;
	v2 =	vadd.f32 v3, v2;
	v3 =	vmul.f32 v4, v56  }
0x1ea: {  	v62 =	vor.u32 $0x62, v1;
	v4 =	vld.idx.msk [tilespmem:v57+s14+$0x0], $0xffff  }
0x1eb: {  	v63 =	vld.idx.msk [tilespmem:v6+s2+$0x0], $0xffff;
	v2 =	vadd.f32 v3, v2;
	v3 =	vmul.f32 v5, v58  }
0x1ec: {  	v5 =	vld.idx.msk [tilespmem:v6+s14+$0x0], $0xffff;
	v6 =	vor.u32 $0x63, v1  }
0x1ed: {  	v16 =	vld.idx.msk [tilespmem:v60+s2+$0x0], $0xffff;
	v2 =	vadd.f32 v3, v2;
	v3 =	vmul.f32 v7, v59  }
0x1ee: {  	v17 =	vor.u32 $0x64, v1;
	v7 =	vld.idx.msk [tilespmem:v60+s14+$0x0], $0xffff  }
0x1ef: {  	v18 =	vld.idx.msk [tilespmem:v62+s2+$0x0], $0xffff;
	v2 =	vadd.f32 v3, v2;
	v3 =	vmul.f32 v4, v61  }
0x1f0: {  	v19 =	vor.u32 $0x65, v1;
	v4 =	vld.idx.msk [tilespmem:v62+s14+$0x0], $0xffff  }
0x1f1: {  	v20 =	vld.idx.msk [tilespmem:v6+s2+$0x0], $0xffff;
	v2 =	vadd.f32 v3, v2;
	v3 =	vmul.f32 v5, v63  }
0x1f2: {  	v5 =	vld.idx.msk [tilespmem:v6+s14+$0x0], $0xffff;
	v6 =	vor.u32 $0x66, v1  }
0x1f3: {  	v21 =	vld.idx.msk [tilespmem:v17+s2+$0x0], $0xffff;
	v2 =	vadd.f32 v3, v2;
	v3 =	vmul.f32 v7, v16  }
0x1f4: {  	v22 =	vor.u32 $0x67, v1;
	v7 =	vld.idx.msk [tilespmem:v17+s14+$0x0], $0xffff  }
0x1f5: {  	v23 =	vld.idx.msk [tilespmem:v19+s2+$0x0], $0xffff;
	v2 =	vadd.f32 v3, v2;
	v3 =	vmul.f32 v4, v18  }
0x1f6: {  	v24 =	vor.u32 $0x68, v1;
	v4 =	vld.idx.msk [tilespmem:v19+s14+$0x0], $0xffff  }
0x1f7: {  	v25 =	vld.idx.msk [tilespmem:v6+s2+$0x0], $0xffff;
	v2 =	vadd.f32 v3, v2;
	v3 =	vmul.f32 v5, v20  }
0x1f8: {  	v5 =	vld.idx.msk [tilespmem:v6+s14+$0x0], $0xffff;
	v6 =	vor.u32 $0x69, v1  }
0x1f9: {  	v26 =	vld.idx.msk [tilespmem:v22+s2+$0x0], $0xffff;
	v2 =	vadd.f32 v3, v2;
	v3 =	vmul.f32 v7, v21  }
0x1fa: {  	v27 =	vor.u32 $0x6A, v1;
	v7 =	vld.idx.msk [tilespmem:v22+s14+$0x0], $0xffff  }
0x1fb: {  	v28 =	vld.idx.msk [tilespmem:v24+s2+$0x0], $0xffff;
	v2 =	vadd.f32 v3, v2;
	v3 =	vmul.f32 v4, v23  }
0x1fc: {  	v29 =	vor.u32 $0x6B, v1;
	v4 =	vld.idx.msk [tilespmem:v24+s14+$0x0], $0xffff  }
0x1fd: {  	v30 =	vld.idx.msk [tilespmem:v6+s2+$0x0], $0xffff;
	v2 =	vadd.f32 v3, v2;
	v3 =	vmul.f32 v5, v25  }
0x1fe: {  	v5 =	vld.idx.msk [tilespmem:v6+s14+$0x0], $0xffff;
	v6 =	vor.u32 $0x6C, v1  }
0x1ff: {  	v31 =	vld.idx.msk [tilespmem:v27+s2+$0x0], $0xffff;
	v2 =	vadd.f32 v3, v2;
	v3 =	vmul.f32 v7, v26  }
0x200: {  	v32 =	vor.u32 $0x6D, v1;
	v7 =	vld.idx.msk [tilespmem:v27+s14+$0x0], $0xffff  }
0x201: {  	v33 =	vld.idx.msk [tilespmem:v29+s2+$0x0], $0xffff;
	v2 =	vadd.f32 v3, v2;
	v3 =	vmul.f32 v4, v28  }
0x202: {  	v34 =	vor.u32 $0x6E, v1;
	v4 =	vld.idx.msk [tilespmem:v29+s14+$0x0], $0xffff  }
0x203: {  	v35 =	vld.idx.msk [tilespmem:v6+s2+$0x0], $0xffff;
	v2 =	vadd.f32 v3, v2;
	v3 =	vmul.f32 v5, v30  }
0x204: {  	v5 =	vld.idx.msk [tilespmem:v6+s14+$0x0], $0xffff;
	v6 =	vor.u32 $0x6F, v1  }
0x205: {  	v36 =	vld.idx.msk [tilespmem:v32+s2+$0x0], $0xffff;
	v2 =	vadd.f32 v3, v2;
	v3 =	vmul.f32 v7, v31  }
0x206: {  	v37 =	vor.u32 $0x70, v1;
	v7 =	vld.idx.msk [tilespmem:v32+s14+$0x0], $0xffff  }
0x207: {  	v38 =	vld.idx.msk [tilespmem:v34+s2+$0x0], $0xffff;
	v2 =	vadd.f32 v3, v2;
	v3 =	vmul.f32 v4, v33  }
0x208: {  	v39 =	vor.u32 $0x71, v1;
	v4 =	vld.idx.msk [tilespmem:v34+s14+$0x0], $0xffff  }
0x209: {  	v40 =	vld.idx.msk [tilespmem:v6+s2+$0x0], $0xffff;
	v2 =	vadd.f32 v3, v2;
	v3 =	vmul.f32 v5, v35  }
0x20a: {  	v5 =	vld.idx.msk [tilespmem:v6+s14+$0x0], $0xffff;
	v6 =	vor.u32 $0x72, v1  }
0x20b: {  	v41 =	vld.idx.msk [tilespmem:v37+s2+$0x0], $0xffff;
	v2 =	vadd.f32 v3, v2;
	v3 =	vmul.f32 v7, v36  }
0x20c: {  	v42 =	vor.u32 $0x73, v1;
	v7 =	vld.idx.msk [tilespmem:v37+s14+$0x0], $0xffff  }
0x20d: {  	v43 =	vld.idx.msk [tilespmem:v39+s2+$0x0], $0xffff;
	v2 =	vadd.f32 v3, v2;
	v3 =	vmul.f32 v4, v38  }
0x20e: {  	v44 =	vor.u32 $0x74, v1;
	v4 =	vld.idx.msk [tilespmem:v39+s14+$0x0], $0xffff  }
0x20f: {  	v45 =	vld.idx.msk [tilespmem:v6+s2+$0x0], $0xffff;
	v2 =	vadd.f32 v3, v2;
	v3 =	vmul.f32 v5, v40  }
0x210: {  	v5 =	vld.idx.msk [tilespmem:v6+s14+$0x0], $0xffff;
	v6 =	vor.u32 $0x75, v1  }
0x211: {  	v46 =	vld.idx.msk [tilespmem:v42+s2+$0x0], $0xffff;
	v2 =	vadd.f32 v3, v2;
	v3 =	vmul.f32 v7, v41  }
0x212: {  	v47 =	vor.u32 $0x76, v1;
	v7 =	vld.idx.msk [tilespmem:v42+s14+$0x0], $0xffff  }
0x213: {  	v48 =	vld.idx.msk [tilespmem:v44+s2+$0x0], $0xffff;
	v2 =	vadd.f32 v3, v2;
	v3 =	vmul.f32 v4, v43  }
0x214: {  	v49 =	vor.u32 $0x77, v1;
	v4 =	vld.idx.msk [tilespmem:v44+s14+$0x0], $0xffff  }
0x215: {  	v50 =	vld.idx.msk [tilespmem:v6+s2+$0x0], $0xffff;
	v2 =	vadd.f32 v3, v2;
	v3 =	vmul.f32 v5, v45  }
0x216: {  	v5 =	vld.idx.msk [tilespmem:v6+s14+$0x0], $0xffff;
	v6 =	vor.u32 $0x78, v1  }
0x217: {  	v51 =	vld.idx.msk [tilespmem:v47+s2+$0x0], $0xffff;
	v2 =	vadd.f32 v3, v2;
	v3 =	vmul.f32 v7, v46  }
0x218: {  	v52 =	vor.u32 $0x79, v1;
	v7 =	vld.idx.msk [tilespmem:v47+s14+$0x0], $0xffff  }
0x219: {  	v53 =	vld.idx.msk [tilespmem:v49+s2+$0x0], $0xffff;
	v2 =	vadd.f32 v3, v2;
	v3 =	vmul.f32 v4, v48  }
0x21a: {  	v54 =	vor.u32 $0x7A, v1;
	v4 =	vld.idx.msk [tilespmem:v49+s14+$0x0], $0xffff  }
0x21b: {  	v55 =	vld.idx.msk [tilespmem:v6+s2+$0x0], $0xffff;
	v2 =	vadd.f32 v3, v2;
	v3 =	vmul.f32 v5, v50  }
0x21c: {  	v5 =	vld.idx.msk [tilespmem:v6+s14+$0x0], $0xffff;
	v6 =	vor.u32 $0x7B, v1  }
0x21d: {  	v56 =	vld.idx.msk [tilespmem:v52+s2+$0x0], $0xffff;
	v2 =	vadd.f32 v3, v2;
	v3 =	vmul.f32 v7, v51  }
0x21e: {  	v57 =	vor.u32 $0x7C, v1;
	v7 =	vld.idx.msk [tilespmem:v52+s14+$0x0], $0xffff  }
0x21f: {  	v58 =	vld.idx.msk [tilespmem:v54+s2+$0x0], $0xffff;
	v2 =	vadd.f32 v3, v2;
	v3 =	vmul.f32 v4, v53  }
0x220: {  	v4 =	vld.idx.msk [tilespmem:v54+s14+$0x0], $0xffff  }
0x221: {  	v60 =	vld.idx.msk [tilespmem:v6+s2+$0x0], $0xffff;
	v2 =	vadd.f32 v3, v2;
	v3 =	vmul.f32 v5, v55  }
0x222: {  	v59 =	vor.u32 $0x7D, v1;
	v5 =	vld.idx.msk [tilespmem:v6+s14+$0x0], $0xffff  }
0x223: {  	v61 =	vld.idx.msk [tilespmem:v57+s2+$0x0], $0xffff;
	v2 =	vadd.f32 v3, v2;
	v3 =	vmul.f32 v7, v56  }
0x224: {  	v6 =	vor.u32 $0x7E, v1;
	v7 =	vld.idx.msk [tilespmem:v57+s14+$0x0], $0xffff  }
0x225: {  	v2 =	vadd.f32 v3, v2;
	v3 =	vmul.f32 v4, v58  }
0x226: {  	v1 =	vor.u32 $0x7F, v1  }
0x227: {  	v62 =	vld.idx.msk [tilespmem:v59+s2+$0x0], $0xffff;
	v2 =	vadd.f32 v3, v2;
	v3 =	vmul.f32 v5, v60  }
0x228: {  	v4 =	vld.idx.msk [tilespmem:v59+s14+$0x0], $0xffff  }
0x229: {  	v63 =	vld.idx.msk [tilespmem:v6+s2+$0x0], $0xffff;
	v2 =	vadd.f32 v3, v2;
	v3 =	vmul.f32 v7, v61  }
0x22a: {  	v5 =	vld.idx.msk [tilespmem:v6+s14+$0x0], $0xffff  }
0x22b: {  	v6 =	vadd.f32 v3, v2;
	v2 =	vld.idx.msk [tilespmem:v1+s2+$0x0], $0xffff  }
0x22c: {  	v3 =	vld.idx.msk [tilespmem:v1+s14+$0x0], $0xffff  }
0x22d: {  	v4 =	vmul.f32 v4, v62  }
0x22e: {  	s31 =	simm.s32 $0x20  }
0x22f: {  	v7 =	vmov s31;
	v5 =	vmul.f32 v5, v63;
	v4 =	vadd.f32 v4, v6  }
0x230: {  	s22 =	simm.s32 $0x30;
	s21 =	smov.u32 s19;
	v1 =	vshll.u32 v7, $0x7  }
.LBB2_3:
0x231: {  	p0 =	sne.s32 s22, $0x60;
	v1 =	vor.u32 v0, v1;
	v4 =	vadd.f32 v5, v4;
	v2 =	vmul.f32 v3, v2;
	_ =	sdelay $0x1  }
0x232: {  	v3 =	vor.u32 $0x1, v1;
	v2 =	vadd.f32 v2, v4  }
0x233: {  	s21 =	sadd.s32 $0x10, s21  }
0x234: {  	v4 =	vor.u32 $0x2, v1;
	[tilespmem:s21+$0x0] =	vst v2  }
0x235: {  	v2 =	vld.idx.msk [tilespmem:v1+s14+$0x0], $0xffff  }
0x236: {  	v6 =	vor.u32 $0x3, v1;
	v5 =	vld.idx.msk [tilespmem:v1+s2+$0x0], $0xffff  }
0x237: {  	v7 =	vld.idx.msk [tilespmem:v3+s2+$0x0], $0xffff  }
0x238: {  	v8 =	vor.u32 $0x4, v1;
	v3 =	vld.idx.msk [tilespmem:v3+s14+$0x0], $0xffff  }
0x239: {  	v9 =	vld.idx.msk [tilespmem:v4+s2+$0x0], $0xffff  }
0x23a: {  	v10 =	vor.u32 $0x5, v1;
	v4 =	vld.idx.msk [tilespmem:v4+s14+$0x0], $0xffff  }
0x23b: {  	v11 =	vld.idx.msk [tilespmem:v6+s2+$0x0], $0xffff  }
0x23c: {  	v2 =	vmul.f32 v2, v5;
	v5 =	vld.idx.msk [tilespmem:v6+s14+$0x0], $0xffff;
	v6 =	vor.u32 $0x6, v1  }
0x23d: {  	v12 =	vld.idx.msk [tilespmem:v8+s2+$0x0], $0xffff  }
0x23e: {  	v2 =	vadd.f32 $0.0e+00, v2;
	v3 =	vmul.f32 v3, v7;
	v7 =	vld.idx.msk [tilespmem:v8+s14+$0x0], $0xffff;
	v8 =	vor.u32 $0x7, v1  }
0x23f: {  	v13 =	vld.idx.msk [tilespmem:v10+s2+$0x0], $0xffff  }
0x240: {  	v2 =	vadd.f32 v3, v2;
	v3 =	vmul.f32 v4, v9;
	v9 =	vor.u32 $0x8, v1;
	v4 =	vld.idx.msk [tilespmem:v10+s14+$0x0], $0xffff  }
0x241: {  	v10 =	vld.idx.msk [tilespmem:v6+s2+$0x0], $0xffff  }
0x242: {  	v2 =	vadd.f32 v3, v2;
	v3 =	vmul.f32 v5, v11;
	v5 =	vld.idx.msk [tilespmem:v6+s14+$0x0], $0xffff;
	v6 =	vor.u32 $0x9, v1  }
0x243: {  	v11 =	vld.idx.msk [tilespmem:v8+s2+$0x0], $0xffff  }
0x244: {  	v2 =	vadd.f32 v3, v2;
	v3 =	vmul.f32 v7, v12;
	v7 =	vld.idx.msk [tilespmem:v8+s14+$0x0], $0xffff;
	v8 =	vor.u32 $0xA, v1  }
0x245: {  	v12 =	vld.idx.msk [tilespmem:v9+s2+$0x0], $0xffff  }
0x246: {  	v2 =	vadd.f32 v3, v2;
	v3 =	vmul.f32 v4, v13;
	v4 =	vld.idx.msk [tilespmem:v9+s14+$0x0], $0xffff;
	v9 =	vor.u32 $0xB, v1  }
0x247: {  	v13 =	vld.idx.msk [tilespmem:v6+s2+$0x0], $0xffff  }
0x248: {  	v2 =	vadd.f32 v3, v2;
	v3 =	vmul.f32 v5, v10;
	v5 =	vld.idx.msk [tilespmem:v6+s14+$0x0], $0xffff;
	v6 =	vor.u32 $0xC, v1  }
0x249: {  	v10 =	vld.idx.msk [tilespmem:v8+s2+$0x0], $0xffff  }
0x24a: {  	v2 =	vadd.f32 v3, v2;
	v3 =	vmul.f32 v7, v11;
	v7 =	vld.idx.msk [tilespmem:v8+s14+$0x0], $0xffff;
	v8 =	vor.u32 $0xD, v1  }
0x24b: {  	v11 =	vld.idx.msk [tilespmem:v9+s2+$0x0], $0xffff  }
0x24c: {  	v2 =	vadd.f32 v3, v2;
	v3 =	vmul.f32 v4, v12;
	v4 =	vld.idx.msk [tilespmem:v9+s14+$0x0], $0xffff;
	v9 =	vor.u32 $0xE, v1  }
0x24d: {  	v12 =	vld.idx.msk [tilespmem:v6+s2+$0x0], $0xffff  }
0x24e: {  	v2 =	vadd.f32 v3, v2;
	v3 =	vmul.f32 v5, v13;
	v5 =	vld.idx.msk [tilespmem:v6+s14+$0x0], $0xffff;
	v6 =	vor.u32 $0xF, v1  }
0x24f: {  	v13 =	vld.idx.msk [tilespmem:v8+s2+$0x0], $0xffff  }
0x250: {  	v2 =	vadd.f32 v3, v2;
	v3 =	vmul.f32 v7, v10;
	v7 =	vld.idx.msk [tilespmem:v8+s14+$0x0], $0xffff;
	v8 =	vor.u32 $0x10, v1  }
0x251: {  	v10 =	vld.idx.msk [tilespmem:v9+s2+$0x0], $0xffff  }
0x252: {  	v2 =	vadd.f32 v3, v2;
	v3 =	vmul.f32 v4, v11;
	v4 =	vld.idx.msk [tilespmem:v9+s14+$0x0], $0xffff;
	v9 =	vor.u32 $0x11, v1  }
0x253: {  	v11 =	vld.idx.msk [tilespmem:v6+s2+$0x0], $0xffff  }
0x254: {  	v2 =	vadd.f32 v3, v2;
	v3 =	vmul.f32 v5, v12;
	v5 =	vld.idx.msk [tilespmem:v6+s14+$0x0], $0xffff;
	v6 =	vor.u32 $0x12, v1  }
0x255: {  	v12 =	vld.idx.msk [tilespmem:v8+s2+$0x0], $0xffff  }
0x256: {  	v2 =	vadd.f32 v3, v2;
	v3 =	vmul.f32 v7, v13;
	v7 =	vld.idx.msk [tilespmem:v8+s14+$0x0], $0xffff;
	v8 =	vor.u32 $0x13, v1  }
0x257: {  	v13 =	vld.idx.msk [tilespmem:v9+s2+$0x0], $0xffff  }
0x258: {  	v2 =	vadd.f32 v3, v2;
	v3 =	vmul.f32 v4, v10;
	v4 =	vld.idx.msk [tilespmem:v9+s14+$0x0], $0xffff;
	v9 =	vor.u32 $0x14, v1  }
0x259: {  	v10 =	vld.idx.msk [tilespmem:v6+s2+$0x0], $0xffff  }
0x25a: {  	v2 =	vadd.f32 v3, v2;
	v3 =	vmul.f32 v5, v11;
	v5 =	vld.idx.msk [tilespmem:v6+s14+$0x0], $0xffff;
	v6 =	vor.u32 $0x15, v1  }
0x25b: {  	v11 =	vld.idx.msk [tilespmem:v8+s2+$0x0], $0xffff  }
0x25c: {  	v2 =	vadd.f32 v3, v2;
	v3 =	vmul.f32 v7, v12;
	v7 =	vld.idx.msk [tilespmem:v8+s14+$0x0], $0xffff;
	v8 =	vor.u32 $0x16, v1  }
0x25d: {  	v12 =	vld.idx.msk [tilespmem:v9+s2+$0x0], $0xffff  }
0x25e: {  	v2 =	vadd.f32 v3, v2;
	v3 =	vmul.f32 v4, v13;
	v4 =	vld.idx.msk [tilespmem:v9+s14+$0x0], $0xffff;
	v9 =	vor.u32 $0x17, v1  }
0x25f: {  	v13 =	vld.idx.msk [tilespmem:v6+s2+$0x0], $0xffff  }
0x260: {  	v2 =	vadd.f32 v3, v2;
	v3 =	vmul.f32 v5, v10;
	v5 =	vld.idx.msk [tilespmem:v6+s14+$0x0], $0xffff;
	v6 =	vor.u32 $0x18, v1  }
0x261: {  	v10 =	vld.idx.msk [tilespmem:v8+s2+$0x0], $0xffff  }
0x262: {  	v2 =	vadd.f32 v3, v2;
	v3 =	vmul.f32 v7, v11;
	v7 =	vld.idx.msk [tilespmem:v8+s14+$0x0], $0xffff;
	v8 =	vor.u32 $0x19, v1  }
0x263: {  	v11 =	vld.idx.msk [tilespmem:v9+s2+$0x0], $0xffff  }
0x264: {  	v2 =	vadd.f32 v3, v2;
	v3 =	vmul.f32 v4, v12;
	v4 =	vld.idx.msk [tilespmem:v9+s14+$0x0], $0xffff;
	v9 =	vor.u32 $0x1A, v1  }
0x265: {  	v12 =	vld.idx.msk [tilespmem:v6+s2+$0x0], $0xffff  }
0x266: {  	v2 =	vadd.f32 v3, v2;
	v3 =	vmul.f32 v5, v13;
	v5 =	vld.idx.msk [tilespmem:v6+s14+$0x0], $0xffff;
	v6 =	vor.u32 $0x1B, v1  }
0x267: {  	v13 =	vld.idx.msk [tilespmem:v8+s2+$0x0], $0xffff  }
0x268: {  	v2 =	vadd.f32 v3, v2;
	v3 =	vmul.f32 v7, v10;
	v7 =	vld.idx.msk [tilespmem:v8+s14+$0x0], $0xffff;
	v8 =	vor.u32 $0x1C, v1  }
0x269: {  	v10 =	vld.idx.msk [tilespmem:v9+s2+$0x0], $0xffff  }
0x26a: {  	v2 =	vadd.f32 v3, v2;
	v3 =	vmul.f32 v4, v11;
	v4 =	vld.idx.msk [tilespmem:v9+s14+$0x0], $0xffff;
	v9 =	vor.u32 $0x1D, v1  }
0x26b: {  	v11 =	vld.idx.msk [tilespmem:v6+s2+$0x0], $0xffff  }
0x26c: {  	v2 =	vadd.f32 v3, v2;
	v3 =	vmul.f32 v5, v12;
	v5 =	vld.idx.msk [tilespmem:v6+s14+$0x0], $0xffff;
	v6 =	vor.u32 $0x1E, v1  }
0x26d: {  	v12 =	vld.idx.msk [tilespmem:v8+s2+$0x0], $0xffff  }
0x26e: {  	v2 =	vadd.f32 v3, v2;
	v3 =	vmul.f32 v7, v13;
	v7 =	vld.idx.msk [tilespmem:v8+s14+$0x0], $0xffff;
	v8 =	vor.u32 $0x1F, v1  }
0x26f: {  	v13 =	vld.idx.msk [tilespmem:v9+s2+$0x0], $0xffff  }
0x270: {  	v2 =	vadd.f32 v3, v2;
	v3 =	vmul.f32 v4, v10;
	v4 =	vld.idx.msk [tilespmem:v9+s14+$0x0], $0xffff;
	v9 =	vor.u32 $0x20, v1  }
0x271: {  	v10 =	vld.idx.msk [tilespmem:v6+s2+$0x0], $0xffff  }
0x272: {  	v2 =	vadd.f32 v3, v2;
	v3 =	vmul.f32 v5, v11;
	v5 =	vld.idx.msk [tilespmem:v6+s14+$0x0], $0xffff;
	v6 =	vor.u32 $0x21, v1  }
0x273: {  	v11 =	vld.idx.msk [tilespmem:v8+s2+$0x0], $0xffff  }
0x274: {  	v2 =	vadd.f32 v3, v2;
	v3 =	vmul.f32 v7, v12;
	v7 =	vld.idx.msk [tilespmem:v8+s14+$0x0], $0xffff;
	v8 =	vor.u32 $0x22, v1  }
0x275: {  	v12 =	vld.idx.msk [tilespmem:v9+s2+$0x0], $0xffff  }
0x276: {  	v2 =	vadd.f32 v3, v2;
	v3 =	vmul.f32 v4, v13;
	v4 =	vld.idx.msk [tilespmem:v9+s14+$0x0], $0xffff;
	v9 =	vor.u32 $0x23, v1  }
0x277: {  	v13 =	vld.idx.msk [tilespmem:v6+s2+$0x0], $0xffff  }
0x278: {  	v2 =	vadd.f32 v3, v2;
	v3 =	vmul.f32 v5, v10;
	v5 =	vld.idx.msk [tilespmem:v6+s14+$0x0], $0xffff;
	v6 =	vor.u32 $0x24, v1  }
0x279: {  	v10 =	vld.idx.msk [tilespmem:v8+s2+$0x0], $0xffff  }
0x27a: {  	v2 =	vadd.f32 v3, v2;
	v3 =	vmul.f32 v7, v11;
	v7 =	vld.idx.msk [tilespmem:v8+s14+$0x0], $0xffff;
	v8 =	vor.u32 $0x25, v1  }
0x27b: {  	v11 =	vld.idx.msk [tilespmem:v9+s2+$0x0], $0xffff  }
0x27c: {  	v2 =	vadd.f32 v3, v2;
	v3 =	vmul.f32 v4, v12;
	v4 =	vld.idx.msk [tilespmem:v9+s14+$0x0], $0xffff;
	v9 =	vor.u32 $0x26, v1  }
0x27d: {  	v12 =	vld.idx.msk [tilespmem:v6+s2+$0x0], $0xffff  }
0x27e: {  	v2 =	vadd.f32 v3, v2;
	v3 =	vmul.f32 v5, v13;
	v5 =	vld.idx.msk [tilespmem:v6+s14+$0x0], $0xffff;
	v6 =	vor.u32 $0x27, v1  }
0x27f: {  	v13 =	vld.idx.msk [tilespmem:v8+s2+$0x0], $0xffff  }
0x280: {  	v2 =	vadd.f32 v3, v2;
	v3 =	vmul.f32 v7, v10;
	v7 =	vld.idx.msk [tilespmem:v8+s14+$0x0], $0xffff;
	v8 =	vor.u32 $0x28, v1  }
0x281: {  	v10 =	vld.idx.msk [tilespmem:v9+s2+$0x0], $0xffff  }
0x282: {  	v2 =	vadd.f32 v3, v2;
	v3 =	vmul.f32 v4, v11;
	v4 =	vld.idx.msk [tilespmem:v9+s14+$0x0], $0xffff;
	v9 =	vor.u32 $0x29, v1  }
0x283: {  	v11 =	vld.idx.msk [tilespmem:v6+s2+$0x0], $0xffff  }
0x284: {  	v2 =	vadd.f32 v3, v2;
	v3 =	vmul.f32 v5, v12;
	v5 =	vld.idx.msk [tilespmem:v6+s14+$0x0], $0xffff;
	v6 =	vor.u32 $0x2A, v1  }
0x285: {  	v12 =	vld.idx.msk [tilespmem:v8+s2+$0x0], $0xffff  }
0x286: {  	v2 =	vadd.f32 v3, v2;
	v3 =	vmul.f32 v7, v13;
	v7 =	vld.idx.msk [tilespmem:v8+s14+$0x0], $0xffff;
	v8 =	vor.u32 $0x2B, v1  }
0x287: {  	v13 =	vld.idx.msk [tilespmem:v9+s2+$0x0], $0xffff  }
0x288: {  	v2 =	vadd.f32 v3, v2;
	v3 =	vmul.f32 v4, v10;
	v4 =	vld.idx.msk [tilespmem:v9+s14+$0x0], $0xffff;
	v9 =	vor.u32 $0x2C, v1  }
0x289: {  	v10 =	vld.idx.msk [tilespmem:v6+s2+$0x0], $0xffff  }
0x28a: {  	v2 =	vadd.f32 v3, v2;
	v3 =	vmul.f32 v5, v11;
	v5 =	vld.idx.msk [tilespmem:v6+s14+$0x0], $0xffff;
	v6 =	vor.u32 $0x2D, v1  }
0x28b: {  	v11 =	vld.idx.msk [tilespmem:v8+s2+$0x0], $0xffff  }
0x28c: {  	v2 =	vadd.f32 v3, v2;
	v3 =	vmul.f32 v7, v12;
	v7 =	vld.idx.msk [tilespmem:v8+s14+$0x0], $0xffff;
	v8 =	vor.u32 $0x2E, v1  }
0x28d: {  	v12 =	vld.idx.msk [tilespmem:v9+s2+$0x0], $0xffff  }
0x28e: {  	v2 =	vadd.f32 v3, v2;
	v3 =	vmul.f32 v4, v13;
	v4 =	vld.idx.msk [tilespmem:v9+s14+$0x0], $0xffff;
	v9 =	vor.u32 $0x2F, v1  }
0x28f: {  	v13 =	vld.idx.msk [tilespmem:v6+s2+$0x0], $0xffff  }
0x290: {  	v2 =	vadd.f32 v3, v2;
	v3 =	vmul.f32 v5, v10;
	v5 =	vld.idx.msk [tilespmem:v6+s14+$0x0], $0xffff;
	v6 =	vor.u32 $0x30, v1  }
0x291: {  	v10 =	vld.idx.msk [tilespmem:v8+s2+$0x0], $0xffff  }
0x292: {  	v2 =	vadd.f32 v3, v2;
	v3 =	vmul.f32 v7, v11;
	v7 =	vld.idx.msk [tilespmem:v8+s14+$0x0], $0xffff;
	v8 =	vor.u32 $0x31, v1  }
0x293: {  	v11 =	vld.idx.msk [tilespmem:v9+s2+$0x0], $0xffff  }
0x294: {  	v2 =	vadd.f32 v3, v2;
	v3 =	vmul.f32 v4, v12;
	v4 =	vld.idx.msk [tilespmem:v9+s14+$0x0], $0xffff;
	v9 =	vor.u32 $0x32, v1  }
0x295: {  	v12 =	vld.idx.msk [tilespmem:v6+s2+$0x0], $0xffff  }
0x296: {  	v2 =	vadd.f32 v3, v2;
	v3 =	vmul.f32 v5, v13;
	v5 =	vld.idx.msk [tilespmem:v6+s14+$0x0], $0xffff;
	v6 =	vor.u32 $0x33, v1  }
0x297: {  	v13 =	vld.idx.msk [tilespmem:v8+s2+$0x0], $0xffff  }
0x298: {  	v2 =	vadd.f32 v3, v2;
	v3 =	vmul.f32 v7, v10;
	v7 =	vld.idx.msk [tilespmem:v8+s14+$0x0], $0xffff;
	v8 =	vor.u32 $0x34, v1  }
0x299: {  	v10 =	vld.idx.msk [tilespmem:v9+s2+$0x0], $0xffff  }
0x29a: {  	v2 =	vadd.f32 v3, v2;
	v3 =	vmul.f32 v4, v11;
	v4 =	vld.idx.msk [tilespmem:v9+s14+$0x0], $0xffff;
	v9 =	vor.u32 $0x35, v1  }
0x29b: {  	v11 =	vld.idx.msk [tilespmem:v6+s2+$0x0], $0xffff  }
0x29c: {  	v2 =	vadd.f32 v3, v2;
	v3 =	vmul.f32 v5, v12;
	v5 =	vld.idx.msk [tilespmem:v6+s14+$0x0], $0xffff;
	v6 =	vor.u32 $0x36, v1  }
0x29d: {  	v12 =	vld.idx.msk [tilespmem:v8+s2+$0x0], $0xffff  }
0x29e: {  	v2 =	vadd.f32 v3, v2;
	v3 =	vmul.f32 v7, v13;
	v7 =	vld.idx.msk [tilespmem:v8+s14+$0x0], $0xffff;
	v8 =	vor.u32 $0x37, v1  }
0x29f: {  	v13 =	vld.idx.msk [tilespmem:v9+s2+$0x0], $0xffff  }
0x2a0: {  	v2 =	vadd.f32 v3, v2;
	v3 =	vmul.f32 v4, v10;
	v4 =	vld.idx.msk [tilespmem:v9+s14+$0x0], $0xffff;
	v9 =	vor.u32 $0x38, v1  }
0x2a1: {  	v10 =	vld.idx.msk [tilespmem:v6+s2+$0x0], $0xffff  }
0x2a2: {  	v2 =	vadd.f32 v3, v2;
	v3 =	vmul.f32 v5, v11;
	v5 =	vld.idx.msk [tilespmem:v6+s14+$0x0], $0xffff;
	v6 =	vor.u32 $0x39, v1  }
0x2a3: {  	v11 =	vld.idx.msk [tilespmem:v8+s2+$0x0], $0xffff  }
0x2a4: {  	v2 =	vadd.f32 v3, v2;
	v3 =	vmul.f32 v7, v12;
	v7 =	vld.idx.msk [tilespmem:v8+s14+$0x0], $0xffff;
	v8 =	vor.u32 $0x3A, v1  }
0x2a5: {  	v12 =	vld.idx.msk [tilespmem:v9+s2+$0x0], $0xffff  }
0x2a6: {  	v2 =	vadd.f32 v3, v2;
	v3 =	vmul.f32 v4, v13;
	v4 =	vld.idx.msk [tilespmem:v9+s14+$0x0], $0xffff;
	v9 =	vor.u32 $0x3B, v1  }
0x2a7: {  	v13 =	vld.idx.msk [tilespmem:v6+s2+$0x0], $0xffff  }
0x2a8: {  	v2 =	vadd.f32 v3, v2;
	v3 =	vmul.f32 v5, v10;
	v5 =	vld.idx.msk [tilespmem:v6+s14+$0x0], $0xffff;
	v6 =	vor.u32 $0x3C, v1  }
0x2a9: {  	v10 =	vld.idx.msk [tilespmem:v8+s2+$0x0], $0xffff  }
0x2aa: {  	v2 =	vadd.f32 v3, v2;
	v3 =	vmul.f32 v7, v11;
	v7 =	vld.idx.msk [tilespmem:v8+s14+$0x0], $0xffff;
	v8 =	vor.u32 $0x3D, v1  }
0x2ab: {  	v11 =	vld.idx.msk [tilespmem:v9+s2+$0x0], $0xffff  }
0x2ac: {  	v2 =	vadd.f32 v3, v2;
	v3 =	vmul.f32 v4, v12;
	v4 =	vld.idx.msk [tilespmem:v9+s14+$0x0], $0xffff;
	v9 =	vor.u32 $0x3E, v1  }
0x2ad: {  	v12 =	vld.idx.msk [tilespmem:v6+s2+$0x0], $0xffff  }
0x2ae: {  	v2 =	vadd.f32 v3, v2;
	v3 =	vmul.f32 v5, v13;
	v5 =	vld.idx.msk [tilespmem:v6+s14+$0x0], $0xffff;
	v6 =	vor.u32 $0x3F, v1  }
0x2af: {  	v13 =	vld.idx.msk [tilespmem:v8+s2+$0x0], $0xffff  }
0x2b0: {  	v2 =	vadd.f32 v3, v2;
	v3 =	vmul.f32 v7, v10;
	v7 =	vld.idx.msk [tilespmem:v8+s14+$0x0], $0xffff;
	v8 =	vor.u32 $0x40, v1  }
0x2b1: {  	v10 =	vld.idx.msk [tilespmem:v9+s2+$0x0], $0xffff  }
0x2b2: {  	v2 =	vadd.f32 v3, v2;
	v3 =	vmul.f32 v4, v11;
	v4 =	vld.idx.msk [tilespmem:v9+s14+$0x0], $0xffff;
	v9 =	vor.u32 $0x41, v1  }
0x2b3: {  	v11 =	vld.idx.msk [tilespmem:v6+s2+$0x0], $0xffff  }
0x2b4: {  	v2 =	vadd.f32 v3, v2;
	v3 =	vmul.f32 v5, v12;
	v5 =	vld.idx.msk [tilespmem:v6+s14+$0x0], $0xffff;
	v6 =	vor.u32 $0x42, v1  }
0x2b5: {  	v12 =	vld.idx.msk [tilespmem:v8+s2+$0x0], $0xffff  }
0x2b6: {  	v2 =	vadd.f32 v3, v2;
	v3 =	vmul.f32 v7, v13;
	v7 =	vld.idx.msk [tilespmem:v8+s14+$0x0], $0xffff;
	v8 =	vor.u32 $0x43, v1  }
0x2b7: {  	v13 =	vld.idx.msk [tilespmem:v9+s2+$0x0], $0xffff  }
0x2b8: {  	v2 =	vadd.f32 v3, v2;
	v3 =	vmul.f32 v4, v10;
	v4 =	vld.idx.msk [tilespmem:v9+s14+$0x0], $0xffff;
	v9 =	vor.u32 $0x44, v1  }
0x2b9: {  	v10 =	vld.idx.msk [tilespmem:v6+s2+$0x0], $0xffff  }
0x2ba: {  	v2 =	vadd.f32 v3, v2;
	v3 =	vmul.f32 v5, v11;
	v5 =	vld.idx.msk [tilespmem:v6+s14+$0x0], $0xffff;
	v6 =	vor.u32 $0x45, v1  }
0x2bb: {  	v11 =	vld.idx.msk [tilespmem:v8+s2+$0x0], $0xffff  }
0x2bc: {  	v2 =	vadd.f32 v3, v2;
	v3 =	vmul.f32 v7, v12;
	v7 =	vld.idx.msk [tilespmem:v8+s14+$0x0], $0xffff;
	v8 =	vor.u32 $0x46, v1  }
0x2bd: {  	v12 =	vld.idx.msk [tilespmem:v9+s2+$0x0], $0xffff  }
0x2be: {  	v2 =	vadd.f32 v3, v2;
	v3 =	vmul.f32 v4, v13;
	v4 =	vld.idx.msk [tilespmem:v9+s14+$0x0], $0xffff;
	v9 =	vor.u32 $0x47, v1  }
0x2bf: {  	v13 =	vld.idx.msk [tilespmem:v6+s2+$0x0], $0xffff  }
0x2c0: {  	v2 =	vadd.f32 v3, v2;
	v3 =	vmul.f32 v5, v10;
	v5 =	vld.idx.msk [tilespmem:v6+s14+$0x0], $0xffff;
	v6 =	vor.u32 $0x48, v1  }
0x2c1: {  	v10 =	vld.idx.msk [tilespmem:v8+s2+$0x0], $0xffff  }
0x2c2: {  	v2 =	vadd.f32 v3, v2;
	v3 =	vmul.f32 v7, v11;
	v7 =	vld.idx.msk [tilespmem:v8+s14+$0x0], $0xffff;
	v8 =	vor.u32 $0x49, v1  }
0x2c3: {  	v11 =	vld.idx.msk [tilespmem:v9+s2+$0x0], $0xffff  }
0x2c4: {  	v2 =	vadd.f32 v3, v2;
	v3 =	vmul.f32 v4, v12;
	v4 =	vld.idx.msk [tilespmem:v9+s14+$0x0], $0xffff;
	v9 =	vor.u32 $0x4A, v1  }
0x2c5: {  	v12 =	vld.idx.msk [tilespmem:v6+s2+$0x0], $0xffff  }
0x2c6: {  	v2 =	vadd.f32 v3, v2;
	v3 =	vmul.f32 v5, v13;
	v5 =	vld.idx.msk [tilespmem:v6+s14+$0x0], $0xffff;
	v6 =	vor.u32 $0x4B, v1  }
0x2c7: {  	v13 =	vld.idx.msk [tilespmem:v8+s2+$0x0], $0xffff  }
0x2c8: {  	v2 =	vadd.f32 v3, v2;
	v3 =	vmul.f32 v7, v10;
	v7 =	vld.idx.msk [tilespmem:v8+s14+$0x0], $0xffff;
	v8 =	vor.u32 $0x4C, v1  }
0x2c9: {  	v10 =	vld.idx.msk [tilespmem:v9+s2+$0x0], $0xffff  }
0x2ca: {  	v2 =	vadd.f32 v3, v2;
	v3 =	vmul.f32 v4, v11;
	v4 =	vld.idx.msk [tilespmem:v9+s14+$0x0], $0xffff;
	v9 =	vor.u32 $0x4D, v1  }
0x2cb: {  	v11 =	vld.idx.msk [tilespmem:v6+s2+$0x0], $0xffff  }
0x2cc: {  	v2 =	vadd.f32 v3, v2;
	v3 =	vmul.f32 v5, v12;
	v5 =	vld.idx.msk [tilespmem:v6+s14+$0x0], $0xffff;
	v6 =	vor.u32 $0x4E, v1  }
0x2cd: {  	v12 =	vld.idx.msk [tilespmem:v8+s2+$0x0], $0xffff  }
0x2ce: {  	v2 =	vadd.f32 v3, v2;
	v3 =	vmul.f32 v7, v13;
	v7 =	vld.idx.msk [tilespmem:v8+s14+$0x0], $0xffff;
	v8 =	vor.u32 $0x4F, v1  }
0x2cf: {  	v13 =	vld.idx.msk [tilespmem:v9+s2+$0x0], $0xffff  }
0x2d0: {  	v2 =	vadd.f32 v3, v2;
	v3 =	vmul.f32 v4, v10;
	v4 =	vld.idx.msk [tilespmem:v9+s14+$0x0], $0xffff;
	v9 =	vor.u32 $0x50, v1  }
0x2d1: {  	v10 =	vld.idx.msk [tilespmem:v6+s2+$0x0], $0xffff  }
0x2d2: {  	v2 =	vadd.f32 v3, v2;
	v3 =	vmul.f32 v5, v11;
	v5 =	vld.idx.msk [tilespmem:v6+s14+$0x0], $0xffff;
	v6 =	vor.u32 $0x51, v1  }
0x2d3: {  	v11 =	vld.idx.msk [tilespmem:v8+s2+$0x0], $0xffff  }
0x2d4: {  	v2 =	vadd.f32 v3, v2;
	v3 =	vmul.f32 v7, v12;
	v7 =	vld.idx.msk [tilespmem:v8+s14+$0x0], $0xffff;
	v8 =	vor.u32 $0x52, v1  }
0x2d5: {  	v12 =	vld.idx.msk [tilespmem:v9+s2+$0x0], $0xffff  }
0x2d6: {  	v2 =	vadd.f32 v3, v2;
	v3 =	vmul.f32 v4, v13;
	v4 =	vld.idx.msk [tilespmem:v9+s14+$0x0], $0xffff;
	v9 =	vor.u32 $0x53, v1  }
0x2d7: {  	v13 =	vld.idx.msk [tilespmem:v6+s2+$0x0], $0xffff  }
0x2d8: {  	v2 =	vadd.f32 v3, v2;
	v3 =	vmul.f32 v5, v10;
	v5 =	vld.idx.msk [tilespmem:v6+s14+$0x0], $0xffff;
	v6 =	vor.u32 $0x54, v1  }
0x2d9: {  	v10 =	vld.idx.msk [tilespmem:v8+s2+$0x0], $0xffff  }
0x2da: {  	v2 =	vadd.f32 v3, v2;
	v3 =	vmul.f32 v7, v11;
	v7 =	vld.idx.msk [tilespmem:v8+s14+$0x0], $0xffff;
	v8 =	vor.u32 $0x55, v1  }
0x2db: {  	v11 =	vld.idx.msk [tilespmem:v9+s2+$0x0], $0xffff  }
0x2dc: {  	v2 =	vadd.f32 v3, v2;
	v3 =	vmul.f32 v4, v12;
	v4 =	vld.idx.msk [tilespmem:v9+s14+$0x0], $0xffff;
	v9 =	vor.u32 $0x56, v1  }
0x2dd: {  	v12 =	vld.idx.msk [tilespmem:v6+s2+$0x0], $0xffff  }
0x2de: {  	v2 =	vadd.f32 v3, v2;
	v3 =	vmul.f32 v5, v13;
	v5 =	vld.idx.msk [tilespmem:v6+s14+$0x0], $0xffff;
	v6 =	vor.u32 $0x57, v1  }
0x2df: {  	v13 =	vld.idx.msk [tilespmem:v8+s2+$0x0], $0xffff  }
0x2e0: {  	v2 =	vadd.f32 v3, v2;
	v3 =	vmul.f32 v7, v10;
	v7 =	vld.idx.msk [tilespmem:v8+s14+$0x0], $0xffff;
	v8 =	vor.u32 $0x58, v1  }
0x2e1: {  	v10 =	vld.idx.msk [tilespmem:v9+s2+$0x0], $0xffff  }
0x2e2: {  	v2 =	vadd.f32 v3, v2;
	v3 =	vmul.f32 v4, v11;
	v4 =	vld.idx.msk [tilespmem:v9+s14+$0x0], $0xffff;
	v9 =	vor.u32 $0x59, v1  }
0x2e3: {  	v11 =	vld.idx.msk [tilespmem:v6+s2+$0x0], $0xffff  }
0x2e4: {  	v2 =	vadd.f32 v3, v2;
	v3 =	vmul.f32 v5, v12;
	v5 =	vld.idx.msk [tilespmem:v6+s14+$0x0], $0xffff;
	v6 =	vor.u32 $0x5A, v1  }
0x2e5: {  	v12 =	vld.idx.msk [tilespmem:v8+s2+$0x0], $0xffff  }
0x2e6: {  	v2 =	vadd.f32 v3, v2;
	v3 =	vmul.f32 v7, v13;
	v7 =	vld.idx.msk [tilespmem:v8+s14+$0x0], $0xffff;
	v8 =	vor.u32 $0x5B, v1  }
0x2e7: {  	v13 =	vld.idx.msk [tilespmem:v9+s2+$0x0], $0xffff  }
0x2e8: {  	v2 =	vadd.f32 v3, v2;
	v3 =	vmul.f32 v4, v10;
	v4 =	vld.idx.msk [tilespmem:v9+s14+$0x0], $0xffff;
	v9 =	vor.u32 $0x5C, v1  }
0x2e9: {  	v10 =	vld.idx.msk [tilespmem:v6+s2+$0x0], $0xffff  }
0x2ea: {  	v2 =	vadd.f32 v3, v2;
	v3 =	vmul.f32 v5, v11;
	v5 =	vld.idx.msk [tilespmem:v6+s14+$0x0], $0xffff;
	v6 =	vor.u32 $0x5D, v1  }
0x2eb: {  	v11 =	vld.idx.msk [tilespmem:v8+s2+$0x0], $0xffff  }
0x2ec: {  	v2 =	vadd.f32 v3, v2;
	v3 =	vmul.f32 v7, v12;
	v7 =	vld.idx.msk [tilespmem:v8+s14+$0x0], $0xffff;
	v8 =	vor.u32 $0x5E, v1  }
0x2ed: {  	v12 =	vld.idx.msk [tilespmem:v9+s2+$0x0], $0xffff  }
0x2ee: {  	v2 =	vadd.f32 v3, v2;
	v3 =	vmul.f32 v4, v13;
	v4 =	vld.idx.msk [tilespmem:v9+s14+$0x0], $0xffff;
	v9 =	vor.u32 $0x5F, v1  }
0x2ef: {  	v13 =	vld.idx.msk [tilespmem:v6+s2+$0x0], $0xffff  }
0x2f0: {  	v2 =	vadd.f32 v3, v2;
	v3 =	vmul.f32 v5, v10;
	v5 =	vld.idx.msk [tilespmem:v6+s14+$0x0], $0xffff;
	v6 =	vor.u32 $0x60, v1  }
0x2f1: {  	v10 =	vld.idx.msk [tilespmem:v8+s2+$0x0], $0xffff  }
0x2f2: {  	v2 =	vadd.f32 v3, v2;
	v3 =	vmul.f32 v7, v11;
	v7 =	vld.idx.msk [tilespmem:v8+s14+$0x0], $0xffff;
	v8 =	vor.u32 $0x61, v1  }
0x2f3: {  	v11 =	vld.idx.msk [tilespmem:v9+s2+$0x0], $0xffff  }
0x2f4: {  	v2 =	vadd.f32 v3, v2;
	v3 =	vmul.f32 v4, v12;
	v4 =	vld.idx.msk [tilespmem:v9+s14+$0x0], $0xffff;
	v9 =	vor.u32 $0x62, v1  }
0x2f5: {  	v12 =	vld.idx.msk [tilespmem:v6+s2+$0x0], $0xffff  }
0x2f6: {  	v2 =	vadd.f32 v3, v2;
	v3 =	vmul.f32 v5, v13;
	v5 =	vld.idx.msk [tilespmem:v6+s14+$0x0], $0xffff;
	v6 =	vor.u32 $0x63, v1  }
0x2f7: {  	v13 =	vld.idx.msk [tilespmem:v8+s2+$0x0], $0xffff  }
0x2f8: {  	v2 =	vadd.f32 v3, v2;
	v3 =	vmul.f32 v7, v10;
	v7 =	vld.idx.msk [tilespmem:v8+s14+$0x0], $0xffff;
	v8 =	vor.u32 $0x64, v1  }
0x2f9: {  	v10 =	vld.idx.msk [tilespmem:v9+s2+$0x0], $0xffff  }
0x2fa: {  	v2 =	vadd.f32 v3, v2;
	v3 =	vmul.f32 v4, v11;
	v4 =	vld.idx.msk [tilespmem:v9+s14+$0x0], $0xffff;
	v9 =	vor.u32 $0x65, v1  }
0x2fb: {  	v11 =	vld.idx.msk [tilespmem:v6+s2+$0x0], $0xffff  }
0x2fc: {  	v2 =	vadd.f32 v3, v2;
	v3 =	vmul.f32 v5, v12;
	v5 =	vld.idx.msk [tilespmem:v6+s14+$0x0], $0xffff;
	v6 =	vor.u32 $0x66, v1  }
0x2fd: {  	v12 =	vld.idx.msk [tilespmem:v8+s2+$0x0], $0xffff  }
0x2fe: {  	v2 =	vadd.f32 v3, v2;
	v3 =	vmul.f32 v7, v13;
	v7 =	vld.idx.msk [tilespmem:v8+s14+$0x0], $0xffff;
	v8 =	vor.u32 $0x67, v1  }
0x2ff: {  	v13 =	vld.idx.msk [tilespmem:v9+s2+$0x0], $0xffff  }
0x300: {  	v2 =	vadd.f32 v3, v2;
	v3 =	vmul.f32 v4, v10;
	v4 =	vld.idx.msk [tilespmem:v9+s14+$0x0], $0xffff;
	v9 =	vor.u32 $0x68, v1  }
0x301: {  	v10 =	vld.idx.msk [tilespmem:v6+s2+$0x0], $0xffff  }
0x302: {  	v2 =	vadd.f32 v3, v2;
	v3 =	vmul.f32 v5, v11;
	v5 =	vld.idx.msk [tilespmem:v6+s14+$0x0], $0xffff;
	v6 =	vor.u32 $0x69, v1  }
0x303: {  	v11 =	vld.idx.msk [tilespmem:v8+s2+$0x0], $0xffff  }
0x304: {  	v2 =	vadd.f32 v3, v2;
	v3 =	vmul.f32 v7, v12;
	v7 =	vld.idx.msk [tilespmem:v8+s14+$0x0], $0xffff;
	v8 =	vor.u32 $0x6A, v1  }
0x305: {  	v12 =	vld.idx.msk [tilespmem:v9+s2+$0x0], $0xffff  }
0x306: {  	v2 =	vadd.f32 v3, v2;
	v3 =	vmul.f32 v4, v13;
	v4 =	vld.idx.msk [tilespmem:v9+s14+$0x0], $0xffff;
	v9 =	vor.u32 $0x6B, v1  }
0x307: {  	v13 =	vld.idx.msk [tilespmem:v6+s2+$0x0], $0xffff  }
0x308: {  	v2 =	vadd.f32 v3, v2;
	v3 =	vmul.f32 v5, v10;
	v5 =	vld.idx.msk [tilespmem:v6+s14+$0x0], $0xffff;
	v6 =	vor.u32 $0x6C, v1  }
0x309: {  	v10 =	vld.idx.msk [tilespmem:v8+s2+$0x0], $0xffff  }
0x30a: {  	v2 =	vadd.f32 v3, v2;
	v3 =	vmul.f32 v7, v11;
	v7 =	vld.idx.msk [tilespmem:v8+s14+$0x0], $0xffff;
	v8 =	vor.u32 $0x6D, v1  }
0x30b: {  	v11 =	vld.idx.msk [tilespmem:v9+s2+$0x0], $0xffff  }
0x30c: {  	v2 =	vadd.f32 v3, v2;
	v3 =	vmul.f32 v4, v12;
	v4 =	vld.idx.msk [tilespmem:v9+s14+$0x0], $0xffff;
	v9 =	vor.u32 $0x6E, v1  }
0x30d: {  	v12 =	vld.idx.msk [tilespmem:v6+s2+$0x0], $0xffff  }
0x30e: {  	v2 =	vadd.f32 v3, v2;
	v3 =	vmul.f32 v5, v13;
	v5 =	vld.idx.msk [tilespmem:v6+s14+$0x0], $0xffff;
	v6 =	vor.u32 $0x6F, v1  }
0x30f: {  	v13 =	vld.idx.msk [tilespmem:v8+s2+$0x0], $0xffff  }
0x310: {  	v2 =	vadd.f32 v3, v2;
	v3 =	vmul.f32 v7, v10;
	v7 =	vld.idx.msk [tilespmem:v8+s14+$0x0], $0xffff;
	v8 =	vor.u32 $0x70, v1  }
0x311: {  	v10 =	vld.idx.msk [tilespmem:v9+s2+$0x0], $0xffff  }
0x312: {  	v2 =	vadd.f32 v3, v2;
	v3 =	vmul.f32 v4, v11;
	v4 =	vld.idx.msk [tilespmem:v9+s14+$0x0], $0xffff;
	v9 =	vor.u32 $0x71, v1  }
0x313: {  	v11 =	vld.idx.msk [tilespmem:v6+s2+$0x0], $0xffff  }
0x314: {  	v2 =	vadd.f32 v3, v2;
	v3 =	vmul.f32 v5, v12;
	v5 =	vld.idx.msk [tilespmem:v6+s14+$0x0], $0xffff;
	v6 =	vor.u32 $0x72, v1  }
0x315: {  	v12 =	vld.idx.msk [tilespmem:v8+s2+$0x0], $0xffff  }
0x316: {  	v2 =	vadd.f32 v3, v2;
	v3 =	vmul.f32 v7, v13;
	v7 =	vld.idx.msk [tilespmem:v8+s14+$0x0], $0xffff;
	v8 =	vor.u32 $0x73, v1  }
0x317: {  	v13 =	vld.idx.msk [tilespmem:v9+s2+$0x0], $0xffff  }
0x318: {  	v2 =	vadd.f32 v3, v2;
	v3 =	vmul.f32 v4, v10;
	v4 =	vld.idx.msk [tilespmem:v9+s14+$0x0], $0xffff;
	v9 =	vor.u32 $0x74, v1  }
0x319: {  	v10 =	vld.idx.msk [tilespmem:v6+s2+$0x0], $0xffff  }
0x31a: {  	v2 =	vadd.f32 v3, v2;
	v3 =	vmul.f32 v5, v11;
	v5 =	vld.idx.msk [tilespmem:v6+s14+$0x0], $0xffff;
	v6 =	vor.u32 $0x75, v1  }
0x31b: {  	v11 =	vld.idx.msk [tilespmem:v8+s2+$0x0], $0xffff  }
0x31c: {  	v2 =	vadd.f32 v3, v2;
	v3 =	vmul.f32 v7, v12;
	v7 =	vld.idx.msk [tilespmem:v8+s14+$0x0], $0xffff;
	v8 =	vor.u32 $0x76, v1  }
0x31d: {  	v12 =	vld.idx.msk [tilespmem:v9+s2+$0x0], $0xffff  }
0x31e: {  	v2 =	vadd.f32 v3, v2;
	v3 =	vmul.f32 v4, v13;
	v4 =	vld.idx.msk [tilespmem:v9+s14+$0x0], $0xffff;
	v9 =	vor.u32 $0x77, v1  }
0x31f: {  	v13 =	vld.idx.msk [tilespmem:v6+s2+$0x0], $0xffff  }
0x320: {  	v2 =	vadd.f32 v3, v2;
	v3 =	vmul.f32 v5, v10;
	v5 =	vld.idx.msk [tilespmem:v6+s14+$0x0], $0xffff;
	v6 =	vor.u32 $0x78, v1  }
0x321: {  	v10 =	vld.idx.msk [tilespmem:v8+s2+$0x0], $0xffff  }
0x322: {  	v2 =	vadd.f32 v3, v2;
	v3 =	vmul.f32 v7, v11;
	v7 =	vld.idx.msk [tilespmem:v8+s14+$0x0], $0xffff;
	v8 =	vor.u32 $0x79, v1  }
0x323: {  	v11 =	vld.idx.msk [tilespmem:v9+s2+$0x0], $0xffff  }
0x324: {  	v2 =	vadd.f32 v3, v2;
	v3 =	vmul.f32 v4, v12;
	v4 =	vld.idx.msk [tilespmem:v9+s14+$0x0], $0xffff;
	v9 =	vor.u32 $0x7A, v1  }
0x325: {  	v12 =	vld.idx.msk [tilespmem:v6+s2+$0x0], $0xffff  }
0x326: {  	v2 =	vadd.f32 v3, v2;
	v3 =	vmul.f32 v5, v13;
	v5 =	vld.idx.msk [tilespmem:v6+s14+$0x0], $0xffff;
	v6 =	vor.u32 $0x7B, v1  }
0x327: {  	v13 =	vld.idx.msk [tilespmem:v8+s2+$0x0], $0xffff  }
0x328: {  	v2 =	vadd.f32 v3, v2;
	v3 =	vmul.f32 v7, v10;
	v7 =	vld.idx.msk [tilespmem:v8+s14+$0x0], $0xffff;
	v8 =	vor.u32 $0x7C, v1  }
0x329: {  	v10 =	vld.idx.msk [tilespmem:v9+s2+$0x0], $0xffff  }
0x32a: {  	v2 =	vadd.f32 v3, v2;
	v3 =	vmul.f32 v4, v11;
	v4 =	vld.idx.msk [tilespmem:v9+s14+$0x0], $0xffff;
	v9 =	vor.u32 $0x7D, v1  }
0x32b: {  	v11 =	vld.idx.msk [tilespmem:v6+s2+$0x0], $0xffff  }
0x32c: {  	v2 =	vadd.f32 v3, v2;
	v3 =	vmul.f32 v5, v12;
	v5 =	vld.idx.msk [tilespmem:v6+s14+$0x0], $0xffff;
	v6 =	vor.u32 $0x7E, v1  }
0x32d: {  	v12 =	vld.idx.msk [tilespmem:v8+s2+$0x0], $0xffff  }
0x32e: {  	v1 =	vor.u32 $0x7F, v1;
	v2 =	vadd.f32 v3, v2;
	v3 =	vmul.f32 v7, v13;
	v7 =	vld.idx.msk [tilespmem:v8+s14+$0x0], $0xffff  }
0x32f: {  	v8 =	vld.idx.msk [tilespmem:v9+s2+$0x0], $0xffff  }
0x330: {  	v2 =	vadd.f32 v3, v2;
	v3 =	vmul.f32 v4, v10;
	v4 =	vld.idx.msk [tilespmem:v9+s14+$0x0], $0xffff  }
0x331: {  	v9 =	vld.idx.msk [tilespmem:v6+s2+$0x0], $0xffff  }
0x332: {  	v3 =	vadd.f32 v3, v2;
	v5 =	vmul.f32 v5, v11;
	v6 =	vld.idx.msk [tilespmem:v6+s14+$0x0], $0xffff  }
0x333: {  	v2 =	vld.idx.msk [tilespmem:v1+s2+$0x0], $0xffff  }
0x334: {  	v5 =	vadd.f32 v5, v3;
	v7 =	vmul.f32 v7, v12;
	v3 =	vld.idx.msk [tilespmem:v1+s14+$0x0], $0xffff  }
.Ltmp0:
0x335: {  	(pc) =	sbr.rel @p0 .LBB2_3-.Ltmp0, $3  }
0x336: {  	v1 =	vadd.f32 v7, v5;
	v4 =	vmul.f32 v4, v8;
	_ =	sdelay $0x1  }
0x337: {  	v7 =	vmov s22;
	v4 =	vadd.f32 v4, v1;
	v5 =	vmul.f32 v6, v9  }
0x338: {  	s22 =	sadd.s32 $0x10, s22;
	v1 =	vshll.u32 v7, $0x7  }
0x339: {  	v1 =	vor.u32 v0, v1;
	v4 =	vadd.f32 v5, v4;
	v2 =	vmul.f32 v3, v2;
	_ =	sdelay $0x1  }
0x33a: {  	v3 =	vor.u32 $0x1, v1;
	v2 =	vadd.f32 v2, v4  }
0x33b: {  	s21 =	sadd.s32 $0x10, s21  }
0x33c: {  	v31 =	vor.u32 $0x2, v1;
	[tilespmem:s21+$0x0] =	vst v2  }
0x33d: {  	v2 =	vld.idx.msk [tilespmem:v1+s14+$0x0], $0xffff  }
0x33e: {  	v6 =	vor.u32 $0x3, v1;
	v32 =	vld.idx.msk [tilespmem:v1+s2+$0x0], $0xffff  }
0x33f: {  	v7 =	vld.idx.msk [tilespmem:v3+s2+$0x0], $0xffff  }
0x340: {  	v8 =	vor.u32 $0x4, v1;
	v3 =	vld.idx.msk [tilespmem:v3+s14+$0x0], $0xffff  }
0x341: {  	v9 =	vld.idx.msk [tilespmem:v31+s2+$0x0], $0xffff  }
0x342: {  	v10 =	vor.u32 $0x5, v1;
	v4 =	vld.idx.msk [tilespmem:v31+s14+$0x0], $0xffff  }
0x343: {  	v11 =	vld.idx.msk [tilespmem:v6+s2+$0x0], $0xffff;
	v2 =	vmul.f32 v2, v32  }
0x344: {  	v34 =	vor.u32 $0x6, v1;
	v33 =	vld.idx.msk [tilespmem:v6+s14+$0x0], $0xffff  }
0x345: {  	v12 =	vld.idx.msk [tilespmem:v8+s2+$0x0], $0xffff;
	v3 =	vmul.f32 v3, v7;
	v2 =	vadd.f32 $0.0e+00, v2  }
0x346: {  	v36 =	vor.u32 $0x7, v1;
	v35 =	vld.idx.msk [tilespmem:v8+s14+$0x0], $0xffff  }
0x347: {  	v13 =	vld.idx.msk [tilespmem:v10+s2+$0x0], $0xffff;
	v2 =	vadd.f32 v3, v2;
	v3 =	vmul.f32 v4, v9  }
0x348: {  	v38 =	vor.u32 $0x8, v1;
	v37 =	vld.idx.msk [tilespmem:v10+s14+$0x0], $0xffff  }
0x349: {  	v39 =	vld.idx.msk [tilespmem:v34+s2+$0x0], $0xffff;
	v2 =	vadd.f32 v3, v2;
	v3 =	vmul.f32 v33, v11  }
0x34a: {  	v41 =	vor.u32 $0x9, v1;
	v40 =	vld.idx.msk [tilespmem:v34+s14+$0x0], $0xffff  }
0x34b: {  	v42 =	vld.idx.msk [tilespmem:v36+s2+$0x0], $0xffff;
	v2 =	vadd.f32 v3, v2;
	v3 =	vmul.f32 v35, v12  }
0x34c: {  	v44 =	vor.u32 $0xA, v1;
	v43 =	vld.idx.msk [tilespmem:v36+s14+$0x0], $0xffff  }
0x34d: {  	v45 =	vld.idx.msk [tilespmem:v38+s2+$0x0], $0xffff;
	v2 =	vadd.f32 v3, v2;
	v3 =	vmul.f32 v37, v13  }
0x34e: {  	v47 =	vor.u32 $0xB, v1;
	v46 =	vld.idx.msk [tilespmem:v38+s14+$0x0], $0xffff  }
0x34f: {  	v48 =	vld.idx.msk [tilespmem:v41+s2+$0x0], $0xffff;
	v2 =	vadd.f32 v3, v2;
	v3 =	vmul.f32 v40, v39  }
0x350: {  	v50 =	vor.u32 $0xC, v1;
	v49 =	vld.idx.msk [tilespmem:v41+s14+$0x0], $0xffff  }
0x351: {  	v51 =	vld.idx.msk [tilespmem:v44+s2+$0x0], $0xffff;
	v2 =	vadd.f32 v3, v2;
	v3 =	vmul.f32 v43, v42  }
0x352: {  	v53 =	vor.u32 $0xD, v1;
	v52 =	vld.idx.msk [tilespmem:v44+s14+$0x0], $0xffff  }
0x353: {  	v54 =	vld.idx.msk [tilespmem:v47+s2+$0x0], $0xffff;
	v2 =	vadd.f32 v3, v2;
	v3 =	vmul.f32 v46, v45  }
0x354: {  	v56 =	vor.u32 $0xE, v1;
	v55 =	vld.idx.msk [tilespmem:v47+s14+$0x0], $0xffff  }
0x355: {  	v57 =	vld.idx.msk [tilespmem:v50+s2+$0x0], $0xffff;
	v2 =	vadd.f32 v3, v2;
	v3 =	vmul.f32 v49, v48  }
0x356: {  	v59 =	vor.u32 $0xF, v1;
	v58 =	vld.idx.msk [tilespmem:v50+s14+$0x0], $0xffff  }
0x357: {  	v60 =	vld.idx.msk [tilespmem:v53+s2+$0x0], $0xffff;
	v2 =	vadd.f32 v3, v2;
	v3 =	vmul.f32 v52, v51  }
0x358: {  	v62 =	vor.u32 $0x10, v1;
	v61 =	vld.idx.msk [tilespmem:v53+s14+$0x0], $0xffff  }
0x359: {  	v63 =	vld.idx.msk [tilespmem:v56+s2+$0x0], $0xffff;
	v2 =	vadd.f32 v3, v2;
	v3 =	vmul.f32 v55, v54  }
0x35a: {  	v17 =	vor.u32 $0x11, v1;
	v16 =	vld.idx.msk [tilespmem:v56+s14+$0x0], $0xffff  }
0x35b: {  	v18 =	vld.idx.msk [tilespmem:v59+s2+$0x0], $0xffff;
	v2 =	vadd.f32 v3, v2;
	v3 =	vmul.f32 v58, v57  }
0x35c: {  	v20 =	vor.u32 $0x12, v1;
	v19 =	vld.idx.msk [tilespmem:v59+s14+$0x0], $0xffff  }
0x35d: {  	v21 =	vld.idx.msk [tilespmem:v62+s2+$0x0], $0xffff;
	v2 =	vadd.f32 v3, v2;
	v3 =	vmul.f32 v61, v60  }
0x35e: {  	v23 =	vor.u32 $0x13, v1;
	v22 =	vld.idx.msk [tilespmem:v62+s14+$0x0], $0xffff  }
0x35f: {  	v24 =	vld.idx.msk [tilespmem:v17+s2+$0x0], $0xffff;
	v2 =	vadd.f32 v3, v2;
	v3 =	vmul.f32 v16, v63  }
0x360: {  	v26 =	vor.u32 $0x14, v1;
	v25 =	vld.idx.msk [tilespmem:v17+s14+$0x0], $0xffff  }
0x361: {  	v27 =	vld.idx.msk [tilespmem:v20+s2+$0x0], $0xffff;
	v2 =	vadd.f32 v3, v2;
	v3 =	vmul.f32 v19, v18  }
0x362: {  	v29 =	vor.u32 $0x15, v1;
	v28 =	vld.idx.msk [tilespmem:v20+s14+$0x0], $0xffff  }
0x363: {  	v30 =	vld.idx.msk [tilespmem:v23+s2+$0x0], $0xffff;
	v2 =	vadd.f32 v3, v2;
	v3 =	vmul.f32 v22, v21  }
0x364: {  	v31 =	vld.idx.msk [tilespmem:v23+s14+$0x0], $0xffff;
	v32 =	vor.u32 $0x16, v1  }
0x365: {  	v34 =	vld.idx.msk [tilespmem:v26+s14+$0x0], $0xffff;
	v2 =	vadd.f32 v3, v2;
	v3 =	vmul.f32 v25, v24  }
0x366: {  	v33 =	vld.idx.msk [tilespmem:v26+s2+$0x0], $0xffff;
	v35 =	vor.u32 $0x17, v1  }
0x367: {  	v36 =	vld.idx.msk [tilespmem:v29+s2+$0x0], $0xffff;
	v2 =	vadd.f32 v3, v2;
	v3 =	vmul.f32 v28, v27  }
0x368: {  	v38 =	vor.u32 $0x18, v1;
	v37 =	vld.idx.msk [tilespmem:v29+s14+$0x0], $0xffff  }
0x369: {  	v39 =	vld.idx.msk [tilespmem:v32+s2+$0x0], $0xffff;
	v2 =	vadd.f32 v3, v2;
	v3 =	vmul.f32 v31, v30  }
0x36a: {  	v41 =	vor.u32 $0x19, v1;
	v40 =	vld.idx.msk [tilespmem:v32+s14+$0x0], $0xffff  }
0x36b: {  	v42 =	vld.idx.msk [tilespmem:v35+s2+$0x0], $0xffff;
	v2 =	vadd.f32 v3, v2;
	v3 =	vmul.f32 v34, v33  }
0x36c: {  	v44 =	vor.u32 $0x1A, v1;
	v43 =	vld.idx.msk [tilespmem:v35+s14+$0x0], $0xffff  }
0x36d: {  	v45 =	vld.idx.msk [tilespmem:v38+s2+$0x0], $0xffff;
	v2 =	vadd.f32 v3, v2;
	v3 =	vmul.f32 v37, v36  }
0x36e: {  	v47 =	vor.u32 $0x1B, v1;
	v46 =	vld.idx.msk [tilespmem:v38+s14+$0x0], $0xffff  }
0x36f: {  	v48 =	vld.idx.msk [tilespmem:v41+s2+$0x0], $0xffff;
	v2 =	vadd.f32 v3, v2;
	v3 =	vmul.f32 v40, v39  }
0x370: {  	v50 =	vor.u32 $0x1C, v1;
	v49 =	vld.idx.msk [tilespmem:v41+s14+$0x0], $0xffff  }
0x371: {  	v51 =	vld.idx.msk [tilespmem:v44+s2+$0x0], $0xffff;
	v2 =	vadd.f32 v3, v2;
	v3 =	vmul.f32 v43, v42  }
0x372: {  	v53 =	vor.u32 $0x1D, v1;
	v52 =	vld.idx.msk [tilespmem:v44+s14+$0x0], $0xffff  }
0x373: {  	v54 =	vld.idx.msk [tilespmem:v47+s2+$0x0], $0xffff;
	v2 =	vadd.f32 v3, v2;
	v3 =	vmul.f32 v46, v45  }
0x374: {  	v56 =	vor.u32 $0x1E, v1;
	v55 =	vld.idx.msk [tilespmem:v47+s14+$0x0], $0xffff  }
0x375: {  	v57 =	vld.idx.msk [tilespmem:v50+s2+$0x0], $0xffff;
	v2 =	vadd.f32 v3, v2;
	v3 =	vmul.f32 v49, v48  }
0x376: {  	v59 =	vor.u32 $0x1F, v1;
	v58 =	vld.idx.msk [tilespmem:v50+s14+$0x0], $0xffff  }
0x377: {  	v60 =	vld.idx.msk [tilespmem:v53+s2+$0x0], $0xffff;
	v2 =	vadd.f32 v3, v2;
	v3 =	vmul.f32 v52, v51  }
0x378: {  	v62 =	vor.u32 $0x20, v1;
	v61 =	vld.idx.msk [tilespmem:v53+s14+$0x0], $0xffff  }
0x379: {  	v63 =	vld.idx.msk [tilespmem:v56+s2+$0x0], $0xffff;
	v2 =	vadd.f32 v3, v2;
	v3 =	vmul.f32 v55, v54  }
0x37a: {  	v17 =	vor.u32 $0x21, v1;
	v16 =	vld.idx.msk [tilespmem:v56+s14+$0x0], $0xffff  }
0x37b: {  	v18 =	vld.idx.msk [tilespmem:v59+s2+$0x0], $0xffff;
	v2 =	vadd.f32 v3, v2;
	v3 =	vmul.f32 v58, v57  }
0x37c: {  	v20 =	vor.u32 $0x22, v1;
	v19 =	vld.idx.msk [tilespmem:v59+s14+$0x0], $0xffff  }
0x37d: {  	v21 =	vld.idx.msk [tilespmem:v62+s2+$0x0], $0xffff;
	v2 =	vadd.f32 v3, v2;
	v3 =	vmul.f32 v61, v60  }
0x37e: {  	v23 =	vor.u32 $0x23, v1;
	v22 =	vld.idx.msk [tilespmem:v62+s14+$0x0], $0xffff  }
0x37f: {  	v24 =	vld.idx.msk [tilespmem:v17+s2+$0x0], $0xffff;
	v2 =	vadd.f32 v3, v2;
	v3 =	vmul.f32 v16, v63  }
0x380: {  	v26 =	vor.u32 $0x24, v1;
	v25 =	vld.idx.msk [tilespmem:v17+s14+$0x0], $0xffff  }
0x381: {  	v27 =	vld.idx.msk [tilespmem:v20+s2+$0x0], $0xffff;
	v2 =	vadd.f32 v3, v2;
	v3 =	vmul.f32 v19, v18  }
0x382: {  	v29 =	vor.u32 $0x25, v1;
	v28 =	vld.idx.msk [tilespmem:v20+s14+$0x0], $0xffff  }
0x383: {  	v30 =	vld.idx.msk [tilespmem:v23+s2+$0x0], $0xffff;
	v2 =	vadd.f32 v3, v2;
	v3 =	vmul.f32 v22, v21  }
0x384: {  	v32 =	vor.u32 $0x26, v1;
	v31 =	vld.idx.msk [tilespmem:v23+s14+$0x0], $0xffff  }
0x385: {  	v33 =	vld.idx.msk [tilespmem:v26+s2+$0x0], $0xffff;
	v2 =	vadd.f32 v3, v2;
	v3 =	vmul.f32 v25, v24  }
0x386: {  	v35 =	vor.u32 $0x27, v1;
	v34 =	vld.idx.msk [tilespmem:v26+s14+$0x0], $0xffff  }
0x387: {  	v36 =	vld.idx.msk [tilespmem:v29+s2+$0x0], $0xffff;
	v2 =	vadd.f32 v3, v2;
	v3 =	vmul.f32 v28, v27  }
0x388: {  	v38 =	vor.u32 $0x28, v1;
	v37 =	vld.idx.msk [tilespmem:v29+s14+$0x0], $0xffff  }
0x389: {  	v39 =	vld.idx.msk [tilespmem:v32+s2+$0x0], $0xffff;
	v2 =	vadd.f32 v3, v2;
	v3 =	vmul.f32 v31, v30  }
0x38a: {  	v41 =	vor.u32 $0x29, v1;
	v40 =	vld.idx.msk [tilespmem:v32+s14+$0x0], $0xffff  }
0x38b: {  	v42 =	vld.idx.msk [tilespmem:v35+s2+$0x0], $0xffff;
	v2 =	vadd.f32 v3, v2;
	v3 =	vmul.f32 v34, v33  }
0x38c: {  	v44 =	vor.u32 $0x2A, v1;
	v43 =	vld.idx.msk [tilespmem:v35+s14+$0x0], $0xffff  }
0x38d: {  	v45 =	vld.idx.msk [tilespmem:v38+s2+$0x0], $0xffff;
	v2 =	vadd.f32 v3, v2;
	v3 =	vmul.f32 v37, v36  }
0x38e: {  	v47 =	vor.u32 $0x2B, v1;
	v46 =	vld.idx.msk [tilespmem:v38+s14+$0x0], $0xffff  }
0x38f: {  	v48 =	vld.idx.msk [tilespmem:v41+s2+$0x0], $0xffff;
	v2 =	vadd.f32 v3, v2;
	v3 =	vmul.f32 v40, v39  }
0x390: {  	v50 =	vor.u32 $0x2C, v1;
	v49 =	vld.idx.msk [tilespmem:v41+s14+$0x0], $0xffff  }
0x391: {  	v51 =	vld.idx.msk [tilespmem:v44+s2+$0x0], $0xffff;
	v2 =	vadd.f32 v3, v2;
	v3 =	vmul.f32 v43, v42  }
0x392: {  	v53 =	vor.u32 $0x2D, v1;
	v52 =	vld.idx.msk [tilespmem:v44+s14+$0x0], $0xffff  }
0x393: {  	v54 =	vld.idx.msk [tilespmem:v47+s2+$0x0], $0xffff;
	v2 =	vadd.f32 v3, v2;
	v3 =	vmul.f32 v46, v45  }
0x394: {  	v56 =	vor.u32 $0x2E, v1;
	v55 =	vld.idx.msk [tilespmem:v47+s14+$0x0], $0xffff  }
0x395: {  	v57 =	vld.idx.msk [tilespmem:v50+s2+$0x0], $0xffff;
	v2 =	vadd.f32 v3, v2;
	v3 =	vmul.f32 v49, v48  }
0x396: {  	v59 =	vor.u32 $0x2F, v1;
	v58 =	vld.idx.msk [tilespmem:v50+s14+$0x0], $0xffff  }
0x397: {  	v60 =	vld.idx.msk [tilespmem:v53+s2+$0x0], $0xffff;
	v2 =	vadd.f32 v3, v2;
	v3 =	vmul.f32 v52, v51  }
0x398: {  	v62 =	vor.u32 $0x30, v1;
	v61 =	vld.idx.msk [tilespmem:v53+s14+$0x0], $0xffff  }
0x399: {  	v63 =	vld.idx.msk [tilespmem:v56+s2+$0x0], $0xffff;
	v2 =	vadd.f32 v3, v2;
	v3 =	vmul.f32 v55, v54  }
0x39a: {  	v17 =	vor.u32 $0x31, v1;
	v16 =	vld.idx.msk [tilespmem:v56+s14+$0x0], $0xffff  }
0x39b: {  	v18 =	vld.idx.msk [tilespmem:v59+s2+$0x0], $0xffff;
	v2 =	vadd.f32 v3, v2;
	v3 =	vmul.f32 v58, v57  }
0x39c: {  	v20 =	vor.u32 $0x32, v1;
	v19 =	vld.idx.msk [tilespmem:v59+s14+$0x0], $0xffff  }
0x39d: {  	v21 =	vld.idx.msk [tilespmem:v62+s2+$0x0], $0xffff;
	v2 =	vadd.f32 v3, v2;
	v3 =	vmul.f32 v61, v60  }
0x39e: {  	v23 =	vor.u32 $0x33, v1;
	v22 =	vld.idx.msk [tilespmem:v62+s14+$0x0], $0xffff  }
0x39f: {  	v24 =	vld.idx.msk [tilespmem:v17+s2+$0x0], $0xffff;
	v2 =	vadd.f32 v3, v2;
	v3 =	vmul.f32 v16, v63  }
0x3a0: {  	v26 =	vor.u32 $0x34, v1;
	v25 =	vld.idx.msk [tilespmem:v17+s14+$0x0], $0xffff  }
0x3a1: {  	v27 =	vld.idx.msk [tilespmem:v20+s2+$0x0], $0xffff;
	v2 =	vadd.f32 v3, v2;
	v3 =	vmul.f32 v19, v18  }
0x3a2: {  	v29 =	vor.u32 $0x35, v1;
	v28 =	vld.idx.msk [tilespmem:v20+s14+$0x0], $0xffff  }
0x3a3: {  	v30 =	vld.idx.msk [tilespmem:v23+s2+$0x0], $0xffff;
	v2 =	vadd.f32 v3, v2;
	v3 =	vmul.f32 v22, v21  }
0x3a4: {  	v32 =	vor.u32 $0x36, v1;
	v31 =	vld.idx.msk [tilespmem:v23+s14+$0x0], $0xffff  }
0x3a5: {  	v33 =	vld.idx.msk [tilespmem:v26+s2+$0x0], $0xffff;
	v2 =	vadd.f32 v3, v2;
	v3 =	vmul.f32 v25, v24  }
0x3a6: {  	v35 =	vor.u32 $0x37, v1;
	v34 =	vld.idx.msk [tilespmem:v26+s14+$0x0], $0xffff  }
0x3a7: {  	v36 =	vld.idx.msk [tilespmem:v29+s2+$0x0], $0xffff;
	v2 =	vadd.f32 v3, v2;
	v3 =	vmul.f32 v28, v27  }
0x3a8: {  	v38 =	vor.u32 $0x38, v1;
	v37 =	vld.idx.msk [tilespmem:v29+s14+$0x0], $0xffff  }
0x3a9: {  	v39 =	vld.idx.msk [tilespmem:v32+s2+$0x0], $0xffff;
	v2 =	vadd.f32 v3, v2;
	v3 =	vmul.f32 v31, v30  }
0x3aa: {  	v41 =	vor.u32 $0x39, v1;
	v40 =	vld.idx.msk [tilespmem:v32+s14+$0x0], $0xffff  }
0x3ab: {  	v42 =	vld.idx.msk [tilespmem:v35+s2+$0x0], $0xffff;
	v2 =	vadd.f32 v3, v2;
	v3 =	vmul.f32 v34, v33  }
0x3ac: {  	v44 =	vor.u32 $0x3A, v1;
	v43 =	vld.idx.msk [tilespmem:v35+s14+$0x0], $0xffff  }
0x3ad: {  	v45 =	vld.idx.msk [tilespmem:v38+s2+$0x0], $0xffff;
	v2 =	vadd.f32 v3, v2;
	v3 =	vmul.f32 v37, v36  }
0x3ae: {  	v47 =	vor.u32 $0x3B, v1;
	v46 =	vld.idx.msk [tilespmem:v38+s14+$0x0], $0xffff  }
0x3af: {  	v48 =	vld.idx.msk [tilespmem:v41+s2+$0x0], $0xffff;
	v2 =	vadd.f32 v3, v2;
	v3 =	vmul.f32 v40, v39  }
0x3b0: {  	v50 =	vor.u32 $0x3C, v1;
	v49 =	vld.idx.msk [tilespmem:v41+s14+$0x0], $0xffff  }
0x3b1: {  	v51 =	vld.idx.msk [tilespmem:v44+s2+$0x0], $0xffff;
	v2 =	vadd.f32 v3, v2;
	v3 =	vmul.f32 v43, v42  }
0x3b2: {  	v53 =	vor.u32 $0x3D, v1;
	v52 =	vld.idx.msk [tilespmem:v44+s14+$0x0], $0xffff  }
0x3b3: {  	v54 =	vld.idx.msk [tilespmem:v47+s2+$0x0], $0xffff;
	v2 =	vadd.f32 v3, v2;
	v3 =	vmul.f32 v46, v45  }
0x3b4: {  	v56 =	vor.u32 $0x3E, v1;
	v55 =	vld.idx.msk [tilespmem:v47+s14+$0x0], $0xffff  }
0x3b5: {  	v57 =	vld.idx.msk [tilespmem:v50+s2+$0x0], $0xffff;
	v2 =	vadd.f32 v3, v2;
	v3 =	vmul.f32 v49, v48  }
0x3b6: {  	v59 =	vor.u32 $0x3F, v1;
	v58 =	vld.idx.msk [tilespmem:v50+s14+$0x0], $0xffff  }
0x3b7: {  	v60 =	vld.idx.msk [tilespmem:v53+s2+$0x0], $0xffff;
	v2 =	vadd.f32 v3, v2;
	v3 =	vmul.f32 v52, v51  }
0x3b8: {  	v62 =	vor.u32 $0x40, v1;
	v61 =	vld.idx.msk [tilespmem:v53+s14+$0x0], $0xffff  }
0x3b9: {  	v63 =	vld.idx.msk [tilespmem:v56+s2+$0x0], $0xffff;
	v2 =	vadd.f32 v3, v2;
	v3 =	vmul.f32 v55, v54  }
0x3ba: {  	v17 =	vor.u32 $0x41, v1;
	v16 =	vld.idx.msk [tilespmem:v56+s14+$0x0], $0xffff  }
0x3bb: {  	v18 =	vld.idx.msk [tilespmem:v59+s2+$0x0], $0xffff;
	v2 =	vadd.f32 v3, v2;
	v3 =	vmul.f32 v58, v57  }
0x3bc: {  	v20 =	vor.u32 $0x42, v1;
	v19 =	vld.idx.msk [tilespmem:v59+s14+$0x0], $0xffff  }
0x3bd: {  	v21 =	vld.idx.msk [tilespmem:v62+s2+$0x0], $0xffff;
	v2 =	vadd.f32 v3, v2;
	v3 =	vmul.f32 v61, v60  }
0x3be: {  	v23 =	vor.u32 $0x43, v1;
	v22 =	vld.idx.msk [tilespmem:v62+s14+$0x0], $0xffff  }
0x3bf: {  	v24 =	vld.idx.msk [tilespmem:v17+s2+$0x0], $0xffff;
	v2 =	vadd.f32 v3, v2;
	v3 =	vmul.f32 v16, v63  }
0x3c0: {  	v26 =	vor.u32 $0x44, v1;
	v25 =	vld.idx.msk [tilespmem:v17+s14+$0x0], $0xffff  }
0x3c1: {  	v27 =	vld.idx.msk [tilespmem:v20+s2+$0x0], $0xffff;
	v2 =	vadd.f32 v3, v2;
	v3 =	vmul.f32 v19, v18  }
0x3c2: {  	v29 =	vor.u32 $0x45, v1;
	v28 =	vld.idx.msk [tilespmem:v20+s14+$0x0], $0xffff  }
0x3c3: {  	v30 =	vld.idx.msk [tilespmem:v23+s2+$0x0], $0xffff;
	v2 =	vadd.f32 v3, v2;
	v3 =	vmul.f32 v22, v21  }
0x3c4: {  	v32 =	vor.u32 $0x46, v1;
	v31 =	vld.idx.msk [tilespmem:v23+s14+$0x0], $0xffff  }
0x3c5: {  	v33 =	vld.idx.msk [tilespmem:v26+s2+$0x0], $0xffff;
	v2 =	vadd.f32 v3, v2;
	v3 =	vmul.f32 v25, v24  }
0x3c6: {  	v35 =	vor.u32 $0x47, v1;
	v34 =	vld.idx.msk [tilespmem:v26+s14+$0x0], $0xffff  }
0x3c7: {  	v36 =	vld.idx.msk [tilespmem:v29+s2+$0x0], $0xffff;
	v2 =	vadd.f32 v3, v2;
	v3 =	vmul.f32 v28, v27  }
0x3c8: {  	v38 =	vor.u32 $0x48, v1;
	v37 =	vld.idx.msk [tilespmem:v29+s14+$0x0], $0xffff  }
0x3c9: {  	v39 =	vld.idx.msk [tilespmem:v32+s2+$0x0], $0xffff;
	v2 =	vadd.f32 v3, v2;
	v3 =	vmul.f32 v31, v30  }
0x3ca: {  	v41 =	vor.u32 $0x49, v1;
	v40 =	vld.idx.msk [tilespmem:v32+s14+$0x0], $0xffff  }
0x3cb: {  	v42 =	vld.idx.msk [tilespmem:v35+s2+$0x0], $0xffff;
	v2 =	vadd.f32 v3, v2;
	v3 =	vmul.f32 v34, v33  }
0x3cc: {  	v44 =	vor.u32 $0x4A, v1;
	v43 =	vld.idx.msk [tilespmem:v35+s14+$0x0], $0xffff  }
0x3cd: {  	v45 =	vld.idx.msk [tilespmem:v38+s2+$0x0], $0xffff;
	v2 =	vadd.f32 v3, v2;
	v3 =	vmul.f32 v37, v36  }
0x3ce: {  	v47 =	vor.u32 $0x4B, v1;
	v46 =	vld.idx.msk [tilespmem:v38+s14+$0x0], $0xffff  }
0x3cf: {  	v48 =	vld.idx.msk [tilespmem:v41+s2+$0x0], $0xffff;
	v2 =	vadd.f32 v3, v2;
	v3 =	vmul.f32 v40, v39  }
0x3d0: {  	v50 =	vor.u32 $0x4C, v1;
	v49 =	vld.idx.msk [tilespmem:v41+s14+$0x0], $0xffff  }
0x3d1: {  	v51 =	vld.idx.msk [tilespmem:v44+s2+$0x0], $0xffff;
	v2 =	vadd.f32 v3, v2;
	v3 =	vmul.f32 v43, v42  }
0x3d2: {  	v53 =	vor.u32 $0x4D, v1;
	v52 =	vld.idx.msk [tilespmem:v44+s14+$0x0], $0xffff  }
0x3d3: {  	v54 =	vld.idx.msk [tilespmem:v47+s2+$0x0], $0xffff;
	v2 =	vadd.f32 v3, v2;
	v3 =	vmul.f32 v46, v45  }
0x3d4: {  	v56 =	vor.u32 $0x4E, v1;
	v55 =	vld.idx.msk [tilespmem:v47+s14+$0x0], $0xffff  }
0x3d5: {  	v57 =	vld.idx.msk [tilespmem:v50+s2+$0x0], $0xffff;
	v2 =	vadd.f32 v3, v2;
	v3 =	vmul.f32 v49, v48  }
0x3d6: {  	v59 =	vor.u32 $0x4F, v1;
	v58 =	vld.idx.msk [tilespmem:v50+s14+$0x0], $0xffff  }
0x3d7: {  	v60 =	vld.idx.msk [tilespmem:v53+s2+$0x0], $0xffff;
	v2 =	vadd.f32 v3, v2;
	v3 =	vmul.f32 v52, v51  }
0x3d8: {  	v62 =	vor.u32 $0x50, v1;
	v61 =	vld.idx.msk [tilespmem:v53+s14+$0x0], $0xffff  }
0x3d9: {  	v63 =	vld.idx.msk [tilespmem:v56+s2+$0x0], $0xffff;
	v2 =	vadd.f32 v3, v2;
	v3 =	vmul.f32 v55, v54  }
0x3da: {  	v17 =	vor.u32 $0x51, v1;
	v16 =	vld.idx.msk [tilespmem:v56+s14+$0x0], $0xffff  }
0x3db: {  	v18 =	vld.idx.msk [tilespmem:v59+s2+$0x0], $0xffff;
	v2 =	vadd.f32 v3, v2;
	v3 =	vmul.f32 v58, v57  }
0x3dc: {  	v20 =	vor.u32 $0x52, v1;
	v19 =	vld.idx.msk [tilespmem:v59+s14+$0x0], $0xffff  }
0x3dd: {  	v21 =	vld.idx.msk [tilespmem:v62+s2+$0x0], $0xffff;
	v2 =	vadd.f32 v3, v2;
	v3 =	vmul.f32 v61, v60  }
0x3de: {  	v23 =	vor.u32 $0x53, v1;
	v22 =	vld.idx.msk [tilespmem:v62+s14+$0x0], $0xffff  }
0x3df: {  	v24 =	vld.idx.msk [tilespmem:v17+s2+$0x0], $0xffff;
	v2 =	vadd.f32 v3, v2;
	v3 =	vmul.f32 v16, v63  }
0x3e0: {  	v26 =	vor.u32 $0x54, v1;
	v25 =	vld.idx.msk [tilespmem:v17+s14+$0x0], $0xffff  }
0x3e1: {  	v27 =	vld.idx.msk [tilespmem:v20+s2+$0x0], $0xffff;
	v2 =	vadd.f32 v3, v2;
	v3 =	vmul.f32 v19, v18  }
0x3e2: {  	v29 =	vor.u32 $0x55, v1;
	v28 =	vld.idx.msk [tilespmem:v20+s14+$0x0], $0xffff  }
0x3e3: {  	v30 =	vld.idx.msk [tilespmem:v23+s2+$0x0], $0xffff;
	v2 =	vadd.f32 v3, v2;
	v3 =	vmul.f32 v22, v21  }
0x3e4: {  	v32 =	vor.u32 $0x56, v1;
	v31 =	vld.idx.msk [tilespmem:v23+s14+$0x0], $0xffff  }
0x3e5: {  	v33 =	vld.idx.msk [tilespmem:v26+s2+$0x0], $0xffff;
	v2 =	vadd.f32 v3, v2;
	v3 =	vmul.f32 v25, v24  }
0x3e6: {  	v35 =	vor.u32 $0x57, v1;
	v34 =	vld.idx.msk [tilespmem:v26+s14+$0x0], $0xffff  }
0x3e7: {  	v36 =	vld.idx.msk [tilespmem:v29+s2+$0x0], $0xffff;
	v2 =	vadd.f32 v3, v2;
	v3 =	vmul.f32 v28, v27  }
0x3e8: {  	v38 =	vor.u32 $0x58, v1;
	v37 =	vld.idx.msk [tilespmem:v29+s14+$0x0], $0xffff  }
0x3e9: {  	v39 =	vld.idx.msk [tilespmem:v32+s2+$0x0], $0xffff;
	v2 =	vadd.f32 v3, v2;
	v3 =	vmul.f32 v31, v30  }
0x3ea: {  	v41 =	vor.u32 $0x59, v1;
	v40 =	vld.idx.msk [tilespmem:v32+s14+$0x0], $0xffff  }
0x3eb: {  	v42 =	vld.idx.msk [tilespmem:v35+s2+$0x0], $0xffff;
	v2 =	vadd.f32 v3, v2;
	v3 =	vmul.f32 v34, v33  }
0x3ec: {  	v44 =	vor.u32 $0x5A, v1;
	v43 =	vld.idx.msk [tilespmem:v35+s14+$0x0], $0xffff  }
0x3ed: {  	v45 =	vld.idx.msk [tilespmem:v38+s2+$0x0], $0xffff;
	v2 =	vadd.f32 v3, v2;
	v3 =	vmul.f32 v37, v36  }
0x3ee: {  	v47 =	vor.u32 $0x5B, v1;
	v46 =	vld.idx.msk [tilespmem:v38+s14+$0x0], $0xffff  }
0x3ef: {  	v48 =	vld.idx.msk [tilespmem:v41+s2+$0x0], $0xffff;
	v2 =	vadd.f32 v3, v2;
	v3 =	vmul.f32 v40, v39  }
0x3f0: {  	v50 =	vor.u32 $0x5C, v1;
	v49 =	vld.idx.msk [tilespmem:v41+s14+$0x0], $0xffff  }
0x3f1: {  	v51 =	vld.idx.msk [tilespmem:v44+s2+$0x0], $0xffff;
	v2 =	vadd.f32 v3, v2;
	v3 =	vmul.f32 v43, v42  }
0x3f2: {  	v53 =	vor.u32 $0x5D, v1;
	v52 =	vld.idx.msk [tilespmem:v44+s14+$0x0], $0xffff  }
0x3f3: {  	v54 =	vld.idx.msk [tilespmem:v47+s2+$0x0], $0xffff;
	v2 =	vadd.f32 v3, v2;
	v3 =	vmul.f32 v46, v45  }
0x3f4: {  	v56 =	vor.u32 $0x5E, v1;
	v55 =	vld.idx.msk [tilespmem:v47+s14+$0x0], $0xffff  }
0x3f5: {  	v57 =	vld.idx.msk [tilespmem:v50+s2+$0x0], $0xffff;
	v2 =	vadd.f32 v3, v2;
	v3 =	vmul.f32 v49, v48  }
0x3f6: {  	v59 =	vor.u32 $0x5F, v1;
	v58 =	vld.idx.msk [tilespmem:v50+s14+$0x0], $0xffff  }
0x3f7: {  	v60 =	vld.idx.msk [tilespmem:v53+s2+$0x0], $0xffff;
	v2 =	vadd.f32 v3, v2;
	v3 =	vmul.f32 v52, v51  }
0x3f8: {  	v62 =	vor.u32 $0x60, v1;
	v61 =	vld.idx.msk [tilespmem:v53+s14+$0x0], $0xffff  }
0x3f9: {  	v63 =	vld.idx.msk [tilespmem:v56+s2+$0x0], $0xffff;
	v2 =	vadd.f32 v3, v2;
	v3 =	vmul.f32 v55, v54  }
0x3fa: {  	v17 =	vor.u32 $0x61, v1;
	v16 =	vld.idx.msk [tilespmem:v56+s14+$0x0], $0xffff  }
0x3fb: {  	v18 =	vld.idx.msk [tilespmem:v59+s2+$0x0], $0xffff;
	v2 =	vadd.f32 v3, v2;
	v3 =	vmul.f32 v58, v57  }
0x3fc: {  	v20 =	vor.u32 $0x62, v1;
	v19 =	vld.idx.msk [tilespmem:v59+s14+$0x0], $0xffff  }
0x3fd: {  	v21 =	vld.idx.msk [tilespmem:v62+s2+$0x0], $0xffff;
	v2 =	vadd.f32 v3, v2;
	v3 =	vmul.f32 v61, v60  }
0x3fe: {  	v23 =	vor.u32 $0x63, v1;
	v22 =	vld.idx.msk [tilespmem:v62+s14+$0x0], $0xffff  }
0x3ff: {  	v24 =	vld.idx.msk [tilespmem:v17+s2+$0x0], $0xffff;
	v2 =	vadd.f32 v3, v2;
	v3 =	vmul.f32 v16, v63  }
0x400: {  	v26 =	vor.u32 $0x64, v1;
	v25 =	vld.idx.msk [tilespmem:v17+s14+$0x0], $0xffff  }
0x401: {  	v27 =	vld.idx.msk [tilespmem:v20+s2+$0x0], $0xffff;
	v2 =	vadd.f32 v3, v2;
	v3 =	vmul.f32 v19, v18  }
0x402: {  	v29 =	vor.u32 $0x65, v1;
	v28 =	vld.idx.msk [tilespmem:v20+s14+$0x0], $0xffff  }
0x403: {  	v30 =	vld.idx.msk [tilespmem:v23+s2+$0x0], $0xffff;
	v2 =	vadd.f32 v3, v2;
	v3 =	vmul.f32 v22, v21  }
0x404: {  	v32 =	vor.u32 $0x66, v1;
	v31 =	vld.idx.msk [tilespmem:v23+s14+$0x0], $0xffff  }
0x405: {  	v33 =	vld.idx.msk [tilespmem:v26+s2+$0x0], $0xffff;
	v2 =	vadd.f32 v3, v2;
	v3 =	vmul.f32 v25, v24  }
0x406: {  	v35 =	vor.u32 $0x67, v1;
	v34 =	vld.idx.msk [tilespmem:v26+s14+$0x0], $0xffff  }
0x407: {  	v36 =	vld.idx.msk [tilespmem:v29+s2+$0x0], $0xffff;
	v2 =	vadd.f32 v3, v2;
	v3 =	vmul.f32 v28, v27  }
0x408: {  	v38 =	vor.u32 $0x68, v1;
	v37 =	vld.idx.msk [tilespmem:v29+s14+$0x0], $0xffff  }
0x409: {  	v39 =	vld.idx.msk [tilespmem:v32+s2+$0x0], $0xffff;
	v2 =	vadd.f32 v3, v2;
	v3 =	vmul.f32 v31, v30  }
0x40a: {  	v41 =	vor.u32 $0x69, v1;
	v40 =	vld.idx.msk [tilespmem:v32+s14+$0x0], $0xffff  }
0x40b: {  	v42 =	vld.idx.msk [tilespmem:v35+s2+$0x0], $0xffff;
	v2 =	vadd.f32 v3, v2;
	v3 =	vmul.f32 v34, v33  }
0x40c: {  	v44 =	vor.u32 $0x6A, v1;
	v43 =	vld.idx.msk [tilespmem:v35+s14+$0x0], $0xffff  }
0x40d: {  	v45 =	vld.idx.msk [tilespmem:v38+s2+$0x0], $0xffff;
	v2 =	vadd.f32 v3, v2;
	v3 =	vmul.f32 v37, v36  }
0x40e: {  	v47 =	vor.u32 $0x6B, v1;
	v46 =	vld.idx.msk [tilespmem:v38+s14+$0x0], $0xffff  }
0x40f: {  	v48 =	vld.idx.msk [tilespmem:v41+s2+$0x0], $0xffff;
	v2 =	vadd.f32 v3, v2;
	v3 =	vmul.f32 v40, v39  }
0x410: {  	v50 =	vor.u32 $0x6C, v1;
	v49 =	vld.idx.msk [tilespmem:v41+s14+$0x0], $0xffff  }
0x411: {  	v51 =	vld.idx.msk [tilespmem:v44+s2+$0x0], $0xffff;
	v2 =	vadd.f32 v3, v2;
	v3 =	vmul.f32 v43, v42  }
0x412: {  	v53 =	vor.u32 $0x6D, v1;
	v52 =	vld.idx.msk [tilespmem:v44+s14+$0x0], $0xffff  }
0x413: {  	v54 =	vld.idx.msk [tilespmem:v47+s2+$0x0], $0xffff;
	v2 =	vadd.f32 v3, v2;
	v3 =	vmul.f32 v46, v45  }
0x414: {  	v56 =	vor.u32 $0x6E, v1;
	v55 =	vld.idx.msk [tilespmem:v47+s14+$0x0], $0xffff  }
0x415: {  	v57 =	vld.idx.msk [tilespmem:v50+s2+$0x0], $0xffff;
	v2 =	vadd.f32 v3, v2;
	v3 =	vmul.f32 v49, v48  }
0x416: {  	v59 =	vor.u32 $0x6F, v1;
	v58 =	vld.idx.msk [tilespmem:v50+s14+$0x0], $0xffff  }
0x417: {  	v60 =	vld.idx.msk [tilespmem:v53+s2+$0x0], $0xffff;
	v2 =	vadd.f32 v3, v2;
	v3 =	vmul.f32 v52, v51  }
0x418: {  	v62 =	vor.u32 $0x70, v1;
	v61 =	vld.idx.msk [tilespmem:v53+s14+$0x0], $0xffff  }
0x419: {  	v63 =	vld.idx.msk [tilespmem:v56+s2+$0x0], $0xffff;
	v2 =	vadd.f32 v3, v2;
	v3 =	vmul.f32 v55, v54  }
0x41a: {  	v17 =	vor.u32 $0x71, v1;
	v16 =	vld.idx.msk [tilespmem:v56+s14+$0x0], $0xffff  }
0x41b: {  	v18 =	vld.idx.msk [tilespmem:v59+s2+$0x0], $0xffff;
	v2 =	vadd.f32 v3, v2;
	v3 =	vmul.f32 v58, v57  }
0x41c: {  	v20 =	vor.u32 $0x72, v1;
	v19 =	vld.idx.msk [tilespmem:v59+s14+$0x0], $0xffff  }
0x41d: {  	v21 =	vld.idx.msk [tilespmem:v62+s2+$0x0], $0xffff;
	v2 =	vadd.f32 v3, v2;
	v3 =	vmul.f32 v61, v60  }
0x41e: {  	v23 =	vor.u32 $0x73, v1;
	v22 =	vld.idx.msk [tilespmem:v62+s14+$0x0], $0xffff  }
0x41f: {  	v24 =	vld.idx.msk [tilespmem:v17+s2+$0x0], $0xffff;
	v2 =	vadd.f32 v3, v2;
	v3 =	vmul.f32 v16, v63  }
0x420: {  	v26 =	vor.u32 $0x74, v1;
	v25 =	vld.idx.msk [tilespmem:v17+s14+$0x0], $0xffff  }
0x421: {  	v27 =	vld.idx.msk [tilespmem:v20+s2+$0x0], $0xffff;
	v2 =	vadd.f32 v3, v2;
	v3 =	vmul.f32 v19, v18  }
0x422: {  	v29 =	vor.u32 $0x75, v1;
	v28 =	vld.idx.msk [tilespmem:v20+s14+$0x0], $0xffff  }
0x423: {  	v30 =	vld.idx.msk [tilespmem:v23+s2+$0x0], $0xffff;
	v2 =	vadd.f32 v3, v2;
	v3 =	vmul.f32 v22, v21  }
0x424: {  	v32 =	vor.u32 $0x76, v1;
	v31 =	vld.idx.msk [tilespmem:v23+s14+$0x0], $0xffff  }
0x425: {  	v33 =	vld.idx.msk [tilespmem:v26+s2+$0x0], $0xffff;
	v2 =	vadd.f32 v3, v2;
	v3 =	vmul.f32 v25, v24  }
0x426: {  	v35 =	vor.u32 $0x77, v1;
	v34 =	vld.idx.msk [tilespmem:v26+s14+$0x0], $0xffff  }
0x427: {  	v36 =	vld.idx.msk [tilespmem:v29+s2+$0x0], $0xffff;
	v2 =	vadd.f32 v3, v2;
	v3 =	vmul.f32 v28, v27  }
0x428: {  	v38 =	vor.u32 $0x78, v1;
	v37 =	vld.idx.msk [tilespmem:v29+s14+$0x0], $0xffff  }
0x429: {  	v39 =	vld.idx.msk [tilespmem:v32+s2+$0x0], $0xffff;
	v2 =	vadd.f32 v3, v2;
	v3 =	vmul.f32 v31, v30  }
0x42a: {  	v41 =	vor.u32 $0x79, v1;
	v40 =	vld.idx.msk [tilespmem:v32+s14+$0x0], $0xffff  }
0x42b: {  	v42 =	vld.idx.msk [tilespmem:v35+s2+$0x0], $0xffff;
	v2 =	vadd.f32 v3, v2;
	v3 =	vmul.f32 v34, v33  }
0x42c: {  	v44 =	vor.u32 $0x7A, v1;
	v43 =	vld.idx.msk [tilespmem:v35+s14+$0x0], $0xffff  }
0x42d: {  	v45 =	vld.idx.msk [tilespmem:v38+s2+$0x0], $0xffff;
	v2 =	vadd.f32 v3, v2;
	v3 =	vmul.f32 v37, v36  }
0x42e: {  	v47 =	vor.u32 $0x7B, v1;
	v46 =	vld.idx.msk [tilespmem:v38+s14+$0x0], $0xffff  }
0x42f: {  	v48 =	vld.idx.msk [tilespmem:v41+s2+$0x0], $0xffff;
	v2 =	vadd.f32 v3, v2;
	v3 =	vmul.f32 v40, v39  }
0x430: {  	v50 =	vor.u32 $0x7C, v1;
	v49 =	vld.idx.msk [tilespmem:v41+s14+$0x0], $0xffff  }
0x431: {  	v51 =	vld.idx.msk [tilespmem:v44+s2+$0x0], $0xffff;
	v2 =	vadd.f32 v3, v2;
	v3 =	vmul.f32 v43, v42  }
0x432: {  	v53 =	vor.u32 $0x7D, v1;
	v52 =	vld.idx.msk [tilespmem:v44+s14+$0x0], $0xffff  }
0x433: {  	v54 =	vld.idx.msk [tilespmem:v47+s2+$0x0], $0xffff;
	v2 =	vadd.f32 v3, v2;
	v3 =	vmul.f32 v46, v45  }
0x434: {  	v56 =	vor.u32 $0x7E, v1;
	v55 =	vld.idx.msk [tilespmem:v47+s14+$0x0], $0xffff  }
0x435: {  	v57 =	vld.idx.msk [tilespmem:v50+s2+$0x0], $0xffff;
	v2 =	vadd.f32 v3, v2;
	v3 =	vmul.f32 v49, v48  }
0x436: {  	v1 =	vor.u32 $0x7F, v1;
	v58 =	vld.idx.msk [tilespmem:v50+s14+$0x0], $0xffff  }
0x437: {  	v59 =	vld.idx.msk [tilespmem:v53+s2+$0x0], $0xffff;
	v2 =	vadd.f32 v3, v2;
	v3 =	vmul.f32 v52, v51  }
0x438: {  	v60 =	vld.idx.msk [tilespmem:v53+s14+$0x0], $0xffff  }
0x439: {  	v62 =	vld.idx.msk [tilespmem:v56+s14+$0x0], $0xffff;
	v2 =	vadd.f32 v3, v2;
	v3 =	vmul.f32 v55, v54  }
0x43a: {  	v61 =	vld.idx.msk [tilespmem:v56+s2+$0x0], $0xffff  }
0x43b: {  	v63 =	vld.idx.msk [tilespmem:v1+s2+$0x0], $0xffff;
	v2 =	vadd.f32 v3, v2;
	v3 =	vmul.f32 v58, v57  }
0x43c: {  	v1 =	vld.idx.msk [tilespmem:v1+s14+$0x0], $0xffff  }
0x43d: {  	v2 =	vadd.f32 v3, v2;
	v3 =	vmul.f32 v60, v59;
	_ =	sdelay $0x1  }
0x43e: {  	s20 =	sadd.s32 $0x1, s20;
	v2 =	vadd.f32 v3, v2;
	v3 =	vmul.f32 v62, v61  }
0x43f: {  	p0 =	sne.s32 s20, $0x1C  }
.Ltmp1:
0x440: {  	v1 =	vmul.f32 v1, v63;
	v2 =	vadd.f32 v3, v2;
	(pc) =	sbr.rel @p0 .LBB2_2-.Ltmp1, $4  }
0x441: {  	_ = 	snop  }
0x442: {  	v1 =	vadd.f32 v1, v2  }
0x443: {  	s21 =	sadd.s32 $0x10, s21  }
0x444: {  	s19 =	sadd.s32 $0x70, s19;
	[tilespmem:s21+$0x0] =	vst v1  }
0x445: {  	s18 =	sadd.s32 $0x1, s18  }
0x446: {  	p0 =	sne.s32 s18, s9  }
.Ltmp2:
0x447: {  	_ = 	snop;
	(pc) =	sbr.rel @p0 .LBB2_1-.Ltmp2, $4  }
0x448: {  	[hbm4b:s8+s2] =	stream.linear.scatter [tilespmem:s17], [sflag:$0x3], $0xC40, $0x38;
	[tilespmem:$0x7D80] =	vst v63  }
0x449: {  	_ =	swait.ge [sflag:s11], $0xC40  }
0x44a: {  	[sflag:s11] =	ssyncset.done $0x0  }
0x44b: {  	[sflag:s11] =	ssyncadd.s32 $0xFFFFF3C0  }
0x44c: {  	_ =	sfence.sel $0x180000  }
0x44d: {  	[bflag:$0x0] =	sbarrier.arrive $0xFFFF  }
0x44e: {  	p0 =	sne.s32 s1, $0x0;
	_ =	strace $0x9000004D  }
0x44f: {  	s0 =	sadd.s32 @!p0 $0x100000, s0;
	[bflag:$0x2] =	sbarrier.arrive $0xFFFF  }
0x450: {  	[sflag:s0] =	ssyncadd.tile.s32 @!p0 $0x1;
	_ =	shalt  }
.Lfunc_end2:
_tile_overlayer_lowered:
.L_overlay_start_2:
0x451: {  	(tag) =	ssettag $0x2  }
0x452: {  	s0 =	rddreg [dreg:$0x0];
	s2 =	stileid.u32  }
0x453: {  	s1 =	rddreg [dreg:$0x1];
	p0 =	sne.s32 s2, $0x0  }
0x454: {  	s3 =	rddreg [dreg:$0x2];
	[bflag:$0x3] =	sbarrier.arrive $0xFFFF;
	s2 =	simm.s32 @!p0 $0x1C03  }
0x455: {  	[timem:s3], [sflag:s2] =	dma.local @!p0 [hbm:s0], s1  }
0x456: {  	s0 =	simm.s32 @!p0 $0x3  }
0x457: {  	_ =	swait.ge @!p0 [sflag:s0], s1  }
0x458: {  	s1 =	ssub.s32 @!p0 $0x0, s1;
	[sflag:s0] =	ssyncset.done @!p0 $0x0  }
0x459: {  	[sflag:s0] =	ssyncadd.s32 @!p0 s1  }
0x45a: {  	[bflag:$0x3] =	sbarrier.arrive $0xFFFF  }
0x45b: {  	_ =	shalt  }

// kernel: seg_sum.3.cloned.1.call-start
scs
__scs_entry_jumppad:
0x0: {  	(pc) =	sbr.rel $0x88, $3  }
0x1: {  	(tag) =	ssettag $0x0;
	lr =	simm.s32 $0x1  }
0x2: {  	[smem:$0x3F8E] =	sst lr;
	_ =	strace $0xD0000000  }
0x3: {  	_ = 	snop  }
0x4: {  	_ = 	snop  }
0x5: {  	_ = 	snop  }
0x6: {  	_ = 	snop  }
0x7: {  	_ = 	snop  }
__scs_overlays_trampoline_lowered:
0x8: {  	[smem:$0x3F9D] =	sst s0  }
0x9: {  	[smem:$0x3F9E] =	sst s1  }
0xa: {  	[smem:$0x3F9F] =	sst s2  }
0xb: {  	[smem:$0x3FA0] =	sst s3  }
0xc: {  	[smem:$0x3FA1] =	sst s4  }
0xd: {  	[smem:$0x3FA2] =	sst s5  }
0xe: {  	[smem:$0x3FA3] =	sst s6  }
0xf: {  	[smem:$0x3FA4] =	sst s7  }
0x10: {  	[smem:$0x3FA5] =	sst s8  }
0x11: {  	[smem:$0x3FA6] =	sst s9;
	s0 =	simm.s32 @!p0 $0x0  }
0x12: {  	s1 =	sld [smem:$0x3F8C];
	s0 =	simm.s32 @p0 $0x1  }
0x13: {  	[smem:$0x3FA7] =	sst s0;
	s0 =	simm.s32 @!p1 $0x0  }
0x14: {  	s2 =	sld [smem:$0x3F8B];
	s0 =	simm.s32 @p1 $0x1  }
0x15: {  	[smem:$0x3FA8] =	sst s0;
	s0 =	simm.s32 @!p2 $0x0  }
0x16: {  	s3 =	sld [smem:$0x3FDB];
	s0 =	simm.s32 @p2 $0x1  }
0x17: {  	s4 =	simm.s32 $0x1BF5;
	[smem:$0x3FAA] =	sst s0  }
0x18: {  	s0 =	sld [smem:$0x3F8D];
	_ =	swait.ge [sflag:s4], $0x0  }
0x19: {  	s7 =	sld [smem:$0x3F8E]  }
0x1a: {  	s8 =	sadd.s32 $0xFFFFE003, lr  }
0x1b: {  	s9 =	sadd.s32 $0xFFFFFEF7, lr;
	s5 =	simm.s32 $0xFFFFFFFF;
	p2 =	slt.u32 s8, $0xFFFFF086  }
0x1c: {  	p1 =	slt.u32 s9, $0xF7A;
	s5 =	simm.s32 @!p2 $0x0  }
0x1d: {  	s5 =	simm.s32 @p1 $0x1;
	p0 =	seq.s32 s7, s2  }
0x1e: {  	s7 =	smul.u32 @!p0 $0xF7A, s2;
	p2 =	seq.s32 @!p0 s5, $0x0  }
0x1f: {  	s9 =	smul.u32 $0xF7A, s1;
	s8 =	simm.s32 @!p0 $0x1BF5;
	p2 =	por !p2, p0  }
0x20: {  	[sflag:s8] =	ssyncset.s32 @!p0 $0xFFFFF086;
	s6 =	sadd.s32 @!p0 s3, s7;
	s7 =	simm.s32 @!p0 $0x108  }
0x21: {  	s3 =	sadd.s32 s3, s9;
	s6 =	sadd.s32 @!p0 $0x88, s6;
	s7 =	simm.s32 @p2 $0x1082  }
0x22: {  	[simem:s7], [sflag:s8] =	dma.local @!p0 [hbm:s6], $0xF7A  }
0x23: {  	s9 =	sor.u32 $0xD0000000, s2;
	s6 =	simm.s32 $0x108;
	_ =	swait.ge @!p0 [sflag:s8], $0x0  }
0x24: {  	s3 =	sadd.s32 $0x88, s3;
	s6 =	simm.s32 @!p1 $0x1082;
	[sflag:s4] =	ssyncset.s32 $0xFFFFF086  }
0x25: {  	[simem:s6], [sflag:s4] =	dma.local [hbm:s3], $0xF7A  }
0x26: {  	[smem:$0x3F8E] =	sst s1;
	(tag) =	ssettag s2;
	_ =	strace s9  }
0x27: {  	s1 =	sld [smem:$0x3F9E]  }
0x28: {  	s2 =	sld [smem:$0x3F9F]  }
0x29: {  	s4 =	sld [smem:$0x3FA1]  }
0x2a: {  	p0 =	seq.s32 s5, $0x0;
	s5 =	sld [smem:$0x3FA2]  }
0x2b: {  	s6 =	sld [smem:$0x3FA3]  }
0x2c: {  	s7 =	sld [smem:$0x3FA4]  }
0x2d: {  	s3 =	simm.s32 $0x108;
	s8 =	sld [smem:$0x3FA5]  }
0x2e: {  	s3 =	simm.s32 @!p0 $0x1082;
	s9 =	sld [smem:$0x3FA6]  }
0x2f: {  	lr =	sadd.s32 s0, s3;
	s0 =	sld [smem:$0x3F9D]  }
0x30: {  	s3 =	sld [smem:$0x3FA0]  }
0x31: {  	[smem:$0x3FA9] =	sst s10  }
0x32: {  	s10 =	sld [smem:$0x3FA7];
	_ =	sdelay $0x3  }
0x33: {  	p0 =	seq.s32 s10, $0x1;
	s10 =	sld [smem:$0x3FA9];
	_ =	sdelay $0x3  }
0x34: {  	[smem:$0x3FA9] =	sst s10  }
0x35: {  	s10 =	sld [smem:$0x3FA8];
	_ =	sdelay $0x3  }
0x36: {  	p1 =	seq.s32 s10, $0x1;
	s10 =	sld [smem:$0x3FA9];
	_ =	sdelay $0x3  }
0x37: {  	[smem:$0x3FA9] =	sst s10  }
0x38: {  	s10 =	sld [smem:$0x3FAA]  }
0x39: {  	_ = 	snop;
	(pc) =	sbr.ind lr, $3  }
0x3a: {  	_ = 	snop  }
0x3b: {  	_ = 	snop  }
0x3c: {  	p2 =	seq.s32 s10, $0x1;
	s10 =	sld [smem:$0x3FA9]  }
0x3d: {  	_ =	shalt  }
0x3e: {  	_ =	shalt  }
0x3f: {  	_ =	shalt  }
0x40: {  	_ =	shalt  }
0x41: {  	_ =	shalt  }
0x42: {  	_ =	shalt  }
0x43: {  	_ =	shalt  }
0x44: {  	_ =	shalt  }
0x45: {  	_ =	shalt  }
0x46: {  	_ =	shalt  }
0x47: {  	_ =	shalt  }
0x48: {  	_ =	shalt  }
0x49: {  	_ =	shalt  }
0x4a: {  	_ =	shalt  }
0x4b: {  	_ =	shalt  }
0x4c: {  	_ =	shalt  }
0x4d: {  	_ =	shalt  }
0x4e: {  	_ =	shalt  }
0x4f: {  	_ =	shalt  }
0x50: {  	_ =	shalt  }
0x51: {  	_ =	shalt  }
0x52: {  	_ =	shalt  }
0x53: {  	_ =	shalt  }
0x54: {  	_ =	shalt  }
0x55: {  	_ =	shalt  }
0x56: {  	_ =	shalt  }
0x57: {  	_ =	shalt  }
0x58: {  	_ =	shalt  }
0x59: {  	_ =	shalt  }
0x5a: {  	_ =	shalt  }
0x5b: {  	_ =	shalt  }
0x5c: {  	_ =	shalt  }
0x5d: {  	_ =	shalt  }
0x5e: {  	_ =	shalt  }
0x5f: {  	_ =	shalt  }
0x60: {  	_ =	shalt  }
0x61: {  	_ =	shalt  }
0x62: {  	_ =	shalt  }
0x63: {  	_ =	shalt  }
0x64: {  	_ =	shalt  }
0x65: {  	_ =	shalt  }
0x66: {  	_ =	shalt  }
0x67: {  	_ =	shalt  }
0x68: {  	_ =	shalt  }
0x69: {  	_ =	shalt  }
0x6a: {  	_ =	shalt  }
0x6b: {  	_ =	shalt  }
0x6c: {  	_ =	shalt  }
0x6d: {  	_ =	shalt  }
0x6e: {  	_ =	shalt  }
0x6f: {  	_ =	shalt  }
0x70: {  	_ =	shalt  }
0x71: {  	_ =	shalt  }
0x72: {  	_ =	shalt  }
0x73: {  	_ =	shalt  }
0x74: {  	_ =	shalt  }
0x75: {  	_ =	shalt  }
0x76: {  	_ =	shalt  }
0x77: {  	_ =	shalt  }
0x78: {  	_ =	shalt  }
0x79: {  	_ =	shalt  }
0x7a: {  	_ =	shalt  }
0x7b: {  	_ =	shalt  }
0x7c: {  	_ =	shalt  }
0x7d: {  	_ =	shalt  }
0x7e: {  	_ =	shalt  }
0x7f: {  	_ =	shalt  }
0x80: {  	_ =	shalt  }
0x81: {  	_ =	shalt  }
0x82: {  	_ =	shalt  }
0x83: {  	_ =	shalt  }
0x84: {  	_ =	shalt  }
0x85: {  	_ =	shalt  }
0x86: {  	_ =	shalt  }
0x87: {  	_ =	shalt  }
.Lfunc_end0:
.L_simem_size_0:
called_computation.1_lowered:
.L_overlay_start_0:
0x88: {  	s2 =	sld [smem:$0x3FD9]  }
0x89: {  	s3 =	sld [smem:$0x3FFE];
	_ =	sdelay $0x1  }
0x8a: {  	s1 =	srdreg.scid  }
0x8b: {  	s0 =	sand.u32 $0x1, s1  }
0x8c: {  	s16 =	sshll.u32 s0, $0xA;
	s2 =	sadd.s32 s3, s2  }
0x8d: {  	s2 =	sadd.s32 s2, s16  }
0x8e: {  	[smem:$0x3FB5] =	sst s2  }
0x8f: {  	_ = 	snop  }
0x90: {  	(tm) =	ssettm $0x1  }
0x91: {  	s17 =	sld [smem:$0x3FFB];
	_ =	sdelay $0x3  }
0x92: {  	_ =	strace s17  }
0x93: {  	s2 =	sld [smem:$0x3FFC];
	_ =	sdelay $0x3  }
0x94: {  	_ =	strace s2  }
0x95: {  	s2 =	sld [smem:$0x3FFD];
	_ =	sdelay $0x3  }
0x96: {  	_ =	strace s2  }
0x97: {  	_ =	strace $0x8FFFFFFF  }
0x98: {  	s18 =	sld [smem:$0x3FDB];
	_ =	sdelay $0x1  }
0x99: {  	s19 =	simm.s32 $_scs_section_size  }
0x9a: {  	s4 =	simm.s32 $_size__tile_overlayer_lowered;
	s5 =	simm.s32 $_tile_overlayer_lowered  }
0x9b: {  	s22 =	simm.s32 $0x1BFF;
	s21 =	sshll.u32 s5, $0x1;
	s2 =	sadd.s32 s19, s18  }
0x9c: {  	s6 =	simm.s32 $0x0;
	s20 =	sshll.u32 s4, $0x1;
	s4 =	sadd.s32 s21, s2  }
0x9d: {  	[timem:s6], [sflag:s22] =	dma.local [hbm:s4], s20  }
0x9e: {  	_ =	swait.ge [sflag:s22], s20  }
0x9f: {  	s3 =	ssub.s32 $0x0, s20;
	[sflag:s22] =	ssyncset.done $0x0  }
0xa0: {  	[sflag:s22] =	ssyncadd.s32 s3;
	_ =	sdelay $0x1  }
0xa1: {  	s23 =	simm.s32 $0x1B8B  }
0xa2: {  	_ =	swait.ge [sflag:s23], $0x1  }
0xa3: {  	[sflag:s23] =	ssyncset.done $0x0  }
0xa4: {  	s25 =	simm.s32 $0x1B8E;
	s24 =	sld [smem:$0x3FFE];
	[sflag:s23] =	ssyncadd.s32 $0xFFFFFFFF  }
0xa5: {  	s26 =	simm.s32 $execute0_lowered;
	[smem:$0x3FD2] =	sst s25  }
0xa6: {  	s4 =	sshll.u32 s26, $0x1;
	_ =	strace $0x80000049;
	[dreg:$0x1] =	wrdreg $0xFFFFFFFF  }
0xa7: {  	s28 =	simm.s32 $_size_execute0_lowered;
	s2 =	sadd.s32 s2, s4;
	[dreg:$0x0] =	wrdreg $0x0  }
0xa8: {  	s4 =	sshll.u32 s28, $0x1;
	[dreg:$0x2] =	wrdreg s2  }
0xa9: {  	[dreg:$0x3] =	wrdreg s4  }
0xaa: {  	[dreg:$0x4] =	wrdreg $0xC0  }
0xab: {  	_ =	task [dreg:s6], $0x5FFFF  }
0xac: {  	[dreg:$0x1] =	wrdreg $0xFFFFFFFF  }
0xad: {  	[dreg:$0x0] =	wrdreg $0x60  }
0xae: {  	[dreg:$0x2] =	wrdreg s24  }
0xaf: {  	[dreg:$0x3] =	wrdreg $0x72000  }
0xb0: {  	[dreg:$0x4] =	wrdreg $0x9  }
0xb1: {  	_ =	task.clear_ibuf [dreg:s6], $0x5FFFF;
	_ =	strace $0x90000049  }
0xb2: {  	s29 =	simm.s32 $0x9;
	_ =	strace $0x8000004B  }
0xb3: {  	_ =	swait.ge [sflag:s29], $0x1  }
0xb4: {  	[sflag:s29] =	ssyncadd.s32 $0xFFFFFFFF  }
0xb5: {  	_ =	strace $0x9000004B  }
0xb6: {  	_ =	sfence  }
0xb7: {  	s30 =	sld [smem:$0x0];
	_ =	sdelay $0x2  }
0xb8: {  	s31 =	sshll.u32 s1, $0xD;
	s1 =	sshrl.u32 s1, $0x2  }
0xb9: {  	s3 =	sand.u32 $0x4000, s31;
	s1 =	sadd.s32 s1, s30  }
0xba: {  	s0 =	sor.u32 s3, s0;
	s1 =	sshll.u32 s1, $0x11  }
0xbb: {  	s0 =	sor.u32 s1, s0  }
0xbc: {  	s0 =	sadd.s32 $0x8F2B, s0  }
0xbd: {  	[sflag:s0] =	ssyncadd.remote.s32 $0x1  }
0xbe: {  	_ =	sfence.sel $0xFFFF  }
0xbf: {  	[dreg:$0x0] =	wrdreg $0xFFFFFFFF;
	(pc) =	sbr.abs _section_cstart, $3  }
0xc0: {  	[dreg:$0x1] =	wrdreg $0xFFFFFFFF  }
0xc1: {  	_ =	task.clear_ibuf [dreg:s6], $0x2FFFF;
	_ =	strace $0x9FFFFFFF  }
0xc2: {  	(tm) =	ssettm $0x7FFFFFFF  }
0xc3: {  	_ =	shalt  }
tec
execute0_lowered:
.L_overlay_start_1:
0x0: {  	(tag) =	ssettag $0x1  }
0x1: {  	s3 =	rddreg [dreg:$0x0];
	s0 =	srdreg.scid  }
0x2: {  	s1 =	rddreg [dreg:$0x1];
	s2 =	simm.s32 $0x0;
	s22 =	stileid.u32  }
0x3: {  	s28 =	simm.s32 $0x6000;
	s29 =	simm.s32 $0x50;
	s30 =	simm.s32 $0x1  }
0x4: {  	s31 =	simm.s32 $0x2800;
	s0 =	sand.u32 $0x1, s0;
	s7 =	smul.u32 $0x50000, s22  }
0x5: {  	[smem:$0x7FF] =	sst s2;
	s12 =	smul.u32 $0x14000, s22;
	s5 =	sadd.s32 $0x3000, s3  }
0x6: {  	s22 =	smul.u32 $0x4E20, s22;
	s4 =	sxor.u32 $0x1, s0;
	_ =	strace $0x8000004A  }
0x7: {  	s6 =	ssub.s32 $0x2, s0;
	s18 =	smul.u32 $0x140000, s0;
	v0 =	vmov s0;
	s0 =	simm.s32 $0x2  }
0x8: {  	s4 =	smul.u32 $0x27100, s4;
	s8 =	sshrl.u32 s6, $0x1;
	s10 =	sshrl.u32 s7, $0x2  }
0x9: {  	s14 =	sor.u32 $0x2800, s12;
	s15 =	sadd.s32 $0x5000, s12;
	s16 =	sadd.s32 $0x7800, s12  }
0xa: {  	s17 =	sadd.s32 $0xA000, s12;
	s19 =	sadd.s32 $0xC800, s12;
	s20 =	sadd.s32 $0xF000, s12  }
0xb: {  	s13 =	ssub.s32 s6, s8;
	s6 =	sadd.s32 s10, s1;
	s7 =	sadd.s32 s14, s1  }
0xc: {  	s8 =	sadd.s32 s15, s1;
	s9 =	sadd.s32 s16, s1;
	s10 =	sadd.s32 s17, s1  }
0xd: {  	s21 =	sadd.s32 s12, s18;
	s14 =	sadd.s32 s18, s14;
	s12 =	sadd.s32 $0x11800, s12  }
0xe: {  	s15 =	sadd.s32 s18, s15;
	s16 =	sadd.s32 s18, s16;
	s17 =	sadd.s32 s18, s17  }
0xf: {  	s25 =	sadd.s32 s18, s19;
	s26 =	sadd.s32 s18, s20;
	s19 =	sadd.s32 s19, s1  }
0x10: {  	s20 =	sadd.s32 s20, s1;
	s11 =	sadd.s32 s4, s3;
	s4 =	sadd.s32 $0xCE00, s3  }
0x11: {  	s3 =	sadd.s32 $0x64E00, s3;
	s21 =	sshrl.u32 s21, $0x3;
	s14 =	sshrl.u32 s14, $0x3  }
0x12: {  	s23 =	sshrl.u32 s17, $0x3;
	s21 =	sadd.s32 s3, s21;
	s14 =	sadd.s32 s3, s14  }
0x13: {  	s24 =	sadd.s32 s3, s23;
	s23 =	simm.s32 $0x7100;
	[dreg:$0x7] =	wrdreg s21  }
0x14: {  	[dreg:$0x8] =	wrdreg s14;
	s14 =	sshrl.u32 s15, $0x3;
	s21 =	sshrl.u32 s16, $0x3  }
0x15: {  	[dreg:$0xb] =	wrdreg s24;
	s16 =	sadd.s32 s18, s12;
	s18 =	sshrl.u32 s26, $0x3  }
0x16: {  	[dreg:$0x3] =	wrdreg s23;
	s24 =	simm.s32 $0x7180;
	s26 =	simm.s32 $0x7080  }
0x17: {  	s23 =	sadd.s32 $0x16C00, s11;
	s14 =	sadd.s32 s3, s14;
	[dreg:$0x4] =	wrdreg s24  }
0x18: {  	[dreg:$0x6] =	wrdreg s26;
	s24 =	smax.u32 s13, $0x1;
	s26 =	simm.s32 $0x5000  }
0x19: {  	[dreg:$0x9] =	wrdreg s14;
	s14 =	sadd.s32 s3, s21;
	s21 =	sshrl.u32 s16, $0x3  }
0x1a: {  	[dreg:$0xa] =	wrdreg s14;
	s14 =	sshrl.u32 s25, $0x3;
	s25 =	simm.s32 $0x7000  }
0x1b: {  	s14 =	sadd.s32 s3, s14;
	[dreg:$0x5] =	wrdreg s25;
	s25 =	simm.s32 $0x3  }
0x1c: {  	[dreg:$0xc] =	wrdreg s14;
	s14 =	sadd.s32 s3, s18;
	s18 =	sadd.s32 s3, s21  }
0x1d: {  	v1 =	vimm.f32 $0.0e+00;
	s21 =	sadd.s32 s12, s1;
	s3 =	simm.s32 $0x0;
	[dreg:$0xd] =	wrdreg s14  }
.LBB2_1:
0x1e: {  	s11 =	simm.s32 $0x0;
	s12 =	simm.s32 $0x200  }
.LBB2_2:
0x1f: {  	p0 =	sne.s32 s12, $0x9E00;
	[tilespmem:s11+$0x70] =	vst v1  }
0x20: {  	[tilespmem:s11+$0x0] =	vst v1  }
0x21: {  	[tilespmem:s11+$0x10] =	vst v1  }
.Ltmp0:
0x22: {  	[tilespmem:s11+$0x20] =	vst v1;
	(pc) =	sbr.rel @p0 .LBB2_2-.Ltmp0, $4  }
0x23: {  	[tilespmem:s11+$0x30] =	vst v1  }
0x24: {  	[tilespmem:s11+$0x40] =	vst v1  }
0x25: {  	[tilespmem:s11+$0x50] =	vst v1  }
0x26: {  	[tilespmem:s11+$0x60] =	vst v1;
	s11 =	sshra.s32 s12, $0x2;
	s12 =	sadd.s32 $0x200, s12  }
0x27: {  	[tilespmem:s11+$0x70] =	vst v1  }
0x28: {  	[tilespmem:s11+$0x0] =	vst v1  }
0x29: {  	[tilespmem:s11+$0x10] =	vst v1  }
0x2a: {  	[tilespmem:s11+$0x20] =	vst v1  }
0x2b: {  	[tilespmem:s11+$0x30] =	vst v1  }
0x2c: {  	[tilespmem:s11+$0x40] =	vst v1  }
0x2d: {  	[tilespmem:s11+$0x50] =	vst v1  }
0x2e: {  	[tilespmem:s11+$0x60] =	vst v1;
	s11 =	simm.s32 $0x0  }
0x2f: {  	[spmem:s6] =	stream.linear.scatter [tilespmem:s11], [sflag:$0x3], $0x2800, $0x38;
	[tilespmem:$0x1B200] =	vst v63  }
0x30: {  	_ =	swait.ge [sflag:s25], $0x2800  }
0x31: {  	[sflag:s25] =	ssyncset.done $0x0  }
0x32: {  	[sflag:s25] =	ssyncadd.s32 $0xFFFFD800  }
0x33: {  	[spmem:s7] =	stream.linear.scatter [tilespmem:s11], [sflag:$0x3], $0x2800, $0x38;
	[tilespmem:$0x1B200] =	vst v63  }
0x34: {  	_ =	swait.ge [sflag:s25], $0x2800  }
0x35: {  	[sflag:s25] =	ssyncset.done $0x0  }
0x36: {  	[sflag:s25] =	ssyncadd.s32 $0xFFFFD800  }
0x37: {  	[spmem:s8] =	stream.linear.scatter [tilespmem:s11], [sflag:$0x3], $0x2800, $0x38;
	[tilespmem:$0x1B200] =	vst v63  }
0x38: {  	_ =	swait.ge [sflag:s25], $0x2800  }
0x39: {  	[sflag:s25] =	ssyncset.done $0x0  }
0x3a: {  	[sflag:s25] =	ssyncadd.s32 $0xFFFFD800  }
0x3b: {  	[spmem:s9] =	stream.linear.scatter [tilespmem:s11], [sflag:$0x3], $0x2800, $0x38;
	[tilespmem:$0x1B200] =	vst v63  }
0x3c: {  	_ =	swait.ge [sflag:s25], $0x2800  }
0x3d: {  	[sflag:s25] =	ssyncset.done $0x0  }
0x3e: {  	[sflag:s25] =	ssyncadd.s32 $0xFFFFD800  }
0x3f: {  	[spmem:s10] =	stream.linear.scatter [tilespmem:s11], [sflag:$0x3], $0x2800, $0x38;
	[tilespmem:$0x1B200] =	vst v63  }
0x40: {  	_ =	swait.ge [sflag:s25], $0x2800  }
0x41: {  	[sflag:s25] =	ssyncset.done $0x0  }
0x42: {  	[sflag:s25] =	ssyncadd.s32 $0xFFFFD800  }
0x43: {  	[spmem:s19] =	stream.linear.scatter [tilespmem:s11], [sflag:$0x3], $0x2800, $0x38;
	[tilespmem:$0x1B200] =	vst v63  }
0x44: {  	_ =	swait.ge [sflag:s25], $0x2800  }
0x45: {  	[sflag:s25] =	ssyncset.done $0x0  }
0x46: {  	[sflag:s25] =	ssyncadd.s32 $0xFFFFD800  }
0x47: {  	[spmem:s20] =	stream.linear.scatter [tilespmem:s11], [sflag:$0x3], $0x2800, $0x38;
	[tilespmem:$0x1B200] =	vst v63  }
0x48: {  	_ =	swait.ge [sflag:s25], $0x2800  }
0x49: {  	[sflag:s25] =	ssyncset.done $0x0  }
0x4a: {  	[sflag:s25] =	ssyncadd.s32 $0xFFFFD800  }
0x4b: {  	[spmem:s21] =	stream.linear.scatter [tilespmem:s11], [sflag:$0x3], $0x2800, $0x38;
	[tilespmem:$0x1B200] =	vst v63  }
0x4c: {  	_ =	swait.ge [sflag:s25], $0x2800  }
0x4d: {  	[sflag:s25] =	ssyncset.done $0x0  }
0x4e: {  	[sflag:s25] =	ssyncadd.s32 $0xFFFFD800  }
0x4f: {  	[bflag:$0x0] =	sbarrier.arrive $0xFFFF  }
.LBB2_4:
0x50: {  	s12 =	smul.u32 $0xFA0, s11;
	_ =	sdelay $0x1  }
0x51: {  	s12 =	sadd.s32 s22, s12  }
0x52: {  	s12 =	sshrl.u32 s12, $0x3  }
0x53: {  	s13 =	sadd.s32 s4, s12  }
0x54: {  	[tilespmem:s26], [sflag:$0x3] =	stream.linear.gather [hbm4b:s13+s2], $0xFA0, $0x38;
	[tilespmem:$0x1B200] =	vst v63  }
0x55: {  	_ =	swait.ge [sflag:s25], $0xFA0  }
0x56: {  	[sflag:s25] =	ssyncset.done $0x0  }
0x57: {  	s16 =	simm.s32 $0x0;
	s12 =	sadd.s32 s5, s12;
	[sflag:s25] =	ssyncadd.s32 $0xFFFFF060  }
0x58: {  	[tilespmem:s28], [sflag:$0x3] =	stream.linear.gather [hbm4b:s12+s2], $0xFA0, $0x38;
	[tilespmem:$0x1B200] =	vst v63  }
0x59: {  	s14 =	sand.u32 $0x3F80, s16;
	_ =	swait.ge [sflag:s25], $0xFA0  }
0x5a: {  	s14 =	sadd.s32 $0x6000, s14;
	[sflag:s25] =	ssyncset.done $0x0  }
0x5b: {  	s13 =	sand.u32 $0x60, s16;
	s12 =	simm.s32 $0x5050;
	[sflag:s25] =	ssyncadd.s32 $0xFFFFF060  }
0x5c: {  	s15 =	sor.u32 s13, s14;
	v2 =	vld [tilespmem:s12+$0xFFFFFFB0]  }
0x5d: {  	v3 =	vld [tilespmem:s15+$0x0];
	_ =	sdelay $0x4  }
0x5e: {  	v4 =	vsub.s32 v3, v2  }
0x5f: {  	v4 =	vmul.u32 v0, v4;
	_ =	sdelay $0x1  }
0x60: {  	v2 =	vadd.s32 v2, v4  }
0x61: {  	s17 =	simm.s32 $0x10;
	v3 =	vsub.s32 v3, v4;
	[tilespmem:$0x7000] =	vst v2  }
0x62: {  	s15 =	sand.u32 $0x70, s17;
	[tilespmem:$0x7100] =	vst v3  }
0x63: {  	s14 =	sor.u32 s15, s14;
	v2 =	vld [tilespmem:s12+$0xFFFFFFC0]  }
0x64: {  	v3 =	vld [tilespmem:s14+$0x0];
	_ =	sdelay $0x4  }
0x65: {  	v4 =	vsub.s32 v3, v2  }
0x66: {  	v4 =	vmul.u32 v0, v4;
	_ =	sdelay $0x1  }
0x67: {  	v2 =	vadd.s32 v2, v4  }
0x68: {  	v3 =	vsub.s32 v3, v4;
	[tilespmem:$0x7010] =	vst v2  }
0x69: {  	s16 =	simm.s32 $0x20;
	[tilespmem:$0x7110] =	vst v3  }
0x6a: {  	s14 =	sand.u32 $0x3FE0, s16;
	v2 =	vld [tilespmem:s12+$0xFFFFFFD0]  }
0x6b: {  	v3 =	vld [tilespmem:s14+$0x6000];
	_ =	sdelay $0x4  }
0x6c: {  	v4 =	vsub.s32 v3, v2  }
0x6d: {  	v4 =	vmul.u32 v0, v4;
	_ =	sdelay $0x1  }
0x6e: {  	v2 =	vadd.s32 v2, v4  }
0x6f: {  	v3 =	vsub.s32 v3, v4;
	[tilespmem:$0x7020] =	vst v2  }
0x70: {  	s17 =	simm.s32 $0x30;
	[tilespmem:$0x7120] =	vst v3  }
0x71: {  	s14 =	sand.u32 $0x3FF0, s17;
	v2 =	vld [tilespmem:s12+$0xFFFFFFE0]  }
0x72: {  	v3 =	vld [tilespmem:s14+$0x6000];
	_ =	sdelay $0x4  }
0x73: {  	v4 =	vsub.s32 v3, v2  }
0x74: {  	v4 =	vmul.u32 v0, v4;
	_ =	sdelay $0x1  }
0x75: {  	v2 =	vadd.s32 v2, v4  }
0x76: {  	v3 =	vsub.s32 v3, v4;
	[tilespmem:$0x7030] =	vst v2  }
0x77: {  	s15 =	simm.s32 $0x40;
	[tilespmem:$0x7130] =	vst v3  }
0x78: {  	s14 =	sand.u32 $0x3FE0, s15;
	v2 =	vld [tilespmem:s12+$0xFFFFFFF0]  }
0x79: {  	v3 =	vld [tilespmem:s14+$0x6000];
	_ =	sdelay $0x4  }
0x7a: {  	v4 =	vsub.s32 v3, v2  }
0x7b: {  	v4 =	vmul.u32 v0, v4;
	_ =	sdelay $0x1  }
0x7c: {  	v2 =	vadd.s32 v2, v4  }
0x7d: {  	v3 =	vsub.s32 v3, v4;
	[tilespmem:$0x7040] =	vst v2  }
0x7e: {  	s16 =	rddreg [dreg:$0x3];
	s17 =	simm.s32 $0x50;
	[tilespmem:$0x7140] =	vst v3  }
0x7f: {  	[tilespmem:s2], [sflag:$0x1] =	stream.indirect.gather [hbm4b:s23+s29], $0x80, s16, s29, $0xb8;
	[tilespmem:$0x1B200] =	vst v63  }
0x80: {  	s16 =	sand.u32 $0x7FF0, s17;
	v2 =	vld [tilespmem:s12+$0x0]  }
0x81: {  	v3 =	vld [tilespmem:s16+$0x6000];
	_ =	sdelay $0x4  }
0x82: {  	v4 =	vsub.s32 v3, v2  }
0x83: {  	v4 =	vmul.u32 v0, v4;
	_ =	sdelay $0x1  }
0x84: {  	v2 =	vadd.s32 v2, v4  }
0x85: {  	v3 =	vsub.s32 v3, v4;
	[tilespmem:$0x7080] =	vst v2  }
0x86: {  	s17 =	simm.s32 $0x60;
	[tilespmem:$0x7180] =	vst v3  }
0x87: {  	s14 =	sand.u32 $0x7FE0, s17;
	v2 =	vld [tilespmem:s12+$0x10]  }
0x88: {  	v3 =	vld [tilespmem:s14+$0x6000];
	_ =	sdelay $0x4  }
0x89: {  	v4 =	vsub.s32 v3, v2  }
0x8a: {  	v4 =	vmul.u32 v0, v4;
	_ =	sdelay $0x1  }
0x8b: {  	v2 =	vadd.s32 v2, v4  }
0x8c: {  	v3 =	vsub.s32 v3, v4;
	[tilespmem:$0x7090] =	vst v2  }
0x8d: {  	s15 =	simm.s32 $0x70;
	[tilespmem:$0x7190] =	vst v3  }
0x8e: {  	s14 =	sand.u32 $0x7FF0, s15;
	v2 =	vld [tilespmem:s12+$0x20]  }
0x8f: {  	v3 =	vld [tilespmem:s14+$0x6000];
	_ =	sdelay $0x4  }
0x90: {  	v4 =	vsub.s32 v3, v2  }
0x91: {  	v4 =	vmul.u32 v0, v4;
	_ =	sdelay $0x1  }
0x92: {  	v2 =	vadd.s32 v2, v4  }
0x93: {  	s16 =	simm.s32 $0x80;
	v3 =	vsub.s32 v3, v4;
	[tilespmem:$0x70A0] =	vst v2  }
0x94: {  	s14 =	sand.u32 $0x7F80, s16;
	[tilespmem:$0x71A0] =	vst v3  }
0x95: {  	s13 =	sor.u32 s13, s14;
	v2 =	vld [tilespmem:s12+$0x30]  }
0x96: {  	v3 =	vld [tilespmem:s13+$0x6000];
	_ =	sdelay $0x4  }
0x97: {  	v4 =	vsub.s32 v3, v2  }
0x98: {  	v4 =	vmul.u32 v0, v4;
	_ =	sdelay $0x1  }
0x99: {  	v2 =	vadd.s32 v2, v4  }
0x9a: {  	v3 =	vsub.s32 v3, v4;
	[tilespmem:$0x70B0] =	vst v2  }
0x9b: {  	s17 =	simm.s32 $0x90;
	[tilespmem:$0x71B0] =	vst v3  }
0x9c: {  	s13 =	sand.u32 $0x7FF0, s17;
	v2 =	vld [tilespmem:s12+$0x40]  }
0x9d: {  	v4 =	vld [tilespmem:s13+$0x6000];
	_ =	sdelay $0x4  }
0x9e: {  	v3 =	vsub.s32 v4, v2  }
0x9f: {  	v5 =	vmul.u32 v0, v3;
	_ =	sdelay $0x1  }
0xa0: {  	s13 =	simm.s32 $0x130;
	v3 =	vadd.s32 v2, v5;
	v2 =	vsub.s32 v4, v5  }
.LBB2_5:
0xa1: {  	[tilespmem:$0x70C0] =	vst v3  }
0xa2: {  	[tilespmem:$0x71C0] =	vst v2  }
0xa3: {  	_ =	swait.ge [sflag:s30], $0x2800  }
0xa4: {  	[sflag:s30] =	ssyncset.done $0x0  }
0xa5: {  	s15 =	rddreg [dreg:$0x4];
	[sflag:s30] =	ssyncadd.s32 $0xFFFFD800  }
0xa6: {  	[tilespmem:s31], [sflag:$0x2] =	stream.indirect.gather [hbm4b:s23+s29], $0x80, s15, s29, $0xb8;
	[tilespmem:$0x1B200] =	vst v63  }
0xa7: {  	s16 =	rddreg [dreg:$0x5]  }
0xa8: {  	[spmem:s1] =	stream.indirect.scatter.add.f32 [tilespmem:s2], [sflag:$0x3], $0x80, s16, s29, $0xb8;
	[tilespmem:$0x1B200] =	vst v63  }
0xa9: {  	_ =	swait.ge [sflag:s25], $0x2800  }
0xaa: {  	[sflag:s25] =	ssyncset.done $0x0  }
0xab: {  	[sflag:s25] =	ssyncadd.s32 $0xFFFFD800  }
0xac: {  	_ =	swait.ge [sflag:s0], $0x2800  }
0xad: {  	[sflag:s0] =	ssyncset.done $0x0  }
0xae: {  	s14 =	smov.u32 s13;
	s17 =	rddreg [dreg:$0x6];
	[sflag:s0] =	ssyncadd.s32 $0xFFFFD800  }
0xaf: {  	[spmem:s1] =	stream.indirect.scatter.add.f32 [tilespmem:s31], [sflag:$0x3], $0x80, s17, s29, $0xb8;
	[tilespmem:$0x1B200] =	vst v63  }
0xb0: {  	s16 =	sadd.s32 $0xFFFFFF70, s14;
	_ =	swait.ge [sflag:s25], $0x2800  }
0xb1: {  	s12 =	sadd.s32 $0xA0, s12;
	s17 =	sand.u32 $0x3F80, s16;
	[sflag:s25] =	ssyncset.done $0x0  }
0xb2: {  	s15 =	sand.u32 $0x60, s16;
	s16 =	sadd.s32 $0x6000, s17;
	[sflag:s25] =	ssyncadd.s32 $0xFFFFD800  }
0xb3: {  	s17 =	sor.u32 s15, s16;
	v2 =	vld [tilespmem:s12+$0xFFFFFFB0]  }
0xb4: {  	v3 =	vld [tilespmem:s17+$0x0];
	_ =	sdelay $0x4  }
0xb5: {  	v4 =	vsub.s32 v3, v2  }
0xb6: {  	v4 =	vmul.u32 v0, v4;
	_ =	sdelay $0x1  }
0xb7: {  	v2 =	vadd.s32 v2, v4  }
0xb8: {  	s17 =	sadd.s32 $0xFFFFFF80, s14;
	v3 =	vsub.s32 v3, v4;
	[tilespmem:$0x7000] =	vst v2  }
0xb9: {  	s17 =	sand.u32 $0x70, s17;
	[tilespmem:$0x7100] =	vst v3  }
0xba: {  	s16 =	sor.u32 s17, s16;
	v2 =	vld [tilespmem:s12+$0xFFFFFFC0]  }
0xbb: {  	v3 =	vld [tilespmem:s16+$0x0];
	_ =	sdelay $0x4  }
0xbc: {  	v4 =	vsub.s32 v3, v2  }
0xbd: {  	v4 =	vmul.u32 v0, v4;
	_ =	sdelay $0x1  }
0xbe: {  	v2 =	vadd.s32 v2, v4  }
0xbf: {  	v3 =	vsub.s32 v3, v4;
	[tilespmem:$0x7010] =	vst v2  }
0xc0: {  	s17 =	sadd.s32 $0xFFFFFF90, s14;
	[tilespmem:$0x7110] =	vst v3  }
0xc1: {  	s16 =	sand.u32 $0x3FE0, s17;
	v2 =	vld [tilespmem:s12+$0xFFFFFFD0]  }
0xc2: {  	v3 =	vld [tilespmem:s16+$0x6000];
	_ =	sdelay $0x4  }
0xc3: {  	v4 =	vsub.s32 v3, v2  }
0xc4: {  	v4 =	vmul.u32 v0, v4;
	_ =	sdelay $0x1  }
0xc5: {  	v2 =	vadd.s32 v2, v4  }
0xc6: {  	v3 =	vsub.s32 v3, v4;
	[tilespmem:$0x7020] =	vst v2  }
0xc7: {  	s17 =	sadd.s32 $0xFFFFFFA0, s14;
	[tilespmem:$0x7120] =	vst v3  }
0xc8: {  	s16 =	sand.u32 $0x3FF0, s17;
	v2 =	vld [tilespmem:s12+$0xFFFFFFE0]  }
0xc9: {  	v3 =	vld [tilespmem:s16+$0x6000];
	_ =	sdelay $0x4  }
0xca: {  	v4 =	vsub.s32 v3, v2  }
0xcb: {  	v4 =	vmul.u32 v0, v4;
	_ =	sdelay $0x1  }
0xcc: {  	v2 =	vadd.s32 v2, v4  }
0xcd: {  	v3 =	vsub.s32 v3, v4;
	[tilespmem:$0x7030] =	vst v2  }
0xce: {  	s17 =	sadd.s32 $0xFFFFFFB0, s14;
	[tilespmem:$0x7130] =	vst v3  }
0xcf: {  	s16 =	sand.u32 $0x3FE0, s17;
	v2 =	vld [tilespmem:s12+$0xFFFFFFF0]  }
0xd0: {  	v3 =	vld [tilespmem:s16+$0x6000];
	_ =	sdelay $0x4  }
0xd1: {  	v4 =	vsub.s32 v3, v2  }
0xd2: {  	v4 =	vmul.u32 v0, v4;
	_ =	sdelay $0x1  }
0xd3: {  	v2 =	vadd.s32 v2, v4  }
0xd4: {  	v3 =	vsub.s32 v3, v4;
	[tilespmem:$0x7040] =	vst v2  }
0xd5: {  	s17 =	rddreg [dreg:$0x3];
	s16 =	sadd.s32 $0xFFFFFFC0, s14;
	[tilespmem:$0x7140] =	vst v3  }
0xd6: {  	[tilespmem:s2], [sflag:$0x1] =	stream.indirect.gather [hbm4b:s23+s29], $0x80, s17, s29, $0xb8;
	[tilespmem:$0x1B200] =	vst v63  }
0xd7: {  	s16 =	sand.u32 $0x7FF0, s16;
	v2 =	vld [tilespmem:s12+$0x0]  }
0xd8: {  	v3 =	vld [tilespmem:s16+$0x6000];
	_ =	sdelay $0x4  }
0xd9: {  	v4 =	vsub.s32 v3, v2  }
0xda: {  	v4 =	vmul.u32 v0, v4;
	_ =	sdelay $0x1  }
0xdb: {  	v2 =	vadd.s32 v2, v4  }
0xdc: {  	v3 =	vsub.s32 v3, v4;
	[tilespmem:$0x7080] =	vst v2  }
0xdd: {  	s17 =	sadd.s32 $0xFFFFFFD0, s14;
	[tilespmem:$0x7180] =	vst v3  }
0xde: {  	s16 =	sand.u32 $0x7FE0, s17;
	v2 =	vld [tilespmem:s12+$0x10]  }
0xdf: {  	v3 =	vld [tilespmem:s16+$0x6000];
	_ =	sdelay $0x4  }
0xe0: {  	v4 =	vsub.s32 v3, v2  }
0xe1: {  	v4 =	vmul.u32 v0, v4;
	_ =	sdelay $0x1  }
0xe2: {  	v2 =	vadd.s32 v2, v4  }
0xe3: {  	v3 =	vsub.s32 v3, v4;
	[tilespmem:$0x7090] =	vst v2  }
0xe4: {  	s17 =	sadd.s32 $0xFFFFFFE0, s14;
	[tilespmem:$0x7190] =	vst v3  }
0xe5: {  	s16 =	sand.u32 $0x7FF0, s17;
	v2 =	vld [tilespmem:s12+$0x20]  }
0xe6: {  	v3 =	vld [tilespmem:s16+$0x6000];
	_ =	sdelay $0x4  }
0xe7: {  	v4 =	vsub.s32 v3, v2  }
0xe8: {  	v4 =	vmul.u32 v0, v4;
	_ =	sdelay $0x1  }
0xe9: {  	v2 =	vadd.s32 v2, v4  }
0xea: {  	s17 =	sadd.s32 $0xFFFFFFF0, s14;
	v3 =	vsub.s32 v3, v4;
	[tilespmem:$0x70A0] =	vst v2  }
0xeb: {  	s16 =	sand.u32 $0x7F80, s17;
	[tilespmem:$0x71A0] =	vst v3  }
0xec: {  	s15 =	sor.u32 s15, s16;
	v2 =	vld [tilespmem:s12+$0x30]  }
0xed: {  	v3 =	vld [tilespmem:s15+$0x6000];
	_ =	sdelay $0x4  }
0xee: {  	v4 =	vsub.s32 v3, v2  }
0xef: {  	v4 =	vmul.u32 v0, v4;
	_ =	sdelay $0x1  }
0xf0: {  	v2 =	vadd.s32 v2, v4  }
0xf1: {  	v3 =	vsub.s32 v3, v4;
	[tilespmem:$0x70B0] =	vst v2  }
0xf2: {  	[tilespmem:$0x71B0] =	vst v3  }
0xf3: {  	s14 =	sand.u32 $0x7FF0, s14;
	v2 =	vld [tilespmem:s12+$0x40]  }
0xf4: {  	v4 =	vld [tilespmem:s14+$0x6000];
	_ =	sdelay $0x2  }
0xf5: {  	p0 =	sne.s32 s13, $0xF90  }
.Ltmp1:
0xf6: {  	_ = 	snop;
	(pc) =	sbr.rel @p0 .LBB2_5-.Ltmp1, $3  }
0xf7: {  	v3 =	vsub.s32 v4, v2  }
0xf8: {  	v5 =	vmul.u32 v0, v3;
	_ =	sdelay $0x1  }
0xf9: {  	s13 =	sadd.s32 $0xA0, s13;
	v3 =	vadd.s32 v2, v5;
	v2 =	vsub.s32 v4, v5  }
0xfa: {  	[tilespmem:$0x70C0] =	vst v3  }
0xfb: {  	[tilespmem:$0x71C0] =	vst v2  }
0xfc: {  	_ =	swait.ge [sflag:s30], $0x2800  }
0xfd: {  	[sflag:s30] =	ssyncset.done $0x0  }
0xfe: {  	s12 =	rddreg [dreg:$0x4];
	[sflag:s30] =	ssyncadd.s32 $0xFFFFD800  }
0xff: {  	[tilespmem:s31], [sflag:$0x2] =	stream.indirect.gather [hbm4b:s23+s29], $0x80, s12, s29, $0xb8;
	[tilespmem:$0x1B200] =	vst v63  }
0x100: {  	s13 =	rddreg [dreg:$0x5]  }
0x101: {  	[spmem:s1] =	stream.indirect.scatter.add.f32 [tilespmem:s2], [sflag:$0x3], $0x80, s13, s29, $0xb8;
	[tilespmem:$0x1B200] =	vst v63  }
0x102: {  	_ =	swait.ge [sflag:s25], $0x2800  }
0x103: {  	[sflag:s25] =	ssyncset.done $0x0  }
0x104: {  	[sflag:s25] =	ssyncadd.s32 $0xFFFFD800  }
0x105: {  	s11 =	sadd.s32 $0x1, s11;
	_ =	swait.ge [sflag:s0], $0x2800  }
0x106: {  	p0 =	sne.s32 s11, $0x5;
	[sflag:s0] =	ssyncset.done $0x0  }
.Ltmp2:
0x107: {  	s17 =	rddreg [dreg:$0x6];
	[sflag:s0] =	ssyncadd.s32 $0xFFFFD800;
	(pc) =	sbr.rel @p0 .LBB2_4-.Ltmp2, $4  }
0x108: {  	[spmem:s1] =	stream.indirect.scatter.add.f32 [tilespmem:s31], [sflag:$0x3], $0x80, s17, s29, $0xb8;
	[tilespmem:$0x1B200] =	vst v63  }
0x109: {  	_ =	swait.ge [sflag:s25], $0x2800  }
0x10a: {  	[sflag:s25] =	ssyncset.done $0x0  }
0x10b: {  	[sflag:s25] =	ssyncadd.s32 $0xFFFFD800  }
0x10c: {  	[bflag:$0x0] =	sbarrier.arrive $0xFFFF  }
0x10d: {  	[tilespmem:s2], [sflag:$0x3] =	stream.linear.gather [spmem:s6], $0x2800, $0x38;
	[tilespmem:$0x1B200] =	vst v63  }
0x10e: {  	_ =	swait.ge [sflag:s25], $0x2800  }
0x10f: {  	[sflag:s25] =	ssyncset.done $0x0  }
0x110: {  	s11 =	rddreg [dreg:$0x7];
	[sflag:s25] =	ssyncadd.s32 $0xFFFFD800  }
0x111: {  	[hbm4b:s11+s2] =	stream.linear.scatter [tilespmem:s2], [sflag:$0x3], $0x2800, $0x38;
	[tilespmem:$0x1B200] =	vst v63  }
0x112: {  	_ =	swait.ge [sflag:s25], $0x2800  }
0x113: {  	[sflag:s25] =	ssyncset.done $0x0  }
0x114: {  	[sflag:s25] =	ssyncadd.s32 $0xFFFFD800  }
0x115: {  	[tilespmem:s2], [sflag:$0x3] =	stream.linear.gather [spmem:s7], $0x2800, $0x38;
	[tilespmem:$0x1B200] =	vst v63  }
0x116: {  	_ =	swait.ge [sflag:s25], $0x2800  }
0x117: {  	[sflag:s25] =	ssyncset.done $0x0  }
0x118: {  	s12 =	rddreg [dreg:$0x8];
	[sflag:s25] =	ssyncadd.s32 $0xFFFFD800  }
0x119: {  	[hbm4b:s12+s2] =	stream.linear.scatter [tilespmem:s2], [sflag:$0x3], $0x2800, $0x38;
	[tilespmem:$0x1B200] =	vst v63  }
0x11a: {  	_ =	swait.ge [sflag:s25], $0x2800  }
0x11b: {  	[sflag:s25] =	ssyncset.done $0x0  }
0x11c: {  	[sflag:s25] =	ssyncadd.s32 $0xFFFFD800  }
0x11d: {  	[tilespmem:s2], [sflag:$0x3] =	stream.linear.gather [spmem:s8], $0x2800, $0x38;
	[tilespmem:$0x1B200] =	vst v63  }
0x11e: {  	_ =	swait.ge [sflag:s25], $0x2800  }
0x11f: {  	[sflag:s25] =	ssyncset.done $0x0  }
0x120: {  	s13 =	rddreg [dreg:$0x9];
	[sflag:s25] =	ssyncadd.s32 $0xFFFFD800  }
0x121: {  	[hbm4b:s13+s2] =	stream.linear.scatter [tilespmem:s2], [sflag:$0x3], $0x2800, $0x38;
	[tilespmem:$0x1B200] =	vst v63  }
0x122: {  	_ =	swait.ge [sflag:s25], $0x2800  }
0x123: {  	[sflag:s25] =	ssyncset.done $0x0  }
0x124: {  	[sflag:s25] =	ssyncadd.s32 $0xFFFFD800  }
0x125: {  	[tilespmem:s2], [sflag:$0x3] =	stream.linear.gather [spmem:s9], $0x2800, $0x38;
	[tilespmem:$0x1B200] =	vst v63  }
0x126: {  	_ =	swait.ge [sflag:s25], $0x2800  }
0x127: {  	[sflag:s25] =	ssyncset.done $0x0  }
0x128: {  	s14 =	rddreg [dreg:$0xa];
	[sflag:s25] =	ssyncadd.s32 $0xFFFFD800  }
0x129: {  	[hbm4b:s14+s2] =	stream.linear.scatter [tilespmem:s2], [sflag:$0x3], $0x2800, $0x38;
	[tilespmem:$0x1B200] =	vst v63  }
0x12a: {  	_ =	swait.ge [sflag:s25], $0x2800  }
0x12b: {  	[sflag:s25] =	ssyncset.done $0x0  }
0x12c: {  	[sflag:s25] =	ssyncadd.s32 $0xFFFFD800  }
0x12d: {  	[tilespmem:s2], [sflag:$0x3] =	stream.linear.gather [spmem:s10], $0x2800, $0x38;
	[tilespmem:$0x1B200] =	vst v63  }
0x12e: {  	_ =	swait.ge [sflag:s25], $0x2800  }
0x12f: {  	[sflag:s25] =	ssyncset.done $0x0  }
0x130: {  	s15 =	rddreg [dreg:$0xb];
	[sflag:s25] =	ssyncadd.s32 $0xFFFFD800  }
0x131: {  	[hbm4b:s15+s2] =	stream.linear.scatter [tilespmem:s2], [sflag:$0x3], $0x2800, $0x38;
	[tilespmem:$0x1B200] =	vst v63  }
0x132: {  	_ =	swait.ge [sflag:s25], $0x2800  }
0x133: {  	[sflag:s25] =	ssyncset.done $0x0  }
0x134: {  	[sflag:s25] =	ssyncadd.s32 $0xFFFFD800  }
0x135: {  	[tilespmem:s2], [sflag:$0x3] =	stream.linear.gather [spmem:s19], $0x2800, $0x38;
	[tilespmem:$0x1B200] =	vst v63  }
0x136: {  	_ =	swait.ge [sflag:s25], $0x2800  }
0x137: {  	[sflag:s25] =	ssyncset.done $0x0  }
0x138: {  	s16 =	rddreg [dreg:$0xc];
	[sflag:s25] =	ssyncadd.s32 $0xFFFFD800  }
0x139: {  	[hbm4b:s16+s2] =	stream.linear.scatter [tilespmem:s2], [sflag:$0x3], $0x2800, $0x38;
	[tilespmem:$0x1B200] =	vst v63  }
0x13a: {  	_ =	swait.ge [sflag:s25], $0x2800  }
0x13b: {  	[sflag:s25] =	ssyncset.done $0x0  }
0x13c: {  	[sflag:s25] =	ssyncadd.s32 $0xFFFFD800  }
0x13d: {  	[tilespmem:s2], [sflag:$0x3] =	stream.linear.gather [spmem:s20], $0x2800, $0x38;
	[tilespmem:$0x1B200] =	vst v63  }
0x13e: {  	_ =	swait.ge [sflag:s25], $0x2800  }
0x13f: {  	[sflag:s25] =	ssyncset.done $0x0  }
0x140: {  	s17 =	rddreg [dreg:$0xd];
	[sflag:s25] =	ssyncadd.s32 $0xFFFFD800  }
0x141: {  	[hbm4b:s17+s2] =	stream.linear.scatter [tilespmem:s2], [sflag:$0x3], $0x2800, $0x38;
	[tilespmem:$0x1B200] =	vst v63  }
0x142: {  	_ =	swait.ge [sflag:s25], $0x2800  }
0x143: {  	[sflag:s25] =	ssyncset.done $0x0  }
0x144: {  	[sflag:s25] =	ssyncadd.s32 $0xFFFFD800  }
0x145: {  	[tilespmem:s2], [sflag:$0x3] =	stream.linear.gather [spmem:s21], $0x2800, $0x38;
	[tilespmem:$0x1B200] =	vst v63  }
0x146: {  	s3 =	sadd.s32 $0x1, s3;
	_ =	swait.ge [sflag:s25], $0x2800  }
0x147: {  	p0 =	sne.s32 s3, s24;
	[sflag:s25] =	ssyncset.done $0x0  }
.Ltmp3:
0x148: {  	[sflag:s25] =	ssyncadd.s32 $0xFFFFD800;
	(pc) =	sbr.rel @p0 .LBB2_1-.Ltmp3, $4  }
0x149: {  	[hbm4b:s18+s2] =	stream.linear.scatter [tilespmem:s2], [sflag:$0x3], $0x2800, $0x38;
	[tilespmem:$0x1B200] =	vst v63  }
0x14a: {  	_ =	swait.ge [sflag:s25], $0x2800  }
0x14b: {  	[sflag:s25] =	ssyncset.done $0x0  }
0x14c: {  	[sflag:s25] =	ssyncadd.s32 $0xFFFFD800  }
0x14d: {  	_ =	sfence.sel $0x180000  }
0x14e: {  	[bflag:$0x0] =	sbarrier.arrive $0xFFFF  }
0x14f: {  	_ =	strace $0x9000004A  }
0x150: {  	s0 =	stileid.u32;
	[bflag:$0x2] =	sbarrier.arrive $0xFFFF  }
0x151: {  	p0 =	sne.s32 s0, $0x0;
	s0 =	rddreg [dreg:$0x2]  }
0x152: {  	s0 =	sadd.s32 @!p0 $0x100000, s0  }
0x153: {  	[sflag:s0] =	ssyncadd.tile.s32 @!p0 $0x1;
	_ =	shalt  }
.Lfunc_end2:
_tile_overlayer_lowered:
.L_overlay_start_2:
0x154: {  	(tag) =	ssettag $0x2  }
0x155: {  	s0 =	rddreg [dreg:$0x0];
	s2 =	stileid.u32  }
0x156: {  	s1 =	rddreg [dreg:$0x1];
	p0 =	sne.s32 s2, $0x0  }
0x157: {  	s3 =	rddreg [dreg:$0x2];
	[bflag:$0x3] =	sbarrier.arrive $0xFFFF;
	s2 =	simm.s32 @!p0 $0x1C03  }
0x158: {  	[timem:s3], [sflag:s2] =	dma.local @!p0 [hbm:s0], s1  }
0x159: {  	s0 =	simm.s32 @!p0 $0x3  }
0x15a: {  	_ =	swait.ge @!p0 [sflag:s0], s1  }
0x15b: {  	s1 =	ssub.s32 @!p0 $0x0, s1;
	[sflag:s0] =	ssyncset.done @!p0 $0x0  }
0x15c: {  	[sflag:s0] =	ssyncadd.s32 @!p0 s1  }
0x15d: {  	[bflag:$0x3] =	sbarrier.arrive $0xFFFF  }
0x15e: {  	_ =	shalt  }

// kernel: seg_sum_counts.3.cloned.1.call-start
scs
__scs_entry_jumppad:
0x0: {  	(pc) =	sbr.rel $0x88, $3  }
0x1: {  	(tag) =	ssettag $0x0;
	lr =	simm.s32 $0x1  }
0x2: {  	[smem:$0x3F8E] =	sst lr;
	_ =	strace $0xD0000000  }
0x3: {  	_ = 	snop  }
0x4: {  	_ = 	snop  }
0x5: {  	_ = 	snop  }
0x6: {  	_ = 	snop  }
0x7: {  	_ = 	snop  }
__scs_overlays_trampoline_lowered:
0x8: {  	[smem:$0x3F9D] =	sst s0  }
0x9: {  	[smem:$0x3F9E] =	sst s1  }
0xa: {  	[smem:$0x3F9F] =	sst s2  }
0xb: {  	[smem:$0x3FA0] =	sst s3  }
0xc: {  	[smem:$0x3FA1] =	sst s4  }
0xd: {  	[smem:$0x3FA2] =	sst s5  }
0xe: {  	[smem:$0x3FA3] =	sst s6  }
0xf: {  	[smem:$0x3FA4] =	sst s7  }
0x10: {  	[smem:$0x3FA5] =	sst s8  }
0x11: {  	[smem:$0x3FA6] =	sst s9;
	s0 =	simm.s32 @!p0 $0x0  }
0x12: {  	s1 =	sld [smem:$0x3F8C];
	s0 =	simm.s32 @p0 $0x1  }
0x13: {  	[smem:$0x3FA7] =	sst s0;
	s0 =	simm.s32 @!p1 $0x0  }
0x14: {  	s2 =	sld [smem:$0x3F8B];
	s0 =	simm.s32 @p1 $0x1  }
0x15: {  	[smem:$0x3FA8] =	sst s0;
	s0 =	simm.s32 @!p2 $0x0  }
0x16: {  	s3 =	sld [smem:$0x3FDB];
	s0 =	simm.s32 @p2 $0x1  }
0x17: {  	s4 =	simm.s32 $0x1BF5;
	[smem:$0x3FAA] =	sst s0  }
0x18: {  	s0 =	sld [smem:$0x3F8D];
	_ =	swait.ge [sflag:s4], $0x0  }
0x19: {  	s7 =	sld [smem:$0x3F8E]  }
0x1a: {  	s8 =	sadd.s32 $0xFFFFE003, lr  }
0x1b: {  	s9 =	sadd.s32 $0xFFFFFEF7, lr;
	s5 =	simm.s32 $0xFFFFFFFF;
	p2 =	slt.u32 s8, $0xFFFFF086  }
0x1c: {  	p1 =	slt.u32 s9, $0xF7A;
	s5 =	simm.s32 @!p2 $0x0  }
0x1d: {  	s5 =	simm.s32 @p1 $0x1;
	p0 =	seq.s32 s7, s2  }
0x1e: {  	s7 =	smul.u32 @!p0 $0xF7A, s2;
	p2 =	seq.s32 @!p0 s5, $0x0  }
0x1f: {  	s9 =	smul.u32 $0xF7A, s1;
	s8 =	simm.s32 @!p0 $0x1BF5;
	p2 =	por !p2, p0  }
0x20: {  	[sflag:s8] =	ssyncset.s32 @!p0 $0xFFFFF086;
	s6 =	sadd.s32 @!p0 s3, s7;
	s7 =	simm.s32 @!p0 $0x108  }
0x21: {  	s3 =	sadd.s32 s3, s9;
	s6 =	sadd.s32 @!p0 $0x88, s6;
	s7 =	simm.s32 @p2 $0x1082  }
0x22: {  	[simem:s7], [sflag:s8] =	dma.local @!p0 [hbm:s6], $0xF7A  }
0x23: {  	s9 =	sor.u32 $0xD0000000, s2;
	s6 =	simm.s32 $0x108;
	_ =	swait.ge @!p0 [sflag:s8], $0x0  }
0x24: {  	s3 =	sadd.s32 $0x88, s3;
	s6 =	simm.s32 @!p1 $0x1082;
	[sflag:s4] =	ssyncset.s32 $0xFFFFF086  }
0x25: {  	[simem:s6], [sflag:s4] =	dma.local [hbm:s3], $0xF7A  }
0x26: {  	[smem:$0x3F8E] =	sst s1;
	(tag) =	ssettag s2;
	_ =	strace s9  }
0x27: {  	s1 =	sld [smem:$0x3F9E]  }
0x28: {  	s2 =	sld [smem:$0x3F9F]  }
0x29: {  	s4 =	sld [smem:$0x3FA1]  }
0x2a: {  	p0 =	seq.s32 s5, $0x0;
	s5 =	sld [smem:$0x3FA2]  }
0x2b: {  	s6 =	sld [smem:$0x3FA3]  }
0x2c: {  	s7 =	sld [smem:$0x3FA4]  }
0x2d: {  	s3 =	simm.s32 $0x108;
	s8 =	sld [smem:$0x3FA5]  }
0x2e: {  	s3 =	simm.s32 @!p0 $0x1082;
	s9 =	sld [smem:$0x3FA6]  }
0x2f: {  	lr =	sadd.s32 s0, s3;
	s0 =	sld [smem:$0x3F9D]  }
0x30: {  	s3 =	sld [smem:$0x3FA0]  }
0x31: {  	[smem:$0x3FA9] =	sst s10  }
0x32: {  	s10 =	sld [smem:$0x3FA7];
	_ =	sdelay $0x3  }
0x33: {  	p0 =	seq.s32 s10, $0x1;
	s10 =	sld [smem:$0x3FA9];
	_ =	sdelay $0x3  }
0x34: {  	[smem:$0x3FA9] =	sst s10  }
0x35: {  	s10 =	sld [smem:$0x3FA8];
	_ =	sdelay $0x3  }
0x36: {  	p1 =	seq.s32 s10, $0x1;
	s10 =	sld [smem:$0x3FA9];
	_ =	sdelay $0x3  }
0x37: {  	[smem:$0x3FA9] =	sst s10  }
0x38: {  	s10 =	sld [smem:$0x3FAA]  }
0x39: {  	_ = 	snop;
	(pc) =	sbr.ind lr, $3  }
0x3a: {  	_ = 	snop  }
0x3b: {  	_ = 	snop  }
0x3c: {  	p2 =	seq.s32 s10, $0x1;
	s10 =	sld [smem:$0x3FA9]  }
0x3d: {  	_ =	shalt  }
0x3e: {  	_ =	shalt  }
0x3f: {  	_ =	shalt  }
0x40: {  	_ =	shalt  }
0x41: {  	_ =	shalt  }
0x42: {  	_ =	shalt  }
0x43: {  	_ =	shalt  }
0x44: {  	_ =	shalt  }
0x45: {  	_ =	shalt  }
0x46: {  	_ =	shalt  }
0x47: {  	_ =	shalt  }
0x48: {  	_ =	shalt  }
0x49: {  	_ =	shalt  }
0x4a: {  	_ =	shalt  }
0x4b: {  	_ =	shalt  }
0x4c: {  	_ =	shalt  }
0x4d: {  	_ =	shalt  }
0x4e: {  	_ =	shalt  }
0x4f: {  	_ =	shalt  }
0x50: {  	_ =	shalt  }
0x51: {  	_ =	shalt  }
0x52: {  	_ =	shalt  }
0x53: {  	_ =	shalt  }
0x54: {  	_ =	shalt  }
0x55: {  	_ =	shalt  }
0x56: {  	_ =	shalt  }
0x57: {  	_ =	shalt  }
0x58: {  	_ =	shalt  }
0x59: {  	_ =	shalt  }
0x5a: {  	_ =	shalt  }
0x5b: {  	_ =	shalt  }
0x5c: {  	_ =	shalt  }
0x5d: {  	_ =	shalt  }
0x5e: {  	_ =	shalt  }
0x5f: {  	_ =	shalt  }
0x60: {  	_ =	shalt  }
0x61: {  	_ =	shalt  }
0x62: {  	_ =	shalt  }
0x63: {  	_ =	shalt  }
0x64: {  	_ =	shalt  }
0x65: {  	_ =	shalt  }
0x66: {  	_ =	shalt  }
0x67: {  	_ =	shalt  }
0x68: {  	_ =	shalt  }
0x69: {  	_ =	shalt  }
0x6a: {  	_ =	shalt  }
0x6b: {  	_ =	shalt  }
0x6c: {  	_ =	shalt  }
0x6d: {  	_ =	shalt  }
0x6e: {  	_ =	shalt  }
0x6f: {  	_ =	shalt  }
0x70: {  	_ =	shalt  }
0x71: {  	_ =	shalt  }
0x72: {  	_ =	shalt  }
0x73: {  	_ =	shalt  }
0x74: {  	_ =	shalt  }
0x75: {  	_ =	shalt  }
0x76: {  	_ =	shalt  }
0x77: {  	_ =	shalt  }
0x78: {  	_ =	shalt  }
0x79: {  	_ =	shalt  }
0x7a: {  	_ =	shalt  }
0x7b: {  	_ =	shalt  }
0x7c: {  	_ =	shalt  }
0x7d: {  	_ =	shalt  }
0x7e: {  	_ =	shalt  }
0x7f: {  	_ =	shalt  }
0x80: {  	_ =	shalt  }
0x81: {  	_ =	shalt  }
0x82: {  	_ =	shalt  }
0x83: {  	_ =	shalt  }
0x84: {  	_ =	shalt  }
0x85: {  	_ =	shalt  }
0x86: {  	_ =	shalt  }
0x87: {  	_ =	shalt  }
.Lfunc_end0:
.L_simem_size_0:
called_computation_lowered:
.L_overlay_start_0:
0x88: {  	s2 =	sld [smem:$0x3FD9]  }
0x89: {  	s3 =	sld [smem:$0x3FFE];
	_ =	sdelay $0x1  }
0x8a: {  	s1 =	srdreg.scid  }
0x8b: {  	s0 =	sand.u32 $0x1, s1  }
0x8c: {  	s16 =	sshll.u32 s0, $0xA;
	s2 =	sadd.s32 s3, s2  }
0x8d: {  	s2 =	sadd.s32 s2, s16  }
0x8e: {  	[smem:$0x3FB5] =	sst s2  }
0x8f: {  	_ = 	snop  }
0x90: {  	(tm) =	ssettm $0x1  }
0x91: {  	s17 =	sld [smem:$0x3FFB];
	_ =	sdelay $0x3  }
0x92: {  	_ =	strace s17  }
0x93: {  	s2 =	sld [smem:$0x3FFC];
	_ =	sdelay $0x3  }
0x94: {  	_ =	strace s2  }
0x95: {  	s2 =	sld [smem:$0x3FFD];
	_ =	sdelay $0x3  }
0x96: {  	_ =	strace s2  }
0x97: {  	_ =	strace $0x8FFFFFFF  }
0x98: {  	s18 =	sld [smem:$0x3FDB];
	_ =	sdelay $0x1  }
0x99: {  	s19 =	simm.s32 $_scs_section_size  }
0x9a: {  	s4 =	simm.s32 $_size__tile_overlayer_lowered;
	s5 =	simm.s32 $_tile_overlayer_lowered  }
0x9b: {  	s22 =	simm.s32 $0x1BFF;
	s21 =	sshll.u32 s5, $0x1;
	s2 =	sadd.s32 s19, s18  }
0x9c: {  	s6 =	simm.s32 $0x0;
	s20 =	sshll.u32 s4, $0x1;
	s4 =	sadd.s32 s21, s2  }
0x9d: {  	[timem:s6], [sflag:s22] =	dma.local [hbm:s4], s20  }
0x9e: {  	_ =	swait.ge [sflag:s22], s20  }
0x9f: {  	s3 =	ssub.s32 $0x0, s20;
	[sflag:s22] =	ssyncset.done $0x0  }
0xa0: {  	[sflag:s22] =	ssyncadd.s32 s3;
	_ =	sdelay $0x1  }
0xa1: {  	s23 =	simm.s32 $0x1B8B  }
0xa2: {  	_ =	swait.ge [sflag:s23], $0x1  }
0xa3: {  	[sflag:s23] =	ssyncset.done $0x0  }
0xa4: {  	s25 =	simm.s32 $0x1B8E;
	s24 =	sld [smem:$0x3FFE];
	[sflag:s23] =	ssyncadd.s32 $0xFFFFFFFF  }
0xa5: {  	s26 =	simm.s32 $execute0_lowered;
	[smem:$0x3FD2] =	sst s25  }
0xa6: {  	s4 =	sshll.u32 s26, $0x1;
	_ =	strace $0x80000046;
	[dreg:$0x1] =	wrdreg $0xFFFFFFFF  }
0xa7: {  	s28 =	simm.s32 $_size_execute0_lowered;
	s2 =	sadd.s32 s2, s4;
	[dreg:$0x0] =	wrdreg $0x0  }
0xa8: {  	s4 =	sshll.u32 s28, $0x1;
	[dreg:$0x2] =	wrdreg s2  }
0xa9: {  	[dreg:$0x3] =	wrdreg s4  }
0xaa: {  	[dreg:$0x4] =	wrdreg $0xC0  }
0xab: {  	_ =	task [dreg:s6], $0x5FFFF  }
0xac: {  	[dreg:$0x1] =	wrdreg $0xFFFFFFFF  }
0xad: {  	[dreg:$0x0] =	wrdreg $0x60  }
0xae: {  	[dreg:$0x2] =	wrdreg s24  }
0xaf: {  	[dreg:$0x3] =	wrdreg $0x9A000  }
0xb0: {  	[dreg:$0x4] =	wrdreg $0x9  }
0xb1: {  	_ =	task.clear_ibuf [dreg:s6], $0x5FFFF;
	_ =	strace $0x90000046  }
0xb2: {  	s29 =	simm.s32 $0x9;
	_ =	strace $0x80000048  }
0xb3: {  	_ =	swait.ge [sflag:s29], $0x1  }
0xb4: {  	[sflag:s29] =	ssyncadd.s32 $0xFFFFFFFF  }
0xb5: {  	_ =	strace $0x90000048  }
0xb6: {  	_ =	sfence  }
0xb7: {  	s30 =	sld [smem:$0x0];
	_ =	sdelay $0x2  }
0xb8: {  	s31 =	sshll.u32 s1, $0xD;
	s1 =	sshrl.u32 s1, $0x2  }
0xb9: {  	s3 =	sand.u32 $0x4000, s31;
	s1 =	sadd.s32 s1, s30  }
0xba: {  	s0 =	sor.u32 s3, s0;
	s1 =	sshll.u32 s1, $0x11  }
0xbb: {  	s0 =	sor.u32 s1, s0  }
0xbc: {  	s0 =	sadd.s32 $0x8F2B, s0  }
0xbd: {  	[sflag:s0] =	ssyncadd.remote.s32 $0x1  }
0xbe: {  	_ =	sfence.sel $0xFFFF  }
0xbf: {  	[dreg:$0x0] =	wrdreg $0xFFFFFFFF;
	(pc) =	sbr.abs _section_cstart, $3  }
0xc0: {  	[dreg:$0x1] =	wrdreg $0xFFFFFFFF  }
0xc1: {  	_ =	task.clear_ibuf [dreg:s6], $0x2FFFF;
	_ =	strace $0x9FFFFFFF  }
0xc2: {  	(tm) =	ssettm $0x7FFFFFFF  }
0xc3: {  	_ =	shalt  }
tec
execute0_lowered:
.L_overlay_start_1:
0x0: {  	(tag) =	ssettag $0x1  }
0x1: {  	s0 =	rddreg [dreg:$0x0]  }
0x2: {  	s2 =	rddreg [dreg:$0x1]  }
0x3: {  	s1 =	srdreg.scid;
	s25 =	stileid.u32;
	s3 =	simm.s32 $0x0  }
0x4: {  	s28 =	simm.s32 $0x5000;
	s29 =	simm.s32 $0x6000;
	s30 =	simm.s32 $0x7200  }
0x5: {  	s31 =	simm.s32 $0x50;
	s5 =	sand.u32 $0x1, s1;
	s4 =	sshrl.u32 s25, $0x3  }
0x6: {  	[smem:$0x7FF] =	sst s3;
	s7 =	sadd.s32 $0x6EE00, s0;
	s10 =	smul.u32 $0x14000, s25  }
0x7: {  	s11 =	sshll.u32 s25, $0x7;
	s1 =	smul.u32 $0x28000, s5;
	s6 =	sxor.u32 $0x1, s5  }
0x8: {  	s4 =	smul.u32 $0x14000, s4;
	_ =	strace $0x80000047;
	s8 =	ssub.s32 $0x2, s5  }
0x9: {  	s6 =	smul.u32 $0x27100, s6;
	s9 =	sshrl.u32 s8, $0x1;
	s16 =	sadd.s32 $0x5000, s10  }
0xa: {  	s17 =	sadd.s32 $0x7800, s10;
	s18 =	sadd.s32 $0xA000, s10;
	s19 =	sadd.s32 $0xC800, s10  }
0xb: {  	s20 =	sadd.s32 $0xF000, s10;
	s1 =	sadd.s32 s1, s4;
	s4 =	sand.u32 $0x380, s11  }
0xc: {  	s1 =	sor.u32 s4, s1;
	s4 =	ssub.s32 s8, s9;
	s8 =	smul.u32 $0x140000, s5  }
0xd: {  	s21 =	sadd.s32 $0x11800, s10;
	s9 =	sor.u32 $0x2800, s10;
	s6 =	sadd.s32 s6, s0  }
0xe: {  	v0 =	vmov s5;
	s5 =	simm.s32 $0x0;
	s1 =	sshrl.u32 s1, $0x3;
	s11 =	sadd.s32 s10, s8  }
0xf: {  	s13 =	sadd.s32 s8, s9;
	s14 =	sadd.s32 s8, s16;
	s23 =	sadd.s32 s8, s18  }
0x10: {  	s24 =	sadd.s32 s8, s19;
	s26 =	sadd.s32 s8, s20;
	s1 =	sadd.s32 s1, s0  }
0x11: {  	s16 =	sadd.s32 s16, s2;
	s18 =	sadd.s32 s18, s2;
	s19 =	sadd.s32 s19, s2  }
0x12: {  	s20 =	sadd.s32 s20, s2;
	s12 =	sshrl.u32 s11, $0x3;
	s11 =	sshrl.u32 s14, $0x3  }
0x13: {  	s14 =	simm.s32 $0x7100;
	s10 =	sadd.s32 s7, s12;
	s12 =	sadd.s32 s8, s17  }
0x14: {  	s15 =	sadd.s32 s7, s11;
	s11 =	sshrl.u32 s24, $0x3;
	s8 =	sadd.s32 s8, s21  }
0x15: {  	[dreg:$0x3] =	wrdreg s14;
	s24 =	simm.s32 $0x7080;
	s17 =	sadd.s32 s17, s2  }
0x16: {  	s21 =	sadd.s32 s21, s2;
	[dreg:$0x7] =	wrdreg s10;
	s10 =	sshrl.u32 s13, $0x3  }
0x17: {  	[dreg:$0x9] =	wrdreg s15;
	s22 =	sshrl.u32 s12, $0x3;
	s11 =	sadd.s32 s7, s11  }
0x18: {  	s13 =	sshrl.u32 s26, $0x3;
	s8 =	sshrl.u32 s8, $0x3;
	[dreg:$0x6] =	wrdreg s24  }
0x19: {  	s15 =	simm.s32 $0x7180;
	s12 =	sadd.s32 $0xCE00, s0;
	[dreg:$0xc] =	wrdreg s11  }
0x1a: {  	s24 =	smax.u32 s4, $0x1;
	s10 =	sadd.s32 s7, s10;
	[dreg:$0x4] =	wrdreg s15  }
0x1b: {  	s4 =	simm.s32 $0x2;
	[dreg:$0x8] =	wrdreg s10;
	s10 =	sadd.s32 s7, s22  }
0x1c: {  	s15 =	sadd.s32 s9, s2;
	s22 =	simm.s32 $0x7000;
	[dreg:$0xa] =	wrdreg s10  }
0x1d: {  	s10 =	sshrl.u32 s23, $0x3;
	s23 =	smul.u32 $0x50000, s25;
	[dreg:$0x5] =	wrdreg s22  }
0x1e: {  	s22 =	sadd.s32 $0x16C00, s6;
	s25 =	smul.u32 $0x4E20, s25;
	s10 =	sadd.s32 s7, s10  }
0x1f: {  	[dreg:$0xb] =	wrdreg s10;
	s10 =	sadd.s32 s7, s13;
	s7 =	sadd.s32 s7, s8  }
0x20: {  	s26 =	sshrl.u32 s23, $0x2;
	s13 =	sadd.s32 $0x3000, s0;
	s23 =	sadd.s32 $0x64E00, s1  }
0x21: {  	s0 =	simm.s32 $0x1;
	s1 =	simm.s32 $0x2800;
	[dreg:$0xd] =	wrdreg s10  }
0x22: {  	v1 =	vimm.f32 $0.0e+00;
	v2 =	vimm.f32 $1.000000000e+00;
	[dreg:$0xe] =	wrdreg s7;
	s14 =	sadd.s32 s26, s2;
	s26 =	simm.s32 $0x3  }
.LBB2_1:
0x23: {  	s6 =	simm.s32 $0x0;
	s7 =	simm.s32 $0x200  }
.LBB2_2:
0x24: {  	p0 =	sne.s32 s7, $0x9E00;
	[tilespmem:s6+$0x70] =	vst v1  }
0x25: {  	[tilespmem:s6+$0x0] =	vst v1  }
0x26: {  	[tilespmem:s6+$0x10] =	vst v1  }
.Ltmp0:
0x27: {  	[tilespmem:s6+$0x20] =	vst v1;
	(pc) =	sbr.rel @p0 .LBB2_2-.Ltmp0, $4  }
0x28: {  	[tilespmem:s6+$0x30] =	vst v1  }
0x29: {  	[tilespmem:s6+$0x40] =	vst v1  }
0x2a: {  	[tilespmem:s6+$0x50] =	vst v1  }
0x2b: {  	[tilespmem:s6+$0x60] =	vst v1;
	s6 =	sshra.s32 s7, $0x2;
	s7 =	sadd.s32 $0x200, s7  }
0x2c: {  	[tilespmem:s6+$0x70] =	vst v1  }
0x2d: {  	[tilespmem:s6+$0x0] =	vst v1  }
0x2e: {  	[tilespmem:s6+$0x10] =	vst v1  }
0x2f: {  	[tilespmem:s6+$0x20] =	vst v1  }
0x30: {  	[tilespmem:s6+$0x30] =	vst v1  }
0x31: {  	[tilespmem:s6+$0x40] =	vst v1  }
0x32: {  	[tilespmem:s6+$0x50] =	vst v1  }
0x33: {  	[tilespmem:s6+$0x60] =	vst v1;
	s11 =	simm.s32 $0x0  }
0x34: {  	[spmem:s14] =	stream.linear.scatter [tilespmem:s11], [sflag:$0x3], $0x2800, $0x38;
	[tilespmem:$0x1DA00] =	vst v63  }
0x35: {  	_ =	swait.ge [sflag:s26], $0x2800  }
0x36: {  	[sflag:s26] =	ssyncset.done $0x0  }
0x37: {  	[sflag:s26] =	ssyncadd.s32 $0xFFFFD800  }
0x38: {  	[spmem:s15] =	stream.linear.scatter [tilespmem:s11], [sflag:$0x3], $0x2800, $0x38;
	[tilespmem:$0x1DA00] =	vst v63  }
0x39: {  	_ =	swait.ge [sflag:s26], $0x2800  }
0x3a: {  	[sflag:s26] =	ssyncset.done $0x0  }
0x3b: {  	[sflag:s26] =	ssyncadd.s32 $0xFFFFD800  }
0x3c: {  	[spmem:s16] =	stream.linear.scatter [tilespmem:s11], [sflag:$0x3], $0x2800, $0x38;
	[tilespmem:$0x1DA00] =	vst v63  }
0x3d: {  	_ =	swait.ge [sflag:s26], $0x2800  }
0x3e: {  	[sflag:s26] =	ssyncset.done $0x0  }
0x3f: {  	[sflag:s26] =	ssyncadd.s32 $0xFFFFD800  }
0x40: {  	[spmem:s17] =	stream.linear.scatter [tilespmem:s11], [sflag:$0x3], $0x2800, $0x38;
	[tilespmem:$0x1DA00] =	vst v63  }
0x41: {  	_ =	swait.ge [sflag:s26], $0x2800  }
0x42: {  	[sflag:s26] =	ssyncset.done $0x0  }
0x43: {  	[sflag:s26] =	ssyncadd.s32 $0xFFFFD800  }
0x44: {  	[spmem:s18] =	stream.linear.scatter [tilespmem:s11], [sflag:$0x3], $0x2800, $0x38;
	[tilespmem:$0x1DA00] =	vst v63  }
0x45: {  	_ =	swait.ge [sflag:s26], $0x2800  }
0x46: {  	[sflag:s26] =	ssyncset.done $0x0  }
0x47: {  	[sflag:s26] =	ssyncadd.s32 $0xFFFFD800  }
0x48: {  	[spmem:s19] =	stream.linear.scatter [tilespmem:s11], [sflag:$0x3], $0x2800, $0x38;
	[tilespmem:$0x1DA00] =	vst v63  }
0x49: {  	_ =	swait.ge [sflag:s26], $0x2800  }
0x4a: {  	[sflag:s26] =	ssyncset.done $0x0  }
0x4b: {  	[sflag:s26] =	ssyncadd.s32 $0xFFFFD800  }
0x4c: {  	[spmem:s20] =	stream.linear.scatter [tilespmem:s11], [sflag:$0x3], $0x2800, $0x38;
	[tilespmem:$0x1DA00] =	vst v63  }
0x4d: {  	_ =	swait.ge [sflag:s26], $0x2800  }
0x4e: {  	[sflag:s26] =	ssyncset.done $0x0  }
0x4f: {  	[sflag:s26] =	ssyncadd.s32 $0xFFFFD800  }
0x50: {  	[spmem:s21] =	stream.linear.scatter [tilespmem:s11], [sflag:$0x3], $0x2800, $0x38;
	[tilespmem:$0x1DA00] =	vst v63  }
0x51: {  	_ =	swait.ge [sflag:s26], $0x2800  }
0x52: {  	[sflag:s26] =	ssyncset.done $0x0  }
0x53: {  	s6 =	simm.s32 $0x40;
	s7 =	simm.s32 $0x0;
	[sflag:s26] =	ssyncadd.s32 $0xFFFFD800  }
.LBB2_4:
0x54: {  	p0 =	sne.s32 s6, $0x9FC0;
	[tilespmem:s7+$0x7200] =	vst v1;
	s7 =	smov.u32 s6;
	s6 =	sadd.s32 $0x40, s6  }
.Ltmp1:
0x55: {  	(pc) =	sbr.rel @p0 .LBB2_4-.Ltmp1, $2  }
0x56: {  	_ =	sdelay $0x2  }
0x57: {  	s7 =	sshra.s32 s7, $0x2  }
0x58: {  	[tilespmem:s7+$0x7200] =	vst v1  }
0x59: {  	s6 =	simm.s32 $0x0;
	[bflag:$0x0] =	sbarrier.arrive $0xFFFF  }
.LBB2_6:
0x5a: {  	s7 =	smul.u32 $0xFA0, s6;
	_ =	sdelay $0x1  }
0x5b: {  	s7 =	sadd.s32 s25, s7  }
0x5c: {  	s7 =	sshrl.u32 s7, $0x3  }
0x5d: {  	s8 =	sadd.s32 s12, s7  }
0x5e: {  	[tilespmem:s28], [sflag:$0x3] =	stream.linear.gather [hbm4b:s8+s3], $0xFA0, $0x38;
	[tilespmem:$0x1DA00] =	vst v63  }
0x5f: {  	_ =	swait.ge [sflag:s26], $0xFA0  }
0x60: {  	[sflag:s26] =	ssyncset.done $0x0  }
0x61: {  	s7 =	sadd.s32 s13, s7;
	[sflag:s26] =	ssyncadd.s32 $0xFFFFF060  }
0x62: {  	[tilespmem:s29], [sflag:$0x3] =	stream.linear.gather [hbm4b:s7+s3], $0xFA0, $0x38;
	[tilespmem:$0x1DA00] =	vst v63  }
0x63: {  	_ =	swait.ge [sflag:s26], $0xFA0  }
0x64: {  	[sflag:s26] =	ssyncset.done $0x0  }
0x65: {  	s8 =	simm.s32 $0x5050;
	s7 =	simm.s32 $0x90;
	[sflag:s26] =	ssyncadd.s32 $0xFFFFF060  }
.LBB2_7:
0x66: {  	s9 =	sadd.s32 $0xFFFFFF70, s7  }
0x67: {  	s10 =	sand.u32 $0x3F80, s9  }
0x68: {  	s9 =	sand.u32 $0x60, s9;
	s10 =	sadd.s32 $0x6000, s10  }
0x69: {  	v3 =	vld [tilespmem:s8+$0xFFFFFFB0];
	s11 =	sor.u32 s9, s10  }
0x6a: {  	v4 =	vld [tilespmem:s11+$0x0];
	_ =	sdelay $0x4  }
0x6b: {  	v5 =	vsub.s32 v4, v3  }
0x6c: {  	v5 =	vmul.u32 v0, v5;
	_ =	sdelay $0x1  }
0x6d: {  	v3 =	vadd.s32 v3, v5;
	_ =	sdelay $0x2  }
0x6e: {  	v4 =	vsub.s32 v4, v5;
	[tilespmem:$0x7000] =	vst v3  }
0x6f: {  	s11 =	sadd.s32 $0xFFFFFF80, s7;
	[tilespmem:$0x7100] =	vst v4  }
0x70: {  	s11 =	sand.u32 $0x70, s11;
	[tilespmem:v3+s30+$0x0] =	vst.idx.add.f32.msk $0xffff, v2  }
0x71: {  	s10 =	sor.u32 s11, s10;
	v3 =	vld [tilespmem:s8+$0xFFFFFFC0]  }
0x72: {  	v4 =	vld [tilespmem:s10+$0x0];
	_ =	sdelay $0x4  }
0x73: {  	v55 =	vsub.s32 v4, v3  }
0x74: {  	v5 =	vmul.u32 v0, v55;
	_ =	sdelay $0x1  }
0x75: {  	v3 =	vadd.s32 v3, v5;
	_ =	sdelay $0x2  }
0x76: {  	v4 =	vsub.s32 v4, v5;
	[tilespmem:$0x7010] =	vst v3  }
0x77: {  	[tilespmem:$0x7110] =	vst v4  }
0x78: {  	s11 =	sadd.s32 $0xFFFFFF90, s7;
	[tilespmem:v3+s30+$0x0] =	vst.idx.add.f32.msk $0xffff, v2  }
0x79: {  	s10 =	sand.u32 $0x3FE0, s11;
	v3 =	vld [tilespmem:s8+$0xFFFFFFD0]  }
0x7a: {  	v4 =	vld [tilespmem:s10+$0x6000];
	_ =	sdelay $0x4  }
0x7b: {  	v56 =	vsub.s32 v4, v3  }
0x7c: {  	v5 =	vmul.u32 v0, v56;
	_ =	sdelay $0x1  }
0x7d: {  	v3 =	vadd.s32 v3, v5;
	_ =	sdelay $0x2  }
0x7e: {  	v4 =	vsub.s32 v4, v5;
	[tilespmem:$0x7020] =	vst v3  }
0x7f: {  	[tilespmem:$0x7120] =	vst v4  }
0x80: {  	s11 =	sadd.s32 $0xFFFFFFA0, s7;
	[tilespmem:v3+s30+$0x0] =	vst.idx.add.f32.msk $0xffff, v2  }
0x81: {  	s10 =	sand.u32 $0x3FF0, s11;
	v3 =	vld [tilespmem:s8+$0xFFFFFFE0]  }
0x82: {  	v4 =	vld [tilespmem:s10+$0x6000];
	_ =	sdelay $0x4  }
0x83: {  	v57 =	vsub.s32 v4, v3  }
0x84: {  	v5 =	vmul.u32 v0, v57;
	_ =	sdelay $0x1  }
0x85: {  	v3 =	vadd.s32 v3, v5;
	_ =	sdelay $0x2  }
0x86: {  	v4 =	vsub.s32 v4, v5;
	[tilespmem:$0x7030] =	vst v3  }
0x87: {  	[tilespmem:$0x7130] =	vst v4  }
0x88: {  	s11 =	sadd.s32 $0xFFFFFFB0, s7;
	[tilespmem:v3+s30+$0x0] =	vst.idx.add.f32.msk $0xffff, v2  }
0x89: {  	s10 =	sand.u32 $0x3FE0, s11;
	v3 =	vld [tilespmem:s8+$0xFFFFFFF0]  }
0x8a: {  	v4 =	vld [tilespmem:s10+$0x6000];
	_ =	sdelay $0x4  }
0x8b: {  	v58 =	vsub.s32 v4, v3  }
0x8c: {  	v5 =	vmul.u32 v0, v58;
	_ =	sdelay $0x1  }
0x8d: {  	v3 =	vadd.s32 v3, v5;
	_ =	sdelay $0x2  }
0x8e: {  	v4 =	vsub.s32 v4, v5;
	[tilespmem:$0x7040] =	vst v3  }
0x8f: {  	[tilespmem:$0x7140] =	vst v4  }
0x90: {  	s11 =	sadd.s32 $0xFFFFFFC0, s7;
	s10 =	rddreg [dreg:$0x3];
	[tilespmem:v3+s30+$0x0] =	vst.idx.add.f32.msk $0xffff, v2  }
0x91: {  	[tilespmem:s3], [sflag:$0x1] =	stream.indirect.gather [hbm4b:s22+s31], $0x80, s10, s31, $0xb8;
	[tilespmem:$0x1DA00] =	vst v63  }
0x92: {  	s11 =	sand.u32 $0x7FF0, s11;
	v3 =	vld [tilespmem:s8+$0x0]  }
0x93: {  	v4 =	vld [tilespmem:s11+$0x6000];
	_ =	sdelay $0x4  }
0x94: {  	v59 =	vsub.s32 v4, v3  }
0x95: {  	v5 =	vmul.u32 v0, v59;
	_ =	sdelay $0x1  }
0x96: {  	v3 =	vadd.s32 v3, v5;
	_ =	sdelay $0x2  }
0x97: {  	v4 =	vsub.s32 v4, v5;
	[tilespmem:$0x7080] =	vst v3  }
0x98: {  	[tilespmem:$0x7180] =	vst v4  }
0x99: {  	s11 =	sadd.s32 $0xFFFFFFD0, s7;
	[tilespmem:v3+s30+$0x0] =	vst.idx.add.f32.msk $0xffff, v2  }
0x9a: {  	s10 =	sand.u32 $0x7FE0, s11;
	v3 =	vld [tilespmem:s8+$0x10]  }
0x9b: {  	v4 =	vld [tilespmem:s10+$0x6000];
	_ =	sdelay $0x4  }
0x9c: {  	v60 =	vsub.s32 v4, v3  }
0x9d: {  	v5 =	vmul.u32 v0, v60;
	_ =	sdelay $0x1  }
0x9e: {  	v3 =	vadd.s32 v3, v5;
	_ =	sdelay $0x2  }
0x9f: {  	v4 =	vsub.s32 v4, v5;
	[tilespmem:$0x7090] =	vst v3  }
0xa0: {  	[tilespmem:$0x7190] =	vst v4  }
0xa1: {  	s11 =	sadd.s32 $0xFFFFFFE0, s7;
	[tilespmem:v3+s30+$0x0] =	vst.idx.add.f32.msk $0xffff, v2  }
0xa2: {  	s10 =	sand.u32 $0x7FF0, s11;
	v3 =	vld [tilespmem:s8+$0x20]  }
0xa3: {  	v4 =	vld [tilespmem:s10+$0x6000];
	_ =	sdelay $0x4  }
0xa4: {  	v61 =	vsub.s32 v4, v3  }
0xa5: {  	v5 =	vmul.u32 v0, v61;
	_ =	sdelay $0x1  }
0xa6: {  	v3 =	vadd.s32 v3, v5;
	_ =	sdelay $0x2  }
0xa7: {  	v4 =	vsub.s32 v4, v5;
	[tilespmem:$0x70A0] =	vst v3  }
0xa8: {  	s11 =	sadd.s32 $0xFFFFFFF0, s7;
	[tilespmem:$0x71A0] =	vst v4  }
0xa9: {  	s10 =	sand.u32 $0x7F80, s11;
	[tilespmem:v3+s30+$0x0] =	vst.idx.add.f32.msk $0xffff, v2  }
0xaa: {  	s9 =	sor.u32 s9, s10;
	v3 =	vld [tilespmem:s8+$0x30]  }
0xab: {  	v4 =	vld [tilespmem:s9+$0x6000];
	_ =	sdelay $0x4  }
0xac: {  	v62 =	vsub.s32 v4, v3  }
0xad: {  	v5 =	vmul.u32 v0, v62;
	_ =	sdelay $0x1  }
0xae: {  	v3 =	vadd.s32 v3, v5;
	_ =	sdelay $0x2  }
0xaf: {  	v4 =	vsub.s32 v4, v5;
	[tilespmem:$0x70B0] =	vst v3  }
0xb0: {  	[tilespmem:$0x71B0] =	vst v4  }
0xb1: {  	[tilespmem:v3+s30+$0x0] =	vst.idx.add.f32.msk $0xffff, v2  }
0xb2: {  	s11 =	sand.u32 $0x7FF0, s7;
	v3 =	vld [tilespmem:s8+$0x40]  }
0xb3: {  	v4 =	vld [tilespmem:s11+$0x6000];
	_ =	sdelay $0x4  }
0xb4: {  	v63 =	vsub.s32 v4, v3  }
0xb5: {  	v5 =	vmul.u32 v0, v63;
	_ =	sdelay $0x1  }
0xb6: {  	v3 =	vadd.s32 v3, v5;
	_ =	sdelay $0x2  }
0xb7: {  	v4 =	vsub.s32 v4, v5;
	[tilespmem:$0x70C0] =	vst v3  }
0xb8: {  	[tilespmem:$0x71C0] =	vst v4  }
0xb9: {  	[tilespmem:v3+s30+$0x0] =	vst.idx.add.f32.msk $0xffff, v2  }
0xba: {  	_ =	swait.ge [sflag:s0], $0x2800  }
0xbb: {  	[sflag:s0] =	ssyncset.done $0x0  }
0xbc: {  	s10 =	rddreg [dreg:$0x4];
	[sflag:s0] =	ssyncadd.s32 $0xFFFFD800  }
0xbd: {  	[tilespmem:s1], [sflag:$0x2] =	stream.indirect.gather [hbm4b:s22+s31], $0x80, s10, s31, $0xb8;
	[tilespmem:$0x1DA00] =	vst v63  }
0xbe: {  	s11 =	rddreg [dreg:$0x5]  }
0xbf: {  	[spmem:s2] =	stream.indirect.scatter.add.f32 [tilespmem:s3], [sflag:$0x3], $0x80, s11, s31, $0xb8;
	[tilespmem:$0x1DA00] =	vst v63  }
0xc0: {  	_ =	swait.ge [sflag:s26], $0x2800  }
0xc1: {  	[sflag:s26] =	ssyncset.done $0x0  }
0xc2: {  	[sflag:s26] =	ssyncadd.s32 $0xFFFFD800  }
0xc3: {  	_ =	swait.ge [sflag:s4], $0x2800  }
0xc4: {  	p0 =	sne.s32 s7, $0xF90;
	[sflag:s4] =	ssyncset.done $0x0  }
.Ltmp2:
0xc5: {  	s11 =	rddreg [dreg:$0x6];
	[sflag:s4] =	ssyncadd.s32 $0xFFFFD800;
	(pc) =	sbr.rel @p0 .LBB2_7-.Ltmp2, $4  }
0xc6: {  	[spmem:s2] =	stream.indirect.scatter.add.f32 [tilespmem:s1], [sflag:$0x3], $0x80, s11, s31, $0xb8;
	[tilespmem:$0x1DA00] =	vst v63  }
0xc7: {  	_ =	swait.ge [sflag:s26], $0x2800  }
0xc8: {  	[sflag:s26] =	ssyncset.done $0x0  }
0xc9: {  	s7 =	sadd.s32 $0xA0, s7;
	s8 =	sadd.s32 $0xA0, s8;
	[sflag:s26] =	ssyncadd.s32 $0xFFFFD800  }
0xca: {  	s6 =	sadd.s32 $0x1, s6  }
0xcb: {  	p0 =	sne.s32 s6, $0x5  }
.Ltmp3:
0xcc: {  	_ = 	snop;
	(pc) =	sbr.rel @p0 .LBB2_6-.Ltmp3, $1  }
0xcd: {  	_ =	sdelay $0x3  }
0xce: {  	s6 =	simm.s32 $0x80;
	s7 =	simm.s32 $0x400  }
0xcf: {  	[hbm4b:s23+s6] =	stream.strided.scatter [tilespmem:s30], [sflag:$0x3], $0x2800, s7, s6, $0x38;
	[tilespmem:$0x1DA00] =	vst v63  }
0xd0: {  	_ =	swait.ge [sflag:s26], $0x2800  }
0xd1: {  	[sflag:s26] =	ssyncset.done $0x0  }
0xd2: {  	[sflag:s26] =	ssyncadd.s32 $0xFFFFD800  }
0xd3: {  	[bflag:$0x0] =	sbarrier.arrive $0xFFFF  }
0xd4: {  	[tilespmem:s3], [sflag:$0x3] =	stream.linear.gather [spmem:s14], $0x2800, $0x38;
	[tilespmem:$0x1DA00] =	vst v63  }
0xd5: {  	_ =	swait.ge [sflag:s26], $0x2800  }
0xd6: {  	[sflag:s26] =	ssyncset.done $0x0  }
0xd7: {  	s9 =	rddreg [dreg:$0x7];
	[sflag:s26] =	ssyncadd.s32 $0xFFFFD800  }
0xd8: {  	[hbm4b:s9+s3] =	stream.linear.scatter [tilespmem:s3], [sflag:$0x3], $0x2800, $0x38;
	[tilespmem:$0x1DA00] =	vst v63  }
0xd9: {  	_ =	swait.ge [sflag:s26], $0x2800  }
0xda: {  	[sflag:s26] =	ssyncset.done $0x0  }
0xdb: {  	[sflag:s26] =	ssyncadd.s32 $0xFFFFD800  }
0xdc: {  	[tilespmem:s3], [sflag:$0x3] =	stream.linear.gather [spmem:s15], $0x2800, $0x38;
	[tilespmem:$0x1DA00] =	vst v63  }
0xdd: {  	_ =	swait.ge [sflag:s26], $0x2800  }
0xde: {  	[sflag:s26] =	ssyncset.done $0x0  }
0xdf: {  	s10 =	rddreg [dreg:$0x8];
	[sflag:s26] =	ssyncadd.s32 $0xFFFFD800  }
0xe0: {  	[hbm4b:s10+s3] =	stream.linear.scatter [tilespmem:s3], [sflag:$0x3], $0x2800, $0x38;
	[tilespmem:$0x1DA00] =	vst v63  }
0xe1: {  	_ =	swait.ge [sflag:s26], $0x2800  }
0xe2: {  	[sflag:s26] =	ssyncset.done $0x0  }
0xe3: {  	[sflag:s26] =	ssyncadd.s32 $0xFFFFD800  }
0xe4: {  	[tilespmem:s3], [sflag:$0x3] =	stream.linear.gather [spmem:s16], $0x2800, $0x38;
	[tilespmem:$0x1DA00] =	vst v63  }
0xe5: {  	_ =	swait.ge [sflag:s26], $0x2800  }
0xe6: {  	[sflag:s26] =	ssyncset.done $0x0  }
0xe7: {  	s11 =	rddreg [dreg:$0x9];
	[sflag:s26] =	ssyncadd.s32 $0xFFFFD800  }
0xe8: {  	[hbm4b:s11+s3] =	stream.linear.scatter [tilespmem:s3], [sflag:$0x3], $0x2800, $0x38;
	[tilespmem:$0x1DA00] =	vst v63  }
0xe9: {  	_ =	swait.ge [sflag:s26], $0x2800  }
0xea: {  	[sflag:s26] =	ssyncset.done $0x0  }
0xeb: {  	[sflag:s26] =	ssyncadd.s32 $0xFFFFD800  }
0xec: {  	[tilespmem:s3], [sflag:$0x3] =	stream.linear.gather [spmem:s17], $0x2800, $0x38;
	[tilespmem:$0x1DA00] =	vst v63  }
0xed: {  	_ =	swait.ge [sflag:s26], $0x2800  }
0xee: {  	[sflag:s26] =	ssyncset.done $0x0  }
0xef: {  	s7 =	rddreg [dreg:$0xa];
	[sflag:s26] =	ssyncadd.s32 $0xFFFFD800  }
0xf0: {  	[hbm4b:s7+s3] =	stream.linear.scatter [tilespmem:s3], [sflag:$0x3], $0x2800, $0x38;
	[tilespmem:$0x1DA00] =	vst v63  }
0xf1: {  	_ =	swait.ge [sflag:s26], $0x2800  }
0xf2: {  	[sflag:s26] =	ssyncset.done $0x0  }
0xf3: {  	[sflag:s26] =	ssyncadd.s32 $0xFFFFD800  }
0xf4: {  	[tilespmem:s3], [sflag:$0x3] =	stream.linear.gather [spmem:s18], $0x2800, $0x38;
	[tilespmem:$0x1DA00] =	vst v63  }
0xf5: {  	_ =	swait.ge [sflag:s26], $0x2800  }
0xf6: {  	[sflag:s26] =	ssyncset.done $0x0  }
0xf7: {  	s8 =	rddreg [dreg:$0xb];
	[sflag:s26] =	ssyncadd.s32 $0xFFFFD800  }
0xf8: {  	[hbm4b:s8+s3] =	stream.linear.scatter [tilespmem:s3], [sflag:$0x3], $0x2800, $0x38;
	[tilespmem:$0x1DA00] =	vst v63  }
0xf9: {  	_ =	swait.ge [sflag:s26], $0x2800  }
0xfa: {  	[sflag:s26] =	ssyncset.done $0x0  }
0xfb: {  	[sflag:s26] =	ssyncadd.s32 $0xFFFFD800  }
0xfc: {  	[tilespmem:s3], [sflag:$0x3] =	stream.linear.gather [spmem:s19], $0x2800, $0x38;
	[tilespmem:$0x1DA00] =	vst v63  }
0xfd: {  	_ =	swait.ge [sflag:s26], $0x2800  }
0xfe: {  	[sflag:s26] =	ssyncset.done $0x0  }
0xff: {  	s9 =	rddreg [dreg:$0xc];
	[sflag:s26] =	ssyncadd.s32 $0xFFFFD800  }
0x100: {  	[hbm4b:s9+s3] =	stream.linear.scatter [tilespmem:s3], [sflag:$0x3], $0x2800, $0x38;
	[tilespmem:$0x1DA00] =	vst v63  }
0x101: {  	_ =	swait.ge [sflag:s26], $0x2800  }
0x102: {  	[sflag:s26] =	ssyncset.done $0x0  }
0x103: {  	[sflag:s26] =	ssyncadd.s32 $0xFFFFD800  }
0x104: {  	[tilespmem:s3], [sflag:$0x3] =	stream.linear.gather [spmem:s20], $0x2800, $0x38;
	[tilespmem:$0x1DA00] =	vst v63  }
0x105: {  	_ =	swait.ge [sflag:s26], $0x2800  }
0x106: {  	[sflag:s26] =	ssyncset.done $0x0  }
0x107: {  	s10 =	rddreg [dreg:$0xd];
	[sflag:s26] =	ssyncadd.s32 $0xFFFFD800  }
0x108: {  	[hbm4b:s10+s3] =	stream.linear.scatter [tilespmem:s3], [sflag:$0x3], $0x2800, $0x38;
	[tilespmem:$0x1DA00] =	vst v63  }
0x109: {  	_ =	swait.ge [sflag:s26], $0x2800  }
0x10a: {  	[sflag:s26] =	ssyncset.done $0x0  }
0x10b: {  	[sflag:s26] =	ssyncadd.s32 $0xFFFFD800  }
0x10c: {  	[tilespmem:s3], [sflag:$0x3] =	stream.linear.gather [spmem:s21], $0x2800, $0x38;
	[tilespmem:$0x1DA00] =	vst v63  }
0x10d: {  	s5 =	sadd.s32 $0x1, s5;
	_ =	swait.ge [sflag:s26], $0x2800  }
0x10e: {  	p0 =	sne.s32 s5, s24;
	[sflag:s26] =	ssyncset.done $0x0  }
.Ltmp4:
0x10f: {  	s11 =	rddreg [dreg:$0xe];
	[sflag:s26] =	ssyncadd.s32 $0xFFFFD800;
	(pc) =	sbr.rel @p0 .LBB2_1-.Ltmp4, $4  }
0x110: {  	[hbm4b:s11+s3] =	stream.linear.scatter [tilespmem:s3], [sflag:$0x3], $0x2800, $0x38;
	[tilespmem:$0x1DA00] =	vst v63  }
0x111: {  	_ =	swait.ge [sflag:s26], $0x2800  }
0x112: {  	[sflag:s26] =	ssyncset.done $0x0  }
0x113: {  	[sflag:s26] =	ssyncadd.s32 $0xFFFFD800  }
0x114: {  	_ =	sfence.sel $0x180000  }
0x115: {  	[bflag:$0x0] =	sbarrier.arrive $0xFFFF  }
0x116: {  	_ =	strace $0x90000047  }
0x117: {  	s0 =	stileid.u32;
	[bflag:$0x2] =	sbarrier.arrive $0xFFFF  }
0x118: {  	p0 =	sne.s32 s0, $0x0;
	s0 =	rddreg [dreg:$0x2]  }
0x119: {  	s0 =	sadd.s32 @!p0 $0x100000, s0  }
0x11a: {  	[sflag:s0] =	ssyncadd.tile.s32 @!p0 $0x1;
	_ =	shalt  }
.Lfunc_end2:
_tile_overlayer_lowered:
.L_overlay_start_2:
0x11b: {  	(tag) =	ssettag $0x2  }
0x11c: {  	s0 =	rddreg [dreg:$0x0];
	s2 =	stileid.u32  }
0x11d: {  	s1 =	rddreg [dreg:$0x1];
	p0 =	sne.s32 s2, $0x0  }
0x11e: {  	s3 =	rddreg [dreg:$0x2];
	[bflag:$0x3] =	sbarrier.arrive $0xFFFF;
	s2 =	simm.s32 @!p0 $0x1C03  }
0x11f: {  	[timem:s3], [sflag:s2] =	dma.local @!p0 [hbm:s0], s1  }
0x120: {  	s0 =	simm.s32 @!p0 $0x3  }
0x121: {  	_ =	swait.ge @!p0 [sflag:s0], s1  }
0x122: {  	s1 =	ssub.s32 @!p0 $0x0, s1;
	[sflag:s0] =	ssyncset.done @!p0 $0x0  }
0x123: {  	[sflag:s0] =	ssyncadd.s32 @!p0 s1  }
0x124: {  	[bflag:$0x3] =	sbarrier.arrive $0xFFFF  }
0x125: {  	_ =	shalt  }

</sc_bundles>
